<compile_context>
chip_gen: v7x
topology: tpu7x:2x2x1
jax: 0.10.2.dev20260603
libtpu: 0.0.44.dev20260713+nightly
codegen_flags: <defaults>
</compile_context>

<pallas_src>
import functools

import jax
import jax.numpy as jnp
import numpy as np
from jax import lax
from jax.experimental import pallas as pl
from jax.experimental.pallas import tpu as pltpu
from jax.experimental.pallas import tpu_sc as plsc

_T = 25
_T4 = _T ** 4
_T4P = ((_T4 + 127) // 128) * 128
_ROWS = _T4P // 128

_E = 3200000
_N = 100000
_C = 1024
_NW = 32
_NCHUNK = _E // _C
_NPAIR = _NCHUNK // 2
_PFULL = _NPAIR // _NW
_PEXTRA = _NPAIR - _PFULL * _NW
_TAILW = _PEXTRA
_NV = _C // 16


def _coef_body(th0, k0, th1, k1, a, c0, s0, c1, s1):
    th0v = th0[...]
    k0v = k0[...]
    th1v = th1[...]
    k1v = k1[...]
    ct1 = jnp.cos(th1v)
    a[...] = k0v + k1v + k1v * ct1
    c0[...] = k0v * jnp.cos(th0v)
    s0[...] = k0v * jnp.sin(th0v)
    c1[...] = 2.0 * k1v * ct1
    s1[...] = 2.0 * k1v * jnp.sin(th1v)


def _prep_coefs(th0, k0, th1, k1):
    def p(t):
        return jnp.pad(t.reshape(-1), (0, _T4P - _T4)).reshape(_ROWS, 128)

    outs = pl.pallas_call(
        _coef_body,
        out_shape=[jax.ShapeDtypeStruct((_ROWS, 128), jnp.float32)] * 5,
    )(p(th0), p(k0), p(th1), p(k1))
    stacked = jnp.stack([o.reshape(_T4P) for o in outs] +
                        [jnp.zeros((_T4P,), jnp.float32)] * 3)
    return stacked.T.reshape(_T4P, 8)


def _rsqrt(v):
    i = plsc.bitcast(v, jnp.int32)
    i = jnp.int32(0x5F3759DF) - lax.shift_right_logical(i, 1)
    g = plsc.bitcast(i, jnp.float32)
    for _ in range(2):
        g = g * (jnp.float32(1.5) - jnp.float32(0.5) * v * g * g)
    return g


def _cross(a, b):
    return [a[1] * b[2] - a[2] * b[1],
            a[2] * b[0] - a[0] * b[2],
            a[0] * b[1] - a[1] * b[0]]


def _dot(a, b):
    return a[0] * b[0] + a[1] * b[1] + a[2] * b[2]


_mesh = plsc.VectorSubcoreMesh(core_axis_name="c", subcore_axis_name="s")


def _one_set():
    return [
        pltpu.VMEM((_C,), jnp.int32),
        pltpu.VMEM((_C,), jnp.int32),
        pltpu.VMEM((_C,), jnp.int32),
        pltpu.VMEM((_C,), jnp.int32),
        pltpu.VMEM((_C, 8), jnp.float32),
        pltpu.VMEM((_C, 8), jnp.float32),
        pltpu.VMEM((_C, 8), jnp.float32),
        pltpu.VMEM((_C, 8), jnp.float32),
        pltpu.VMEM((_C,), jnp.int32),
        pltpu.VMEM((_C, 8), jnp.float32),
        pltpu.VMEM((_C,), jnp.float32),
    ]


@functools.partial(
    pl.kernel,
    out_type=jax.ShapeDtypeStruct((_E,), jnp.float32),
    mesh=_mesh,
    scratch_types=_one_set() + _one_set() + [pltpu.SemaphoreType.DMA] * 8,
    compiler_params=pltpu.CompilerParams(
        needs_layout_passes=False, use_tc_tiling_on_sc=False),
)
def _sc_kernel(map_hbm, pa_hbm, coef_hbm, out_hbm, *bufs):
    seta = bufs[0:11]
    setb = bufs[11:22]
    (sem_map_a, sem_map_b, sem_pa_a, sem_pa_b,
     sem_cf_a, sem_cf_b, sem_out_a, sem_out_b) = bufs[22:30]

    cid = lax.axis_index("c")
    sid = lax.axis_index("s")
    wid = sid * 2 + cid
    npairs = jnp.where(wid < _PEXTRA, _PFULL + 1, _PFULL)

    cols = [jnp.full((16,), k, jnp.int32) for k in range(5)]

    def issue_map(chunk, st, sem):
        base = chunk * _C
        return [pltpu.async_copy(
            map_hbm.at[pl.ds(k * _E + base, _C)], st[k], sem)
            for k in range(4)]

    def wait_map(st, sem):
        for k in range(4):
            pltpu.make_async_copy(
                map_hbm.at[pl.ds(0, _C)], st[k], sem).wait()

    def issue_pa(st, sem):
        return [pltpu.async_copy(pa_hbm.at[st[k]], st[4 + k], sem)
                for k in range(4)]

    def wait_pa(st, sem):
        for k in range(4):
            pltpu.make_async_copy(
                pa_hbm.at[pl.ds(0, _C), :], st[4 + k], sem).wait()

    def issue_coef(st, sem):
        return pltpu.async_copy(coef_hbm.at[st[8]], st[9], sem)

    def issue_out(chunk, st, sem):
        return pltpu.async_copy(st[10], out_hbm.at[pl.ds(chunk * _C, _C)],
                                sem)

    def wait_out(st, sem):
        pltpu.make_async_copy(st[10], out_hbm.at[pl.ds(0, _C)], sem).wait()

    def pass_a(st, lo, hi):
        tix = st[8]

        def body(j, c2):
            row = lax.iota(jnp.int32, 16) + j * 16
            t = [lax.convert_element_type(
                    plsc.load_gather(st[4 + k], [row, cols[3]]), jnp.int32)
                 for k in range(4)]
            tix[pl.ds(j * 16, 16)] = \
                ((t[0] * _T + t[1]) * _T + t[2]) * _T + t[3]
            return c2

        lax.fori_loop(lo, hi, body, 0)

    def pass_b(st, lo, hi):
        cb, vb = st[9], st[10]

        def body(j, c2):
            row = lax.iota(jnp.int32, 16) + j * 16
            p = [[plsc.load_gather(st[4 + k], [row, cols[c]])
                  for c in range(3)] for k in range(4)]
            b1 = [p[1][c] - p[0][c] for c in range(3)]
            b2 = [p[2][c] - p[1][c] for c in range(3)]
            b3 = [p[3][c] - p[2][c] for c in range(3)]
            n1 = _cross(b1, b2)
            n2 = _cross(b2, b3)
            mm = _cross(n1, b2)
            x = _dot(n1, n2)
            y = _dot(mm, n2)
            s = _dot(b2, b2)
            d2 = x * x * s + y * y
            g = _rsqrt(d2)
            rs = s * _rsqrt(s)
            cth = x * rs * g
            sth = y * g
            good = d2 > jnp.float32(0.0)
            cth = jnp.where(good, cth, jnp.float32(1.0))
            sth = jnp.where(good, sth, jnp.float32(0.0))
            A = plsc.load_gather(cb, [row, cols[0]])
            C0 = plsc.load_gather(cb, [row, cols[1]])
            S0 = plsc.load_gather(cb, [row, cols[2]])
            C1 = plsc.load_gather(cb, [row, cols[3]])
            S1 = plsc.load_gather(cb, [row, cols[4]])
            v = A - C0 * cth - S0 * sth - C1 * (cth * cth) - S1 * (sth * cth)
            v = jnp.where(s > jnp.float32(0.0), v, jnp.float32(np.nan))
            vb[pl.ds(j * 16, 16)] = v
            return c2

        lax.fori_loop(lo, hi, body, 0)

    def issue_coef_half(st, h, sem):
        hc = _C // 2
        return pltpu.async_copy(
            coef_hbm.at[st[8].at[pl.ds(h * hc, hc)]],
            st[9].at[pl.ds(h * hc, hc), :], sem)

    def chunk_compute(st, sem_cf, sem_out, chunk, p):
        hv = _NV // 2
        pass_a(st, 0, hv)
        c1 = issue_coef_half(st, 0, sem_cf)
        pass_a(st, hv, _NV)
        c2 = issue_coef_half(st, 1, sem_cf)
        c1.wait()

        @pl.when(p > 0)
        def _():
            wait_out(st, sem_out)

        pass_b(st, 0, hv)
        c2.wait()
        pass_b(st, hv, _NV)
        issue_out(chunk, st, sem_out)

    for d in issue_map(2 * wid, seta, sem_map_a):
        d.wait()
    issue_pa(seta, sem_pa_a)
    issue_map(2 * wid + 1, setb, sem_map_b)

    def pair_body(p, carry):
        P = wid + p * _NW
        ca = 2 * P
        cbk = 2 * P + 1
        Pn = P + _NW

        wait_pa(seta, sem_pa_a)
        wait_map(setb, sem_map_b)
        pa_b = issue_pa(setb, sem_pa_b)
        chunk_compute(seta, sem_cf_a, sem_out_a, ca, p)

        @pl.when(p + 1 < npairs)
        def _():
            for d in issue_map(2 * Pn, seta, sem_map_a):
                d.wait()
            issue_pa(seta, sem_pa_a)

        for d in pa_b:
            d.wait()
        chunk_compute(setb, sem_cf_b, sem_out_b, cbk, p)

        @pl.when(p + 1 < npairs)
        def _():
            issue_map(2 * Pn + 1, setb, sem_map_b)

        return carry

    lax.fori_loop(0, npairs, pair_body, 0)

    wait_out(seta, sem_out_a)
    wait_out(setb, sem_out_b)

    @pl.when(wid == _TAILW)
    def _():
        tail = _NCHUNK - 1
        for d in issue_map(tail, seta, sem_map_a):
            d.wait()
        for d in issue_pa(seta, sem_pa_a):
            d.wait()
        pass_a(seta, 0, _NV)
        issue_coef(seta, sem_cf_a).wait()
        pass_b(seta, 0, _NV)
        issue_out(tail, seta, sem_out_a).wait()


def kernel(pos, mapping, atom_types, theta_0, k_0, theta_1, k_1):
    coef = _prep_coefs(theta_0, k_0, theta_1, k_1)
    pa = jnp.concatenate(
        [pos, atom_types.astype(jnp.float32)[:, None],
         jnp.zeros((pos.shape[0], 4), jnp.float32)], axis=1)
    return _sc_kernel(mapping.reshape(4 * _E), pa, coef)

# --- scband reference (transcript-rebuilt; emitter-appended) ---
"""Pipeline reference for scband-dihedral-19104014532721 (READ-ONLY COPY).

The authoritative reference and input builder live on the scoring server;
editing this copy changes nothing except your own understanding.
"""

import jax, jax.numpy as jnp
import numpy as np

N = 100000
E = 3200000
T = 25


def setup_inputs(seed: int = 0) -> dict:
    key = jax.random.key(seed)
    k1, k2, k3, k4, k5, k6, k7 = jax.random.split(key, 7)
    pos = jax.random.normal(k1, (N, 3), dtype=jnp.float32) * 3.0
    mapping = jax.random.randint(k2, (4, E), 0, N, dtype=jnp.int32)
    atom_types = jax.random.randint(k3, (N,), 0, T, dtype=jnp.int32)
    theta_0 = jax.random.uniform(k4, (T, T, T, T), minval=-np.pi, maxval=np.pi, dtype=jnp.float32)
    k_0 = jax.random.uniform(k5, (T, T, T, T), minval=0.0, maxval=2.0, dtype=jnp.float32)
    theta_1 = jax.random.uniform(k6, (T, T, T, T), minval=-np.pi, maxval=np.pi, dtype=jnp.float32)
    k_1 = jax.random.uniform(k7, (T, T, T, T), minval=0.0, maxval=2.0, dtype=jnp.float32)
    return {
        'pos': pos,
        'mapping': mapping,
        'atom_types': atom_types,
        'theta_0': theta_0,
        'k_0': k_0,
        'theta_1': theta_1,
        'k_1': k_1,
    }


def compute_dihedrals(pos, mapping):
    p0 = pos[mapping[0]]
    p1 = pos[mapping[1]]
    p2 = pos[mapping[2]]
    p3 = pos[mapping[3]]
    b1 = p1 - p0
    b2 = p2 - p1
    b3 = p3 - p2
    n1 = jnp.cross(b1, b2)
    n2 = jnp.cross(b2, b3)
    b2_unit = b2 / jnp.linalg.norm(b2, axis=-1, keepdims=True)
    m1 = jnp.cross(n1, b2_unit)
    x = jnp.sum(n1 * n2, axis=-1)
    y = jnp.sum(m1 * n2, axis=-1)
    return jnp.arctan2(y, x)


def reference(pos, mapping, atom_types, theta_0, k_0, theta_1, k_1):
    # interaction types: gather atom type of each of the 4 atoms per dihedral
    t0 = jnp.take(atom_types, mapping[0])
    t1 = jnp.take(atom_types, mapping[1])
    t2 = jnp.take(atom_types, mapping[2])
    t3 = jnp.take(atom_types, mapping[3])
    # 4-D embedding-table lookups
    th0 = theta_0[t0, t1, t2, t3]
    kk0 = k_0[t0, t1, t2, t3]
    th1 = theta_1[t0, t1, t2, t3]
    kk1 = k_1[t0, t1, t2, t3]
    theta = compute_dihedrals(pos, mapping).flatten()
    V = kk0 * (1.0 - jnp.cos(1.0 * theta - th0))
    V = V + kk1 * (1.0 - jnp.cos(2.0 * theta - th1))
    return V

if __name__ == "__main__":
    import jax
    _d = setup_inputs()
    print(jax.jit(kernel)(*tuple(_d.values())))

</pallas_src>

<mosaic_0001>
#map = affine_map<(d0, d1) -> (0)>
#map1 = affine_map<(d0, d1) -> (0, 0)>
module attributes {stable_mosaic.version = 14 : i64} {
  func.func @_sc_kernel(%arg0: i32, %arg1: i32, %arg2: memref<12800000xi32, #tpu.memory_space<hbm>>, %arg3: memref<100000x8xf32, #tpu.memory_space<hbm>>, %arg4: memref<390656x8xf32, #tpu.memory_space<hbm>>, %arg5: memref<3200000xf32, #tpu.memory_space<hbm>>, %arg6: memref<1024xi32, #tpu.memory_space<vmem>>, %arg7: memref<1024xi32, #tpu.memory_space<vmem>>, %arg8: memref<1024xi32, #tpu.memory_space<vmem>>, %arg9: memref<1024xi32, #tpu.memory_space<vmem>>, %arg10: memref<1024x8xf32, #tpu.memory_space<vmem>>, %arg11: memref<1024x8xf32, #tpu.memory_space<vmem>>, %arg12: memref<1024x8xf32, #tpu.memory_space<vmem>>, %arg13: memref<1024x8xf32, #tpu.memory_space<vmem>>, %arg14: memref<1024xi32, #tpu.memory_space<vmem>>, %arg15: memref<1024x8xf32, #tpu.memory_space<vmem>>, %arg16: memref<1024xf32, #tpu.memory_space<vmem>>, %arg17: memref<1024xi32, #tpu.memory_space<vmem>>, %arg18: memref<1024xi32, #tpu.memory_space<vmem>>, %arg19: memref<1024xi32, #tpu.memory_space<vmem>>, %arg20: memref<1024xi32, #tpu.memory_space<vmem>>, %arg21: memref<1024x8xf32, #tpu.memory_space<vmem>>, %arg22: memref<1024x8xf32, #tpu.memory_space<vmem>>, %arg23: memref<1024x8xf32, #tpu.memory_space<vmem>>, %arg24: memref<1024x8xf32, #tpu.memory_space<vmem>>, %arg25: memref<1024xi32, #tpu.memory_space<vmem>>, %arg26: memref<1024x8xf32, #tpu.memory_space<vmem>>, %arg27: memref<1024xf32, #tpu.memory_space<vmem>>, %arg28: memref<!tpu.dma_semaphore, #tpu.memory_space<semaphore_mem>>, %arg29: memref<!tpu.dma_semaphore, #tpu.memory_space<semaphore_mem>>, %arg30: memref<!tpu.dma_semaphore, #tpu.memory_space<semaphore_mem>>, %arg31: memref<!tpu.dma_semaphore, #tpu.memory_space<semaphore_mem>>, %arg32: memref<!tpu.dma_semaphore, #tpu.memory_space<semaphore_mem>>, %arg33: memref<!tpu.dma_semaphore, #tpu.memory_space<semaphore_mem>>, %arg34: memref<!tpu.dma_semaphore, #tpu.memory_space<semaphore_mem>>, %arg35: memref<!tpu.dma_semaphore, #tpu.memory_space<semaphore_mem>>) attributes {dimension_semantics = [#tpu.dimension_semantics<core_parallel>, #tpu.dimension_semantics<subcore_parallel>], iteration_bounds = array<i64: 2, 16>, scalar_prefetch = 0 : i64, scratch_operands = 30 : i64, tpu.core_type = #tpu.core_type<sc_vector_subcore>, window_params = [{transform_indices = #map}, {transform_indices = #map1}, {transform_indices = #map1}, {transform_indices = #map}]} {
    %mul3A = arith.constant 2 : i32
    %mul3A_0 = arith.muli %arg1, %mul3A : i32
    %add3A = arith.addi %mul3A_0, %arg0 : i32
    %lt3A = arith.constant 26 : i32
    %lt3A_1 = arith.cmpi slt, %add3A, %lt3A : i32
    %jit3A = arith.constant 49 : i32
    %jit3A_2 = arith.constant 48 : i32
    %select_n3A = arith.select %lt3A_1, %jit3A, %jit3A_2 : i32
    %broadcast_in_dim3A = arith.constant 0 : i32
    %broadcast_in_dim3A_3 = vector.broadcast %broadcast_in_dim3A : i32 to vector<16xi32>
    %broadcast_in_dim3A_4 = arith.constant 1 : i32
    %broadcast_in_dim3A_5 = vector.broadcast %broadcast_in_dim3A_4 : i32 to vector<16xi32>
    %broadcast_in_dim3A_6 = arith.constant 2 : i32
    %broadcast_in_dim3A_7 = vector.broadcast %broadcast_in_dim3A_6 : i32 to vector<16xi32>
    %broadcast_in_dim3A_8 = arith.constant 3 : i32
    %broadcast_in_dim3A_9 = vector.broadcast %broadcast_in_dim3A_8 : i32 to vector<16xi32>
    %broadcast_in_dim3A_10 = arith.constant 4 : i32
    %broadcast_in_dim3A_11 = vector.broadcast %broadcast_in_dim3A_10 : i32 to vector<16xi32>
    %mul3A_12 = arith.constant 2 : i32
    %mul3A_13 = arith.muli %mul3A_12, %add3A : i32
    %mul3A_14 = arith.constant 1024 : i32
    %mul3A_15 = arith.muli %mul3A_13, %mul3A_14 : i32
    %add3A_16 = arith.constant 0 : i32
    %add3A_17 = arith.addi %add3A_16, %mul3A_15 : i32
    %dma_start3A = tpu.memref_slice %arg2[%add3A_17] : memref<12800000xi32, #tpu.memory_space<hbm>> -> memref<1024xi32, #tpu.memory_space<hbm>>
    %dma_start3A_18 = tpu.memref_slice %arg2[%add3A_17] : memref<12800000xi32, #tpu.memory_space<hbm>> -> memref<1024xi32, #tpu.memory_space<hbm>>
    tpu.enqueue_dma source(%dma_start3A_18 : memref<1024xi32, #tpu.memory_space<hbm>>) target(%arg6 : memref<1024xi32, #tpu.memory_space<vmem>>) target_semaphore(%arg28 : memref<!tpu.dma_semaphore, #tpu.memory_space<semaphore_mem>>)
    %add3A_19 = arith.constant 3200000 : i32
    %add3A_20 = arith.addi %add3A_19, %mul3A_15 : i32
    %dma_start3A_21 = tpu.memref_slice %arg2[%add3A_20] : memref<12800000xi32, #tpu.memory_space<hbm>> -> memref<1024xi32, #tpu.memory_space<hbm>>
    %dma_start3A_22 = tpu.memref_slice %arg2[%add3A_20] : memref<12800000xi32, #tpu.memory_space<hbm>> -> memref<1024xi32, #tpu.memory_space<hbm>>
    tpu.enqueue_dma source(%dma_start3A_22 : memref<1024xi32, #tpu.memory_space<hbm>>) target(%arg7 : memref<1024xi32, #tpu.memory_space<vmem>>) target_semaphore(%arg28 : memref<!tpu.dma_semaphore, #tpu.memory_space<semaphore_mem>>)
    %add3A_23 = arith.constant 6400000 : i32
    %add3A_24 = arith.addi %add3A_23, %mul3A_15 : i32
    %dma_start3A_25 = tpu.memref_slice %arg2[%add3A_24] : memref<12800000xi32, #tpu.memory_space<hbm>> -> memref<1024xi32, #tpu.memory_space<hbm>>
    %dma_start3A_26 = tpu.memref_slice %arg2[%add3A_24] : memref<12800000xi32, #tpu.memory_space<hbm>> -> memref<1024xi32, #tpu.memory_space<hbm>>
    tpu.enqueue_dma source(%dma_start3A_26 : memref<1024xi32, #tpu.memory_space<hbm>>) target(%arg8 : memref<1024xi32, #tpu.memory_space<vmem>>) target_semaphore(%arg28 : memref<!tpu.dma_semaphore, #tpu.memory_space<semaphore_mem>>)
    %add3A_27 = arith.constant 9600000 : i32
    %add3A_28 = arith.addi %add3A_27, %mul3A_15 : i32
    %dma_start3A_29 = tpu.memref_slice %arg2[%add3A_28] : memref<12800000xi32, #tpu.memory_space<hbm>> -> memref<1024xi32, #tpu.memory_space<hbm>>
    %dma_start3A_30 = tpu.memref_slice %arg2[%add3A_28] : memref<12800000xi32, #tpu.memory_space<hbm>> -> memref<1024xi32, #tpu.memory_space<hbm>>
    tpu.enqueue_dma source(%dma_start3A_30 : memref<1024xi32, #tpu.memory_space<hbm>>) target(%arg9 : memref<1024xi32, #tpu.memory_space<vmem>>) target_semaphore(%arg28 : memref<!tpu.dma_semaphore, #tpu.memory_space<semaphore_mem>>)
    %dma_wait3A = tpu.memref_slice %arg2[%add3A_17] : memref<12800000xi32, #tpu.memory_space<hbm>> -> memref<1024xi32, #tpu.memory_space<hbm>>
    %dma_wait3A_31 = tpu.memref_slice %arg2[%add3A_17] : memref<12800000xi32, #tpu.memory_space<hbm>> -> memref<1024xi32, #tpu.memory_space<hbm>>
    tpu.wait_dma2 semaphore(%arg28 : memref<!tpu.dma_semaphore, #tpu.memory_space<semaphore_mem>>) src(%dma_wait3A_31 : memref<1024xi32, #tpu.memory_space<hbm>>) dst(%arg6 : memref<1024xi32, #tpu.memory_space<vmem>>)
    %dma_wait3A_32 = tpu.memref_slice %arg2[%add3A_20] : memref<12800000xi32, #tpu.memory_space<hbm>> -> memref<1024xi32, #tpu.memory_space<hbm>>
    %dma_wait3A_33 = tpu.memref_slice %arg2[%add3A_20] : memref<12800000xi32, #tpu.memory_space<hbm>> -> memref<1024xi32, #tpu.memory_space<hbm>>
    tpu.wait_dma2 semaphore(%arg28 : memref<!tpu.dma_semaphore, #tpu.memory_space<semaphore_mem>>) src(%dma_wait3A_33 : memref<1024xi32, #tpu.memory_space<hbm>>) dst(%arg7 : memref<1024xi32, #tpu.memory_space<vmem>>)
    %dma_wait3A_34 = tpu.memref_slice %arg2[%add3A_24] : memref<12800000xi32, #tpu.memory_space<hbm>> -> memref<1024xi32, #tpu.memory_space<hbm>>
    %dma_wait3A_35 = tpu.memref_slice %arg2[%add3A_24] : memref<12800000xi32, #tpu.memory_space<hbm>> -> memref<1024xi32, #tpu.memory_space<hbm>>
    tpu.wait_dma2 semaphore(%arg28 : memref<!tpu.dma_semaphore, #tpu.memory_space<semaphore_mem>>) src(%dma_wait3A_35 : memref<1024xi32, #tpu.memory_space<hbm>>) dst(%arg8 : memref<1024xi32, #tpu.memory_space<vmem>>)
    %dma_wait3A_36 = tpu.memref_slice %arg2[%add3A_28] : memref<12800000xi32, #tpu.memory_space<hbm>> -> memref<1024xi32, #tpu.memory_space<hbm>>
    %dma_wait3A_37 = tpu.memref_slice %arg2[%add3A_28] : memref<12800000xi32, #tpu.memory_space<hbm>> -> memref<1024xi32, #tpu.memory_space<hbm>>
    tpu.wait_dma2 semaphore(%arg28 : memref<!tpu.dma_semaphore, #tpu.memory_space<semaphore_mem>>) src(%dma_wait3A_37 : memref<1024xi32, #tpu.memory_space<hbm>>) dst(%arg9 : memref<1024xi32, #tpu.memory_space<vmem>>)
    %dma_start3A_38 = arith.constant 0 : i32
    %dma_start3A_39 = arith.constant 0 : i32
    %dma_start3A_40 = tpu.memref_slice %arg3[%dma_start3A_38, %dma_start3A_39] : memref<100000x8xf32, #tpu.memory_space<hbm>> -> memref<100000x8xf32, #tpu.memory_space<hbm>>
    tpu.enqueue_indirect_dma source(%dma_start3A_40 : memref<100000x8xf32, #tpu.memory_space<hbm>>) target(%arg10 : memref<1024x8xf32, #tpu.memory_space<vmem>>) offsets(%arg6 : memref<1024xi32, #tpu.memory_space<vmem>>) semaphore(%arg30 : memref<!tpu.dma_semaphore, #tpu.memory_space<semaphore_mem>>)
    %dma_start3A_41 = arith.constant 0 : i32
    %dma_start3A_42 = arith.constant 0 : i32
    %dma_start3A_43 = tpu.memref_slice %arg3[%dma_start3A_41, %dma_start3A_42] : memref<100000x8xf32, #tpu.memory_space<hbm>> -> memref<100000x8xf32, #tpu.memory_space<hbm>>
    tpu.enqueue_indirect_dma source(%dma_start3A_43 : memref<100000x8xf32, #tpu.memory_space<hbm>>) target(%arg11 : memref<1024x8xf32, #tpu.memory_space<vmem>>) offsets(%arg7 : memref<1024xi32, #tpu.memory_space<vmem>>) semaphore(%arg30 : memref<!tpu.dma_semaphore, #tpu.memory_space<semaphore_mem>>)
    %dma_start3A_44 = arith.constant 0 : i32
    %dma_start3A_45 = arith.constant 0 : i32
    %dma_start3A_46 = tpu.memref_slice %arg3[%dma_start3A_44, %dma_start3A_45] : memref<100000x8xf32, #tpu.memory_space<hbm>> -> memref<100000x8xf32, #tpu.memory_space<hbm>>
    tpu.enqueue_indirect_dma source(%dma_start3A_46 : memref<100000x8xf32, #tpu.memory_space<hbm>>) target(%arg12 : memref<1024x8xf32, #tpu.memory_space<vmem>>) offsets(%arg8 : memref<1024xi32, #tpu.memory_space<vmem>>) semaphore(%arg30 : memref<!tpu.dma_semaphore, #tpu.memory_space<semaphore_mem>>)
    %dma_start3A_47 = arith.constant 0 : i32
    %dma_start3A_48 = arith.constant 0 : i32
    %dma_start3A_49 = tpu.memref_slice %arg3[%dma_start3A_47, %dma_start3A_48] : memref<100000x8xf32, #tpu.memory_space<hbm>> -> memref<100000x8xf32, #tpu.memory_space<hbm>>
    tpu.enqueue_indirect_dma source(%dma_start3A_49 : memref<100000x8xf32, #tpu.memory_space<hbm>>) target(%arg13 : memref<1024x8xf32, #tpu.memory_space<vmem>>) offsets(%arg9 : memref<1024xi32, #tpu.memory_space<vmem>>) semaphore(%arg30 : memref<!tpu.dma_semaphore, #tpu.memory_space<semaphore_mem>>)
    %mul3A_50 = arith.constant 2 : i32
    %mul3A_51 = arith.muli %mul3A_50, %add3A : i32
    %add3A_52 = arith.constant 1 : i32
    %add3A_53 = arith.addi %mul3A_51, %add3A_52 : i32
    %mul3A_54 = arith.constant 1024 : i32
    %mul3A_55 = arith.muli %add3A_53, %mul3A_54 : i32
    %add3A_56 = arith.constant 0 : i32
    %add3A_57 = arith.addi %add3A_56, %mul3A_55 : i32
    %dma_start3A_58 = tpu.memref_slice %arg2[%add3A_57] : memref<12800000xi32, #tpu.memory_space<hbm>> -> memref<1024xi32, #tpu.memory_space<hbm>>
    %dma_start3A_59 = tpu.memref_slice %arg2[%add3A_57] : memref<12800000xi32, #tpu.memory_space<hbm>> -> memref<1024xi32, #tpu.memory_space<hbm>>
    tpu.enqueue_dma source(%dma_start3A_59 : memref<1024xi32, #tpu.memory_space<hbm>>) target(%arg17 : memref<1024xi32, #tpu.memory_space<vmem>>) target_semaphore(%arg29 : memref<!tpu.dma_semaphore, #tpu.memory_space<semaphore_mem>>)
    %add3A_60 = arith.constant 3200000 : i32
    %add3A_61 = arith.addi %add3A_60, %mul3A_55 : i32
    %dma_start3A_62 = tpu.memref_slice %arg2[%add3A_61] : memref<12800000xi32, #tpu.memory_space<hbm>> -> memref<1024xi32, #tpu.memory_space<hbm>>
    %dma_start3A_63 = tpu.memref_slice %arg2[%add3A_61] : memref<12800000xi32, #tpu.memory_space<hbm>> -> memref<1024xi32, #tpu.memory_space<hbm>>
    tpu.enqueue_dma source(%dma_start3A_63 : memref<1024xi32, #tpu.memory_space<hbm>>) target(%arg18 : memref<1024xi32, #tpu.memory_space<vmem>>) target_semaphore(%arg29 : memref<!tpu.dma_semaphore, #tpu.memory_space<semaphore_mem>>)
    %add3A_64 = arith.constant 6400000 : i32
    %add3A_65 = arith.addi %add3A_64, %mul3A_55 : i32
    %dma_start3A_66 = tpu.memref_slice %arg2[%add3A_65] : memref<12800000xi32, #tpu.memory_space<hbm>> -> memref<1024xi32, #tpu.memory_space<hbm>>
    %dma_start3A_67 = tpu.memref_slice %arg2[%add3A_65] : memref<12800000xi32, #tpu.memory_space<hbm>> -> memref<1024xi32, #tpu.memory_space<hbm>>
    tpu.enqueue_dma source(%dma_start3A_67 : memref<1024xi32, #tpu.memory_space<hbm>>) target(%arg19 : memref<1024xi32, #tpu.memory_space<vmem>>) target_semaphore(%arg29 : memref<!tpu.dma_semaphore, #tpu.memory_space<semaphore_mem>>)
    %add3A_68 = arith.constant 9600000 : i32
    %add3A_69 = arith.addi %add3A_68, %mul3A_55 : i32
    %dma_start3A_70 = tpu.memref_slice %arg2[%add3A_69] : memref<12800000xi32, #tpu.memory_space<hbm>> -> memref<1024xi32, #tpu.memory_space<hbm>>
    %dma_start3A_71 = tpu.memref_slice %arg2[%add3A_69] : memref<12800000xi32, #tpu.memory_space<hbm>> -> memref<1024xi32, #tpu.memory_space<hbm>>
    tpu.enqueue_dma source(%dma_start3A_71 : memref<1024xi32, #tpu.memory_space<hbm>>) target(%arg20 : memref<1024xi32, #tpu.memory_space<vmem>>) target_semaphore(%arg29 : memref<!tpu.dma_semaphore, #tpu.memory_space<semaphore_mem>>)
    %while3A = arith.constant 0 : i32
    %while3A_72 = arith.constant 0 : i32
    %while3A_73 = arith.subi %select_n3A, %while3A_72 : i32
    %while3A_74 = arith.addi %while3A_72, %while3A_73 : i32
    %while3A_75 = arith.constant 1 : i32
    %while3A_76 = arith.divsi %while3A_73, %while3A_75 : i32
    %while3A_77 = arith.muli %while3A_76, %while3A_75 : i32
    %while3A_78 = arith.addi %while3A_72, %while3A_77 : i32
    %while3A_79 = arith.constant 1 : i32
    scf.for %while3A_91 = %while3A_72 to %while3A_78 step %while3A_79  : i32 {
      %mul3A_92 = arith.constant 32 : i32
      %mul3A_93 = arith.muli %while3A_91, %mul3A_92 : i32
      %add3A_94 = arith.addi %add3A, %mul3A_93 : i32
      %mul3A_95 = arith.constant 2 : i32
      %mul3A_96 = arith.muli %mul3A_95, %add3A_94 : i32
      %mul3A_97 = arith.constant 2 : i32
      %mul3A_98 = arith.muli %mul3A_97, %add3A_94 : i32
      %add3A_99 = arith.constant 1 : i32
      %add3A_100 = arith.addi %mul3A_98, %add3A_99 : i32
      %add3A_101 = arith.constant 32 : i32
      %add3A_102 = arith.addi %add3A_94, %add3A_101 : i32
      %dma_wait3A_103 = arith.constant 0 : i32
      %dma_wait3A_104 = arith.constant 0 : i32
      %dma_wait3A_105 = tpu.memref_slice %arg3[%dma_wait3A_103, %dma_wait3A_104] : memref<100000x8xf32, #tpu.memory_space<hbm>> -> memref<1024x8xf32, #tpu.memory_space<hbm>>
      %dma_wait3A_106 = arith.constant 0 : i32
      %dma_wait3A_107 = arith.constant 0 : i32
      %dma_wait3A_108 = tpu.memref_slice %arg3[%dma_wait3A_106, %dma_wait3A_107] : memref<100000x8xf32, #tpu.memory_space<hbm>> -> memref<1024x8xf32, #tpu.memory_space<hbm>>
      tpu.wait_dma2 semaphore(%arg30 : memref<!tpu.dma_semaphore, #tpu.memory_space<semaphore_mem>>) src(%dma_wait3A_108 : memref<1024x8xf32, #tpu.memory_space<hbm>>) dst(%arg10 : memref<1024x8xf32, #tpu.memory_space<vmem>>)
      %dma_wait3A_109 = arith.constant 0 : i32
      %dma_wait3A_110 = arith.constant 0 : i32
      %dma_wait3A_111 = tpu.memref_slice %arg3[%dma_wait3A_109, %dma_wait3A_110] : memref<100000x8xf32, #tpu.memory_space<hbm>> -> memref<1024x8xf32, #tpu.memory_space<hbm>>
      %dma_wait3A_112 = arith.constant 0 : i32
      %dma_wait3A_113 = arith.constant 0 : i32
      %dma_wait3A_114 = tpu.memref_slice %arg3[%dma_wait3A_112, %dma_wait3A_113] : memref<100000x8xf32, #tpu.memory_space<hbm>> -> memref<1024x8xf32, #tpu.memory_space<hbm>>
      tpu.wait_dma2 semaphore(%arg30 : memref<!tpu.dma_semaphore, #tpu.memory_space<semaphore_mem>>) src(%dma_wait3A_114 : memref<1024x8xf32, #tpu.memory_space<hbm>>) dst(%arg11 : memref<1024x8xf32, #tpu.memory_space<vmem>>)
      %dma_wait3A_115 = arith.constant 0 : i32
      %dma_wait3A_116 = arith.constant 0 : i32
      %dma_wait3A_117 = tpu.memref_slice %arg3[%dma_wait3A_115, %dma_wait3A_116] : memref<100000x8xf32, #tpu.memory_space<hbm>> -> memref<1024x8xf32, #tpu.memory_space<hbm>>
      %dma_wait3A_118 = arith.constant 0 : i32
      %dma_wait3A_119 = arith.constant 0 : i32
      %dma_wait3A_120 = tpu.memref_slice %arg3[%dma_wait3A_118, %dma_wait3A_119] : memref<100000x8xf32, #tpu.memory_space<hbm>> -> memref<1024x8xf32, #tpu.memory_space<hbm>>
      tpu.wait_dma2 semaphore(%arg30 : memref<!tpu.dma_semaphore, #tpu.memory_space<semaphore_mem>>) src(%dma_wait3A_120 : memref<1024x8xf32, #tpu.memory_space<hbm>>) dst(%arg12 : memref<1024x8xf32, #tpu.memory_space<vmem>>)
      %dma_wait3A_121 = arith.constant 0 : i32
      %dma_wait3A_122 = arith.constant 0 : i32
      %dma_wait3A_123 = tpu.memref_slice %arg3[%dma_wait3A_121, %dma_wait3A_122] : memref<100000x8xf32, #tpu.memory_space<hbm>> -> memref<1024x8xf32, #tpu.memory_space<hbm>>
      %dma_wait3A_124 = arith.constant 0 : i32
      %dma_wait3A_125 = arith.constant 0 : i32
      %dma_wait3A_126 = tpu.memref_slice %arg3[%dma_wait3A_124, %dma_wait3A_125] : memref<100000x8xf32, #tpu.memory_space<hbm>> -> memref<1024x8xf32, #tpu.memory_space<hbm>>
      tpu.wait_dma2 semaphore(%arg30 : memref<!tpu.dma_semaphore, #tpu.memory_space<semaphore_mem>>) src(%dma_wait3A_126 : memref<1024x8xf32, #tpu.memory_space<hbm>>) dst(%arg13 : memref<1024x8xf32, #tpu.memory_space<vmem>>)
      %dma_wait3A_127 = arith.constant 0 : i32
      %dma_wait3A_128 = tpu.memref_slice %arg2[%dma_wait3A_127] : memref<12800000xi32, #tpu.memory_space<hbm>> -> memref<1024xi32, #tpu.memory_space<hbm>>
      %dma_wait3A_129 = arith.constant 0 : i32
      %dma_wait3A_130 = tpu.memref_slice %arg2[%dma_wait3A_129] : memref<12800000xi32, #tpu.memory_space<hbm>> -> memref<1024xi32, #tpu.memory_space<hbm>>
      tpu.wait_dma2 semaphore(%arg29 : memref<!tpu.dma_semaphore, #tpu.memory_space<semaphore_mem>>) src(%dma_wait3A_130 : memref<1024xi32, #tpu.memory_space<hbm>>) dst(%arg17 : memref<1024xi32, #tpu.memory_space<vmem>>)
      %dma_wait3A_131 = arith.constant 0 : i32
      %dma_wait3A_132 = tpu.memref_slice %arg2[%dma_wait3A_131] : memref<12800000xi32, #tpu.memory_space<hbm>> -> memref<1024xi32, #tpu.memory_space<hbm>>
      %dma_wait3A_133 = arith.constant 0 : i32
      %dma_wait3A_134 = tpu.memref_slice %arg2[%dma_wait3A_133] : memref<12800000xi32, #tpu.memory_space<hbm>> -> memref<1024xi32, #tpu.memory_space<hbm>>
      tpu.wait_dma2 semaphore(%arg29 : memref<!tpu.dma_semaphore, #tpu.memory_space<semaphore_mem>>) src(%dma_wait3A_134 : memref<1024xi32, #tpu.memory_space<hbm>>) dst(%arg18 : memref<1024xi32, #tpu.memory_space<vmem>>)
      %dma_wait3A_135 = arith.constant 0 : i32
      %dma_wait3A_136 = tpu.memref_slice %arg2[%dma_wait3A_135] : memref<12800000xi32, #tpu.memory_space<hbm>> -> memref<1024xi32, #tpu.memory_space<hbm>>
      %dma_wait3A_137 = arith.constant 0 : i32
      %dma_wait3A_138 = tpu.memref_slice %arg2[%dma_wait3A_137] : memref<12800000xi32, #tpu.memory_space<hbm>> -> memref<1024xi32, #tpu.memory_space<hbm>>
      tpu.wait_dma2 semaphore(%arg29 : memref<!tpu.dma_semaphore, #tpu.memory_space<semaphore_mem>>) src(%dma_wait3A_138 : memref<1024xi32, #tpu.memory_space<hbm>>) dst(%arg19 : memref<1024xi32, #tpu.memory_space<vmem>>)
      %dma_wait3A_139 = arith.constant 0 : i32
      %dma_wait3A_140 = tpu.memref_slice %arg2[%dma_wait3A_139] : memref<12800000xi32, #tpu.memory_space<hbm>> -> memref<1024xi32, #tpu.memory_space<hbm>>
      %dma_wait3A_141 = arith.constant 0 : i32
      %dma_wait3A_142 = tpu.memref_slice %arg2[%dma_wait3A_141] : memref<12800000xi32, #tpu.memory_space<hbm>> -> memref<1024xi32, #tpu.memory_space<hbm>>
      tpu.wait_dma2 semaphore(%arg29 : memref<!tpu.dma_semaphore, #tpu.memory_space<semaphore_mem>>) src(%dma_wait3A_142 : memref<1024xi32, #tpu.memory_space<hbm>>) dst(%arg20 : memref<1024xi32, #tpu.memory_space<vmem>>)
      %dma_start3A_143 = arith.constant 0 : i32
      %dma_start3A_144 = arith.constant 0 : i32
      %dma_start3A_145 = tpu.memref_slice %arg3[%dma_start3A_143, %dma_start3A_144] : memref<100000x8xf32, #tpu.memory_space<hbm>> -> memref<100000x8xf32, #tpu.memory_space<hbm>>
      tpu.enqueue_indirect_dma source(%dma_start3A_145 : memref<100000x8xf32, #tpu.memory_space<hbm>>) target(%arg21 : memref<1024x8xf32, #tpu.memory_space<vmem>>) offsets(%arg17 : memref<1024xi32, #tpu.memory_space<vmem>>) semaphore(%arg31 : memref<!tpu.dma_semaphore, #tpu.memory_space<semaphore_mem>>)
      %dma_start3A_146 = arith.constant 0 : i32
      %dma_start3A_147 = arith.constant 0 : i32
      %dma_start3A_148 = tpu.memref_slice %arg3[%dma_start3A_146, %dma_start3A_147] : memref<100000x8xf32, #tpu.memory_space<hbm>> -> memref<100000x8xf32, #tpu.memory_space<hbm>>
      tpu.enqueue_indirect_dma source(%dma_start3A_148 : memref<100000x8xf32, #tpu.memory_space<hbm>>) target(%arg22 : memref<1024x8xf32, #tpu.memory_space<vmem>>) offsets(%arg18 : memref<1024xi32, #tpu.memory_space<vmem>>) semaphore(%arg31 : memref<!tpu.dma_semaphore, #tpu.memory_space<semaphore_mem>>)
      %dma_start3A_149 = arith.constant 0 : i32
      %dma_start3A_150 = arith.constant 0 : i32
      %dma_start3A_151 = tpu.memref_slice %arg3[%dma_start3A_149, %dma_start3A_150] : memref<100000x8xf32, #tpu.memory_space<hbm>> -> memref<100000x8xf32, #tpu.memory_space<hbm>>
      tpu.enqueue_indirect_dma source(%dma_start3A_151 : memref<100000x8xf32, #tpu.memory_space<hbm>>) target(%arg23 : memref<1024x8xf32, #tpu.memory_space<vmem>>) offsets(%arg19 : memref<1024xi32, #tpu.memory_space<vmem>>) semaphore(%arg31 : memref<!tpu.dma_semaphore, #tpu.memory_space<semaphore_mem>>)
      %dma_start3A_152 = arith.constant 0 : i32
      %dma_start3A_153 = arith.constant 0 : i32
      %dma_start3A_154 = tpu.memref_slice %arg3[%dma_start3A_152, %dma_start3A_153] : memref<100000x8xf32, #tpu.memory_space<hbm>> -> memref<100000x8xf32, #tpu.memory_space<hbm>>
      tpu.enqueue_indirect_dma source(%dma_start3A_154 : memref<100000x8xf32, #tpu.memory_space<hbm>>) target(%arg24 : memref<1024x8xf32, #tpu.memory_space<vmem>>) offsets(%arg20 : memref<1024xi32, #tpu.memory_space<vmem>>) semaphore(%arg31 : memref<!tpu.dma_semaphore, #tpu.memory_space<semaphore_mem>>)
      %scan3A = arith.constant 0 : i32
      %scan3A_155 = arith.constant 0 : i32
      %scan3A_156 = arith.constant 32 : i32
      %scan3A_157 = arith.addi %scan3A_155, %scan3A_156 : i32
      %scan3A_158 = arith.constant 1 : i32
      scf.for %scan3A_307 = %scan3A_155 to %scan3A_157 step %scan3A_158  : i32 {
        %iota3A = tpu.iota {dimensions = array<i32: 0>} : vector<16xi32>
        %mul3A_308 = arith.constant 16 : i32
        %mul3A_309 = arith.muli %scan3A_307, %mul3A_308 : i32
        %add3A_310 = vector.broadcast %mul3A_309 : i32 to vector<16xi32>
        %add3A_311 = arith.addi %iota3A, %add3A_310 : vector<16xi32>
        %gather3A = tpu.vector_load_idx %arg10[%add3A_311, %broadcast_in_dim3A_9] : memref<1024x8xf32, #tpu.memory_space<vmem>>[vector<16xi32>, vector<16xi32>], vector<16xf32>,
        %convert_element_type3A_312 = arith.fptosi %gather3A : vector<16xf32> to vector<16xi32>
        %gather3A_313 = tpu.vector_load_idx %arg11[%add3A_311, %broadcast_in_dim3A_9] : memref<1024x8xf32, #tpu.memory_space<vmem>>[vector<16xi32>, vector<16xi32>], vector<16xf32>,
        %convert_element_type3A_314 = arith.fptosi %gather3A_313 : vector<16xf32> to vector<16xi32>
        %gather3A_315 = tpu.vector_load_idx %arg12[%add3A_311, %broadcast_in_dim3A_9] : memref<1024x8xf32, #tpu.memory_space<vmem>>[vector<16xi32>, vector<16xi32>], vector<16xf32>,
        %convert_element_type3A_316 = arith.fptosi %gather3A_315 : vector<16xf32> to vector<16xi32>
        %gather3A_317 = tpu.vector_load_idx %arg13[%add3A_311, %broadcast_in_dim3A_9] : memref<1024x8xf32, #tpu.memory_space<vmem>>[vector<16xi32>, vector<16xi32>], vector<16xf32>,
        %convert_element_type3A_318 = arith.fptosi %gather3A_317 : vector<16xf32> to vector<16xi32>
        %mul3A_319 = arith.constant 25 : i32
        %mul3A_320 = vector.broadcast %mul3A_319 : i32 to vector<16xi32>
        %mul3A_321 = arith.muli %convert_element_type3A_312, %mul3A_320 : vector<16xi32>
        %add3A_322 = arith.addi %mul3A_321, %convert_element_type3A_314 : vector<16xi32>
        %mul3A_323 = arith.constant 25 : i32
        %mul3A_324 = vector.broadcast %mul3A_323 : i32 to vector<16xi32>
        %mul3A_325 = arith.muli %add3A_322, %mul3A_324 : vector<16xi32>
        %add3A_326 = arith.addi %mul3A_325, %convert_element_type3A_316 : vector<16xi32>
        %mul3A_327 = arith.constant 25 : i32
        %mul3A_328 = vector.broadcast %mul3A_327 : i32 to vector<16xi32>
        %mul3A_329 = arith.muli %add3A_326, %mul3A_328 : vector<16xi32>
        %add3A_330 = arith.addi %mul3A_329, %convert_element_type3A_318 : vector<16xi32>
        %mul3A_331 = arith.constant 16 : i32
        %mul3A_332 = arith.muli %scan3A_307, %mul3A_331 : i32
        %swap3A = arith.index_cast %mul3A_332 : i32 to index
        %swap3A_333 = tpu.vector_load %arg14[%swap3A] {strides = array<i32>} : memref<1024xi32, #tpu.memory_space<vmem>>, vector<16xi32>,
        tpu.vector_store %arg14[%swap3A], %add3A_330 {strides = array<i32>} : memref<1024xi32, #tpu.memory_space<vmem>>, vector<16xi32>,
      }
      %scan3A_159 = arith.constant 32 : i32
      %dma_start3A_160 = arith.constant 0 : i32
      %dma_start3A_161 = arith.constant 0 : i32
      %dma_start3A_162 = tpu.memref_slice %arg15[%dma_start3A_160, %dma_start3A_161] : memref<1024x8xf32, #tpu.memory_space<vmem>> -> memref<512x8xf32, #tpu.memory_space<vmem>>
      %dma_start3A_163 = arith.constant 0 : i32
      %dma_start3A_164 = tpu.memref_slice %arg14[%dma_start3A_163] : memref<1024xi32, #tpu.memory_space<vmem>> -> memref<512xi32, #tpu.memory_space<vmem>>
      %dma_start3A_165 = arith.constant 0 : i32
      %dma_start3A_166 = arith.constant 0 : i32
      %dma_start3A_167 = tpu.memref_slice %arg4[%dma_start3A_165, %dma_start3A_166] : memref<390656x8xf32, #tpu.memory_space<hbm>> -> memref<390656x8xf32, #tpu.memory_space<hbm>>
      tpu.enqueue_indirect_dma source(%dma_start3A_167 : memref<390656x8xf32, #tpu.memory_space<hbm>>) target(%dma_start3A_162 : memref<512x8xf32, #tpu.memory_space<vmem>>) offsets(%dma_start3A_164 : memref<512xi32, #tpu.memory_space<vmem>>) semaphore(%arg32 : memref<!tpu.dma_semaphore, #tpu.memory_space<semaphore_mem>>)
      %scan3A_168 = arith.constant 0 : i32
      %scan3A_169 = arith.constant 32 : i32
      %scan3A_170 = arith.constant 32 : i32
      %scan3A_171 = arith.addi %scan3A_169, %scan3A_170 : i32
      %scan3A_172 = arith.constant 1 : i32
      scf.for %scan3A_307 = %scan3A_169 to %scan3A_171 step %scan3A_172  : i32 {
        %iota3A = tpu.iota {dimensions = array<i32: 0>} : vector<16xi32>
        %mul3A_308 = arith.constant 16 : i32
        %mul3A_309 = arith.muli %scan3A_307, %mul3A_308 : i32
        %add3A_310 = vector.broadcast %mul3A_309 : i32 to vector<16xi32>
        %add3A_311 = arith.addi %iota3A, %add3A_310 : vector<16xi32>
        %gather3A = tpu.vector_load_idx %arg10[%add3A_311, %broadcast_in_dim3A_9] : memref<1024x8xf32, #tpu.memory_space<vmem>>[vector<16xi32>, vector<16xi32>], vector<16xf32>,
        %convert_element_type3A_312 = arith.fptosi %gather3A : vector<16xf32> to vector<16xi32>
        %gather3A_313 = tpu.vector_load_idx %arg11[%add3A_311, %broadcast_in_dim3A_9] : memref<1024x8xf32, #tpu.memory_space<vmem>>[vector<16xi32>, vector<16xi32>], vector<16xf32>,
        %convert_element_type3A_314 = arith.fptosi %gather3A_313 : vector<16xf32> to vector<16xi32>
        %gather3A_315 = tpu.vector_load_idx %arg12[%add3A_311, %broadcast_in_dim3A_9] : memref<1024x8xf32, #tpu.memory_space<vmem>>[vector<16xi32>, vector<16xi32>], vector<16xf32>,
        %convert_element_type3A_316 = arith.fptosi %gather3A_315 : vector<16xf32> to vector<16xi32>
        %gather3A_317 = tpu.vector_load_idx %arg13[%add3A_311, %broadcast_in_dim3A_9] : memref<1024x8xf32, #tpu.memory_space<vmem>>[vector<16xi32>, vector<16xi32>], vector<16xf32>,
        %convert_element_type3A_318 = arith.fptosi %gather3A_317 : vector<16xf32> to vector<16xi32>
        %mul3A_319 = arith.constant 25 : i32
        %mul3A_320 = vector.broadcast %mul3A_319 : i32 to vector<16xi32>
        %mul3A_321 = arith.muli %convert_element_type3A_312, %mul3A_320 : vector<16xi32>
        %add3A_322 = arith.addi %mul3A_321, %convert_element_type3A_314 : vector<16xi32>
        %mul3A_323 = arith.constant 25 : i32
        %mul3A_324 = vector.broadcast %mul3A_323 : i32 to vector<16xi32>
        %mul3A_325 = arith.muli %add3A_322, %mul3A_324 : vector<16xi32>
        %add3A_326 = arith.addi %mul3A_325, %convert_element_type3A_316 : vector<16xi32>
        %mul3A_327 = arith.constant 25 : i32
        %mul3A_328 = vector.broadcast %mul3A_327 : i32 to vector<16xi32>
        %mul3A_329 = arith.muli %add3A_326, %mul3A_328 : vector<16xi32>
        %add3A_330 = arith.addi %mul3A_329, %convert_element_type3A_318 : vector<16xi32>
        %mul3A_331 = arith.constant 16 : i32
        %mul3A_332 = arith.muli %scan3A_307, %mul3A_331 : i32
        %swap3A = arith.index_cast %mul3A_332 : i32 to index
        %swap3A_333 = tpu.vector_load %arg14[%swap3A] {strides = array<i32>} : memref<1024xi32, #tpu.memory_space<vmem>>, vector<16xi32>,
        tpu.vector_store %arg14[%swap3A], %add3A_330 {strides = array<i32>} : memref<1024xi32, #tpu.memory_space<vmem>>, vector<16xi32>,
      }
      %scan3A_173 = arith.constant 32 : i32
      %dma_start3A_174 = arith.constant 512 : i32
      %dma_start3A_175 = arith.constant 0 : i32
      %dma_start3A_176 = tpu.memref_slice %arg15[%dma_start3A_174, %dma_start3A_175] : memref<1024x8xf32, #tpu.memory_space<vmem>> -> memref<512x8xf32, #tpu.memory_space<vmem>>
      %dma_start3A_177 = arith.constant 512 : i32
      %dma_start3A_178 = tpu.memref_slice %arg14[%dma_start3A_177] : memref<1024xi32, #tpu.memory_space<vmem>> -> memref<512xi32, #tpu.memory_space<vmem>>
      %dma_start3A_179 = arith.constant 0 : i32
      %dma_start3A_180 = arith.constant 0 : i32
      %dma_start3A_181 = tpu.memref_slice %arg4[%dma_start3A_179, %dma_start3A_180] : memref<390656x8xf32, #tpu.memory_space<hbm>> -> memref<390656x8xf32, #tpu.memory_space<hbm>>
      tpu.enqueue_indirect_dma source(%dma_start3A_181 : memref<390656x8xf32, #tpu.memory_space<hbm>>) target(%dma_start3A_176 : memref<512x8xf32, #tpu.memory_space<vmem>>) offsets(%dma_start3A_178 : memref<512xi32, #tpu.memory_space<vmem>>) semaphore(%arg32 : memref<!tpu.dma_semaphore, #tpu.memory_space<semaphore_mem>>)
      %dma_wait3A_182 = arith.constant 0 : i32
      %dma_wait3A_183 = arith.constant 0 : i32
      %dma_wait3A_184 = tpu.memref_slice %arg15[%dma_wait3A_182, %dma_wait3A_183] : memref<1024x8xf32, #tpu.memory_space<vmem>> -> memref<512x8xf32, #tpu.memory_space<vmem>>
      %dma_wait3A_185 = arith.constant 0 : i32
      %dma_wait3A_186 = tpu.memref_slice %arg14[%dma_wait3A_185] : memref<1024xi32, #tpu.memory_space<vmem>> -> memref<512xi32, #tpu.memory_space<vmem>>
      %dma_wait3A_187 = arith.constant 0 : i32
      %dma_wait3A_188 = arith.constant 0 : i32
      %dma_wait3A_189 = tpu.memref_slice %arg4[%dma_wait3A_187, %dma_wait3A_188] : memref<390656x8xf32, #tpu.memory_space<hbm>> -> memref<390656x8xf32, #tpu.memory_space<hbm>>
      tpu.wait_indirect_dma semaphore(%arg32 : memref<!tpu.dma_semaphore, #tpu.memory_space<semaphore_mem>>) src(%dma_wait3A_189 : memref<390656x8xf32, #tpu.memory_space<hbm>>) dst(%dma_wait3A_184 : memref<512x8xf32, #tpu.memory_space<vmem>>)
      %gt3A = arith.constant 0 : i32
      %gt3A_190 = arith.cmpi sgt, %while3A_91, %gt3A : i32
      %convert_element_type3A_191 = arith.extui %gt3A_190 : i1 to i32
      %cond3A_192 = arith.constant 0 : i32
      %cond3A_193 = arith.cmpi ne, %convert_element_type3A_191, %cond3A_192 : i32
      scf.if %cond3A_193 {
        %dma_wait3A_307 = arith.constant 0 : i32
        %dma_wait3A_308 = tpu.memref_slice %arg5[%dma_wait3A_307] : memref<3200000xf32, #tpu.memory_space<hbm>> -> memref<1024xf32, #tpu.memory_space<hbm>>
        %dma_wait3A_309 = arith.constant 0 : i32
        %dma_wait3A_310 = tpu.memref_slice %arg5[%dma_wait3A_309] : memref<3200000xf32, #tpu.memory_space<hbm>> -> memref<1024xf32, #tpu.memory_space<hbm>>
        tpu.wait_dma2 semaphore(%arg34 : memref<!tpu.dma_semaphore, #tpu.memory_space<semaphore_mem>>) src(%arg16 : memref<1024xf32, #tpu.memory_space<vmem>>) dst(%dma_wait3A_310 : memref<1024xf32, #tpu.memory_space<hbm>>)
      } else {
      }
      %scan3A_194 = arith.constant 0 : i32
      %scan3A_195 = arith.constant 0 : i32
      %scan3A_196 = arith.constant 32 : i32
      %scan3A_197 = arith.addi %scan3A_195, %scan3A_196 : i32
      %scan3A_198 = arith.constant 1 : i32
      scf.for %scan3A_307 = %scan3A_195 to %scan3A_197 step %scan3A_198  : i32 {
        %iota3A = tpu.iota {dimensions = array<i32: 0>} : vector<16xi32>
        %mul3A_308 = arith.constant 16 : i32
        %mul3A_309 = arith.muli %scan3A_307, %mul3A_308 : i32
        %add3A_310 = vector.broadcast %mul3A_309 : i32 to vector<16xi32>
        %add3A_311 = arith.addi %iota3A, %add3A_310 : vector<16xi32>
        %gather3A = tpu.vector_load_idx %arg10[%add3A_311, %broadcast_in_dim3A_3] : memref<1024x8xf32, #tpu.memory_space<vmem>>[vector<16xi32>, vector<16xi32>], vector<16xf32>,
        %gather3A_312 = tpu.vector_load_idx %arg10[%add3A_311, %broadcast_in_dim3A_5] : memref<1024x8xf32, #tpu.memory_space<vmem>>[vector<16xi32>, vector<16xi32>], vector<16xf32>,
        %gather3A_313 = tpu.vector_load_idx %arg10[%add3A_311, %broadcast_in_dim3A_7] : memref<1024x8xf32, #tpu.memory_space<vmem>>[vector<16xi32>, vector<16xi32>], vector<16xf32>,
        %gather3A_314 = tpu.vector_load_idx %arg11[%add3A_311, %broadcast_in_dim3A_3] : memref<1024x8xf32, #tpu.memory_space<vmem>>[vector<16xi32>, vector<16xi32>], vector<16xf32>,
        %gather3A_315 = tpu.vector_load_idx %arg11[%add3A_311, %broadcast_in_dim3A_5] : memref<1024x8xf32, #tpu.memory_space<vmem>>[vector<16xi32>, vector<16xi32>], vector<16xf32>,
        %gather3A_316 = tpu.vector_load_idx %arg11[%add3A_311, %broadcast_in_dim3A_7] : memref<1024x8xf32, #tpu.memory_space<vmem>>[vector<16xi32>, vector<16xi32>], vector<16xf32>,
        %gather3A_317 = tpu.vector_load_idx %arg12[%add3A_311, %broadcast_in_dim3A_3] : memref<1024x8xf32, #tpu.memory_space<vmem>>[vector<16xi32>, vector<16xi32>], vector<16xf32>,
        %gather3A_318 = tpu.vector_load_idx %arg12[%add3A_311, %broadcast_in_dim3A_5] : memref<1024x8xf32, #tpu.memory_space<vmem>>[vector<16xi32>, vector<16xi32>], vector<16xf32>,
        %gather3A_319 = tpu.vector_load_idx %arg12[%add3A_311, %broadcast_in_dim3A_7] : memref<1024x8xf32, #tpu.memory_space<vmem>>[vector<16xi32>, vector<16xi32>], vector<16xf32>,
        %gather3A_320 = tpu.vector_load_idx %arg13[%add3A_311, %broadcast_in_dim3A_3] : memref<1024x8xf32, #tpu.memory_space<vmem>>[vector<16xi32>, vector<16xi32>], vector<16xf32>,
        %gather3A_321 = tpu.vector_load_idx %arg13[%add3A_311, %broadcast_in_dim3A_5] : memref<1024x8xf32, #tpu.memory_space<vmem>>[vector<16xi32>, vector<16xi32>], vector<16xf32>,
        %gather3A_322 = tpu.vector_load_idx %arg13[%add3A_311, %broadcast_in_dim3A_7] : memref<1024x8xf32, #tpu.memory_space<vmem>>[vector<16xi32>, vector<16xi32>], vector<16xf32>,
        %sub3A = arith.subf %gather3A_314, %gather3A : vector<16xf32>
        %sub3A_323 = arith.subf %gather3A_315, %gather3A_312 : vector<16xf32>
        %sub3A_324 = arith.subf %gather3A_316, %gather3A_313 : vector<16xf32>
        %sub3A_325 = arith.subf %gather3A_317, %gather3A_314 : vector<16xf32>
        %sub3A_326 = arith.subf %gather3A_318, %gather3A_315 : vector<16xf32>
        %sub3A_327 = arith.subf %gather3A_319, %gather3A_316 : vector<16xf32>
        %sub3A_328 = arith.subf %gather3A_320, %gather3A_317 : vector<16xf32>
        %sub3A_329 = arith.subf %gather3A_321, %gather3A_318 : vector<16xf32>
        %sub3A_330 = arith.subf %gather3A_322, %gather3A_319 : vector<16xf32>
        %mul3A_331 = arith.mulf %sub3A_323, %sub3A_327 : vector<16xf32>
        %mul3A_332 = arith.mulf %sub3A_324, %sub3A_326 : vector<16xf32>
        %sub3A_333 = arith.subf %mul3A_331, %mul3A_332 : vector<16xf32>
        %mul3A_334 = arith.mulf %sub3A_324, %sub3A_325 : vector<16xf32>
        %mul3A_335 = arith.mulf %sub3A, %sub3A_327 : vector<16xf32>
        %sub3A_336 = arith.subf %mul3A_334, %mul3A_335 : vector<16xf32>
        %mul3A_337 = arith.mulf %sub3A, %sub3A_326 : vector<16xf32>
        %mul3A_338 = arith.mulf %sub3A_323, %sub3A_325 : vector<16xf32>
        %sub3A_339 = arith.subf %mul3A_337, %mul3A_338 : vector<16xf32>
        %mul3A_340 = arith.mulf %sub3A_326, %sub3A_330 : vector<16xf32>
        %mul3A_341 = arith.mulf %sub3A_327, %sub3A_329 : vector<16xf32>
        %sub3A_342 = arith.subf %mul3A_340, %mul3A_341 : vector<16xf32>
        %mul3A_343 = arith.mulf %sub3A_327, %sub3A_328 : vector<16xf32>
        %mul3A_344 = arith.mulf %sub3A_325, %sub3A_330 : vector<16xf32>
        %sub3A_345 = arith.subf %mul3A_343, %mul3A_344 : vector<16xf32>
        %mul3A_346 = arith.mulf %sub3A_325, %sub3A_329 : vector<16xf32>
        %mul3A_347 = arith.mulf %sub3A_326, %sub3A_328 : vector<16xf32>
        %sub3A_348 = arith.subf %mul3A_346, %mul3A_347 : vector<16xf32>
        %mul3A_349 = arith.mulf %sub3A_336, %sub3A_327 : vector<16xf32>
        %mul3A_350 = arith.mulf %sub3A_339, %sub3A_326 : vector<16xf32>
        %sub3A_351 = arith.subf %mul3A_349, %mul3A_350 : vector<16xf32>
        %mul3A_352 = arith.mulf %sub3A_339, %sub3A_325 : vector<16xf32>
        %mul3A_353 = arith.mulf %sub3A_333, %sub3A_327 : vector<16xf32>
        %sub3A_354 = arith.subf %mul3A_352, %mul3A_353 : vector<16xf32>
        %mul3A_355 = arith.mulf %sub3A_333, %sub3A_326 : vector<16xf32>
        %mul3A_356 = arith.mulf %sub3A_336, %sub3A_325 : vector<16xf32>
        %sub3A_357 = arith.subf %mul3A_355, %mul3A_356 : vector<16xf32>
        %mul3A_358 = arith.mulf %sub3A_333, %sub3A_342 : vector<16xf32>
        %mul3A_359 = arith.mulf %sub3A_336, %sub3A_345 : vector<16xf32>
        %add3A_360 = arith.addf %mul3A_358, %mul3A_359 : vector<16xf32>
        %mul3A_361 = arith.mulf %sub3A_339, %sub3A_348 : vector<16xf32>
        %add3A_362 = arith.addf %add3A_360, %mul3A_361 : vector<16xf32>
        %mul3A_363 = arith.mulf %sub3A_351, %sub3A_342 : vector<16xf32>
        %mul3A_364 = arith.mulf %sub3A_354, %sub3A_345 : vector<16xf32>
        %add3A_365 = arith.addf %mul3A_363, %mul3A_364 : vector<16xf32>
        %mul3A_366 = arith.mulf %sub3A_357, %sub3A_348 : vector<16xf32>
        %add3A_367 = arith.addf %add3A_365, %mul3A_366 : vector<16xf32>
        %mul3A_368 = arith.mulf %sub3A_325, %sub3A_325 : vector<16xf32>
        %mul3A_369 = arith.mulf %sub3A_326, %sub3A_326 : vector<16xf32>
        %add3A_370 = arith.addf %mul3A_368, %mul3A_369 : vector<16xf32>
        %mul3A_371 = arith.mulf %sub3A_327, %sub3A_327 : vector<16xf32>
        %add3A_372 = arith.addf %add3A_370, %mul3A_371 : vector<16xf32>
        %mul3A_373 = arith.mulf %add3A_362, %add3A_362 : vector<16xf32>
        %mul3A_374 = arith.mulf %mul3A_373, %add3A_372 : vector<16xf32>
        %mul3A_375 = arith.mulf %add3A_367, %add3A_367 : vector<16xf32>
        %add3A_376 = arith.addf %mul3A_374, %mul3A_375 : vector<16xf32>
        %bitcast3A = vector.bitcast %add3A_376 : vector<16xf32> to vector<16xi32>
        %shift_right_logical3A = arith.constant 1 : i32
        %shift_right_logical3A_377 = vector.broadcast %shift_right_logical3A : i32 to vector<16xi32>
        %shift_right_logical3A_378 = arith.shrui %bitcast3A, %shift_right_logical3A_377 : vector<16xi32>
        %sub3A_379 = arith.constant 1597463007 : i32
        %sub3A_380 = vector.broadcast %sub3A_379 : i32 to vector<16xi32>
        %sub3A_381 = arith.subi %sub3A_380, %shift_right_logical3A_378 : vector<16xi32>
        %bitcast3A_382 = vector.bitcast %sub3A_381 : vector<16xi32> to vector<16xf32>
        %mul3A_383 = arith.constant 5.000000e-01 : f32
        %mul3A_384 = vector.broadcast %mul3A_383 : f32 to vector<16xf32>
        %mul3A_385 = arith.mulf %mul3A_384, %add3A_376 : vector<16xf32>
        %mul3A_386 = arith.mulf %mul3A_385, %bitcast3A_382 : vector<16xf32>
        %mul3A_387 = arith.mulf %mul3A_386, %bitcast3A_382 : vector<16xf32>
        %sub3A_388 = arith.constant 1.500000e+00 : f32
        %sub3A_389 = vector.broadcast %sub3A_388 : f32 to vector<16xf32>
        %sub3A_390 = arith.subf %sub3A_389, %mul3A_387 : vector<16xf32>
        %mul3A_391 = arith.mulf %bitcast3A_382, %sub3A_390 : vector<16xf32>
        %mul3A_392 = arith.constant 5.000000e-01 : f32
        %mul3A_393 = vector.broadcast %mul3A_392 : f32 to vector<16xf32>
        %mul3A_394 = arith.mulf %mul3A_393, %add3A_376 : vector<16xf32>
        %mul3A_395 = arith.mulf %mul3A_394, %mul3A_391 : vector<16xf32>
        %mul3A_396 = arith.mulf %mul3A_395, %mul3A_391 : vector<16xf32>
        %sub3A_397 = arith.constant 1.500000e+00 : f32
        %sub3A_398 = vector.broadcast %sub3A_397 : f32 to vector<16xf32>
        %sub3A_399 = arith.subf %sub3A_398, %mul3A_396 : vector<16xf32>
        %mul3A_400 = arith.mulf %mul3A_391, %sub3A_399 : vector<16xf32>
        %bitcast3A_401 = vector.bitcast %add3A_372 : vector<16xf32> to vector<16xi32>
        %shift_right_logical3A_402 = arith.constant 1 : i32
        %shift_right_logical3A_403 = vector.broadcast %shift_right_logical3A_402 : i32 to vector<16xi32>
        %shift_right_logical3A_404 = arith.shrui %bitcast3A_401, %shift_right_logical3A_403 : vector<16xi32>
        %sub3A_405 = arith.constant 1597463007 : i32
        %sub3A_406 = vector.broadcast %sub3A_405 : i32 to vector<16xi32>
        %sub3A_407 = arith.subi %sub3A_406, %shift_right_logical3A_404 : vector<16xi32>
        %bitcast3A_408 = vector.bitcast %sub3A_407 : vector<16xi32> to vector<16xf32>
        %mul3A_409 = arith.constant 5.000000e-01 : f32
        %mul3A_410 = vector.broadcast %mul3A_409 : f32 to vector<16xf32>
        %mul3A_411 = arith.mulf %mul3A_410, %add3A_372 : vector<16xf32>
        %mul3A_412 = arith.mulf %mul3A_411, %bitcast3A_408 : vector<16xf32>
        %mul3A_413 = arith.mulf %mul3A_412, %bitcast3A_408 : vector<16xf32>
        %sub3A_414 = arith.constant 1.500000e+00 : f32
        %sub3A_415 = vector.broadcast %sub3A_414 : f32 to vector<16xf32>
        %sub3A_416 = arith.subf %sub3A_415, %mul3A_413 : vector<16xf32>
        %mul3A_417 = arith.mulf %bitcast3A_408, %sub3A_416 : vector<16xf32>
        %mul3A_418 = arith.constant 5.000000e-01 : f32
        %mul3A_419 = vector.broadcast %mul3A_418 : f32 to vector<16xf32>
        %mul3A_420 = arith.mulf %mul3A_419, %add3A_372 : vector<16xf32>
        %mul3A_421 = arith.mulf %mul3A_420, %mul3A_417 : vector<16xf32>
        %mul3A_422 = arith.mulf %mul3A_421, %mul3A_417 : vector<16xf32>
        %sub3A_423 = arith.constant 1.500000e+00 : f32
        %sub3A_424 = vector.broadcast %sub3A_423 : f32 to vector<16xf32>
        %sub3A_425 = arith.subf %sub3A_424, %mul3A_422 : vector<16xf32>
        %mul3A_426 = arith.mulf %mul3A_417, %sub3A_425 : vector<16xf32>
        %mul3A_427 = arith.mulf %add3A_372, %mul3A_426 : vector<16xf32>
        %mul3A_428 = arith.mulf %add3A_362, %mul3A_427 : vector<16xf32>
        %mul3A_429 = arith.mulf %mul3A_428, %mul3A_400 : vector<16xf32>
        %mul3A_430 = arith.mulf %add3A_367, %mul3A_400 : vector<16xf32>
        %gt3A_431 = arith.constant 0.000000e+00 : f32
        %gt3A_432 = vector.broadcast %gt3A_431 : f32 to vector<16xf32>
        %gt3A_433 = arith.cmpf ogt, %add3A_376, %gt3A_432 : vector<16xf32>
        %jit3A_434 = arith.constant 1.000000e+00 : f32
        %broadcast_in_dim3A_435 = vector.broadcast %jit3A_434 : f32 to vector<16xf32>
        %select_n3A_436 = arith.select %gt3A_433, %mul3A_429, %broadcast_in_dim3A_435 : vector<16xi1>, vector<16xf32>
        %jit3A_437 = arith.constant 0.000000e+00 : f32
        %broadcast_in_dim3A_438 = vector.broadcast %jit3A_437 : f32 to vector<16xf32>
        %select_n3A_439 = arith.select %gt3A_433, %mul3A_430, %broadcast_in_dim3A_438 : vector<16xi1>, vector<16xf32>
        %gather3A_440 = tpu.vector_load_idx %arg15[%add3A_311, %broadcast_in_dim3A_3] : memref<1024x8xf32, #tpu.memory_space<vmem>>[vector<16xi32>, vector<16xi32>], vector<16xf32>,
        %gather3A_441 = tpu.vector_load_idx %arg15[%add3A_311, %broadcast_in_dim3A_5] : memref<1024x8xf32, #tpu.memory_space<vmem>>[vector<16xi32>, vector<16xi32>], vector<16xf32>,
        %gather3A_442 = tpu.vector_load_idx %arg15[%add3A_311, %broadcast_in_dim3A_7] : memref<1024x8xf32, #tpu.memory_space<vmem>>[vector<16xi32>, vector<16xi32>], vector<16xf32>,
        %gather3A_443 = tpu.vector_load_idx %arg15[%add3A_311, %broadcast_in_dim3A_9] : memref<1024x8xf32, #tpu.memory_space<vmem>>[vector<16xi32>, vector<16xi32>], vector<16xf32>,
        %gather3A_444 = tpu.vector_load_idx %arg15[%add3A_311, %broadcast_in_dim3A_11] : memref<1024x8xf32, #tpu.memory_space<vmem>>[vector<16xi32>, vector<16xi32>], vector<16xf32>,
        %mul3A_445 = arith.mulf %gather3A_441, %select_n3A_436 : vector<16xf32>
        %sub3A_446 = arith.subf %gather3A_440, %mul3A_445 : vector<16xf32>
        %mul3A_447 = arith.mulf %gather3A_442, %select_n3A_439 : vector<16xf32>
        %sub3A_448 = arith.subf %sub3A_446, %mul3A_447 : vector<16xf32>
        %mul3A_449 = arith.mulf %select_n3A_436, %select_n3A_436 : vector<16xf32>
        %mul3A_450 = arith.mulf %gather3A_443, %mul3A_449 : vector<16xf32>
        %sub3A_451 = arith.subf %sub3A_448, %mul3A_450 : vector<16xf32>
        %mul3A_452 = arith.mulf %select_n3A_439, %select_n3A_436 : vector<16xf32>
        %mul3A_453 = arith.mulf %gather3A_444, %mul3A_452 : vector<16xf32>
        %sub3A_454 = arith.subf %sub3A_451, %mul3A_453 : vector<16xf32>
        %gt3A_455 = arith.constant 0.000000e+00 : f32
        %gt3A_456 = vector.broadcast %gt3A_455 : f32 to vector<16xf32>
        %gt3A_457 = arith.cmpf ogt, %add3A_372, %gt3A_456 : vector<16xf32>
        %jit3A_458 = arith.constant 0x7FC00000 : f32
        %broadcast_in_dim3A_459 = vector.broadcast %jit3A_458 : f32 to vector<16xf32>
        %select_n3A_460 = arith.select %gt3A_457, %sub3A_454, %broadcast_in_dim3A_459 : vector<16xi1>, vector<16xf32>
        %mul3A_461 = arith.constant 16 : i32
        %mul3A_462 = arith.muli %scan3A_307, %mul3A_461 : i32
        %swap3A = arith.index_cast %mul3A_462 : i32 to index
        %swap3A_463 = tpu.vector_load %arg16[%swap3A] {strides = array<i32>} : memref<1024xf32, #tpu.memory_space<vmem>>, vector<16xf32>,
        tpu.vector_store %arg16[%swap3A], %select_n3A_460 {strides = array<i32>} : memref<1024xf32, #tpu.memory_space<vmem>>, vector<16xf32>,
      }
      %scan3A_199 = arith.constant 32 : i32
      %dma_wait3A_200 = arith.constant 512 : i32
      %dma_wait3A_201 = arith.constant 0 : i32
      %dma_wait3A_202 = tpu.memref_slice %arg15[%dma_wait3A_200, %dma_wait3A_201] : memref<1024x8xf32, #tpu.memory_space<vmem>> -> memref<512x8xf32, #tpu.memory_space<vmem>>
      %dma_wait3A_203 = arith.constant 512 : i32
      %dma_wait3A_204 = tpu.memref_slice %arg14[%dma_wait3A_203] : memref<1024xi32, #tpu.memory_space<vmem>> -> memref<512xi32, #tpu.memory_space<vmem>>
      %dma_wait3A_205 = arith.constant 0 : i32
      %dma_wait3A_206 = arith.constant 0 : i32
      %dma_wait3A_207 = tpu.memref_slice %arg4[%dma_wait3A_205, %dma_wait3A_206] : memref<390656x8xf32, #tpu.memory_space<hbm>> -> memref<390656x8xf32, #tpu.memory_space<hbm>>
      tpu.wait_indirect_dma semaphore(%arg32 : memref<!tpu.dma_semaphore, #tpu.memory_space<semaphore_mem>>) src(%dma_wait3A_207 : memref<390656x8xf32, #tpu.memory_space<hbm>>) dst(%dma_wait3A_202 : memref<512x8xf32, #tpu.memory_space<vmem>>)
      %scan3A_208 = arith.constant 0 : i32
      %scan3A_209 = arith.constant 32 : i32
      %scan3A_210 = arith.constant 32 : i32
      %scan3A_211 = arith.addi %scan3A_209, %scan3A_210 : i32
      %scan3A_212 = arith.constant 1 : i32
      scf.for %scan3A_307 = %scan3A_209 to %scan3A_211 step %scan3A_212  : i32 {
        %iota3A = tpu.iota {dimensions = array<i32: 0>} : vector<16xi32>
        %mul3A_308 = arith.constant 16 : i32
        %mul3A_309 = arith.muli %scan3A_307, %mul3A_308 : i32
        %add3A_310 = vector.broadcast %mul3A_309 : i32 to vector<16xi32>
        %add3A_311 = arith.addi %iota3A, %add3A_310 : vector<16xi32>
        %gather3A = tpu.vector_load_idx %arg10[%add3A_311, %broadcast_in_dim3A_3] : memref<1024x8xf32, #tpu.memory_space<vmem>>[vector<16xi32>, vector<16xi32>], vector<16xf32>,
        %gather3A_312 = tpu.vector_load_idx %arg10[%add3A_311, %broadcast_in_dim3A_5] : memref<1024x8xf32, #tpu.memory_space<vmem>>[vector<16xi32>, vector<16xi32>], vector<16xf32>,
        %gather3A_313 = tpu.vector_load_idx %arg10[%add3A_311, %broadcast_in_dim3A_7] : memref<1024x8xf32, #tpu.memory_space<vmem>>[vector<16xi32>, vector<16xi32>], vector<16xf32>,
        %gather3A_314 = tpu.vector_load_idx %arg11[%add3A_311, %broadcast_in_dim3A_3] : memref<1024x8xf32, #tpu.memory_space<vmem>>[vector<16xi32>, vector<16xi32>], vector<16xf32>,
        %gather3A_315 = tpu.vector_load_idx %arg11[%add3A_311, %broadcast_in_dim3A_5] : memref<1024x8xf32, #tpu.memory_space<vmem>>[vector<16xi32>, vector<16xi32>], vector<16xf32>,
        %gather3A_316 = tpu.vector_load_idx %arg11[%add3A_311, %broadcast_in_dim3A_7] : memref<1024x8xf32, #tpu.memory_space<vmem>>[vector<16xi32>, vector<16xi32>], vector<16xf32>,
        %gather3A_317 = tpu.vector_load_idx %arg12[%add3A_311, %broadcast_in_dim3A_3] : memref<1024x8xf32, #tpu.memory_space<vmem>>[vector<16xi32>, vector<16xi32>], vector<16xf32>,
        %gather3A_318 = tpu.vector_load_idx %arg12[%add3A_311, %broadcast_in_dim3A_5] : memref<1024x8xf32, #tpu.memory_space<vmem>>[vector<16xi32>, vector<16xi32>], vector<16xf32>,
        %gather3A_319 = tpu.vector_load_idx %arg12[%add3A_311, %broadcast_in_dim3A_7] : memref<1024x8xf32, #tpu.memory_space<vmem>>[vector<16xi32>, vector<16xi32>], vector<16xf32>,
        %gather3A_320 = tpu.vector_load_idx %arg13[%add3A_311, %broadcast_in_dim3A_3] : memref<1024x8xf32, #tpu.memory_space<vmem>>[vector<16xi32>, vector<16xi32>], vector<16xf32>,
        %gather3A_321 = tpu.vector_load_idx %arg13[%add3A_311, %broadcast_in_dim3A_5] : memref<1024x8xf32, #tpu.memory_space<vmem>>[vector<16xi32>, vector<16xi32>], vector<16xf32>,
        %gather3A_322 = tpu.vector_load_idx %arg13[%add3A_311, %broadcast_in_dim3A_7] : memref<1024x8xf32, #tpu.memory_space<vmem>>[vector<16xi32>, vector<16xi32>], vector<16xf32>,
        %sub3A = arith.subf %gather3A_314, %gather3A : vector<16xf32>
        %sub3A_323 = arith.subf %gather3A_315, %gather3A_312 : vector<16xf32>
        %sub3A_324 = arith.subf %gather3A_316, %gather3A_313 : vector<16xf32>
        %sub3A_325 = arith.subf %gather3A_317, %gather3A_314 : vector<16xf32>
        %sub3A_326 = arith.subf %gather3A_318, %gather3A_315 : vector<16xf32>
        %sub3A_327 = arith.subf %gather3A_319, %gather3A_316 : vector<16xf32>
        %sub3A_328 = arith.subf %gather3A_320, %gather3A_317 : vector<16xf32>
        %sub3A_329 = arith.subf %gather3A_321, %gather3A_318 : vector<16xf32>
        %sub3A_330 = arith.subf %gather3A_322, %gather3A_319 : vector<16xf32>
        %mul3A_331 = arith.mulf %sub3A_323, %sub3A_327 : vector<16xf32>
        %mul3A_332 = arith.mulf %sub3A_324, %sub3A_326 : vector<16xf32>
        %sub3A_333 = arith.subf %mul3A_331, %mul3A_332 : vector<16xf32>
        %mul3A_334 = arith.mulf %sub3A_324, %sub3A_325 : vector<16xf32>
        %mul3A_335 = arith.mulf %sub3A, %sub3A_327 : vector<16xf32>
        %sub3A_336 = arith.subf %mul3A_334, %mul3A_335 : vector<16xf32>
        %mul3A_337 = arith.mulf %sub3A, %sub3A_326 : vector<16xf32>
        %mul3A_338 = arith.mulf %sub3A_323, %sub3A_325 : vector<16xf32>
        %sub3A_339 = arith.subf %mul3A_337, %mul3A_338 : vector<16xf32>
        %mul3A_340 = arith.mulf %sub3A_326, %sub3A_330 : vector<16xf32>
        %mul3A_341 = arith.mulf %sub3A_327, %sub3A_329 : vector<16xf32>
        %sub3A_342 = arith.subf %mul3A_340, %mul3A_341 : vector<16xf32>
        %mul3A_343 = arith.mulf %sub3A_327, %sub3A_328 : vector<16xf32>
        %mul3A_344 = arith.mulf %sub3A_325, %sub3A_330 : vector<16xf32>
        %sub3A_345 = arith.subf %mul3A_343, %mul3A_344 : vector<16xf32>
        %mul3A_346 = arith.mulf %sub3A_325, %sub3A_329 : vector<16xf32>
        %mul3A_347 = arith.mulf %sub3A_326, %sub3A_328 : vector<16xf32>
        %sub3A_348 = arith.subf %mul3A_346, %mul3A_347 : vector<16xf32>
        %mul3A_349 = arith.mulf %sub3A_336, %sub3A_327 : vector<16xf32>
        %mul3A_350 = arith.mulf %sub3A_339, %sub3A_326 : vector<16xf32>
        %sub3A_351 = arith.subf %mul3A_349, %mul3A_350 : vector<16xf32>
        %mul3A_352 = arith.mulf %sub3A_339, %sub3A_325 : vector<16xf32>
        %mul3A_353 = arith.mulf %sub3A_333, %sub3A_327 : vector<16xf32>
        %sub3A_354 = arith.subf %mul3A_352, %mul3A_353 : vector<16xf32>
        %mul3A_355 = arith.mulf %sub3A_333, %sub3A_326 : vector<16xf32>
        %mul3A_356 = arith.mulf %sub3A_336, %sub3A_325 : vector<16xf32>
        %sub3A_357 = arith.subf %mul3A_355, %mul3A_356 : vector<16xf32>
        %mul3A_358 = arith.mulf %sub3A_333, %sub3A_342 : vector<16xf32>
        %mul3A_359 = arith.mulf %sub3A_336, %sub3A_345 : vector<16xf32>
        %add3A_360 = arith.addf %mul3A_358, %mul3A_359 : vector<16xf32>
        %mul3A_361 = arith.mulf %sub3A_339, %sub3A_348 : vector<16xf32>
        %add3A_362 = arith.addf %add3A_360, %mul3A_361 : vector<16xf32>
        %mul3A_363 = arith.mulf %sub3A_351, %sub3A_342 : vector<16xf32>
        %mul3A_364 = arith.mulf %sub3A_354, %sub3A_345 : vector<16xf32>
        %add3A_365 = arith.addf %mul3A_363, %mul3A_364 : vector<16xf32>
        %mul3A_366 = arith.mulf %sub3A_357, %sub3A_348 : vector<16xf32>
        %add3A_367 = arith.addf %add3A_365, %mul3A_366 : vector<16xf32>
        %mul3A_368 = arith.mulf %sub3A_325, %sub3A_325 : vector<16xf32>
        %mul3A_369 = arith.mulf %sub3A_326, %sub3A_326 : vector<16xf32>
        %add3A_370 = arith.addf %mul3A_368, %mul3A_369 : vector<16xf32>
        %mul3A_371 = arith.mulf %sub3A_327, %sub3A_327 : vector<16xf32>
        %add3A_372 = arith.addf %add3A_370, %mul3A_371 : vector<16xf32>
        %mul3A_373 = arith.mulf %add3A_362, %add3A_362 : vector<16xf32>
        %mul3A_374 = arith.mulf %mul3A_373, %add3A_372 : vector<16xf32>
        %mul3A_375 = arith.mulf %add3A_367, %add3A_367 : vector<16xf32>
        %add3A_376 = arith.addf %mul3A_374, %mul3A_375 : vector<16xf32>
        %bitcast3A = vector.bitcast %add3A_376 : vector<16xf32> to vector<16xi32>
        %shift_right_logical3A = arith.constant 1 : i32
        %shift_right_logical3A_377 = vector.broadcast %shift_right_logical3A : i32 to vector<16xi32>
        %shift_right_logical3A_378 = arith.shrui %bitcast3A, %shift_right_logical3A_377 : vector<16xi32>
        %sub3A_379 = arith.constant 1597463007 : i32
        %sub3A_380 = vector.broadcast %sub3A_379 : i32 to vector<16xi32>
        %sub3A_381 = arith.subi %sub3A_380, %shift_right_logical3A_378 : vector<16xi32>
        %bitcast3A_382 = vector.bitcast %sub3A_381 : vector<16xi32> to vector<16xf32>
        %mul3A_383 = arith.constant 5.000000e-01 : f32
        %mul3A_384 = vector.broadcast %mul3A_383 : f32 to vector<16xf32>
        %mul3A_385 = arith.mulf %mul3A_384, %add3A_376 : vector<16xf32>
        %mul3A_386 = arith.mulf %mul3A_385, %bitcast3A_382 : vector<16xf32>
        %mul3A_387 = arith.mulf %mul3A_386, %bitcast3A_382 : vector<16xf32>
        %sub3A_388 = arith.constant 1.500000e+00 : f32
        %sub3A_389 = vector.broadcast %sub3A_388 : f32 to vector<16xf32>
        %sub3A_390 = arith.subf %sub3A_389, %mul3A_387 : vector<16xf32>
        %mul3A_391 = arith.mulf %bitcast3A_382, %sub3A_390 : vector<16xf32>
        %mul3A_392 = arith.constant 5.000000e-01 : f32
        %mul3A_393 = vector.broadcast %mul3A_392 : f32 to vector<16xf32>
        %mul3A_394 = arith.mulf %mul3A_393, %add3A_376 : vector<16xf32>
        %mul3A_395 = arith.mulf %mul3A_394, %mul3A_391 : vector<16xf32>
        %mul3A_396 = arith.mulf %mul3A_395, %mul3A_391 : vector<16xf32>
        %sub3A_397 = arith.constant 1.500000e+00 : f32
        %sub3A_398 = vector.broadcast %sub3A_397 : f32 to vector<16xf32>
        %sub3A_399 = arith.subf %sub3A_398, %mul3A_396 : vector<16xf32>
        %mul3A_400 = arith.mulf %mul3A_391, %sub3A_399 : vector<16xf32>
        %bitcast3A_401 = vector.bitcast %add3A_372 : vector<16xf32> to vector<16xi32>
        %shift_right_logical3A_402 = arith.constant 1 : i32
        %shift_right_logical3A_403 = vector.broadcast %shift_right_logical3A_402 : i32 to vector<16xi32>
        %shift_right_logical3A_404 = arith.shrui %bitcast3A_401, %shift_right_logical3A_403 : vector<16xi32>
        %sub3A_405 = arith.constant 1597463007 : i32
        %sub3A_406 = vector.broadcast %sub3A_405 : i32 to vector<16xi32>
        %sub3A_407 = arith.subi %sub3A_406, %shift_right_logical3A_404 : vector<16xi32>
        %bitcast3A_408 = vector.bitcast %sub3A_407 : vector<16xi32> to vector<16xf32>
        %mul3A_409 = arith.constant 5.000000e-01 : f32
        %mul3A_410 = vector.broadcast %mul3A_409 : f32 to vector<16xf32>
        %mul3A_411 = arith.mulf %mul3A_410, %add3A_372 : vector<16xf32>
        %mul3A_412 = arith.mulf %mul3A_411, %bitcast3A_408 : vector<16xf32>
        %mul3A_413 = arith.mulf %mul3A_412, %bitcast3A_408 : vector<16xf32>
        %sub3A_414 = arith.constant 1.500000e+00 : f32
        %sub3A_415 = vector.broadcast %sub3A_414 : f32 to vector<16xf32>
        %sub3A_416 = arith.subf %sub3A_415, %mul3A_413 : vector<16xf32>
        %mul3A_417 = arith.mulf %bitcast3A_408, %sub3A_416 : vector<16xf32>
        %mul3A_418 = arith.constant 5.000000e-01 : f32
        %mul3A_419 = vector.broadcast %mul3A_418 : f32 to vector<16xf32>
        %mul3A_420 = arith.mulf %mul3A_419, %add3A_372 : vector<16xf32>
        %mul3A_421 = arith.mulf %mul3A_420, %mul3A_417 : vector<16xf32>
        %mul3A_422 = arith.mulf %mul3A_421, %mul3A_417 : vector<16xf32>
        %sub3A_423 = arith.constant 1.500000e+00 : f32
        %sub3A_424 = vector.broadcast %sub3A_423 : f32 to vector<16xf32>
        %sub3A_425 = arith.subf %sub3A_424, %mul3A_422 : vector<16xf32>
        %mul3A_426 = arith.mulf %mul3A_417, %sub3A_425 : vector<16xf32>
        %mul3A_427 = arith.mulf %add3A_372, %mul3A_426 : vector<16xf32>
        %mul3A_428 = arith.mulf %add3A_362, %mul3A_427 : vector<16xf32>
        %mul3A_429 = arith.mulf %mul3A_428, %mul3A_400 : vector<16xf32>
        %mul3A_430 = arith.mulf %add3A_367, %mul3A_400 : vector<16xf32>
        %gt3A_431 = arith.constant 0.000000e+00 : f32
        %gt3A_432 = vector.broadcast %gt3A_431 : f32 to vector<16xf32>
        %gt3A_433 = arith.cmpf ogt, %add3A_376, %gt3A_432 : vector<16xf32>
        %jit3A_434 = arith.constant 1.000000e+00 : f32
        %broadcast_in_dim3A_435 = vector.broadcast %jit3A_434 : f32 to vector<16xf32>
        %select_n3A_436 = arith.select %gt3A_433, %mul3A_429, %broadcast_in_dim3A_435 : vector<16xi1>, vector<16xf32>
        %jit3A_437 = arith.constant 0.000000e+00 : f32
        %broadcast_in_dim3A_438 = vector.broadcast %jit3A_437 : f32 to vector<16xf32>
        %select_n3A_439 = arith.select %gt3A_433, %mul3A_430, %broadcast_in_dim3A_438 : vector<16xi1>, vector<16xf32>
        %gather3A_440 = tpu.vector_load_idx %arg15[%add3A_311, %broadcast_in_dim3A_3] : memref<1024x8xf32, #tpu.memory_space<vmem>>[vector<16xi32>, vector<16xi32>], vector<16xf32>,
        %gather3A_441 = tpu.vector_load_idx %arg15[%add3A_311, %broadcast_in_dim3A_5] : memref<1024x8xf32, #tpu.memory_space<vmem>>[vector<16xi32>, vector<16xi32>], vector<16xf32>,
        %gather3A_442 = tpu.vector_load_idx %arg15[%add3A_311, %broadcast_in_dim3A_7] : memref<1024x8xf32, #tpu.memory_space<vmem>>[vector<16xi32>, vector<16xi32>], vector<16xf32>,
        %gather3A_443 = tpu.vector_load_idx %arg15[%add3A_311, %broadcast_in_dim3A_9] : memref<1024x8xf32, #tpu.memory_space<vmem>>[vector<16xi32>, vector<16xi32>], vector<16xf32>,
        %gather3A_444 = tpu.vector_load_idx %arg15[%add3A_311, %broadcast_in_dim3A_11] : memref<1024x8xf32, #tpu.memory_space<vmem>>[vector<16xi32>, vector<16xi32>], vector<16xf32>,
        %mul3A_445 = arith.mulf %gather3A_441, %select_n3A_436 : vector<16xf32>
        %sub3A_446 = arith.subf %gather3A_440, %mul3A_445 : vector<16xf32>
        %mul3A_447 = arith.mulf %gather3A_442, %select_n3A_439 : vector<16xf32>
        %sub3A_448 = arith.subf %sub3A_446, %mul3A_447 : vector<16xf32>
        %mul3A_449 = arith.mulf %select_n3A_436, %select_n3A_436 : vector<16xf32>
        %mul3A_450 = arith.mulf %gather3A_443, %mul3A_449 : vector<16xf32>
        %sub3A_451 = arith.subf %sub3A_448, %mul3A_450 : vector<16xf32>
        %mul3A_452 = arith.mulf %select_n3A_439, %select_n3A_436 : vector<16xf32>
        %mul3A_453 = arith.mulf %gather3A_444, %mul3A_452 : vector<16xf32>
        %sub3A_454 = arith.subf %sub3A_451, %mul3A_453 : vector<16xf32>
        %gt3A_455 = arith.constant 0.000000e+00 : f32
        %gt3A_456 = vector.broadcast %gt3A_455 : f32 to vector<16xf32>
        %gt3A_457 = arith.cmpf ogt, %add3A_372, %gt3A_456 : vector<16xf32>
        %jit3A_458 = arith.constant 0x7FC00000 : f32
        %broadcast_in_dim3A_459 = vector.broadcast %jit3A_458 : f32 to vector<16xf32>
        %select_n3A_460 = arith.select %gt3A_457, %sub3A_454, %broadcast_in_dim3A_459 : vector<16xi1>, vector<16xf32>
        %mul3A_461 = arith.constant 16 : i32
        %mul3A_462 = arith.muli %scan3A_307, %mul3A_461 : i32
        %swap3A = arith.index_cast %mul3A_462 : i32 to index
        %swap3A_463 = tpu.vector_load %arg16[%swap3A] {strides = array<i32>} : memref<1024xf32, #tpu.memory_space<vmem>>, vector<16xf32>,
        tpu.vector_store %arg16[%swap3A], %select_n3A_460 {strides = array<i32>} : memref<1024xf32, #tpu.memory_space<vmem>>, vector<16xf32>,
      }
      %scan3A_213 = arith.constant 32 : i32
      %mul3A_214 = arith.constant 1024 : i32
      %mul3A_215 = arith.muli %mul3A_96, %mul3A_214 : i32
      %dma_start3A_216 = tpu.memref_slice %arg5[%mul3A_215] : memref<3200000xf32, #tpu.memory_space<hbm>> -> memref<1024xf32, #tpu.memory_space<hbm>>
      %dma_start3A_217 = tpu.memref_slice %arg5[%mul3A_215] : memref<3200000xf32, #tpu.memory_space<hbm>> -> memref<1024xf32, #tpu.memory_space<hbm>>
      tpu.enqueue_dma source(%arg16 : memref<1024xf32, #tpu.memory_space<vmem>>) target(%dma_start3A_217 : memref<1024xf32, #tpu.memory_space<hbm>>) target_semaphore(%arg34 : memref<!tpu.dma_semaphore, #tpu.memory_space<semaphore_mem>>)
      %add3A_218 = arith.constant 1 : i32
      %add3A_219 = arith.addi %while3A_91, %add3A_218 : i32
      %lt3A_220 = arith.cmpi slt, %add3A_219, %select_n3A : i32
      %convert_element_type3A_221 = arith.extui %lt3A_220 : i1 to i32
      %cond3A_222 = arith.constant 0 : i32
      %cond3A_223 = arith.cmpi ne, %convert_element_type3A_221, %cond3A_222 : i32
      scf.if %cond3A_223 {
        %mul3A_307 = arith.constant 2 : i32
        %mul3A_308 = arith.muli %mul3A_307, %add3A_102 : i32
        %mul3A_309 = arith.constant 1024 : i32
        %mul3A_310 = arith.muli %mul3A_308, %mul3A_309 : i32
        %add3A_311 = arith.constant 0 : i32
        %add3A_312 = arith.addi %add3A_311, %mul3A_310 : i32
        %dma_start3A_313 = tpu.memref_slice %arg2[%add3A_312] : memref<12800000xi32, #tpu.memory_space<hbm>> -> memref<1024xi32, #tpu.memory_space<hbm>>
        %dma_start3A_314 = tpu.memref_slice %arg2[%add3A_312] : memref<12800000xi32, #tpu.memory_space<hbm>> -> memref<1024xi32, #tpu.memory_space<hbm>>
        tpu.enqueue_dma source(%dma_start3A_314 : memref<1024xi32, #tpu.memory_space<hbm>>) target(%arg6 : memref<1024xi32, #tpu.memory_space<vmem>>) target_semaphore(%arg28 : memref<!tpu.dma_semaphore, #tpu.memory_space<semaphore_mem>>)
        %add3A_315 = arith.constant 3200000 : i32
        %add3A_316 = arith.addi %add3A_315, %mul3A_310 : i32
        %dma_start3A_317 = tpu.memref_slice %arg2[%add3A_316] : memref<12800000xi32, #tpu.memory_space<hbm>> -> memref<1024xi32, #tpu.memory_space<hbm>>
        %dma_start3A_318 = tpu.memref_slice %arg2[%add3A_316] : memref<12800000xi32, #tpu.memory_space<hbm>> -> memref<1024xi32, #tpu.memory_space<hbm>>
        tpu.enqueue_dma source(%dma_start3A_318 : memref<1024xi32, #tpu.memory_space<hbm>>) target(%arg7 : memref<1024xi32, #tpu.memory_space<vmem>>) target_semaphore(%arg28 : memref<!tpu.dma_semaphore, #tpu.memory_space<semaphore_mem>>)
        %add3A_319 = arith.constant 6400000 : i32
        %add3A_320 = arith.addi %add3A_319, %mul3A_310 : i32
        %dma_start3A_321 = tpu.memref_slice %arg2[%add3A_320] : memref<12800000xi32, #tpu.memory_space<hbm>> -> memref<1024xi32, #tpu.memory_space<hbm>>
        %dma_start3A_322 = tpu.memref_slice %arg2[%add3A_320] : memref<12800000xi32, #tpu.memory_space<hbm>> -> memref<1024xi32, #tpu.memory_space<hbm>>
        tpu.enqueue_dma source(%dma_start3A_322 : memref<1024xi32, #tpu.memory_space<hbm>>) target(%arg8 : memref<1024xi32, #tpu.memory_space<vmem>>) target_semaphore(%arg28 : memref<!tpu.dma_semaphore, #tpu.memory_space<semaphore_mem>>)
        %add3A_323 = arith.constant 9600000 : i32
        %add3A_324 = arith.addi %add3A_323, %mul3A_310 : i32
        %dma_start3A_325 = tpu.memref_slice %arg2[%add3A_324] : memref<12800000xi32, #tpu.memory_space<hbm>> -> memref<1024xi32, #tpu.memory_space<hbm>>
        %dma_start3A_326 = tpu.memref_slice %arg2[%add3A_324] : memref<12800000xi32, #tpu.memory_space<hbm>> -> memref<1024xi32, #tpu.memory_space<hbm>>
        tpu.enqueue_dma source(%dma_start3A_326 : memref<1024xi32, #tpu.memory_space<hbm>>) target(%arg9 : memref<1024xi32, #tpu.memory_space<vmem>>) target_semaphore(%arg28 : memref<!tpu.dma_semaphore, #tpu.memory_space<semaphore_mem>>)
        %dma_wait3A_327 = tpu.memref_slice %arg2[%add3A_312] : memref<12800000xi32, #tpu.memory_space<hbm>> -> memref<1024xi32, #tpu.memory_space<hbm>>
        %dma_wait3A_328 = tpu.memref_slice %arg2[%add3A_312] : memref<12800000xi32, #tpu.memory_space<hbm>> -> memref<1024xi32, #tpu.memory_space<hbm>>
        tpu.wait_dma2 semaphore(%arg28 : memref<!tpu.dma_semaphore, #tpu.memory_space<semaphore_mem>>) src(%dma_wait3A_328 : memref<1024xi32, #tpu.memory_space<hbm>>) dst(%arg6 : memref<1024xi32, #tpu.memory_space<vmem>>)
        %dma_wait3A_329 = tpu.memref_slice %arg2[%add3A_316] : memref<12800000xi32, #tpu.memory_space<hbm>> -> memref<1024xi32, #tpu.memory_space<hbm>>
        %dma_wait3A_330 = tpu.memref_slice %arg2[%add3A_316] : memref<12800000xi32, #tpu.memory_space<hbm>> -> memref<1024xi32, #tpu.memory_space<hbm>>
        tpu.wait_dma2 semaphore(%arg28 : memref<!tpu.dma_semaphore, #tpu.memory_space<semaphore_mem>>) src(%dma_wait3A_330 : memref<1024xi32, #tpu.memory_space<hbm>>) dst(%arg7 : memref<1024xi32, #tpu.memory_space<vmem>>)
        %dma_wait3A_331 = tpu.memref_slice %arg2[%add3A_320] : memref<12800000xi32, #tpu.memory_space<hbm>> -> memref<1024xi32, #tpu.memory_space<hbm>>
        %dma_wait3A_332 = tpu.memref_slice %arg2[%add3A_320] : memref<12800000xi32, #tpu.memory_space<hbm>> -> memref<1024xi32, #tpu.memory_space<hbm>>
        tpu.wait_dma2 semaphore(%arg28 : memref<!tpu.dma_semaphore, #tpu.memory_space<semaphore_mem>>) src(%dma_wait3A_332 : memref<1024xi32, #tpu.memory_space<hbm>>) dst(%arg8 : memref<1024xi32, #tpu.memory_space<vmem>>)
        %dma_wait3A_333 = tpu.memref_slice %arg2[%add3A_324] : memref<12800000xi32, #tpu.memory_space<hbm>> -> memref<1024xi32, #tpu.memory_space<hbm>>
        %dma_wait3A_334 = tpu.memref_slice %arg2[%add3A_324] : memref<12800000xi32, #tpu.memory_space<hbm>> -> memref<1024xi32, #tpu.memory_space<hbm>>
        tpu.wait_dma2 semaphore(%arg28 : memref<!tpu.dma_semaphore, #tpu.memory_space<semaphore_mem>>) src(%dma_wait3A_334 : memref<1024xi32, #tpu.memory_space<hbm>>) dst(%arg9 : memref<1024xi32, #tpu.memory_space<vmem>>)
        %dma_start3A_335 = arith.constant 0 : i32
        %dma_start3A_336 = arith.constant 0 : i32
        %dma_start3A_337 = tpu.memref_slice %arg3[%dma_start3A_335, %dma_start3A_336] : memref<100000x8xf32, #tpu.memory_space<hbm>> -> memref<100000x8xf32, #tpu.memory_space<hbm>>
        tpu.enqueue_indirect_dma source(%dma_start3A_337 : memref<100000x8xf32, #tpu.memory_space<hbm>>) target(%arg10 : memref<1024x8xf32, #tpu.memory_space<vmem>>) offsets(%arg6 : memref<1024xi32, #tpu.memory_space<vmem>>) semaphore(%arg30 : memref<!tpu.dma_semaphore, #tpu.memory_space<semaphore_mem>>)
        %dma_start3A_338 = arith.constant 0 : i32
        %dma_start3A_339 = arith.constant 0 : i32
        %dma_start3A_340 = tpu.memref_slice %arg3[%dma_start3A_338, %dma_start3A_339] : memref<100000x8xf32, #tpu.memory_space<hbm>> -> memref<100000x8xf32, #tpu.memory_space<hbm>>
        tpu.enqueue_indirect_dma source(%dma_start3A_340 : memref<100000x8xf32, #tpu.memory_space<hbm>>) target(%arg11 : memref<1024x8xf32, #tpu.memory_space<vmem>>) offsets(%arg7 : memref<1024xi32, #tpu.memory_space<vmem>>) semaphore(%arg30 : memref<!tpu.dma_semaphore, #tpu.memory_space<semaphore_mem>>)
        %dma_start3A_341 = arith.constant 0 : i32
        %dma_start3A_342 = arith.constant 0 : i32
        %dma_start3A_343 = tpu.memref_slice %arg3[%dma_start3A_341, %dma_start3A_342] : memref<100000x8xf32, #tpu.memory_space<hbm>> -> memref<100000x8xf32, #tpu.memory_space<hbm>>
        tpu.enqueue_indirect_dma source(%dma_start3A_343 : memref<100000x8xf32, #tpu.memory_space<hbm>>) target(%arg12 : memref<1024x8xf32, #tpu.memory_space<vmem>>) offsets(%arg8 : memref<1024xi32, #tpu.memory_space<vmem>>) semaphore(%arg30 : memref<!tpu.dma_semaphore, #tpu.memory_space<semaphore_mem>>)
        %dma_start3A_344 = arith.constant 0 : i32
        %dma_start3A_345 = arith.constant 0 : i32
        %dma_start3A_346 = tpu.memref_slice %arg3[%dma_start3A_344, %dma_start3A_345] : memref<100000x8xf32, #tpu.memory_space<hbm>> -> memref<100000x8xf32, #tpu.memory_space<hbm>>
        tpu.enqueue_indirect_dma source(%dma_start3A_346 : memref<100000x8xf32, #tpu.memory_space<hbm>>) target(%arg13 : memref<1024x8xf32, #tpu.memory_space<vmem>>) offsets(%arg9 : memref<1024xi32, #tpu.memory_space<vmem>>) semaphore(%arg30 : memref<!tpu.dma_semaphore, #tpu.memory_space<semaphore_mem>>)
      } else {
      }
      %dma_wait3A_224 = arith.constant 0 : i32
      %dma_wait3A_225 = arith.constant 0 : i32
      %dma_wait3A_226 = tpu.memref_slice %arg3[%dma_wait3A_224, %dma_wait3A_225] : memref<100000x8xf32, #tpu.memory_space<hbm>> -> memref<100000x8xf32, #tpu.memory_space<hbm>>
      tpu.wait_indirect_dma semaphore(%arg31 : memref<!tpu.dma_semaphore, #tpu.memory_space<semaphore_mem>>) src(%dma_wait3A_226 : memref<100000x8xf32, #tpu.memory_space<hbm>>) dst(%arg21 : memref<1024x8xf32, #tpu.memory_space<vmem>>)
      %dma_wait3A_227 = arith.constant 0 : i32
      %dma_wait3A_228 = arith.constant 0 : i32
      %dma_wait3A_229 = tpu.memref_slice %arg3[%dma_wait3A_227, %dma_wait3A_228] : memref<100000x8xf32, #tpu.memory_space<hbm>> -> memref<100000x8xf32, #tpu.memory_space<hbm>>
      tpu.wait_indirect_dma semaphore(%arg31 : memref<!tpu.dma_semaphore, #tpu.memory_space<semaphore_mem>>) src(%dma_wait3A_229 : memref<100000x8xf32, #tpu.memory_space<hbm>>) dst(%arg22 : memref<1024x8xf32, #tpu.memory_space<vmem>>)
      %dma_wait3A_230 = arith.constant 0 : i32
      %dma_wait3A_231 = arith.constant 0 : i32
      %dma_wait3A_232 = tpu.memref_slice %arg3[%dma_wait3A_230, %dma_wait3A_231] : memref<100000x8xf32, #tpu.memory_space<hbm>> -> memref<100000x8xf32, #tpu.memory_space<hbm>>
      tpu.wait_indirect_dma semaphore(%arg31 : memref<!tpu.dma_semaphore, #tpu.memory_space<semaphore_mem>>) src(%dma_wait3A_232 : memref<100000x8xf32, #tpu.memory_space<hbm>>) dst(%arg23 : memref<1024x8xf32, #tpu.memory_space<vmem>>)
      %dma_wait3A_233 = arith.constant 0 : i32
      %dma_wait3A_234 = arith.constant 0 : i32
      %dma_wait3A_235 = tpu.memref_slice %arg3[%dma_wait3A_233, %dma_wait3A_234] : memref<100000x8xf32, #tpu.memory_space<hbm>> -> memref<100000x8xf32, #tpu.memory_space<hbm>>
      tpu.wait_indirect_dma semaphore(%arg31 : memref<!tpu.dma_semaphore, #tpu.memory_space<semaphore_mem>>) src(%dma_wait3A_235 : memref<100000x8xf32, #tpu.memory_space<hbm>>) dst(%arg24 : memref<1024x8xf32, #tpu.memory_space<vmem>>)
      %scan3A_236 = arith.constant 0 : i32
      %scan3A_237 = arith.constant 0 : i32
      %scan3A_238 = arith.constant 32 : i32
      %scan3A_239 = arith.addi %scan3A_237, %scan3A_238 : i32
      %scan3A_240 = arith.constant 1 : i32
      scf.for %scan3A_307 = %scan3A_237 to %scan3A_239 step %scan3A_240  : i32 {
        %iota3A = tpu.iota {dimensions = array<i32: 0>} : vector<16xi32>
        %mul3A_308 = arith.constant 16 : i32
        %mul3A_309 = arith.muli %scan3A_307, %mul3A_308 : i32
        %add3A_310 = vector.broadcast %mul3A_309 : i32 to vector<16xi32>
        %add3A_311 = arith.addi %iota3A, %add3A_310 : vector<16xi32>
        %gather3A = tpu.vector_load_idx %arg21[%add3A_311, %broadcast_in_dim3A_9] : memref<1024x8xf32, #tpu.memory_space<vmem>>[vector<16xi32>, vector<16xi32>], vector<16xf32>,
        %convert_element_type3A_312 = arith.fptosi %gather3A : vector<16xf32> to vector<16xi32>
        %gather3A_313 = tpu.vector_load_idx %arg22[%add3A_311, %broadcast_in_dim3A_9] : memref<1024x8xf32, #tpu.memory_space<vmem>>[vector<16xi32>, vector<16xi32>], vector<16xf32>,
        %convert_element_type3A_314 = arith.fptosi %gather3A_313 : vector<16xf32> to vector<16xi32>
        %gather3A_315 = tpu.vector_load_idx %arg23[%add3A_311, %broadcast_in_dim3A_9] : memref<1024x8xf32, #tpu.memory_space<vmem>>[vector<16xi32>, vector<16xi32>], vector<16xf32>,
        %convert_element_type3A_316 = arith.fptosi %gather3A_315 : vector<16xf32> to vector<16xi32>
        %gather3A_317 = tpu.vector_load_idx %arg24[%add3A_311, %broadcast_in_dim3A_9] : memref<1024x8xf32, #tpu.memory_space<vmem>>[vector<16xi32>, vector<16xi32>], vector<16xf32>,
        %convert_element_type3A_318 = arith.fptosi %gather3A_317 : vector<16xf32> to vector<16xi32>
        %mul3A_319 = arith.constant 25 : i32
        %mul3A_320 = vector.broadcast %mul3A_319 : i32 to vector<16xi32>
        %mul3A_321 = arith.muli %convert_element_type3A_312, %mul3A_320 : vector<16xi32>
        %add3A_322 = arith.addi %mul3A_321, %convert_element_type3A_314 : vector<16xi32>
        %mul3A_323 = arith.constant 25 : i32
        %mul3A_324 = vector.broadcast %mul3A_323 : i32 to vector<16xi32>
        %mul3A_325 = arith.muli %add3A_322, %mul3A_324 : vector<16xi32>
        %add3A_326 = arith.addi %mul3A_325, %convert_element_type3A_316 : vector<16xi32>
        %mul3A_327 = arith.constant 25 : i32
        %mul3A_328 = vector.broadcast %mul3A_327 : i32 to vector<16xi32>
        %mul3A_329 = arith.muli %add3A_326, %mul3A_328 : vector<16xi32>
        %add3A_330 = arith.addi %mul3A_329, %convert_element_type3A_318 : vector<16xi32>
        %mul3A_331 = arith.constant 16 : i32
        %mul3A_332 = arith.muli %scan3A_307, %mul3A_331 : i32
        %swap3A = arith.index_cast %mul3A_332 : i32 to index
        %swap3A_333 = tpu.vector_load %arg25[%swap3A] {strides = array<i32>} : memref<1024xi32, #tpu.memory_space<vmem>>, vector<16xi32>,
        tpu.vector_store %arg25[%swap3A], %add3A_330 {strides = array<i32>} : memref<1024xi32, #tpu.memory_space<vmem>>, vector<16xi32>,
      }
      %scan3A_241 = arith.constant 32 : i32
      %dma_start3A_242 = arith.constant 0 : i32
      %dma_start3A_243 = arith.constant 0 : i32
      %dma_start3A_244 = tpu.memref_slice %arg26[%dma_start3A_242, %dma_start3A_243] : memref<1024x8xf32, #tpu.memory_space<vmem>> -> memref<512x8xf32, #tpu.memory_space<vmem>>
      %dma_start3A_245 = arith.constant 0 : i32
      %dma_start3A_246 = tpu.memref_slice %arg25[%dma_start3A_245] : memref<1024xi32, #tpu.memory_space<vmem>> -> memref<512xi32, #tpu.memory_space<vmem>>
      %dma_start3A_247 = arith.constant 0 : i32
      %dma_start3A_248 = arith.constant 0 : i32
      %dma_start3A_249 = tpu.memref_slice %arg4[%dma_start3A_247, %dma_start3A_248] : memref<390656x8xf32, #tpu.memory_space<hbm>> -> memref<390656x8xf32, #tpu.memory_space<hbm>>
      tpu.enqueue_indirect_dma source(%dma_start3A_249 : memref<390656x8xf32, #tpu.memory_space<hbm>>) target(%dma_start3A_244 : memref<512x8xf32, #tpu.memory_space<vmem>>) offsets(%dma_start3A_246 : memref<512xi32, #tpu.memory_space<vmem>>) semaphore(%arg33 : memref<!tpu.dma_semaphore, #tpu.memory_space<semaphore_mem>>)
      %scan3A_250 = arith.constant 0 : i32
      %scan3A_251 = arith.constant 32 : i32
      %scan3A_252 = arith.constant 32 : i32
      %scan3A_253 = arith.addi %scan3A_251, %scan3A_252 : i32
      %scan3A_254 = arith.constant 1 : i32
      scf.for %scan3A_307 = %scan3A_251 to %scan3A_253 step %scan3A_254  : i32 {
        %iota3A = tpu.iota {dimensions = array<i32: 0>} : vector<16xi32>
        %mul3A_308 = arith.constant 16 : i32
        %mul3A_309 = arith.muli %scan3A_307, %mul3A_308 : i32
        %add3A_310 = vector.broadcast %mul3A_309 : i32 to vector<16xi32>
        %add3A_311 = arith.addi %iota3A, %add3A_310 : vector<16xi32>
        %gather3A = tpu.vector_load_idx %arg21[%add3A_311, %broadcast_in_dim3A_9] : memref<1024x8xf32, #tpu.memory_space<vmem>>[vector<16xi32>, vector<16xi32>], vector<16xf32>,
        %convert_element_type3A_312 = arith.fptosi %gather3A : vector<16xf32> to vector<16xi32>
        %gather3A_313 = tpu.vector_load_idx %arg22[%add3A_311, %broadcast_in_dim3A_9] : memref<1024x8xf32, #tpu.memory_space<vmem>>[vector<16xi32>, vector<16xi32>], vector<16xf32>,
        %convert_element_type3A_314 = arith.fptosi %gather3A_313 : vector<16xf32> to vector<16xi32>
        %gather3A_315 = tpu.vector_load_idx %arg23[%add3A_311, %broadcast_in_dim3A_9] : memref<1024x8xf32, #tpu.memory_space<vmem>>[vector<16xi32>, vector<16xi32>], vector<16xf32>,
        %convert_element_type3A_316 = arith.fptosi %gather3A_315 : vector<16xf32> to vector<16xi32>
        %gather3A_317 = tpu.vector_load_idx %arg24[%add3A_311, %broadcast_in_dim3A_9] : memref<1024x8xf32, #tpu.memory_space<vmem>>[vector<16xi32>, vector<16xi32>], vector<16xf32>,
        %convert_element_type3A_318 = arith.fptosi %gather3A_317 : vector<16xf32> to vector<16xi32>
        %mul3A_319 = arith.constant 25 : i32
        %mul3A_320 = vector.broadcast %mul3A_319 : i32 to vector<16xi32>
        %mul3A_321 = arith.muli %convert_element_type3A_312, %mul3A_320 : vector<16xi32>
        %add3A_322 = arith.addi %mul3A_321, %convert_element_type3A_314 : vector<16xi32>
        %mul3A_323 = arith.constant 25 : i32
        %mul3A_324 = vector.broadcast %mul3A_323 : i32 to vector<16xi32>
        %mul3A_325 = arith.muli %add3A_322, %mul3A_324 : vector<16xi32>
        %add3A_326 = arith.addi %mul3A_325, %convert_element_type3A_316 : vector<16xi32>
        %mul3A_327 = arith.constant 25 : i32
        %mul3A_328 = vector.broadcast %mul3A_327 : i32 to vector<16xi32>
        %mul3A_329 = arith.muli %add3A_326, %mul3A_328 : vector<16xi32>
        %add3A_330 = arith.addi %mul3A_329, %convert_element_type3A_318 : vector<16xi32>
        %mul3A_331 = arith.constant 16 : i32
        %mul3A_332 = arith.muli %scan3A_307, %mul3A_331 : i32
        %swap3A = arith.index_cast %mul3A_332 : i32 to index
        %swap3A_333 = tpu.vector_load %arg25[%swap3A] {strides = array<i32>} : memref<1024xi32, #tpu.memory_space<vmem>>, vector<16xi32>,
        tpu.vector_store %arg25[%swap3A], %add3A_330 {strides = array<i32>} : memref<1024xi32, #tpu.memory_space<vmem>>, vector<16xi32>,
      }
      %scan3A_255 = arith.constant 32 : i32
      %dma_start3A_256 = arith.constant 512 : i32
      %dma_start3A_257 = arith.constant 0 : i32
      %dma_start3A_258 = tpu.memref_slice %arg26[%dma_start3A_256, %dma_start3A_257] : memref<1024x8xf32, #tpu.memory_space<vmem>> -> memref<512x8xf32, #tpu.memory_space<vmem>>
      %dma_start3A_259 = arith.constant 512 : i32
      %dma_start3A_260 = tpu.memref_slice %arg25[%dma_start3A_259] : memref<1024xi32, #tpu.memory_space<vmem>> -> memref<512xi32, #tpu.memory_space<vmem>>
      %dma_start3A_261 = arith.constant 0 : i32
      %dma_start3A_262 = arith.constant 0 : i32
      %dma_start3A_263 = tpu.memref_slice %arg4[%dma_start3A_261, %dma_start3A_262] : memref<390656x8xf32, #tpu.memory_space<hbm>> -> memref<390656x8xf32, #tpu.memory_space<hbm>>
      tpu.enqueue_indirect_dma source(%dma_start3A_263 : memref<390656x8xf32, #tpu.memory_space<hbm>>) target(%dma_start3A_258 : memref<512x8xf32, #tpu.memory_space<vmem>>) offsets(%dma_start3A_260 : memref<512xi32, #tpu.memory_space<vmem>>) semaphore(%arg33 : memref<!tpu.dma_semaphore, #tpu.memory_space<semaphore_mem>>)
      %dma_wait3A_264 = arith.constant 0 : i32
      %dma_wait3A_265 = arith.constant 0 : i32
      %dma_wait3A_266 = tpu.memref_slice %arg26[%dma_wait3A_264, %dma_wait3A_265] : memref<1024x8xf32, #tpu.memory_space<vmem>> -> memref<512x8xf32, #tpu.memory_space<vmem>>
      %dma_wait3A_267 = arith.constant 0 : i32
      %dma_wait3A_268 = tpu.memref_slice %arg25[%dma_wait3A_267] : memref<1024xi32, #tpu.memory_space<vmem>> -> memref<512xi32, #tpu.memory_space<vmem>>
      %dma_wait3A_269 = arith.constant 0 : i32
      %dma_wait3A_270 = arith.constant 0 : i32
      %dma_wait3A_271 = tpu.memref_slice %arg4[%dma_wait3A_269, %dma_wait3A_270] : memref<390656x8xf32, #tpu.memory_space<hbm>> -> memref<390656x8xf32, #tpu.memory_space<hbm>>
      tpu.wait_indirect_dma semaphore(%arg33 : memref<!tpu.dma_semaphore, #tpu.memory_space<semaphore_mem>>) src(%dma_wait3A_271 : memref<390656x8xf32, #tpu.memory_space<hbm>>) dst(%dma_wait3A_266 : memref<512x8xf32, #tpu.memory_space<vmem>>)
      %gt3A_272 = arith.constant 0 : i32
      %gt3A_273 = arith.cmpi sgt, %while3A_91, %gt3A_272 : i32
      %convert_element_type3A_274 = arith.extui %gt3A_273 : i1 to i32
      %cond3A_275 = arith.constant 0 : i32
      %cond3A_276 = arith.cmpi ne, %convert_element_type3A_274, %cond3A_275 : i32
      scf.if %cond3A_276 {
        %dma_wait3A_307 = arith.constant 0 : i32
        %dma_wait3A_308 = tpu.memref_slice %arg5[%dma_wait3A_307] : memref<3200000xf32, #tpu.memory_space<hbm>> -> memref<1024xf32, #tpu.memory_space<hbm>>
        %dma_wait3A_309 = arith.constant 0 : i32
        %dma_wait3A_310 = tpu.memref_slice %arg5[%dma_wait3A_309] : memref<3200000xf32, #tpu.memory_space<hbm>> -> memref<1024xf32, #tpu.memory_space<hbm>>
        tpu.wait_dma2 semaphore(%arg35 : memref<!tpu.dma_semaphore, #tpu.memory_space<semaphore_mem>>) src(%arg27 : memref<1024xf32, #tpu.memory_space<vmem>>) dst(%dma_wait3A_310 : memref<1024xf32, #tpu.memory_space<hbm>>)
      } else {
      }
      %scan3A_277 = arith.constant 0 : i32
      %scan3A_278 = arith.constant 0 : i32
      %scan3A_279 = arith.constant 32 : i32
      %scan3A_280 = arith.addi %scan3A_278, %scan3A_279 : i32
      %scan3A_281 = arith.constant 1 : i32
      scf.for %scan3A_307 = %scan3A_278 to %scan3A_280 step %scan3A_281  : i32 {
        %iota3A = tpu.iota {dimensions = array<i32: 0>} : vector<16xi32>
        %mul3A_308 = arith.constant 16 : i32
        %mul3A_309 = arith.muli %scan3A_307, %mul3A_308 : i32
        %add3A_310 = vector.broadcast %mul3A_309 : i32 to vector<16xi32>
        %add3A_311 = arith.addi %iota3A, %add3A_310 : vector<16xi32>
        %gather3A = tpu.vector_load_idx %arg21[%add3A_311, %broadcast_in_dim3A_3] : memref<1024x8xf32, #tpu.memory_space<vmem>>[vector<16xi32>, vector<16xi32>], vector<16xf32>,
        %gather3A_312 = tpu.vector_load_idx %arg21[%add3A_311, %broadcast_in_dim3A_5] : memref<1024x8xf32, #tpu.memory_space<vmem>>[vector<16xi32>, vector<16xi32>], vector<16xf32>,
        %gather3A_313 = tpu.vector_load_idx %arg21[%add3A_311, %broadcast_in_dim3A_7] : memref<1024x8xf32, #tpu.memory_space<vmem>>[vector<16xi32>, vector<16xi32>], vector<16xf32>,
        %gather3A_314 = tpu.vector_load_idx %arg22[%add3A_311, %broadcast_in_dim3A_3] : memref<1024x8xf32, #tpu.memory_space<vmem>>[vector<16xi32>, vector<16xi32>], vector<16xf32>,
        %gather3A_315 = tpu.vector_load_idx %arg22[%add3A_311, %broadcast_in_dim3A_5] : memref<1024x8xf32, #tpu.memory_space<vmem>>[vector<16xi32>, vector<16xi32>], vector<16xf32>,
        %gather3A_316 = tpu.vector_load_idx %arg22[%add3A_311, %broadcast_in_dim3A_7] : memref<1024x8xf32, #tpu.memory_space<vmem>>[vector<16xi32>, vector<16xi32>], vector<16xf32>,
        %gather3A_317 = tpu.vector_load_idx %arg23[%add3A_311, %broadcast_in_dim3A_3] : memref<1024x8xf32, #tpu.memory_space<vmem>>[vector<16xi32>, vector<16xi32>], vector<16xf32>,
        %gather3A_318 = tpu.vector_load_idx %arg23[%add3A_311, %broadcast_in_dim3A_5] : memref<1024x8xf32, #tpu.memory_space<vmem>>[vector<16xi32>, vector<16xi32>], vector<16xf32>,
        %gather3A_319 = tpu.vector_load_idx %arg23[%add3A_311, %broadcast_in_dim3A_7] : memref<1024x8xf32, #tpu.memory_space<vmem>>[vector<16xi32>, vector<16xi32>], vector<16xf32>,
        %gather3A_320 = tpu.vector_load_idx %arg24[%add3A_311, %broadcast_in_dim3A_3] : memref<1024x8xf32, #tpu.memory_space<vmem>>[vector<16xi32>, vector<16xi32>], vector<16xf32>,
        %gather3A_321 = tpu.vector_load_idx %arg24[%add3A_311, %broadcast_in_dim3A_5] : memref<1024x8xf32, #tpu.memory_space<vmem>>[vector<16xi32>, vector<16xi32>], vector<16xf32>,
        %gather3A_322 = tpu.vector_load_idx %arg24[%add3A_311, %broadcast_in_dim3A_7] : memref<1024x8xf32, #tpu.memory_space<vmem>>[vector<16xi32>, vector<16xi32>], vector<16xf32>,
        %sub3A = arith.subf %gather3A_314, %gather3A : vector<16xf32>
        %sub3A_323 = arith.subf %gather3A_315, %gather3A_312 : vector<16xf32>
        %sub3A_324 = arith.subf %gather3A_316, %gather3A_313 : vector<16xf32>
        %sub3A_325 = arith.subf %gather3A_317, %gather3A_314 : vector<16xf32>
        %sub3A_326 = arith.subf %gather3A_318, %gather3A_315 : vector<16xf32>
        %sub3A_327 = arith.subf %gather3A_319, %gather3A_316 : vector<16xf32>
        %sub3A_328 = arith.subf %gather3A_320, %gather3A_317 : vector<16xf32>
        %sub3A_329 = arith.subf %gather3A_321, %gather3A_318 : vector<16xf32>
        %sub3A_330 = arith.subf %gather3A_322, %gather3A_319 : vector<16xf32>
        %mul3A_331 = arith.mulf %sub3A_323, %sub3A_327 : vector<16xf32>
        %mul3A_332 = arith.mulf %sub3A_324, %sub3A_326 : vector<16xf32>
        %sub3A_333 = arith.subf %mul3A_331, %mul3A_332 : vector<16xf32>
        %mul3A_334 = arith.mulf %sub3A_324, %sub3A_325 : vector<16xf32>
        %mul3A_335 = arith.mulf %sub3A, %sub3A_327 : vector<16xf32>
        %sub3A_336 = arith.subf %mul3A_334, %mul3A_335 : vector<16xf32>
        %mul3A_337 = arith.mulf %sub3A, %sub3A_326 : vector<16xf32>
        %mul3A_338 = arith.mulf %sub3A_323, %sub3A_325 : vector<16xf32>
        %sub3A_339 = arith.subf %mul3A_337, %mul3A_338 : vector<16xf32>
        %mul3A_340 = arith.mulf %sub3A_326, %sub3A_330 : vector<16xf32>
        %mul3A_341 = arith.mulf %sub3A_327, %sub3A_329 : vector<16xf32>
        %sub3A_342 = arith.subf %mul3A_340, %mul3A_341 : vector<16xf32>
        %mul3A_343 = arith.mulf %sub3A_327, %sub3A_328 : vector<16xf32>
        %mul3A_344 = arith.mulf %sub3A_325, %sub3A_330 : vector<16xf32>
        %sub3A_345 = arith.subf %mul3A_343, %mul3A_344 : vector<16xf32>
        %mul3A_346 = arith.mulf %sub3A_325, %sub3A_329 : vector<16xf32>
        %mul3A_347 = arith.mulf %sub3A_326, %sub3A_328 : vector<16xf32>
        %sub3A_348 = arith.subf %mul3A_346, %mul3A_347 : vector<16xf32>
        %mul3A_349 = arith.mulf %sub3A_336, %sub3A_327 : vector<16xf32>
        %mul3A_350 = arith.mulf %sub3A_339, %sub3A_326 : vector<16xf32>
        %sub3A_351 = arith.subf %mul3A_349, %mul3A_350 : vector<16xf32>
        %mul3A_352 = arith.mulf %sub3A_339, %sub3A_325 : vector<16xf32>
        %mul3A_353 = arith.mulf %sub3A_333, %sub3A_327 : vector<16xf32>
        %sub3A_354 = arith.subf %mul3A_352, %mul3A_353 : vector<16xf32>
        %mul3A_355 = arith.mulf %sub3A_333, %sub3A_326 : vector<16xf32>
        %mul3A_356 = arith.mulf %sub3A_336, %sub3A_325 : vector<16xf32>
        %sub3A_357 = arith.subf %mul3A_355, %mul3A_356 : vector<16xf32>
        %mul3A_358 = arith.mulf %sub3A_333, %sub3A_342 : vector<16xf32>
        %mul3A_359 = arith.mulf %sub3A_336, %sub3A_345 : vector<16xf32>
        %add3A_360 = arith.addf %mul3A_358, %mul3A_359 : vector<16xf32>
        %mul3A_361 = arith.mulf %sub3A_339, %sub3A_348 : vector<16xf32>
        %add3A_362 = arith.addf %add3A_360, %mul3A_361 : vector<16xf32>
        %mul3A_363 = arith.mulf %sub3A_351, %sub3A_342 : vector<16xf32>
        %mul3A_364 = arith.mulf %sub3A_354, %sub3A_345 : vector<16xf32>
        %add3A_365 = arith.addf %mul3A_363, %mul3A_364 : vector<16xf32>
        %mul3A_366 = arith.mulf %sub3A_357, %sub3A_348 : vector<16xf32>
        %add3A_367 = arith.addf %add3A_365, %mul3A_366 : vector<16xf32>
        %mul3A_368 = arith.mulf %sub3A_325, %sub3A_325 : vector<16xf32>
        %mul3A_369 = arith.mulf %sub3A_326, %sub3A_326 : vector<16xf32>
        %add3A_370 = arith.addf %mul3A_368, %mul3A_369 : vector<16xf32>
        %mul3A_371 = arith.mulf %sub3A_327, %sub3A_327 : vector<16xf32>
        %add3A_372 = arith.addf %add3A_370, %mul3A_371 : vector<16xf32>
        %mul3A_373 = arith.mulf %add3A_362, %add3A_362 : vector<16xf32>
        %mul3A_374 = arith.mulf %mul3A_373, %add3A_372 : vector<16xf32>
        %mul3A_375 = arith.mulf %add3A_367, %add3A_367 : vector<16xf32>
        %add3A_376 = arith.addf %mul3A_374, %mul3A_375 : vector<16xf32>
        %bitcast3A = vector.bitcast %add3A_376 : vector<16xf32> to vector<16xi32>
        %shift_right_logical3A = arith.constant 1 : i32
        %shift_right_logical3A_377 = vector.broadcast %shift_right_logical3A : i32 to vector<16xi32>
        %shift_right_logical3A_378 = arith.shrui %bitcast3A, %shift_right_logical3A_377 : vector<16xi32>
        %sub3A_379 = arith.constant 1597463007 : i32
        %sub3A_380 = vector.broadcast %sub3A_379 : i32 to vector<16xi32>
        %sub3A_381 = arith.subi %sub3A_380, %shift_right_logical3A_378 : vector<16xi32>
        %bitcast3A_382 = vector.bitcast %sub3A_381 : vector<16xi32> to vector<16xf32>
        %mul3A_383 = arith.constant 5.000000e-01 : f32
        %mul3A_384 = vector.broadcast %mul3A_383 : f32 to vector<16xf32>
        %mul3A_385 = arith.mulf %mul3A_384, %add3A_376 : vector<16xf32>
        %mul3A_386 = arith.mulf %mul3A_385, %bitcast3A_382 : vector<16xf32>
        %mul3A_387 = arith.mulf %mul3A_386, %bitcast3A_382 : vector<16xf32>
        %sub3A_388 = arith.constant 1.500000e+00 : f32
        %sub3A_389 = vector.broadcast %sub3A_388 : f32 to vector<16xf32>
        %sub3A_390 = arith.subf %sub3A_389, %mul3A_387 : vector<16xf32>
        %mul3A_391 = arith.mulf %bitcast3A_382, %sub3A_390 : vector<16xf32>
        %mul3A_392 = arith.constant 5.000000e-01 : f32
        %mul3A_393 = vector.broadcast %mul3A_392 : f32 to vector<16xf32>
        %mul3A_394 = arith.mulf %mul3A_393, %add3A_376 : vector<16xf32>
        %mul3A_395 = arith.mulf %mul3A_394, %mul3A_391 : vector<16xf32>
        %mul3A_396 = arith.mulf %mul3A_395, %mul3A_391 : vector<16xf32>
        %sub3A_397 = arith.constant 1.500000e+00 : f32
        %sub3A_398 = vector.broadcast %sub3A_397 : f32 to vector<16xf32>
        %sub3A_399 = arith.subf %sub3A_398, %mul3A_396 : vector<16xf32>
        %mul3A_400 = arith.mulf %mul3A_391, %sub3A_399 : vector<16xf32>
        %bitcast3A_401 = vector.bitcast %add3A_372 : vector<16xf32> to vector<16xi32>
        %shift_right_logical3A_402 = arith.constant 1 : i32
        %shift_right_logical3A_403 = vector.broadcast %shift_right_logical3A_402 : i32 to vector<16xi32>
        %shift_right_logical3A_404 = arith.shrui %bitcast3A_401, %shift_right_logical3A_403 : vector<16xi32>
        %sub3A_405 = arith.constant 1597463007 : i32
        %sub3A_406 = vector.broadcast %sub3A_405 : i32 to vector<16xi32>
        %sub3A_407 = arith.subi %sub3A_406, %shift_right_logical3A_404 : vector<16xi32>
        %bitcast3A_408 = vector.bitcast %sub3A_407 : vector<16xi32> to vector<16xf32>
        %mul3A_409 = arith.constant 5.000000e-01 : f32
        %mul3A_410 = vector.broadcast %mul3A_409 : f32 to vector<16xf32>
        %mul3A_411 = arith.mulf %mul3A_410, %add3A_372 : vector<16xf32>
        %mul3A_412 = arith.mulf %mul3A_411, %bitcast3A_408 : vector<16xf32>
        %mul3A_413 = arith.mulf %mul3A_412, %bitcast3A_408 : vector<16xf32>
        %sub3A_414 = arith.constant 1.500000e+00 : f32
        %sub3A_415 = vector.broadcast %sub3A_414 : f32 to vector<16xf32>
        %sub3A_416 = arith.subf %sub3A_415, %mul3A_413 : vector<16xf32>
        %mul3A_417 = arith.mulf %bitcast3A_408, %sub3A_416 : vector<16xf32>
        %mul3A_418 = arith.constant 5.000000e-01 : f32
        %mul3A_419 = vector.broadcast %mul3A_418 : f32 to vector<16xf32>
        %mul3A_420 = arith.mulf %mul3A_419, %add3A_372 : vector<16xf32>
        %mul3A_421 = arith.mulf %mul3A_420, %mul3A_417 : vector<16xf32>
        %mul3A_422 = arith.mulf %mul3A_421, %mul3A_417 : vector<16xf32>
        %sub3A_423 = arith.constant 1.500000e+00 : f32
        %sub3A_424 = vector.broadcast %sub3A_423 : f32 to vector<16xf32>
        %sub3A_425 = arith.subf %sub3A_424, %mul3A_422 : vector<16xf32>
        %mul3A_426 = arith.mulf %mul3A_417, %sub3A_425 : vector<16xf32>
        %mul3A_427 = arith.mulf %add3A_372, %mul3A_426 : vector<16xf32>
        %mul3A_428 = arith.mulf %add3A_362, %mul3A_427 : vector<16xf32>
        %mul3A_429 = arith.mulf %mul3A_428, %mul3A_400 : vector<16xf32>
        %mul3A_430 = arith.mulf %add3A_367, %mul3A_400 : vector<16xf32>
        %gt3A_431 = arith.constant 0.000000e+00 : f32
        %gt3A_432 = vector.broadcast %gt3A_431 : f32 to vector<16xf32>
        %gt3A_433 = arith.cmpf ogt, %add3A_376, %gt3A_432 : vector<16xf32>
        %jit3A_434 = arith.constant 1.000000e+00 : f32
        %broadcast_in_dim3A_435 = vector.broadcast %jit3A_434 : f32 to vector<16xf32>
        %select_n3A_436 = arith.select %gt3A_433, %mul3A_429, %broadcast_in_dim3A_435 : vector<16xi1>, vector<16xf32>
        %jit3A_437 = arith.constant 0.000000e+00 : f32
        %broadcast_in_dim3A_438 = vector.broadcast %jit3A_437 : f32 to vector<16xf32>
        %select_n3A_439 = arith.select %gt3A_433, %mul3A_430, %broadcast_in_dim3A_438 : vector<16xi1>, vector<16xf32>
        %gather3A_440 = tpu.vector_load_idx %arg26[%add3A_311, %broadcast_in_dim3A_3] : memref<1024x8xf32, #tpu.memory_space<vmem>>[vector<16xi32>, vector<16xi32>], vector<16xf32>,
        %gather3A_441 = tpu.vector_load_idx %arg26[%add3A_311, %broadcast_in_dim3A_5] : memref<1024x8xf32, #tpu.memory_space<vmem>>[vector<16xi32>, vector<16xi32>], vector<16xf32>,
        %gather3A_442 = tpu.vector_load_idx %arg26[%add3A_311, %broadcast_in_dim3A_7] : memref<1024x8xf32, #tpu.memory_space<vmem>>[vector<16xi32>, vector<16xi32>], vector<16xf32>,
        %gather3A_443 = tpu.vector_load_idx %arg26[%add3A_311, %broadcast_in_dim3A_9] : memref<1024x8xf32, #tpu.memory_space<vmem>>[vector<16xi32>, vector<16xi32>], vector<16xf32>,
        %gather3A_444 = tpu.vector_load_idx %arg26[%add3A_311, %broadcast_in_dim3A_11] : memref<1024x8xf32, #tpu.memory_space<vmem>>[vector<16xi32>, vector<16xi32>], vector<16xf32>,
        %mul3A_445 = arith.mulf %gather3A_441, %select_n3A_436 : vector<16xf32>
        %sub3A_446 = arith.subf %gather3A_440, %mul3A_445 : vector<16xf32>
        %mul3A_447 = arith.mulf %gather3A_442, %select_n3A_439 : vector<16xf32>
        %sub3A_448 = arith.subf %sub3A_446, %mul3A_447 : vector<16xf32>
        %mul3A_449 = arith.mulf %select_n3A_436, %select_n3A_436 : vector<16xf32>
        %mul3A_450 = arith.mulf %gather3A_443, %mul3A_449 : vector<16xf32>
        %sub3A_451 = arith.subf %sub3A_448, %mul3A_450 : vector<16xf32>
        %mul3A_452 = arith.mulf %select_n3A_439, %select_n3A_436 : vector<16xf32>
        %mul3A_453 = arith.mulf %gather3A_444, %mul3A_452 : vector<16xf32>
        %sub3A_454 = arith.subf %sub3A_451, %mul3A_453 : vector<16xf32>
        %gt3A_455 = arith.constant 0.000000e+00 : f32
        %gt3A_456 = vector.broadcast %gt3A_455 : f32 to vector<16xf32>
        %gt3A_457 = arith.cmpf ogt, %add3A_372, %gt3A_456 : vector<16xf32>
        %jit3A_458 = arith.constant 0x7FC00000 : f32
        %broadcast_in_dim3A_459 = vector.broadcast %jit3A_458 : f32 to vector<16xf32>
        %select_n3A_460 = arith.select %gt3A_457, %sub3A_454, %broadcast_in_dim3A_459 : vector<16xi1>, vector<16xf32>
        %mul3A_461 = arith.constant 16 : i32
        %mul3A_462 = arith.muli %scan3A_307, %mul3A_461 : i32
        %swap3A = arith.index_cast %mul3A_462 : i32 to index
        %swap3A_463 = tpu.vector_load %arg27[%swap3A] {strides = array<i32>} : memref<1024xf32, #tpu.memory_space<vmem>>, vector<16xf32>,
        tpu.vector_store %arg27[%swap3A], %select_n3A_460 {strides = array<i32>} : memref<1024xf32, #tpu.memory_space<vmem>>, vector<16xf32>,
      }
      %scan3A_282 = arith.constant 32 : i32
      %dma_wait3A_283 = arith.constant 512 : i32
      %dma_wait3A_284 = arith.constant 0 : i32
      %dma_wait3A_285 = tpu.memref_slice %arg26[%dma_wait3A_283, %dma_wait3A_284] : memref<1024x8xf32, #tpu.memory_space<vmem>> -> memref<512x8xf32, #tpu.memory_space<vmem>>
      %dma_wait3A_286 = arith.constant 512 : i32
      %dma_wait3A_287 = tpu.memref_slice %arg25[%dma_wait3A_286] : memref<1024xi32, #tpu.memory_space<vmem>> -> memref<512xi32, #tpu.memory_space<vmem>>
      %dma_wait3A_288 = arith.constant 0 : i32
      %dma_wait3A_289 = arith.constant 0 : i32
      %dma_wait3A_290 = tpu.memref_slice %arg4[%dma_wait3A_288, %dma_wait3A_289] : memref<390656x8xf32, #tpu.memory_space<hbm>> -> memref<390656x8xf32, #tpu.memory_space<hbm>>
      tpu.wait_indirect_dma semaphore(%arg33 : memref<!tpu.dma_semaphore, #tpu.memory_space<semaphore_mem>>) src(%dma_wait3A_290 : memref<390656x8xf32, #tpu.memory_space<hbm>>) dst(%dma_wait3A_285 : memref<512x8xf32, #tpu.memory_space<vmem>>)
      %scan3A_291 = arith.constant 0 : i32
      %scan3A_292 = arith.constant 32 : i32
      %scan3A_293 = arith.constant 32 : i32
      %scan3A_294 = arith.addi %scan3A_292, %scan3A_293 : i32
      %scan3A_295 = arith.constant 1 : i32
      scf.for %scan3A_307 = %scan3A_292 to %scan3A_294 step %scan3A_295  : i32 {
        %iota3A = tpu.iota {dimensions = array<i32: 0>} : vector<16xi32>
        %mul3A_308 = arith.constant 16 : i32
        %mul3A_309 = arith.muli %scan3A_307, %mul3A_308 : i32
        %add3A_310 = vector.broadcast %mul3A_309 : i32 to vector<16xi32>
        %add3A_311 = arith.addi %iota3A, %add3A_310 : vector<16xi32>
        %gather3A = tpu.vector_load_idx %arg21[%add3A_311, %broadcast_in_dim3A_3] : memref<1024x8xf32, #tpu.memory_space<vmem>>[vector<16xi32>, vector<16xi32>], vector<16xf32>,
        %gather3A_312 = tpu.vector_load_idx %arg21[%add3A_311, %broadcast_in_dim3A_5] : memref<1024x8xf32, #tpu.memory_space<vmem>>[vector<16xi32>, vector<16xi32>], vector<16xf32>,
        %gather3A_313 = tpu.vector_load_idx %arg21[%add3A_311, %broadcast_in_dim3A_7] : memref<1024x8xf32, #tpu.memory_space<vmem>>[vector<16xi32>, vector<16xi32>], vector<16xf32>,
        %gather3A_314 = tpu.vector_load_idx %arg22[%add3A_311, %broadcast_in_dim3A_3] : memref<1024x8xf32, #tpu.memory_space<vmem>>[vector<16xi32>, vector<16xi32>], vector<16xf32>,
        %gather3A_315 = tpu.vector_load_idx %arg22[%add3A_311, %broadcast_in_dim3A_5] : memref<1024x8xf32, #tpu.memory_space<vmem>>[vector<16xi32>, vector<16xi32>], vector<16xf32>,
        %gather3A_316 = tpu.vector_load_idx %arg22[%add3A_311, %broadcast_in_dim3A_7] : memref<1024x8xf32, #tpu.memory_space<vmem>>[vector<16xi32>, vector<16xi32>], vector<16xf32>,
        %gather3A_317 = tpu.vector_load_idx %arg23[%add3A_311, %broadcast_in_dim3A_3] : memref<1024x8xf32, #tpu.memory_space<vmem>>[vector<16xi32>, vector<16xi32>], vector<16xf32>,
        %gather3A_318 = tpu.vector_load_idx %arg23[%add3A_311, %broadcast_in_dim3A_5] : memref<1024x8xf32, #tpu.memory_space<vmem>>[vector<16xi32>, vector<16xi32>], vector<16xf32>,
        %gather3A_319 = tpu.vector_load_idx %arg23[%add3A_311, %broadcast_in_dim3A_7] : memref<1024x8xf32, #tpu.memory_space<vmem>>[vector<16xi32>, vector<16xi32>], vector<16xf32>,
        %gather3A_320 = tpu.vector_load_idx %arg24[%add3A_311, %broadcast_in_dim3A_3] : memref<1024x8xf32, #tpu.memory_space<vmem>>[vector<16xi32>, vector<16xi32>], vector<16xf32>,
        %gather3A_321 = tpu.vector_load_idx %arg24[%add3A_311, %broadcast_in_dim3A_5] : memref<1024x8xf32, #tpu.memory_space<vmem>>[vector<16xi32>, vector<16xi32>], vector<16xf32>,
        %gather3A_322 = tpu.vector_load_idx %arg24[%add3A_311, %broadcast_in_dim3A_7] : memref<1024x8xf32, #tpu.memory_space<vmem>>[vector<16xi32>, vector<16xi32>], vector<16xf32>,
        %sub3A = arith.subf %gather3A_314, %gather3A : vector<16xf32>
        %sub3A_323 = arith.subf %gather3A_315, %gather3A_312 : vector<16xf32>
        %sub3A_324 = arith.subf %gather3A_316, %gather3A_313 : vector<16xf32>
        %sub3A_325 = arith.subf %gather3A_317, %gather3A_314 : vector<16xf32>
        %sub3A_326 = arith.subf %gather3A_318, %gather3A_315 : vector<16xf32>
        %sub3A_327 = arith.subf %gather3A_319, %gather3A_316 : vector<16xf32>
        %sub3A_328 = arith.subf %gather3A_320, %gather3A_317 : vector<16xf32>
        %sub3A_329 = arith.subf %gather3A_321, %gather3A_318 : vector<16xf32>
        %sub3A_330 = arith.subf %gather3A_322, %gather3A_319 : vector<16xf32>
        %mul3A_331 = arith.mulf %sub3A_323, %sub3A_327 : vector<16xf32>
        %mul3A_332 = arith.mulf %sub3A_324, %sub3A_326 : vector<16xf32>
        %sub3A_333 = arith.subf %mul3A_331, %mul3A_332 : vector<16xf32>
        %mul3A_334 = arith.mulf %sub3A_324, %sub3A_325 : vector<16xf32>
        %mul3A_335 = arith.mulf %sub3A, %sub3A_327 : vector<16xf32>
        %sub3A_336 = arith.subf %mul3A_334, %mul3A_335 : vector<16xf32>
        %mul3A_337 = arith.mulf %sub3A, %sub3A_326 : vector<16xf32>
        %mul3A_338 = arith.mulf %sub3A_323, %sub3A_325 : vector<16xf32>
        %sub3A_339 = arith.subf %mul3A_337, %mul3A_338 : vector<16xf32>
        %mul3A_340 = arith.mulf %sub3A_326, %sub3A_330 : vector<16xf32>
        %mul3A_341 = arith.mulf %sub3A_327, %sub3A_329 : vector<16xf32>
        %sub3A_342 = arith.subf %mul3A_340, %mul3A_341 : vector<16xf32>
        %mul3A_343 = arith.mulf %sub3A_327, %sub3A_328 : vector<16xf32>
        %mul3A_344 = arith.mulf %sub3A_325, %sub3A_330 : vector<16xf32>
        %sub3A_345 = arith.subf %mul3A_343, %mul3A_344 : vector<16xf32>
        %mul3A_346 = arith.mulf %sub3A_325, %sub3A_329 : vector<16xf32>
        %mul3A_347 = arith.mulf %sub3A_326, %sub3A_328 : vector<16xf32>
        %sub3A_348 = arith.subf %mul3A_346, %mul3A_347 : vector<16xf32>
        %mul3A_349 = arith.mulf %sub3A_336, %sub3A_327 : vector<16xf32>
        %mul3A_350 = arith.mulf %sub3A_339, %sub3A_326 : vector<16xf32>
        %sub3A_351 = arith.subf %mul3A_349, %mul3A_350 : vector<16xf32>
        %mul3A_352 = arith.mulf %sub3A_339, %sub3A_325 : vector<16xf32>
        %mul3A_353 = arith.mulf %sub3A_333, %sub3A_327 : vector<16xf32>
        %sub3A_354 = arith.subf %mul3A_352, %mul3A_353 : vector<16xf32>
        %mul3A_355 = arith.mulf %sub3A_333, %sub3A_326 : vector<16xf32>
        %mul3A_356 = arith.mulf %sub3A_336, %sub3A_325 : vector<16xf32>
        %sub3A_357 = arith.subf %mul3A_355, %mul3A_356 : vector<16xf32>
        %mul3A_358 = arith.mulf %sub3A_333, %sub3A_342 : vector<16xf32>
        %mul3A_359 = arith.mulf %sub3A_336, %sub3A_345 : vector<16xf32>
        %add3A_360 = arith.addf %mul3A_358, %mul3A_359 : vector<16xf32>
        %mul3A_361 = arith.mulf %sub3A_339, %sub3A_348 : vector<16xf32>
        %add3A_362 = arith.addf %add3A_360, %mul3A_361 : vector<16xf32>
        %mul3A_363 = arith.mulf %sub3A_351, %sub3A_342 : vector<16xf32>
        %mul3A_364 = arith.mulf %sub3A_354, %sub3A_345 : vector<16xf32>
        %add3A_365 = arith.addf %mul3A_363, %mul3A_364 : vector<16xf32>
        %mul3A_366 = arith.mulf %sub3A_357, %sub3A_348 : vector<16xf32>
        %add3A_367 = arith.addf %add3A_365, %mul3A_366 : vector<16xf32>
        %mul3A_368 = arith.mulf %sub3A_325, %sub3A_325 : vector<16xf32>
        %mul3A_369 = arith.mulf %sub3A_326, %sub3A_326 : vector<16xf32>
        %add3A_370 = arith.addf %mul3A_368, %mul3A_369 : vector<16xf32>
        %mul3A_371 = arith.mulf %sub3A_327, %sub3A_327 : vector<16xf32>
        %add3A_372 = arith.addf %add3A_370, %mul3A_371 : vector<16xf32>
        %mul3A_373 = arith.mulf %add3A_362, %add3A_362 : vector<16xf32>
        %mul3A_374 = arith.mulf %mul3A_373, %add3A_372 : vector<16xf32>
        %mul3A_375 = arith.mulf %add3A_367, %add3A_367 : vector<16xf32>
        %add3A_376 = arith.addf %mul3A_374, %mul3A_375 : vector<16xf32>
        %bitcast3A = vector.bitcast %add3A_376 : vector<16xf32> to vector<16xi32>
        %shift_right_logical3A = arith.constant 1 : i32
        %shift_right_logical3A_377 = vector.broadcast %shift_right_logical3A : i32 to vector<16xi32>
        %shift_right_logical3A_378 = arith.shrui %bitcast3A, %shift_right_logical3A_377 : vector<16xi32>
        %sub3A_379 = arith.constant 1597463007 : i32
        %sub3A_380 = vector.broadcast %sub3A_379 : i32 to vector<16xi32>
        %sub3A_381 = arith.subi %sub3A_380, %shift_right_logical3A_378 : vector<16xi32>
        %bitcast3A_382 = vector.bitcast %sub3A_381 : vector<16xi32> to vector<16xf32>
        %mul3A_383 = arith.constant 5.000000e-01 : f32
        %mul3A_384 = vector.broadcast %mul3A_383 : f32 to vector<16xf32>
        %mul3A_385 = arith.mulf %mul3A_384, %add3A_376 : vector<16xf32>
        %mul3A_386 = arith.mulf %mul3A_385, %bitcast3A_382 : vector<16xf32>
        %mul3A_387 = arith.mulf %mul3A_386, %bitcast3A_382 : vector<16xf32>
        %sub3A_388 = arith.constant 1.500000e+00 : f32
        %sub3A_389 = vector.broadcast %sub3A_388 : f32 to vector<16xf32>
        %sub3A_390 = arith.subf %sub3A_389, %mul3A_387 : vector<16xf32>
        %mul3A_391 = arith.mulf %bitcast3A_382, %sub3A_390 : vector<16xf32>
        %mul3A_392 = arith.constant 5.000000e-01 : f32
        %mul3A_393 = vector.broadcast %mul3A_392 : f32 to vector<16xf32>
        %mul3A_394 = arith.mulf %mul3A_393, %add3A_376 : vector<16xf32>
        %mul3A_395 = arith.mulf %mul3A_394, %mul3A_391 : vector<16xf32>
        %mul3A_396 = arith.mulf %mul3A_395, %mul3A_391 : vector<16xf32>
        %sub3A_397 = arith.constant 1.500000e+00 : f32
        %sub3A_398 = vector.broadcast %sub3A_397 : f32 to vector<16xf32>
        %sub3A_399 = arith.subf %sub3A_398, %mul3A_396 : vector<16xf32>
        %mul3A_400 = arith.mulf %mul3A_391, %sub3A_399 : vector<16xf32>
        %bitcast3A_401 = vector.bitcast %add3A_372 : vector<16xf32> to vector<16xi32>
        %shift_right_logical3A_402 = arith.constant 1 : i32
        %shift_right_logical3A_403 = vector.broadcast %shift_right_logical3A_402 : i32 to vector<16xi32>
        %shift_right_logical3A_404 = arith.shrui %bitcast3A_401, %shift_right_logical3A_403 : vector<16xi32>
        %sub3A_405 = arith.constant 1597463007 : i32
        %sub3A_406 = vector.broadcast %sub3A_405 : i32 to vector<16xi32>
        %sub3A_407 = arith.subi %sub3A_406, %shift_right_logical3A_404 : vector<16xi32>
        %bitcast3A_408 = vector.bitcast %sub3A_407 : vector<16xi32> to vector<16xf32>
        %mul3A_409 = arith.constant 5.000000e-01 : f32
        %mul3A_410 = vector.broadcast %mul3A_409 : f32 to vector<16xf32>
        %mul3A_411 = arith.mulf %mul3A_410, %add3A_372 : vector<16xf32>
        %mul3A_412 = arith.mulf %mul3A_411, %bitcast3A_408 : vector<16xf32>
        %mul3A_413 = arith.mulf %mul3A_412, %bitcast3A_408 : vector<16xf32>
        %sub3A_414 = arith.constant 1.500000e+00 : f32
        %sub3A_415 = vector.broadcast %sub3A_414 : f32 to vector<16xf32>
        %sub3A_416 = arith.subf %sub3A_415, %mul3A_413 : vector<16xf32>
        %mul3A_417 = arith.mulf %bitcast3A_408, %sub3A_416 : vector<16xf32>
        %mul3A_418 = arith.constant 5.000000e-01 : f32
        %mul3A_419 = vector.broadcast %mul3A_418 : f32 to vector<16xf32>
        %mul3A_420 = arith.mulf %mul3A_419, %add3A_372 : vector<16xf32>
        %mul3A_421 = arith.mulf %mul3A_420, %mul3A_417 : vector<16xf32>
        %mul3A_422 = arith.mulf %mul3A_421, %mul3A_417 : vector<16xf32>
        %sub3A_423 = arith.constant 1.500000e+00 : f32
        %sub3A_424 = vector.broadcast %sub3A_423 : f32 to vector<16xf32>
        %sub3A_425 = arith.subf %sub3A_424, %mul3A_422 : vector<16xf32>
        %mul3A_426 = arith.mulf %mul3A_417, %sub3A_425 : vector<16xf32>
        %mul3A_427 = arith.mulf %add3A_372, %mul3A_426 : vector<16xf32>
        %mul3A_428 = arith.mulf %add3A_362, %mul3A_427 : vector<16xf32>
        %mul3A_429 = arith.mulf %mul3A_428, %mul3A_400 : vector<16xf32>
        %mul3A_430 = arith.mulf %add3A_367, %mul3A_400 : vector<16xf32>
        %gt3A_431 = arith.constant 0.000000e+00 : f32
        %gt3A_432 = vector.broadcast %gt3A_431 : f32 to vector<16xf32>
        %gt3A_433 = arith.cmpf ogt, %add3A_376, %gt3A_432 : vector<16xf32>
        %jit3A_434 = arith.constant 1.000000e+00 : f32
        %broadcast_in_dim3A_435 = vector.broadcast %jit3A_434 : f32 to vector<16xf32>
        %select_n3A_436 = arith.select %gt3A_433, %mul3A_429, %broadcast_in_dim3A_435 : vector<16xi1>, vector<16xf32>
        %jit3A_437 = arith.constant 0.000000e+00 : f32
        %broadcast_in_dim3A_438 = vector.broadcast %jit3A_437 : f32 to vector<16xf32>
        %select_n3A_439 = arith.select %gt3A_433, %mul3A_430, %broadcast_in_dim3A_438 : vector<16xi1>, vector<16xf32>
        %gather3A_440 = tpu.vector_load_idx %arg26[%add3A_311, %broadcast_in_dim3A_3] : memref<1024x8xf32, #tpu.memory_space<vmem>>[vector<16xi32>, vector<16xi32>], vector<16xf32>,
        %gather3A_441 = tpu.vector_load_idx %arg26[%add3A_311, %broadcast_in_dim3A_5] : memref<1024x8xf32, #tpu.memory_space<vmem>>[vector<16xi32>, vector<16xi32>], vector<16xf32>,
        %gather3A_442 = tpu.vector_load_idx %arg26[%add3A_311, %broadcast_in_dim3A_7] : memref<1024x8xf32, #tpu.memory_space<vmem>>[vector<16xi32>, vector<16xi32>], vector<16xf32>,
        %gather3A_443 = tpu.vector_load_idx %arg26[%add3A_311, %broadcast_in_dim3A_9] : memref<1024x8xf32, #tpu.memory_space<vmem>>[vector<16xi32>, vector<16xi32>], vector<16xf32>,
        %gather3A_444 = tpu.vector_load_idx %arg26[%add3A_311, %broadcast_in_dim3A_11] : memref<1024x8xf32, #tpu.memory_space<vmem>>[vector<16xi32>, vector<16xi32>], vector<16xf32>,
        %mul3A_445 = arith.mulf %gather3A_441, %select_n3A_436 : vector<16xf32>
        %sub3A_446 = arith.subf %gather3A_440, %mul3A_445 : vector<16xf32>
        %mul3A_447 = arith.mulf %gather3A_442, %select_n3A_439 : vector<16xf32>
        %sub3A_448 = arith.subf %sub3A_446, %mul3A_447 : vector<16xf32>
        %mul3A_449 = arith.mulf %select_n3A_436, %select_n3A_436 : vector<16xf32>
        %mul3A_450 = arith.mulf %gather3A_443, %mul3A_449 : vector<16xf32>
        %sub3A_451 = arith.subf %sub3A_448, %mul3A_450 : vector<16xf32>
        %mul3A_452 = arith.mulf %select_n3A_439, %select_n3A_436 : vector<16xf32>
        %mul3A_453 = arith.mulf %gather3A_444, %mul3A_452 : vector<16xf32>
        %sub3A_454 = arith.subf %sub3A_451, %mul3A_453 : vector<16xf32>
        %gt3A_455 = arith.constant 0.000000e+00 : f32
        %gt3A_456 = vector.broadcast %gt3A_455 : f32 to vector<16xf32>
        %gt3A_457 = arith.cmpf ogt, %add3A_372, %gt3A_456 : vector<16xf32>
        %jit3A_458 = arith.constant 0x7FC00000 : f32
        %broadcast_in_dim3A_459 = vector.broadcast %jit3A_458 : f32 to vector<16xf32>
        %select_n3A_460 = arith.select %gt3A_457, %sub3A_454, %broadcast_in_dim3A_459 : vector<16xi1>, vector<16xf32>
        %mul3A_461 = arith.constant 16 : i32
        %mul3A_462 = arith.muli %scan3A_307, %mul3A_461 : i32
        %swap3A = arith.index_cast %mul3A_462 : i32 to index
        %swap3A_463 = tpu.vector_load %arg27[%swap3A] {strides = array<i32>} : memref<1024xf32, #tpu.memory_space<vmem>>, vector<16xf32>,
        tpu.vector_store %arg27[%swap3A], %select_n3A_460 {strides = array<i32>} : memref<1024xf32, #tpu.memory_space<vmem>>, vector<16xf32>,
      }
      %scan3A_296 = arith.constant 32 : i32
      %mul3A_297 = arith.constant 1024 : i32
      %mul3A_298 = arith.muli %add3A_100, %mul3A_297 : i32
      %dma_start3A_299 = tpu.memref_slice %arg5[%mul3A_298] : memref<3200000xf32, #tpu.memory_space<hbm>> -> memref<1024xf32, #tpu.memory_space<hbm>>
      %dma_start3A_300 = tpu.memref_slice %arg5[%mul3A_298] : memref<3200000xf32, #tpu.memory_space<hbm>> -> memref<1024xf32, #tpu.memory_space<hbm>>
      tpu.enqueue_dma source(%arg27 : memref<1024xf32, #tpu.memory_space<vmem>>) target(%dma_start3A_300 : memref<1024xf32, #tpu.memory_space<hbm>>) target_semaphore(%arg35 : memref<!tpu.dma_semaphore, #tpu.memory_space<semaphore_mem>>)
      %add3A_301 = arith.constant 1 : i32
      %add3A_302 = arith.addi %while3A_91, %add3A_301 : i32
      %lt3A_303 = arith.cmpi slt, %add3A_302, %select_n3A : i32
      %convert_element_type3A_304 = arith.extui %lt3A_303 : i1 to i32
      %cond3A_305 = arith.constant 0 : i32
      %cond3A_306 = arith.cmpi ne, %convert_element_type3A_304, %cond3A_305 : i32
      scf.if %cond3A_306 {
        %mul3A_307 = arith.constant 2 : i32
        %mul3A_308 = arith.muli %mul3A_307, %add3A_102 : i32
        %add3A_309 = arith.constant 1 : i32
        %add3A_310 = arith.addi %mul3A_308, %add3A_309 : i32
        %mul3A_311 = arith.constant 1024 : i32
        %mul3A_312 = arith.muli %add3A_310, %mul3A_311 : i32
        %add3A_313 = arith.constant 0 : i32
        %add3A_314 = arith.addi %add3A_313, %mul3A_312 : i32
        %dma_start3A_315 = tpu.memref_slice %arg2[%add3A_314] : memref<12800000xi32, #tpu.memory_space<hbm>> -> memref<1024xi32, #tpu.memory_space<hbm>>
        %dma_start3A_316 = tpu.memref_slice %arg2[%add3A_314] : memref<12800000xi32, #tpu.memory_space<hbm>> -> memref<1024xi32, #tpu.memory_space<hbm>>
        tpu.enqueue_dma source(%dma_start3A_316 : memref<1024xi32, #tpu.memory_space<hbm>>) target(%arg17 : memref<1024xi32, #tpu.memory_space<vmem>>) target_semaphore(%arg29 : memref<!tpu.dma_semaphore, #tpu.memory_space<semaphore_mem>>)
        %add3A_317 = arith.constant 3200000 : i32
        %add3A_318 = arith.addi %add3A_317, %mul3A_312 : i32
        %dma_start3A_319 = tpu.memref_slice %arg2[%add3A_318] : memref<12800000xi32, #tpu.memory_space<hbm>> -> memref<1024xi32, #tpu.memory_space<hbm>>
        %dma_start3A_320 = tpu.memref_slice %arg2[%add3A_318] : memref<12800000xi32, #tpu.memory_space<hbm>> -> memref<1024xi32, #tpu.memory_space<hbm>>
        tpu.enqueue_dma source(%dma_start3A_320 : memref<1024xi32, #tpu.memory_space<hbm>>) target(%arg18 : memref<1024xi32, #tpu.memory_space<vmem>>) target_semaphore(%arg29 : memref<!tpu.dma_semaphore, #tpu.memory_space<semaphore_mem>>)
        %add3A_321 = arith.constant 6400000 : i32
        %add3A_322 = arith.addi %add3A_321, %mul3A_312 : i32
        %dma_start3A_323 = tpu.memref_slice %arg2[%add3A_322] : memref<12800000xi32, #tpu.memory_space<hbm>> -> memref<1024xi32, #tpu.memory_space<hbm>>
        %dma_start3A_324 = tpu.memref_slice %arg2[%add3A_322] : memref<12800000xi32, #tpu.memory_space<hbm>> -> memref<1024xi32, #tpu.memory_space<hbm>>
        tpu.enqueue_dma source(%dma_start3A_324 : memref<1024xi32, #tpu.memory_space<hbm>>) target(%arg19 : memref<1024xi32, #tpu.memory_space<vmem>>) target_semaphore(%arg29 : memref<!tpu.dma_semaphore, #tpu.memory_space<semaphore_mem>>)
        %add3A_325 = arith.constant 9600000 : i32
        %add3A_326 = arith.addi %add3A_325, %mul3A_312 : i32
        %dma_start3A_327 = tpu.memref_slice %arg2[%add3A_326] : memref<12800000xi32, #tpu.memory_space<hbm>> -> memref<1024xi32, #tpu.memory_space<hbm>>
        %dma_start3A_328 = tpu.memref_slice %arg2[%add3A_326] : memref<12800000xi32, #tpu.memory_space<hbm>> -> memref<1024xi32, #tpu.memory_space<hbm>>
        tpu.enqueue_dma source(%dma_start3A_328 : memref<1024xi32, #tpu.memory_space<hbm>>) target(%arg20 : memref<1024xi32, #tpu.memory_space<vmem>>) target_semaphore(%arg29 : memref<!tpu.dma_semaphore, #tpu.memory_space<semaphore_mem>>)
      } else {
      }
    }
    %while3A_80 = arith.constant 1 : i32
    scf.for %while3A_91 = %while3A_78 to %while3A_74 step %while3A_80  : i32 {
      %mul3A_92 = arith.constant 32 : i32
      %mul3A_93 = arith.muli %while3A_91, %mul3A_92 : i32
      %add3A_94 = arith.addi %add3A, %mul3A_93 : i32
      %mul3A_95 = arith.constant 2 : i32
      %mul3A_96 = arith.muli %mul3A_95, %add3A_94 : i32
      %mul3A_97 = arith.constant 2 : i32
      %mul3A_98 = arith.muli %mul3A_97, %add3A_94 : i32
      %add3A_99 = arith.constant 1 : i32
      %add3A_100 = arith.addi %mul3A_98, %add3A_99 : i32
      %add3A_101 = arith.constant 32 : i32
      %add3A_102 = arith.addi %add3A_94, %add3A_101 : i32
      %dma_wait3A_103 = arith.constant 0 : i32
      %dma_wait3A_104 = arith.constant 0 : i32
      %dma_wait3A_105 = tpu.memref_slice %arg3[%dma_wait3A_103, %dma_wait3A_104] : memref<100000x8xf32, #tpu.memory_space<hbm>> -> memref<1024x8xf32, #tpu.memory_space<hbm>>
      %dma_wait3A_106 = arith.constant 0 : i32
      %dma_wait3A_107 = arith.constant 0 : i32
      %dma_wait3A_108 = tpu.memref_slice %arg3[%dma_wait3A_106, %dma_wait3A_107] : memref<100000x8xf32, #tpu.memory_space<hbm>> -> memref<1024x8xf32, #tpu.memory_space<hbm>>
      tpu.wait_dma2 semaphore(%arg30 : memref<!tpu.dma_semaphore, #tpu.memory_space<semaphore_mem>>) src(%dma_wait3A_108 : memref<1024x8xf32, #tpu.memory_space<hbm>>) dst(%arg10 : memref<1024x8xf32, #tpu.memory_space<vmem>>)
      %dma_wait3A_109 = arith.constant 0 : i32
      %dma_wait3A_110 = arith.constant 0 : i32
      %dma_wait3A_111 = tpu.memref_slice %arg3[%dma_wait3A_109, %dma_wait3A_110] : memref<100000x8xf32, #tpu.memory_space<hbm>> -> memref<1024x8xf32, #tpu.memory_space<hbm>>
      %dma_wait3A_112 = arith.constant 0 : i32
      %dma_wait3A_113 = arith.constant 0 : i32
      %dma_wait3A_114 = tpu.memref_slice %arg3[%dma_wait3A_112, %dma_wait3A_113] : memref<100000x8xf32, #tpu.memory_space<hbm>> -> memref<1024x8xf32, #tpu.memory_space<hbm>>
      tpu.wait_dma2 semaphore(%arg30 : memref<!tpu.dma_semaphore, #tpu.memory_space<semaphore_mem>>) src(%dma_wait3A_114 : memref<1024x8xf32, #tpu.memory_space<hbm>>) dst(%arg11 : memref<1024x8xf32, #tpu.memory_space<vmem>>)
      %dma_wait3A_115 = arith.constant 0 : i32
      %dma_wait3A_116 = arith.constant 0 : i32
      %dma_wait3A_117 = tpu.memref_slice %arg3[%dma_wait3A_115, %dma_wait3A_116] : memref<100000x8xf32, #tpu.memory_space<hbm>> -> memref<1024x8xf32, #tpu.memory_space<hbm>>
      %dma_wait3A_118 = arith.constant 0 : i32
      %dma_wait3A_119 = arith.constant 0 : i32
      %dma_wait3A_120 = tpu.memref_slice %arg3[%dma_wait3A_118, %dma_wait3A_119] : memref<100000x8xf32, #tpu.memory_space<hbm>> -> memref<1024x8xf32, #tpu.memory_space<hbm>>
      tpu.wait_dma2 semaphore(%arg30 : memref<!tpu.dma_semaphore, #tpu.memory_space<semaphore_mem>>) src(%dma_wait3A_120 : memref<1024x8xf32, #tpu.memory_space<hbm>>) dst(%arg12 : memref<1024x8xf32, #tpu.memory_space<vmem>>)
      %dma_wait3A_121 = arith.constant 0 : i32
      %dma_wait3A_122 = arith.constant 0 : i32
      %dma_wait3A_123 = tpu.memref_slice %arg3[%dma_wait3A_121, %dma_wait3A_122] : memref<100000x8xf32, #tpu.memory_space<hbm>> -> memref<1024x8xf32, #tpu.memory_space<hbm>>
      %dma_wait3A_124 = arith.constant 0 : i32
      %dma_wait3A_125 = arith.constant 0 : i32
      %dma_wait3A_126 = tpu.memref_slice %arg3[%dma_wait3A_124, %dma_wait3A_125] : memref<100000x8xf32, #tpu.memory_space<hbm>> -> memref<1024x8xf32, #tpu.memory_space<hbm>>
      tpu.wait_dma2 semaphore(%arg30 : memref<!tpu.dma_semaphore, #tpu.memory_space<semaphore_mem>>) src(%dma_wait3A_126 : memref<1024x8xf32, #tpu.memory_space<hbm>>) dst(%arg13 : memref<1024x8xf32, #tpu.memory_space<vmem>>)
      %dma_wait3A_127 = arith.constant 0 : i32
      %dma_wait3A_128 = tpu.memref_slice %arg2[%dma_wait3A_127] : memref<12800000xi32, #tpu.memory_space<hbm>> -> memref<1024xi32, #tpu.memory_space<hbm>>
      %dma_wait3A_129 = arith.constant 0 : i32
      %dma_wait3A_130 = tpu.memref_slice %arg2[%dma_wait3A_129] : memref<12800000xi32, #tpu.memory_space<hbm>> -> memref<1024xi32, #tpu.memory_space<hbm>>
      tpu.wait_dma2 semaphore(%arg29 : memref<!tpu.dma_semaphore, #tpu.memory_space<semaphore_mem>>) src(%dma_wait3A_130 : memref<1024xi32, #tpu.memory_space<hbm>>) dst(%arg17 : memref<1024xi32, #tpu.memory_space<vmem>>)
      %dma_wait3A_131 = arith.constant 0 : i32
      %dma_wait3A_132 = tpu.memref_slice %arg2[%dma_wait3A_131] : memref<12800000xi32, #tpu.memory_space<hbm>> -> memref<1024xi32, #tpu.memory_space<hbm>>
      %dma_wait3A_133 = arith.constant 0 : i32
      %dma_wait3A_134 = tpu.memref_slice %arg2[%dma_wait3A_133] : memref<12800000xi32, #tpu.memory_space<hbm>> -> memref<1024xi32, #tpu.memory_space<hbm>>
      tpu.wait_dma2 semaphore(%arg29 : memref<!tpu.dma_semaphore, #tpu.memory_space<semaphore_mem>>) src(%dma_wait3A_134 : memref<1024xi32, #tpu.memory_space<hbm>>) dst(%arg18 : memref<1024xi32, #tpu.memory_space<vmem>>)
      %dma_wait3A_135 = arith.constant 0 : i32
      %dma_wait3A_136 = tpu.memref_slice %arg2[%dma_wait3A_135] : memref<12800000xi32, #tpu.memory_space<hbm>> -> memref<1024xi32, #tpu.memory_space<hbm>>
      %dma_wait3A_137 = arith.constant 0 : i32
      %dma_wait3A_138 = tpu.memref_slice %arg2[%dma_wait3A_137] : memref<12800000xi32, #tpu.memory_space<hbm>> -> memref<1024xi32, #tpu.memory_space<hbm>>
      tpu.wait_dma2 semaphore(%arg29 : memref<!tpu.dma_semaphore, #tpu.memory_space<semaphore_mem>>) src(%dma_wait3A_138 : memref<1024xi32, #tpu.memory_space<hbm>>) dst(%arg19 : memref<1024xi32, #tpu.memory_space<vmem>>)
      %dma_wait3A_139 = arith.constant 0 : i32
      %dma_wait3A_140 = tpu.memref_slice %arg2[%dma_wait3A_139] : memref<12800000xi32, #tpu.memory_space<hbm>> -> memref<1024xi32, #tpu.memory_space<hbm>>
      %dma_wait3A_141 = arith.constant 0 : i32
      %dma_wait3A_142 = tpu.memref_slice %arg2[%dma_wait3A_141] : memref<12800000xi32, #tpu.memory_space<hbm>> -> memref<1024xi32, #tpu.memory_space<hbm>>
      tpu.wait_dma2 semaphore(%arg29 : memref<!tpu.dma_semaphore, #tpu.memory_space<semaphore_mem>>) src(%dma_wait3A_142 : memref<1024xi32, #tpu.memory_space<hbm>>) dst(%arg20 : memref<1024xi32, #tpu.memory_space<vmem>>)
      %dma_start3A_143 = arith.constant 0 : i32
      %dma_start3A_144 = arith.constant 0 : i32
      %dma_start3A_145 = tpu.memref_slice %arg3[%dma_start3A_143, %dma_start3A_144] : memref<100000x8xf32, #tpu.memory_space<hbm>> -> memref<100000x8xf32, #tpu.memory_space<hbm>>
      tpu.enqueue_indirect_dma source(%dma_start3A_145 : memref<100000x8xf32, #tpu.memory_space<hbm>>) target(%arg21 : memref<1024x8xf32, #tpu.memory_space<vmem>>) offsets(%arg17 : memref<1024xi32, #tpu.memory_space<vmem>>) semaphore(%arg31 : memref<!tpu.dma_semaphore, #tpu.memory_space<semaphore_mem>>)
      %dma_start3A_146 = arith.constant 0 : i32
      %dma_start3A_147 = arith.constant 0 : i32
      %dma_start3A_148 = tpu.memref_slice %arg3[%dma_start3A_146, %dma_start3A_147] : memref<100000x8xf32, #tpu.memory_space<hbm>> -> memref<100000x8xf32, #tpu.memory_space<hbm>>
      tpu.enqueue_indirect_dma source(%dma_start3A_148 : memref<100000x8xf32, #tpu.memory_space<hbm>>) target(%arg22 : memref<1024x8xf32, #tpu.memory_space<vmem>>) offsets(%arg18 : memref<1024xi32, #tpu.memory_space<vmem>>) semaphore(%arg31 : memref<!tpu.dma_semaphore, #tpu.memory_space<semaphore_mem>>)
      %dma_start3A_149 = arith.constant 0 : i32
      %dma_start3A_150 = arith.constant 0 : i32
      %dma_start3A_151 = tpu.memref_slice %arg3[%dma_start3A_149, %dma_start3A_150] : memref<100000x8xf32, #tpu.memory_space<hbm>> -> memref<100000x8xf32, #tpu.memory_space<hbm>>
      tpu.enqueue_indirect_dma source(%dma_start3A_151 : memref<100000x8xf32, #tpu.memory_space<hbm>>) target(%arg23 : memref<1024x8xf32, #tpu.memory_space<vmem>>) offsets(%arg19 : memref<1024xi32, #tpu.memory_space<vmem>>) semaphore(%arg31 : memref<!tpu.dma_semaphore, #tpu.memory_space<semaphore_mem>>)
      %dma_start3A_152 = arith.constant 0 : i32
      %dma_start3A_153 = arith.constant 0 : i32
      %dma_start3A_154 = tpu.memref_slice %arg3[%dma_start3A_152, %dma_start3A_153] : memref<100000x8xf32, #tpu.memory_space<hbm>> -> memref<100000x8xf32, #tpu.memory_space<hbm>>
      tpu.enqueue_indirect_dma source(%dma_start3A_154 : memref<100000x8xf32, #tpu.memory_space<hbm>>) target(%arg24 : memref<1024x8xf32, #tpu.memory_space<vmem>>) offsets(%arg20 : memref<1024xi32, #tpu.memory_space<vmem>>) semaphore(%arg31 : memref<!tpu.dma_semaphore, #tpu.memory_space<semaphore_mem>>)
      %scan3A = arith.constant 0 : i32
      %scan3A_155 = arith.constant 0 : i32
      %scan3A_156 = arith.constant 32 : i32
      %scan3A_157 = arith.addi %scan3A_155, %scan3A_156 : i32
      %scan3A_158 = arith.constant 1 : i32
      scf.for %scan3A_307 = %scan3A_155 to %scan3A_157 step %scan3A_158  : i32 {
        %iota3A = tpu.iota {dimensions = array<i32: 0>} : vector<16xi32>
        %mul3A_308 = arith.constant 16 : i32
        %mul3A_309 = arith.muli %scan3A_307, %mul3A_308 : i32
        %add3A_310 = vector.broadcast %mul3A_309 : i32 to vector<16xi32>
        %add3A_311 = arith.addi %iota3A, %add3A_310 : vector<16xi32>
        %gather3A = tpu.vector_load_idx %arg10[%add3A_311, %broadcast_in_dim3A_9] : memref<1024x8xf32, #tpu.memory_space<vmem>>[vector<16xi32>, vector<16xi32>], vector<16xf32>,
        %convert_element_type3A_312 = arith.fptosi %gather3A : vector<16xf32> to vector<16xi32>
        %gather3A_313 = tpu.vector_load_idx %arg11[%add3A_311, %broadcast_in_dim3A_9] : memref<1024x8xf32, #tpu.memory_space<vmem>>[vector<16xi32>, vector<16xi32>], vector<16xf32>,
        %convert_element_type3A_314 = arith.fptosi %gather3A_313 : vector<16xf32> to vector<16xi32>
        %gather3A_315 = tpu.vector_load_idx %arg12[%add3A_311, %broadcast_in_dim3A_9] : memref<1024x8xf32, #tpu.memory_space<vmem>>[vector<16xi32>, vector<16xi32>], vector<16xf32>,
        %convert_element_type3A_316 = arith.fptosi %gather3A_315 : vector<16xf32> to vector<16xi32>
        %gather3A_317 = tpu.vector_load_idx %arg13[%add3A_311, %broadcast_in_dim3A_9] : memref<1024x8xf32, #tpu.memory_space<vmem>>[vector<16xi32>, vector<16xi32>], vector<16xf32>,
        %convert_element_type3A_318 = arith.fptosi %gather3A_317 : vector<16xf32> to vector<16xi32>
        %mul3A_319 = arith.constant 25 : i32
        %mul3A_320 = vector.broadcast %mul3A_319 : i32 to vector<16xi32>
        %mul3A_321 = arith.muli %convert_element_type3A_312, %mul3A_320 : vector<16xi32>
        %add3A_322 = arith.addi %mul3A_321, %convert_element_type3A_314 : vector<16xi32>
        %mul3A_323 = arith.constant 25 : i32
        %mul3A_324 = vector.broadcast %mul3A_323 : i32 to vector<16xi32>
        %mul3A_325 = arith.muli %add3A_322, %mul3A_324 : vector<16xi32>
        %add3A_326 = arith.addi %mul3A_325, %convert_element_type3A_316 : vector<16xi32>
        %mul3A_327 = arith.constant 25 : i32
        %mul3A_328 = vector.broadcast %mul3A_327 : i32 to vector<16xi32>
        %mul3A_329 = arith.muli %add3A_326, %mul3A_328 : vector<16xi32>
        %add3A_330 = arith.addi %mul3A_329, %convert_element_type3A_318 : vector<16xi32>
        %mul3A_331 = arith.constant 16 : i32
        %mul3A_332 = arith.muli %scan3A_307, %mul3A_331 : i32
        %swap3A = arith.index_cast %mul3A_332 : i32 to index
        %swap3A_333 = tpu.vector_load %arg14[%swap3A] {strides = array<i32>} : memref<1024xi32, #tpu.memory_space<vmem>>, vector<16xi32>,
        tpu.vector_store %arg14[%swap3A], %add3A_330 {strides = array<i32>} : memref<1024xi32, #tpu.memory_space<vmem>>, vector<16xi32>,
      }
      %scan3A_159 = arith.constant 32 : i32
      %dma_start3A_160 = arith.constant 0 : i32
      %dma_start3A_161 = arith.constant 0 : i32
      %dma_start3A_162 = tpu.memref_slice %arg15[%dma_start3A_160, %dma_start3A_161] : memref<1024x8xf32, #tpu.memory_space<vmem>> -> memref<512x8xf32, #tpu.memory_space<vmem>>
      %dma_start3A_163 = arith.constant 0 : i32
      %dma_start3A_164 = tpu.memref_slice %arg14[%dma_start3A_163] : memref<1024xi32, #tpu.memory_space<vmem>> -> memref<512xi32, #tpu.memory_space<vmem>>
      %dma_start3A_165 = arith.constant 0 : i32
      %dma_start3A_166 = arith.constant 0 : i32
      %dma_start3A_167 = tpu.memref_slice %arg4[%dma_start3A_165, %dma_start3A_166] : memref<390656x8xf32, #tpu.memory_space<hbm>> -> memref<390656x8xf32, #tpu.memory_space<hbm>>
      tpu.enqueue_indirect_dma source(%dma_start3A_167 : memref<390656x8xf32, #tpu.memory_space<hbm>>) target(%dma_start3A_162 : memref<512x8xf32, #tpu.memory_space<vmem>>) offsets(%dma_start3A_164 : memref<512xi32, #tpu.memory_space<vmem>>) semaphore(%arg32 : memref<!tpu.dma_semaphore, #tpu.memory_space<semaphore_mem>>)
      %scan3A_168 = arith.constant 0 : i32
      %scan3A_169 = arith.constant 32 : i32
      %scan3A_170 = arith.constant 32 : i32
      %scan3A_171 = arith.addi %scan3A_169, %scan3A_170 : i32
      %scan3A_172 = arith.constant 1 : i32
      scf.for %scan3A_307 = %scan3A_169 to %scan3A_171 step %scan3A_172  : i32 {
        %iota3A = tpu.iota {dimensions = array<i32: 0>} : vector<16xi32>
        %mul3A_308 = arith.constant 16 : i32
        %mul3A_309 = arith.muli %scan3A_307, %mul3A_308 : i32
        %add3A_310 = vector.broadcast %mul3A_309 : i32 to vector<16xi32>
        %add3A_311 = arith.addi %iota3A, %add3A_310 : vector<16xi32>
        %gather3A = tpu.vector_load_idx %arg10[%add3A_311, %broadcast_in_dim3A_9] : memref<1024x8xf32, #tpu.memory_space<vmem>>[vector<16xi32>, vector<16xi32>], vector<16xf32>,
        %convert_element_type3A_312 = arith.fptosi %gather3A : vector<16xf32> to vector<16xi32>
        %gather3A_313 = tpu.vector_load_idx %arg11[%add3A_311, %broadcast_in_dim3A_9] : memref<1024x8xf32, #tpu.memory_space<vmem>>[vector<16xi32>, vector<16xi32>], vector<16xf32>,
        %convert_element_type3A_314 = arith.fptosi %gather3A_313 : vector<16xf32> to vector<16xi32>
        %gather3A_315 = tpu.vector_load_idx %arg12[%add3A_311, %broadcast_in_dim3A_9] : memref<1024x8xf32, #tpu.memory_space<vmem>>[vector<16xi32>, vector<16xi32>], vector<16xf32>,
        %convert_element_type3A_316 = arith.fptosi %gather3A_315 : vector<16xf32> to vector<16xi32>
        %gather3A_317 = tpu.vector_load_idx %arg13[%add3A_311, %broadcast_in_dim3A_9] : memref<1024x8xf32, #tpu.memory_space<vmem>>[vector<16xi32>, vector<16xi32>], vector<16xf32>,
        %convert_element_type3A_318 = arith.fptosi %gather3A_317 : vector<16xf32> to vector<16xi32>
        %mul3A_319 = arith.constant 25 : i32
        %mul3A_320 = vector.broadcast %mul3A_319 : i32 to vector<16xi32>
        %mul3A_321 = arith.muli %convert_element_type3A_312, %mul3A_320 : vector<16xi32>
        %add3A_322 = arith.addi %mul3A_321, %convert_element_type3A_314 : vector<16xi32>
        %mul3A_323 = arith.constant 25 : i32
        %mul3A_324 = vector.broadcast %mul3A_323 : i32 to vector<16xi32>
        %mul3A_325 = arith.muli %add3A_322, %mul3A_324 : vector<16xi32>
        %add3A_326 = arith.addi %mul3A_325, %convert_element_type3A_316 : vector<16xi32>
        %mul3A_327 = arith.constant 25 : i32
        %mul3A_328 = vector.broadcast %mul3A_327 : i32 to vector<16xi32>
        %mul3A_329 = arith.muli %add3A_326, %mul3A_328 : vector<16xi32>
        %add3A_330 = arith.addi %mul3A_329, %convert_element_type3A_318 : vector<16xi32>
        %mul3A_331 = arith.constant 16 : i32
        %mul3A_332 = arith.muli %scan3A_307, %mul3A_331 : i32
        %swap3A = arith.index_cast %mul3A_332 : i32 to index
        %swap3A_333 = tpu.vector_load %arg14[%swap3A] {strides = array<i32>} : memref<1024xi32, #tpu.memory_space<vmem>>, vector<16xi32>,
        tpu.vector_store %arg14[%swap3A], %add3A_330 {strides = array<i32>} : memref<1024xi32, #tpu.memory_space<vmem>>, vector<16xi32>,
      }
      %scan3A_173 = arith.constant 32 : i32
      %dma_start3A_174 = arith.constant 512 : i32
      %dma_start3A_175 = arith.constant 0 : i32
      %dma_start3A_176 = tpu.memref_slice %arg15[%dma_start3A_174, %dma_start3A_175] : memref<1024x8xf32, #tpu.memory_space<vmem>> -> memref<512x8xf32, #tpu.memory_space<vmem>>
      %dma_start3A_177 = arith.constant 512 : i32
      %dma_start3A_178 = tpu.memref_slice %arg14[%dma_start3A_177] : memref<1024xi32, #tpu.memory_space<vmem>> -> memref<512xi32, #tpu.memory_space<vmem>>
      %dma_start3A_179 = arith.constant 0 : i32
      %dma_start3A_180 = arith.constant 0 : i32
      %dma_start3A_181 = tpu.memref_slice %arg4[%dma_start3A_179, %dma_start3A_180] : memref<390656x8xf32, #tpu.memory_space<hbm>> -> memref<390656x8xf32, #tpu.memory_space<hbm>>
      tpu.enqueue_indirect_dma source(%dma_start3A_181 : memref<390656x8xf32, #tpu.memory_space<hbm>>) target(%dma_start3A_176 : memref<512x8xf32, #tpu.memory_space<vmem>>) offsets(%dma_start3A_178 : memref<512xi32, #tpu.memory_space<vmem>>) semaphore(%arg32 : memref<!tpu.dma_semaphore, #tpu.memory_space<semaphore_mem>>)
      %dma_wait3A_182 = arith.constant 0 : i32
      %dma_wait3A_183 = arith.constant 0 : i32
      %dma_wait3A_184 = tpu.memref_slice %arg15[%dma_wait3A_182, %dma_wait3A_183] : memref<1024x8xf32, #tpu.memory_space<vmem>> -> memref<512x8xf32, #tpu.memory_space<vmem>>
      %dma_wait3A_185 = arith.constant 0 : i32
      %dma_wait3A_186 = tpu.memref_slice %arg14[%dma_wait3A_185] : memref<1024xi32, #tpu.memory_space<vmem>> -> memref<512xi32, #tpu.memory_space<vmem>>
      %dma_wait3A_187 = arith.constant 0 : i32
      %dma_wait3A_188 = arith.constant 0 : i32
      %dma_wait3A_189 = tpu.memref_slice %arg4[%dma_wait3A_187, %dma_wait3A_188] : memref<390656x8xf32, #tpu.memory_space<hbm>> -> memref<390656x8xf32, #tpu.memory_space<hbm>>
      tpu.wait_indirect_dma semaphore(%arg32 : memref<!tpu.dma_semaphore, #tpu.memory_space<semaphore_mem>>) src(%dma_wait3A_189 : memref<390656x8xf32, #tpu.memory_space<hbm>>) dst(%dma_wait3A_184 : memref<512x8xf32, #tpu.memory_space<vmem>>)
      %gt3A = arith.constant 0 : i32
      %gt3A_190 = arith.cmpi sgt, %while3A_91, %gt3A : i32
      %convert_element_type3A_191 = arith.extui %gt3A_190 : i1 to i32
      %cond3A_192 = arith.constant 0 : i32
      %cond3A_193 = arith.cmpi ne, %convert_element_type3A_191, %cond3A_192 : i32
      scf.if %cond3A_193 {
        %dma_wait3A_307 = arith.constant 0 : i32
        %dma_wait3A_308 = tpu.memref_slice %arg5[%dma_wait3A_307] : memref<3200000xf32, #tpu.memory_space<hbm>> -> memref<1024xf32, #tpu.memory_space<hbm>>
        %dma_wait3A_309 = arith.constant 0 : i32
        %dma_wait3A_310 = tpu.memref_slice %arg5[%dma_wait3A_309] : memref<3200000xf32, #tpu.memory_space<hbm>> -> memref<1024xf32, #tpu.memory_space<hbm>>
        tpu.wait_dma2 semaphore(%arg34 : memref<!tpu.dma_semaphore, #tpu.memory_space<semaphore_mem>>) src(%arg16 : memref<1024xf32, #tpu.memory_space<vmem>>) dst(%dma_wait3A_310 : memref<1024xf32, #tpu.memory_space<hbm>>)
      } else {
      }
      %scan3A_194 = arith.constant 0 : i32
      %scan3A_195 = arith.constant 0 : i32
      %scan3A_196 = arith.constant 32 : i32
      %scan3A_197 = arith.addi %scan3A_195, %scan3A_196 : i32
      %scan3A_198 = arith.constant 1 : i32
      scf.for %scan3A_307 = %scan3A_195 to %scan3A_197 step %scan3A_198  : i32 {
        %iota3A = tpu.iota {dimensions = array<i32: 0>} : vector<16xi32>
        %mul3A_308 = arith.constant 16 : i32
        %mul3A_309 = arith.muli %scan3A_307, %mul3A_308 : i32
        %add3A_310 = vector.broadcast %mul3A_309 : i32 to vector<16xi32>
        %add3A_311 = arith.addi %iota3A, %add3A_310 : vector<16xi32>
        %gather3A = tpu.vector_load_idx %arg10[%add3A_311, %broadcast_in_dim3A_3] : memref<1024x8xf32, #tpu.memory_space<vmem>>[vector<16xi32>, vector<16xi32>], vector<16xf32>,
        %gather3A_312 = tpu.vector_load_idx %arg10[%add3A_311, %broadcast_in_dim3A_5] : memref<1024x8xf32, #tpu.memory_space<vmem>>[vector<16xi32>, vector<16xi32>], vector<16xf32>,
        %gather3A_313 = tpu.vector_load_idx %arg10[%add3A_311, %broadcast_in_dim3A_7] : memref<1024x8xf32, #tpu.memory_space<vmem>>[vector<16xi32>, vector<16xi32>], vector<16xf32>,
        %gather3A_314 = tpu.vector_load_idx %arg11[%add3A_311, %broadcast_in_dim3A_3] : memref<1024x8xf32, #tpu.memory_space<vmem>>[vector<16xi32>, vector<16xi32>], vector<16xf32>,
        %gather3A_315 = tpu.vector_load_idx %arg11[%add3A_311, %broadcast_in_dim3A_5] : memref<1024x8xf32, #tpu.memory_space<vmem>>[vector<16xi32>, vector<16xi32>], vector<16xf32>,
        %gather3A_316 = tpu.vector_load_idx %arg11[%add3A_311, %broadcast_in_dim3A_7] : memref<1024x8xf32, #tpu.memory_space<vmem>>[vector<16xi32>, vector<16xi32>], vector<16xf32>,
        %gather3A_317 = tpu.vector_load_idx %arg12[%add3A_311, %broadcast_in_dim3A_3] : memref<1024x8xf32, #tpu.memory_space<vmem>>[vector<16xi32>, vector<16xi32>], vector<16xf32>,
        %gather3A_318 = tpu.vector_load_idx %arg12[%add3A_311, %broadcast_in_dim3A_5] : memref<1024x8xf32, #tpu.memory_space<vmem>>[vector<16xi32>, vector<16xi32>], vector<16xf32>,
        %gather3A_319 = tpu.vector_load_idx %arg12[%add3A_311, %broadcast_in_dim3A_7] : memref<1024x8xf32, #tpu.memory_space<vmem>>[vector<16xi32>, vector<16xi32>], vector<16xf32>,
        %gather3A_320 = tpu.vector_load_idx %arg13[%add3A_311, %broadcast_in_dim3A_3] : memref<1024x8xf32, #tpu.memory_space<vmem>>[vector<16xi32>, vector<16xi32>], vector<16xf32>,
        %gather3A_321 = tpu.vector_load_idx %arg13[%add3A_311, %broadcast_in_dim3A_5] : memref<1024x8xf32, #tpu.memory_space<vmem>>[vector<16xi32>, vector<16xi32>], vector<16xf32>,
        %gather3A_322 = tpu.vector_load_idx %arg13[%add3A_311, %broadcast_in_dim3A_7] : memref<1024x8xf32, #tpu.memory_space<vmem>>[vector<16xi32>, vector<16xi32>], vector<16xf32>,
        %sub3A = arith.subf %gather3A_314, %gather3A : vector<16xf32>
        %sub3A_323 = arith.subf %gather3A_315, %gather3A_312 : vector<16xf32>
        %sub3A_324 = arith.subf %gather3A_316, %gather3A_313 : vector<16xf32>
        %sub3A_325 = arith.subf %gather3A_317, %gather3A_314 : vector<16xf32>
        %sub3A_326 = arith.subf %gather3A_318, %gather3A_315 : vector<16xf32>
        %sub3A_327 = arith.subf %gather3A_319, %gather3A_316 : vector<16xf32>
        %sub3A_328 = arith.subf %gather3A_320, %gather3A_317 : vector<16xf32>
        %sub3A_329 = arith.subf %gather3A_321, %gather3A_318 : vector<16xf32>
        %sub3A_330 = arith.subf %gather3A_322, %gather3A_319 : vector<16xf32>
        %mul3A_331 = arith.mulf %sub3A_323, %sub3A_327 : vector<16xf32>
        %mul3A_332 = arith.mulf %sub3A_324, %sub3A_326 : vector<16xf32>
        %sub3A_333 = arith.subf %mul3A_331, %mul3A_332 : vector<16xf32>
        %mul3A_334 = arith.mulf %sub3A_324, %sub3A_325 : vector<16xf32>
        %mul3A_335 = arith.mulf %sub3A, %sub3A_327 : vector<16xf32>
        %sub3A_336 = arith.subf %mul3A_334, %mul3A_335 : vector<16xf32>
        %mul3A_337 = arith.mulf %sub3A, %sub3A_326 : vector<16xf32>
        %mul3A_338 = arith.mulf %sub3A_323, %sub3A_325 : vector<16xf32>
        %sub3A_339 = arith.subf %mul3A_337, %mul3A_338 : vector<16xf32>
        %mul3A_340 = arith.mulf %sub3A_326, %sub3A_330 : vector<16xf32>
        %mul3A_341 = arith.mulf %sub3A_327, %sub3A_329 : vector<16xf32>
        %sub3A_342 = arith.subf %mul3A_340, %mul3A_341 : vector<16xf32>
        %mul3A_343 = arith.mulf %sub3A_327, %sub3A_328 : vector<16xf32>
        %mul3A_344 = arith.mulf %sub3A_325, %sub3A_330 : vector<16xf32>
        %sub3A_345 = arith.subf %mul3A_343, %mul3A_344 : vector<16xf32>
        %mul3A_346 = arith.mulf %sub3A_325, %sub3A_329 : vector<16xf32>
        %mul3A_347 = arith.mulf %sub3A_326, %sub3A_328 : vector<16xf32>
        %sub3A_348 = arith.subf %mul3A_346, %mul3A_347 : vector<16xf32>
        %mul3A_349 = arith.mulf %sub3A_336, %sub3A_327 : vector<16xf32>
        %mul3A_350 = arith.mulf %sub3A_339, %sub3A_326 : vector<16xf32>
        %sub3A_351 = arith.subf %mul3A_349, %mul3A_350 : vector<16xf32>
        %mul3A_352 = arith.mulf %sub3A_339, %sub3A_325 : vector<16xf32>
        %mul3A_353 = arith.mulf %sub3A_333, %sub3A_327 : vector<16xf32>
        %sub3A_354 = arith.subf %mul3A_352, %mul3A_353 : vector<16xf32>
        %mul3A_355 = arith.mulf %sub3A_333, %sub3A_326 : vector<16xf32>
        %mul3A_356 = arith.mulf %sub3A_336, %sub3A_325 : vector<16xf32>
        %sub3A_357 = arith.subf %mul3A_355, %mul3A_356 : vector<16xf32>
        %mul3A_358 = arith.mulf %sub3A_333, %sub3A_342 : vector<16xf32>
        %mul3A_359 = arith.mulf %sub3A_336, %sub3A_345 : vector<16xf32>
        %add3A_360 = arith.addf %mul3A_358, %mul3A_359 : vector<16xf32>
        %mul3A_361 = arith.mulf %sub3A_339, %sub3A_348 : vector<16xf32>
        %add3A_362 = arith.addf %add3A_360, %mul3A_361 : vector<16xf32>
        %mul3A_363 = arith.mulf %sub3A_351, %sub3A_342 : vector<16xf32>
        %mul3A_364 = arith.mulf %sub3A_354, %sub3A_345 : vector<16xf32>
        %add3A_365 = arith.addf %mul3A_363, %mul3A_364 : vector<16xf32>
        %mul3A_366 = arith.mulf %sub3A_357, %sub3A_348 : vector<16xf32>
        %add3A_367 = arith.addf %add3A_365, %mul3A_366 : vector<16xf32>
        %mul3A_368 = arith.mulf %sub3A_325, %sub3A_325 : vector<16xf32>
        %mul3A_369 = arith.mulf %sub3A_326, %sub3A_326 : vector<16xf32>
        %add3A_370 = arith.addf %mul3A_368, %mul3A_369 : vector<16xf32>
        %mul3A_371 = arith.mulf %sub3A_327, %sub3A_327 : vector<16xf32>
        %add3A_372 = arith.addf %add3A_370, %mul3A_371 : vector<16xf32>
        %mul3A_373 = arith.mulf %add3A_362, %add3A_362 : vector<16xf32>
        %mul3A_374 = arith.mulf %mul3A_373, %add3A_372 : vector<16xf32>
        %mul3A_375 = arith.mulf %add3A_367, %add3A_367 : vector<16xf32>
        %add3A_376 = arith.addf %mul3A_374, %mul3A_375 : vector<16xf32>
        %bitcast3A = vector.bitcast %add3A_376 : vector<16xf32> to vector<16xi32>
        %shift_right_logical3A = arith.constant 1 : i32
        %shift_right_logical3A_377 = vector.broadcast %shift_right_logical3A : i32 to vector<16xi32>
        %shift_right_logical3A_378 = arith.shrui %bitcast3A, %shift_right_logical3A_377 : vector<16xi32>
        %sub3A_379 = arith.constant 1597463007 : i32
        %sub3A_380 = vector.broadcast %sub3A_379 : i32 to vector<16xi32>
        %sub3A_381 = arith.subi %sub3A_380, %shift_right_logical3A_378 : vector<16xi32>
        %bitcast3A_382 = vector.bitcast %sub3A_381 : vector<16xi32> to vector<16xf32>
        %mul3A_383 = arith.constant 5.000000e-01 : f32
        %mul3A_384 = vector.broadcast %mul3A_383 : f32 to vector<16xf32>
        %mul3A_385 = arith.mulf %mul3A_384, %add3A_376 : vector<16xf32>
        %mul3A_386 = arith.mulf %mul3A_385, %bitcast3A_382 : vector<16xf32>
        %mul3A_387 = arith.mulf %mul3A_386, %bitcast3A_382 : vector<16xf32>
        %sub3A_388 = arith.constant 1.500000e+00 : f32
        %sub3A_389 = vector.broadcast %sub3A_388 : f32 to vector<16xf32>
        %sub3A_390 = arith.subf %sub3A_389, %mul3A_387 : vector<16xf32>
        %mul3A_391 = arith.mulf %bitcast3A_382, %sub3A_390 : vector<16xf32>
        %mul3A_392 = arith.constant 5.000000e-01 : f32
        %mul3A_393 = vector.broadcast %mul3A_392 : f32 to vector<16xf32>
        %mul3A_394 = arith.mulf %mul3A_393, %add3A_376 : vector<16xf32>
        %mul3A_395 = arith.mulf %mul3A_394, %mul3A_391 : vector<16xf32>
        %mul3A_396 = arith.mulf %mul3A_395, %mul3A_391 : vector<16xf32>
        %sub3A_397 = arith.constant 1.500000e+00 : f32
        %sub3A_398 = vector.broadcast %sub3A_397 : f32 to vector<16xf32>
        %sub3A_399 = arith.subf %sub3A_398, %mul3A_396 : vector<16xf32>
        %mul3A_400 = arith.mulf %mul3A_391, %sub3A_399 : vector<16xf32>
        %bitcast3A_401 = vector.bitcast %add3A_372 : vector<16xf32> to vector<16xi32>
        %shift_right_logical3A_402 = arith.constant 1 : i32
        %shift_right_logical3A_403 = vector.broadcast %shift_right_logical3A_402 : i32 to vector<16xi32>
        %shift_right_logical3A_404 = arith.shrui %bitcast3A_401, %shift_right_logical3A_403 : vector<16xi32>
        %sub3A_405 = arith.constant 1597463007 : i32
        %sub3A_406 = vector.broadcast %sub3A_405 : i32 to vector<16xi32>
        %sub3A_407 = arith.subi %sub3A_406, %shift_right_logical3A_404 : vector<16xi32>
        %bitcast3A_408 = vector.bitcast %sub3A_407 : vector<16xi32> to vector<16xf32>
        %mul3A_409 = arith.constant 5.000000e-01 : f32
        %mul3A_410 = vector.broadcast %mul3A_409 : f32 to vector<16xf32>
        %mul3A_411 = arith.mulf %mul3A_410, %add3A_372 : vector<16xf32>
        %mul3A_412 = arith.mulf %mul3A_411, %bitcast3A_408 : vector<16xf32>
        %mul3A_413 = arith.mulf %mul3A_412, %bitcast3A_408 : vector<16xf32>
        %sub3A_414 = arith.constant 1.500000e+00 : f32
        %sub3A_415 = vector.broadcast %sub3A_414 : f32 to vector<16xf32>
        %sub3A_416 = arith.subf %sub3A_415, %mul3A_413 : vector<16xf32>
        %mul3A_417 = arith.mulf %bitcast3A_408, %sub3A_416 : vector<16xf32>
        %mul3A_418 = arith.constant 5.000000e-01 : f32
        %mul3A_419 = vector.broadcast %mul3A_418 : f32 to vector<16xf32>
        %mul3A_420 = arith.mulf %mul3A_419, %add3A_372 : vector<16xf32>
        %mul3A_421 = arith.mulf %mul3A_420, %mul3A_417 : vector<16xf32>
        %mul3A_422 = arith.mulf %mul3A_421, %mul3A_417 : vector<16xf32>
        %sub3A_423 = arith.constant 1.500000e+00 : f32
        %sub3A_424 = vector.broadcast %sub3A_423 : f32 to vector<16xf32>
        %sub3A_425 = arith.subf %sub3A_424, %mul3A_422 : vector<16xf32>
        %mul3A_426 = arith.mulf %mul3A_417, %sub3A_425 : vector<16xf32>
        %mul3A_427 = arith.mulf %add3A_372, %mul3A_426 : vector<16xf32>
        %mul3A_428 = arith.mulf %add3A_362, %mul3A_427 : vector<16xf32>
        %mul3A_429 = arith.mulf %mul3A_428, %mul3A_400 : vector<16xf32>
        %mul3A_430 = arith.mulf %add3A_367, %mul3A_400 : vector<16xf32>
        %gt3A_431 = arith.constant 0.000000e+00 : f32
        %gt3A_432 = vector.broadcast %gt3A_431 : f32 to vector<16xf32>
        %gt3A_433 = arith.cmpf ogt, %add3A_376, %gt3A_432 : vector<16xf32>
        %jit3A_434 = arith.constant 1.000000e+00 : f32
        %broadcast_in_dim3A_435 = vector.broadcast %jit3A_434 : f32 to vector<16xf32>
        %select_n3A_436 = arith.select %gt3A_433, %mul3A_429, %broadcast_in_dim3A_435 : vector<16xi1>, vector<16xf32>
        %jit3A_437 = arith.constant 0.000000e+00 : f32
        %broadcast_in_dim3A_438 = vector.broadcast %jit3A_437 : f32 to vector<16xf32>
        %select_n3A_439 = arith.select %gt3A_433, %mul3A_430, %broadcast_in_dim3A_438 : vector<16xi1>, vector<16xf32>
        %gather3A_440 = tpu.vector_load_idx %arg15[%add3A_311, %broadcast_in_dim3A_3] : memref<1024x8xf32, #tpu.memory_space<vmem>>[vector<16xi32>, vector<16xi32>], vector<16xf32>,
        %gather3A_441 = tpu.vector_load_idx %arg15[%add3A_311, %broadcast_in_dim3A_5] : memref<1024x8xf32, #tpu.memory_space<vmem>>[vector<16xi32>, vector<16xi32>], vector<16xf32>,
        %gather3A_442 = tpu.vector_load_idx %arg15[%add3A_311, %broadcast_in_dim3A_7] : memref<1024x8xf32, #tpu.memory_space<vmem>>[vector<16xi32>, vector<16xi32>], vector<16xf32>,
        %gather3A_443 = tpu.vector_load_idx %arg15[%add3A_311, %broadcast_in_dim3A_9] : memref<1024x8xf32, #tpu.memory_space<vmem>>[vector<16xi32>, vector<16xi32>], vector<16xf32>,
        %gather3A_444 = tpu.vector_load_idx %arg15[%add3A_311, %broadcast_in_dim3A_11] : memref<1024x8xf32, #tpu.memory_space<vmem>>[vector<16xi32>, vector<16xi32>], vector<16xf32>,
        %mul3A_445 = arith.mulf %gather3A_441, %select_n3A_436 : vector<16xf32>
        %sub3A_446 = arith.subf %gather3A_440, %mul3A_445 : vector<16xf32>
        %mul3A_447 = arith.mulf %gather3A_442, %select_n3A_439 : vector<16xf32>
        %sub3A_448 = arith.subf %sub3A_446, %mul3A_447 : vector<16xf32>
        %mul3A_449 = arith.mulf %select_n3A_436, %select_n3A_436 : vector<16xf32>
        %mul3A_450 = arith.mulf %gather3A_443, %mul3A_449 : vector<16xf32>
        %sub3A_451 = arith.subf %sub3A_448, %mul3A_450 : vector<16xf32>
        %mul3A_452 = arith.mulf %select_n3A_439, %select_n3A_436 : vector<16xf32>
        %mul3A_453 = arith.mulf %gather3A_444, %mul3A_452 : vector<16xf32>
        %sub3A_454 = arith.subf %sub3A_451, %mul3A_453 : vector<16xf32>
        %gt3A_455 = arith.constant 0.000000e+00 : f32
        %gt3A_456 = vector.broadcast %gt3A_455 : f32 to vector<16xf32>
        %gt3A_457 = arith.cmpf ogt, %add3A_372, %gt3A_456 : vector<16xf32>
        %jit3A_458 = arith.constant 0x7FC00000 : f32
        %broadcast_in_dim3A_459 = vector.broadcast %jit3A_458 : f32 to vector<16xf32>
        %select_n3A_460 = arith.select %gt3A_457, %sub3A_454, %broadcast_in_dim3A_459 : vector<16xi1>, vector<16xf32>
        %mul3A_461 = arith.constant 16 : i32
        %mul3A_462 = arith.muli %scan3A_307, %mul3A_461 : i32
        %swap3A = arith.index_cast %mul3A_462 : i32 to index
        %swap3A_463 = tpu.vector_load %arg16[%swap3A] {strides = array<i32>} : memref<1024xf32, #tpu.memory_space<vmem>>, vector<16xf32>,
        tpu.vector_store %arg16[%swap3A], %select_n3A_460 {strides = array<i32>} : memref<1024xf32, #tpu.memory_space<vmem>>, vector<16xf32>,
      }
      %scan3A_199 = arith.constant 32 : i32
      %dma_wait3A_200 = arith.constant 512 : i32
      %dma_wait3A_201 = arith.constant 0 : i32
      %dma_wait3A_202 = tpu.memref_slice %arg15[%dma_wait3A_200, %dma_wait3A_201] : memref<1024x8xf32, #tpu.memory_space<vmem>> -> memref<512x8xf32, #tpu.memory_space<vmem>>
      %dma_wait3A_203 = arith.constant 512 : i32
      %dma_wait3A_204 = tpu.memref_slice %arg14[%dma_wait3A_203] : memref<1024xi32, #tpu.memory_space<vmem>> -> memref<512xi32, #tpu.memory_space<vmem>>
      %dma_wait3A_205 = arith.constant 0 : i32
      %dma_wait3A_206 = arith.constant 0 : i32
      %dma_wait3A_207 = tpu.memref_slice %arg4[%dma_wait3A_205, %dma_wait3A_206] : memref<390656x8xf32, #tpu.memory_space<hbm>> -> memref<390656x8xf32, #tpu.memory_space<hbm>>
      tpu.wait_indirect_dma semaphore(%arg32 : memref<!tpu.dma_semaphore, #tpu.memory_space<semaphore_mem>>) src(%dma_wait3A_207 : memref<390656x8xf32, #tpu.memory_space<hbm>>) dst(%dma_wait3A_202 : memref<512x8xf32, #tpu.memory_space<vmem>>)
      %scan3A_208 = arith.constant 0 : i32
      %scan3A_209 = arith.constant 32 : i32
      %scan3A_210 = arith.constant 32 : i32
      %scan3A_211 = arith.addi %scan3A_209, %scan3A_210 : i32
      %scan3A_212 = arith.constant 1 : i32
      scf.for %scan3A_307 = %scan3A_209 to %scan3A_211 step %scan3A_212  : i32 {
        %iota3A = tpu.iota {dimensions = array<i32: 0>} : vector<16xi32>
        %mul3A_308 = arith.constant 16 : i32
        %mul3A_309 = arith.muli %scan3A_307, %mul3A_308 : i32
        %add3A_310 = vector.broadcast %mul3A_309 : i32 to vector<16xi32>
        %add3A_311 = arith.addi %iota3A, %add3A_310 : vector<16xi32>
        %gather3A = tpu.vector_load_idx %arg10[%add3A_311, %broadcast_in_dim3A_3] : memref<1024x8xf32, #tpu.memory_space<vmem>>[vector<16xi32>, vector<16xi32>], vector<16xf32>,
        %gather3A_312 = tpu.vector_load_idx %arg10[%add3A_311, %broadcast_in_dim3A_5] : memref<1024x8xf32, #tpu.memory_space<vmem>>[vector<16xi32>, vector<16xi32>], vector<16xf32>,
        %gather3A_313 = tpu.vector_load_idx %arg10[%add3A_311, %broadcast_in_dim3A_7] : memref<1024x8xf32, #tpu.memory_space<vmem>>[vector<16xi32>, vector<16xi32>], vector<16xf32>,
        %gather3A_314 = tpu.vector_load_idx %arg11[%add3A_311, %broadcast_in_dim3A_3] : memref<1024x8xf32, #tpu.memory_space<vmem>>[vector<16xi32>, vector<16xi32>], vector<16xf32>,
        %gather3A_315 = tpu.vector_load_idx %arg11[%add3A_311, %broadcast_in_dim3A_5] : memref<1024x8xf32, #tpu.memory_space<vmem>>[vector<16xi32>, vector<16xi32>], vector<16xf32>,
        %gather3A_316 = tpu.vector_load_idx %arg11[%add3A_311, %broadcast_in_dim3A_7] : memref<1024x8xf32, #tpu.memory_space<vmem>>[vector<16xi32>, vector<16xi32>], vector<16xf32>,
        %gather3A_317 = tpu.vector_load_idx %arg12[%add3A_311, %broadcast_in_dim3A_3] : memref<1024x8xf32, #tpu.memory_space<vmem>>[vector<16xi32>, vector<16xi32>], vector<16xf32>,
        %gather3A_318 = tpu.vector_load_idx %arg12[%add3A_311, %broadcast_in_dim3A_5] : memref<1024x8xf32, #tpu.memory_space<vmem>>[vector<16xi32>, vector<16xi32>], vector<16xf32>,
        %gather3A_319 = tpu.vector_load_idx %arg12[%add3A_311, %broadcast_in_dim3A_7] : memref<1024x8xf32, #tpu.memory_space<vmem>>[vector<16xi32>, vector<16xi32>], vector<16xf32>,
        %gather3A_320 = tpu.vector_load_idx %arg13[%add3A_311, %broadcast_in_dim3A_3] : memref<1024x8xf32, #tpu.memory_space<vmem>>[vector<16xi32>, vector<16xi32>], vector<16xf32>,
        %gather3A_321 = tpu.vector_load_idx %arg13[%add3A_311, %broadcast_in_dim3A_5] : memref<1024x8xf32, #tpu.memory_space<vmem>>[vector<16xi32>, vector<16xi32>], vector<16xf32>,
        %gather3A_322 = tpu.vector_load_idx %arg13[%add3A_311, %broadcast_in_dim3A_7] : memref<1024x8xf32, #tpu.memory_space<vmem>>[vector<16xi32>, vector<16xi32>], vector<16xf32>,
        %sub3A = arith.subf %gather3A_314, %gather3A : vector<16xf32>
        %sub3A_323 = arith.subf %gather3A_315, %gather3A_312 : vector<16xf32>
        %sub3A_324 = arith.subf %gather3A_316, %gather3A_313 : vector<16xf32>
        %sub3A_325 = arith.subf %gather3A_317, %gather3A_314 : vector<16xf32>
        %sub3A_326 = arith.subf %gather3A_318, %gather3A_315 : vector<16xf32>
        %sub3A_327 = arith.subf %gather3A_319, %gather3A_316 : vector<16xf32>
        %sub3A_328 = arith.subf %gather3A_320, %gather3A_317 : vector<16xf32>
        %sub3A_329 = arith.subf %gather3A_321, %gather3A_318 : vector<16xf32>
        %sub3A_330 = arith.subf %gather3A_322, %gather3A_319 : vector<16xf32>
        %mul3A_331 = arith.mulf %sub3A_323, %sub3A_327 : vector<16xf32>
        %mul3A_332 = arith.mulf %sub3A_324, %sub3A_326 : vector<16xf32>
        %sub3A_333 = arith.subf %mul3A_331, %mul3A_332 : vector<16xf32>
        %mul3A_334 = arith.mulf %sub3A_324, %sub3A_325 : vector<16xf32>
        %mul3A_335 = arith.mulf %sub3A, %sub3A_327 : vector<16xf32>
        %sub3A_336 = arith.subf %mul3A_334, %mul3A_335 : vector<16xf32>
        %mul3A_337 = arith.mulf %sub3A, %sub3A_326 : vector<16xf32>
        %mul3A_338 = arith.mulf %sub3A_323, %sub3A_325 : vector<16xf32>
        %sub3A_339 = arith.subf %mul3A_337, %mul3A_338 : vector<16xf32>
        %mul3A_340 = arith.mulf %sub3A_326, %sub3A_330 : vector<16xf32>
        %mul3A_341 = arith.mulf %sub3A_327, %sub3A_329 : vector<16xf32>
        %sub3A_342 = arith.subf %mul3A_340, %mul3A_341 : vector<16xf32>
        %mul3A_343 = arith.mulf %sub3A_327, %sub3A_328 : vector<16xf32>
        %mul3A_344 = arith.mulf %sub3A_325, %sub3A_330 : vector<16xf32>
        %sub3A_345 = arith.subf %mul3A_343, %mul3A_344 : vector<16xf32>
        %mul3A_346 = arith.mulf %sub3A_325, %sub3A_329 : vector<16xf32>
        %mul3A_347 = arith.mulf %sub3A_326, %sub3A_328 : vector<16xf32>
        %sub3A_348 = arith.subf %mul3A_346, %mul3A_347 : vector<16xf32>
        %mul3A_349 = arith.mulf %sub3A_336, %sub3A_327 : vector<16xf32>
        %mul3A_350 = arith.mulf %sub3A_339, %sub3A_326 : vector<16xf32>
        %sub3A_351 = arith.subf %mul3A_349, %mul3A_350 : vector<16xf32>
        %mul3A_352 = arith.mulf %sub3A_339, %sub3A_325 : vector<16xf32>
        %mul3A_353 = arith.mulf %sub3A_333, %sub3A_327 : vector<16xf32>
        %sub3A_354 = arith.subf %mul3A_352, %mul3A_353 : vector<16xf32>
        %mul3A_355 = arith.mulf %sub3A_333, %sub3A_326 : vector<16xf32>
        %mul3A_356 = arith.mulf %sub3A_336, %sub3A_325 : vector<16xf32>
        %sub3A_357 = arith.subf %mul3A_355, %mul3A_356 : vector<16xf32>
        %mul3A_358 = arith.mulf %sub3A_333, %sub3A_342 : vector<16xf32>
        %mul3A_359 = arith.mulf %sub3A_336, %sub3A_345 : vector<16xf32>
        %add3A_360 = arith.addf %mul3A_358, %mul3A_359 : vector<16xf32>
        %mul3A_361 = arith.mulf %sub3A_339, %sub3A_348 : vector<16xf32>
        %add3A_362 = arith.addf %add3A_360, %mul3A_361 : vector<16xf32>
        %mul3A_363 = arith.mulf %sub3A_351, %sub3A_342 : vector<16xf32>
        %mul3A_364 = arith.mulf %sub3A_354, %sub3A_345 : vector<16xf32>
        %add3A_365 = arith.addf %mul3A_363, %mul3A_364 : vector<16xf32>
        %mul3A_366 = arith.mulf %sub3A_357, %sub3A_348 : vector<16xf32>
        %add3A_367 = arith.addf %add3A_365, %mul3A_366 : vector<16xf32>
        %mul3A_368 = arith.mulf %sub3A_325, %sub3A_325 : vector<16xf32>
        %mul3A_369 = arith.mulf %sub3A_326, %sub3A_326 : vector<16xf32>
        %add3A_370 = arith.addf %mul3A_368, %mul3A_369 : vector<16xf32>
        %mul3A_371 = arith.mulf %sub3A_327, %sub3A_327 : vector<16xf32>
        %add3A_372 = arith.addf %add3A_370, %mul3A_371 : vector<16xf32>
        %mul3A_373 = arith.mulf %add3A_362, %add3A_362 : vector<16xf32>
        %mul3A_374 = arith.mulf %mul3A_373, %add3A_372 : vector<16xf32>
        %mul3A_375 = arith.mulf %add3A_367, %add3A_367 : vector<16xf32>
        %add3A_376 = arith.addf %mul3A_374, %mul3A_375 : vector<16xf32>
        %bitcast3A = vector.bitcast %add3A_376 : vector<16xf32> to vector<16xi32>
        %shift_right_logical3A = arith.constant 1 : i32
        %shift_right_logical3A_377 = vector.broadcast %shift_right_logical3A : i32 to vector<16xi32>
        %shift_right_logical3A_378 = arith.shrui %bitcast3A, %shift_right_logical3A_377 : vector<16xi32>
        %sub3A_379 = arith.constant 1597463007 : i32
        %sub3A_380 = vector.broadcast %sub3A_379 : i32 to vector<16xi32>
        %sub3A_381 = arith.subi %sub3A_380, %shift_right_logical3A_378 : vector<16xi32>
        %bitcast3A_382 = vector.bitcast %sub3A_381 : vector<16xi32> to vector<16xf32>
        %mul3A_383 = arith.constant 5.000000e-01 : f32
        %mul3A_384 = vector.broadcast %mul3A_383 : f32 to vector<16xf32>
        %mul3A_385 = arith.mulf %mul3A_384, %add3A_376 : vector<16xf32>
        %mul3A_386 = arith.mulf %mul3A_385, %bitcast3A_382 : vector<16xf32>
        %mul3A_387 = arith.mulf %mul3A_386, %bitcast3A_382 : vector<16xf32>
        %sub3A_388 = arith.constant 1.500000e+00 : f32
        %sub3A_389 = vector.broadcast %sub3A_388 : f32 to vector<16xf32>
        %sub3A_390 = arith.subf %sub3A_389, %mul3A_387 : vector<16xf32>
        %mul3A_391 = arith.mulf %bitcast3A_382, %sub3A_390 : vector<16xf32>
        %mul3A_392 = arith.constant 5.000000e-01 : f32
        %mul3A_393 = vector.broadcast %mul3A_392 : f32 to vector<16xf32>
        %mul3A_394 = arith.mulf %mul3A_393, %add3A_376 : vector<16xf32>
        %mul3A_395 = arith.mulf %mul3A_394, %mul3A_391 : vector<16xf32>
        %mul3A_396 = arith.mulf %mul3A_395, %mul3A_391 : vector<16xf32>
        %sub3A_397 = arith.constant 1.500000e+00 : f32
        %sub3A_398 = vector.broadcast %sub3A_397 : f32 to vector<16xf32>
        %sub3A_399 = arith.subf %sub3A_398, %mul3A_396 : vector<16xf32>
        %mul3A_400 = arith.mulf %mul3A_391, %sub3A_399 : vector<16xf32>
        %bitcast3A_401 = vector.bitcast %add3A_372 : vector<16xf32> to vector<16xi32>
        %shift_right_logical3A_402 = arith.constant 1 : i32
        %shift_right_logical3A_403 = vector.broadcast %shift_right_logical3A_402 : i32 to vector<16xi32>
        %shift_right_logical3A_404 = arith.shrui %bitcast3A_401, %shift_right_logical3A_403 : vector<16xi32>
        %sub3A_405 = arith.constant 1597463007 : i32
        %sub3A_406 = vector.broadcast %sub3A_405 : i32 to vector<16xi32>
        %sub3A_407 = arith.subi %sub3A_406, %shift_right_logical3A_404 : vector<16xi32>
        %bitcast3A_408 = vector.bitcast %sub3A_407 : vector<16xi32> to vector<16xf32>
        %mul3A_409 = arith.constant 5.000000e-01 : f32
        %mul3A_410 = vector.broadcast %mul3A_409 : f32 to vector<16xf32>
        %mul3A_411 = arith.mulf %mul3A_410, %add3A_372 : vector<16xf32>
        %mul3A_412 = arith.mulf %mul3A_411, %bitcast3A_408 : vector<16xf32>
        %mul3A_413 = arith.mulf %mul3A_412, %bitcast3A_408 : vector<16xf32>
        %sub3A_414 = arith.constant 1.500000e+00 : f32
        %sub3A_415 = vector.broadcast %sub3A_414 : f32 to vector<16xf32>
        %sub3A_416 = arith.subf %sub3A_415, %mul3A_413 : vector<16xf32>
        %mul3A_417 = arith.mulf %bitcast3A_408, %sub3A_416 : vector<16xf32>
        %mul3A_418 = arith.constant 5.000000e-01 : f32
        %mul3A_419 = vector.broadcast %mul3A_418 : f32 to vector<16xf32>
        %mul3A_420 = arith.mulf %mul3A_419, %add3A_372 : vector<16xf32>
        %mul3A_421 = arith.mulf %mul3A_420, %mul3A_417 : vector<16xf32>
        %mul3A_422 = arith.mulf %mul3A_421, %mul3A_417 : vector<16xf32>
        %sub3A_423 = arith.constant 1.500000e+00 : f32
        %sub3A_424 = vector.broadcast %sub3A_423 : f32 to vector<16xf32>
        %sub3A_425 = arith.subf %sub3A_424, %mul3A_422 : vector<16xf32>
        %mul3A_426 = arith.mulf %mul3A_417, %sub3A_425 : vector<16xf32>
        %mul3A_427 = arith.mulf %add3A_372, %mul3A_426 : vector<16xf32>
        %mul3A_428 = arith.mulf %add3A_362, %mul3A_427 : vector<16xf32>
        %mul3A_429 = arith.mulf %mul3A_428, %mul3A_400 : vector<16xf32>
        %mul3A_430 = arith.mulf %add3A_367, %mul3A_400 : vector<16xf32>
        %gt3A_431 = arith.constant 0.000000e+00 : f32
        %gt3A_432 = vector.broadcast %gt3A_431 : f32 to vector<16xf32>
        %gt3A_433 = arith.cmpf ogt, %add3A_376, %gt3A_432 : vector<16xf32>
        %jit3A_434 = arith.constant 1.000000e+00 : f32
        %broadcast_in_dim3A_435 = vector.broadcast %jit3A_434 : f32 to vector<16xf32>
        %select_n3A_436 = arith.select %gt3A_433, %mul3A_429, %broadcast_in_dim3A_435 : vector<16xi1>, vector<16xf32>
        %jit3A_437 = arith.constant 0.000000e+00 : f32
        %broadcast_in_dim3A_438 = vector.broadcast %jit3A_437 : f32 to vector<16xf32>
        %select_n3A_439 = arith.select %gt3A_433, %mul3A_430, %broadcast_in_dim3A_438 : vector<16xi1>, vector<16xf32>
        %gather3A_440 = tpu.vector_load_idx %arg15[%add3A_311, %broadcast_in_dim3A_3] : memref<1024x8xf32, #tpu.memory_space<vmem>>[vector<16xi32>, vector<16xi32>], vector<16xf32>,
        %gather3A_441 = tpu.vector_load_idx %arg15[%add3A_311, %broadcast_in_dim3A_5] : memref<1024x8xf32, #tpu.memory_space<vmem>>[vector<16xi32>, vector<16xi32>], vector<16xf32>,
        %gather3A_442 = tpu.vector_load_idx %arg15[%add3A_311, %broadcast_in_dim3A_7] : memref<1024x8xf32, #tpu.memory_space<vmem>>[vector<16xi32>, vector<16xi32>], vector<16xf32>,
        %gather3A_443 = tpu.vector_load_idx %arg15[%add3A_311, %broadcast_in_dim3A_9] : memref<1024x8xf32, #tpu.memory_space<vmem>>[vector<16xi32>, vector<16xi32>], vector<16xf32>,
        %gather3A_444 = tpu.vector_load_idx %arg15[%add3A_311, %broadcast_in_dim3A_11] : memref<1024x8xf32, #tpu.memory_space<vmem>>[vector<16xi32>, vector<16xi32>], vector<16xf32>,
        %mul3A_445 = arith.mulf %gather3A_441, %select_n3A_436 : vector<16xf32>
        %sub3A_446 = arith.subf %gather3A_440, %mul3A_445 : vector<16xf32>
        %mul3A_447 = arith.mulf %gather3A_442, %select_n3A_439 : vector<16xf32>
        %sub3A_448 = arith.subf %sub3A_446, %mul3A_447 : vector<16xf32>
        %mul3A_449 = arith.mulf %select_n3A_436, %select_n3A_436 : vector<16xf32>
        %mul3A_450 = arith.mulf %gather3A_443, %mul3A_449 : vector<16xf32>
        %sub3A_451 = arith.subf %sub3A_448, %mul3A_450 : vector<16xf32>
        %mul3A_452 = arith.mulf %select_n3A_439, %select_n3A_436 : vector<16xf32>
        %mul3A_453 = arith.mulf %gather3A_444, %mul3A_452 : vector<16xf32>
        %sub3A_454 = arith.subf %sub3A_451, %mul3A_453 : vector<16xf32>
        %gt3A_455 = arith.constant 0.000000e+00 : f32
        %gt3A_456 = vector.broadcast %gt3A_455 : f32 to vector<16xf32>
        %gt3A_457 = arith.cmpf ogt, %add3A_372, %gt3A_456 : vector<16xf32>
        %jit3A_458 = arith.constant 0x7FC00000 : f32
        %broadcast_in_dim3A_459 = vector.broadcast %jit3A_458 : f32 to vector<16xf32>
        %select_n3A_460 = arith.select %gt3A_457, %sub3A_454, %broadcast_in_dim3A_459 : vector<16xi1>, vector<16xf32>
        %mul3A_461 = arith.constant 16 : i32
        %mul3A_462 = arith.muli %scan3A_307, %mul3A_461 : i32
        %swap3A = arith.index_cast %mul3A_462 : i32 to index
        %swap3A_463 = tpu.vector_load %arg16[%swap3A] {strides = array<i32>} : memref<1024xf32, #tpu.memory_space<vmem>>, vector<16xf32>,
        tpu.vector_store %arg16[%swap3A], %select_n3A_460 {strides = array<i32>} : memref<1024xf32, #tpu.memory_space<vmem>>, vector<16xf32>,
      }
      %scan3A_213 = arith.constant 32 : i32
      %mul3A_214 = arith.constant 1024 : i32
      %mul3A_215 = arith.muli %mul3A_96, %mul3A_214 : i32
      %dma_start3A_216 = tpu.memref_slice %arg5[%mul3A_215] : memref<3200000xf32, #tpu.memory_space<hbm>> -> memref<1024xf32, #tpu.memory_space<hbm>>
      %dma_start3A_217 = tpu.memref_slice %arg5[%mul3A_215] : memref<3200000xf32, #tpu.memory_space<hbm>> -> memref<1024xf32, #tpu.memory_space<hbm>>
      tpu.enqueue_dma source(%arg16 : memref<1024xf32, #tpu.memory_space<vmem>>) target(%dma_start3A_217 : memref<1024xf32, #tpu.memory_space<hbm>>) target_semaphore(%arg34 : memref<!tpu.dma_semaphore, #tpu.memory_space<semaphore_mem>>)
      %add3A_218 = arith.constant 1 : i32
      %add3A_219 = arith.addi %while3A_91, %add3A_218 : i32
      %lt3A_220 = arith.cmpi slt, %add3A_219, %select_n3A : i32
      %convert_element_type3A_221 = arith.extui %lt3A_220 : i1 to i32
      %cond3A_222 = arith.constant 0 : i32
      %cond3A_223 = arith.cmpi ne, %convert_element_type3A_221, %cond3A_222 : i32
      scf.if %cond3A_223 {
        %mul3A_307 = arith.constant 2 : i32
        %mul3A_308 = arith.muli %mul3A_307, %add3A_102 : i32
        %mul3A_309 = arith.constant 1024 : i32
        %mul3A_310 = arith.muli %mul3A_308, %mul3A_309 : i32
        %add3A_311 = arith.constant 0 : i32
        %add3A_312 = arith.addi %add3A_311, %mul3A_310 : i32
        %dma_start3A_313 = tpu.memref_slice %arg2[%add3A_312] : memref<12800000xi32, #tpu.memory_space<hbm>> -> memref<1024xi32, #tpu.memory_space<hbm>>
        %dma_start3A_314 = tpu.memref_slice %arg2[%add3A_312] : memref<12800000xi32, #tpu.memory_space<hbm>> -> memref<1024xi32, #tpu.memory_space<hbm>>
        tpu.enqueue_dma source(%dma_start3A_314 : memref<1024xi32, #tpu.memory_space<hbm>>) target(%arg6 : memref<1024xi32, #tpu.memory_space<vmem>>) target_semaphore(%arg28 : memref<!tpu.dma_semaphore, #tpu.memory_space<semaphore_mem>>)
        %add3A_315 = arith.constant 3200000 : i32
        %add3A_316 = arith.addi %add3A_315, %mul3A_310 : i32
        %dma_start3A_317 = tpu.memref_slice %arg2[%add3A_316] : memref<12800000xi32, #tpu.memory_space<hbm>> -> memref<1024xi32, #tpu.memory_space<hbm>>
        %dma_start3A_318 = tpu.memref_slice %arg2[%add3A_316] : memref<12800000xi32, #tpu.memory_space<hbm>> -> memref<1024xi32, #tpu.memory_space<hbm>>
        tpu.enqueue_dma source(%dma_start3A_318 : memref<1024xi32, #tpu.memory_space<hbm>>) target(%arg7 : memref<1024xi32, #tpu.memory_space<vmem>>) target_semaphore(%arg28 : memref<!tpu.dma_semaphore, #tpu.memory_space<semaphore_mem>>)
        %add3A_319 = arith.constant 6400000 : i32
        %add3A_320 = arith.addi %add3A_319, %mul3A_310 : i32
        %dma_start3A_321 = tpu.memref_slice %arg2[%add3A_320] : memref<12800000xi32, #tpu.memory_space<hbm>> -> memref<1024xi32, #tpu.memory_space<hbm>>
        %dma_start3A_322 = tpu.memref_slice %arg2[%add3A_320] : memref<12800000xi32, #tpu.memory_space<hbm>> -> memref<1024xi32, #tpu.memory_space<hbm>>
        tpu.enqueue_dma source(%dma_start3A_322 : memref<1024xi32, #tpu.memory_space<hbm>>) target(%arg8 : memref<1024xi32, #tpu.memory_space<vmem>>) target_semaphore(%arg28 : memref<!tpu.dma_semaphore, #tpu.memory_space<semaphore_mem>>)
        %add3A_323 = arith.constant 9600000 : i32
        %add3A_324 = arith.addi %add3A_323, %mul3A_310 : i32
        %dma_start3A_325 = tpu.memref_slice %arg2[%add3A_324] : memref<12800000xi32, #tpu.memory_space<hbm>> -> memref<1024xi32, #tpu.memory_space<hbm>>
        %dma_start3A_326 = tpu.memref_slice %arg2[%add3A_324] : memref<12800000xi32, #tpu.memory_space<hbm>> -> memref<1024xi32, #tpu.memory_space<hbm>>
        tpu.enqueue_dma source(%dma_start3A_326 : memref<1024xi32, #tpu.memory_space<hbm>>) target(%arg9 : memref<1024xi32, #tpu.memory_space<vmem>>) target_semaphore(%arg28 : memref<!tpu.dma_semaphore, #tpu.memory_space<semaphore_mem>>)
        %dma_wait3A_327 = tpu.memref_slice %arg2[%add3A_312] : memref<12800000xi32, #tpu.memory_space<hbm>> -> memref<1024xi32, #tpu.memory_space<hbm>>
        %dma_wait3A_328 = tpu.memref_slice %arg2[%add3A_312] : memref<12800000xi32, #tpu.memory_space<hbm>> -> memref<1024xi32, #tpu.memory_space<hbm>>
        tpu.wait_dma2 semaphore(%arg28 : memref<!tpu.dma_semaphore, #tpu.memory_space<semaphore_mem>>) src(%dma_wait3A_328 : memref<1024xi32, #tpu.memory_space<hbm>>) dst(%arg6 : memref<1024xi32, #tpu.memory_space<vmem>>)
        %dma_wait3A_329 = tpu.memref_slice %arg2[%add3A_316] : memref<12800000xi32, #tpu.memory_space<hbm>> -> memref<1024xi32, #tpu.memory_space<hbm>>
        %dma_wait3A_330 = tpu.memref_slice %arg2[%add3A_316] : memref<12800000xi32, #tpu.memory_space<hbm>> -> memref<1024xi32, #tpu.memory_space<hbm>>
        tpu.wait_dma2 semaphore(%arg28 : memref<!tpu.dma_semaphore, #tpu.memory_space<semaphore_mem>>) src(%dma_wait3A_330 : memref<1024xi32, #tpu.memory_space<hbm>>) dst(%arg7 : memref<1024xi32, #tpu.memory_space<vmem>>)
        %dma_wait3A_331 = tpu.memref_slice %arg2[%add3A_320] : memref<12800000xi32, #tpu.memory_space<hbm>> -> memref<1024xi32, #tpu.memory_space<hbm>>
        %dma_wait3A_332 = tpu.memref_slice %arg2[%add3A_320] : memref<12800000xi32, #tpu.memory_space<hbm>> -> memref<1024xi32, #tpu.memory_space<hbm>>
        tpu.wait_dma2 semaphore(%arg28 : memref<!tpu.dma_semaphore, #tpu.memory_space<semaphore_mem>>) src(%dma_wait3A_332 : memref<1024xi32, #tpu.memory_space<hbm>>) dst(%arg8 : memref<1024xi32, #tpu.memory_space<vmem>>)
        %dma_wait3A_333 = tpu.memref_slice %arg2[%add3A_324] : memref<12800000xi32, #tpu.memory_space<hbm>> -> memref<1024xi32, #tpu.memory_space<hbm>>
        %dma_wait3A_334 = tpu.memref_slice %arg2[%add3A_324] : memref<12800000xi32, #tpu.memory_space<hbm>> -> memref<1024xi32, #tpu.memory_space<hbm>>
        tpu.wait_dma2 semaphore(%arg28 : memref<!tpu.dma_semaphore, #tpu.memory_space<semaphore_mem>>) src(%dma_wait3A_334 : memref<1024xi32, #tpu.memory_space<hbm>>) dst(%arg9 : memref<1024xi32, #tpu.memory_space<vmem>>)
        %dma_start3A_335 = arith.constant 0 : i32
        %dma_start3A_336 = arith.constant 0 : i32
        %dma_start3A_337 = tpu.memref_slice %arg3[%dma_start3A_335, %dma_start3A_336] : memref<100000x8xf32, #tpu.memory_space<hbm>> -> memref<100000x8xf32, #tpu.memory_space<hbm>>
        tpu.enqueue_indirect_dma source(%dma_start3A_337 : memref<100000x8xf32, #tpu.memory_space<hbm>>) target(%arg10 : memref<1024x8xf32, #tpu.memory_space<vmem>>) offsets(%arg6 : memref<1024xi32, #tpu.memory_space<vmem>>) semaphore(%arg30 : memref<!tpu.dma_semaphore, #tpu.memory_space<semaphore_mem>>)
        %dma_start3A_338 = arith.constant 0 : i32
        %dma_start3A_339 = arith.constant 0 : i32
        %dma_start3A_340 = tpu.memref_slice %arg3[%dma_start3A_338, %dma_start3A_339] : memref<100000x8xf32, #tpu.memory_space<hbm>> -> memref<100000x8xf32, #tpu.memory_space<hbm>>
        tpu.enqueue_indirect_dma source(%dma_start3A_340 : memref<100000x8xf32, #tpu.memory_space<hbm>>) target(%arg11 : memref<1024x8xf32, #tpu.memory_space<vmem>>) offsets(%arg7 : memref<1024xi32, #tpu.memory_space<vmem>>) semaphore(%arg30 : memref<!tpu.dma_semaphore, #tpu.memory_space<semaphore_mem>>)
        %dma_start3A_341 = arith.constant 0 : i32
        %dma_start3A_342 = arith.constant 0 : i32
        %dma_start3A_343 = tpu.memref_slice %arg3[%dma_start3A_341, %dma_start3A_342] : memref<100000x8xf32, #tpu.memory_space<hbm>> -> memref<100000x8xf32, #tpu.memory_space<hbm>>
        tpu.enqueue_indirect_dma source(%dma_start3A_343 : memref<100000x8xf32, #tpu.memory_space<hbm>>) target(%arg12 : memref<1024x8xf32, #tpu.memory_space<vmem>>) offsets(%arg8 : memref<1024xi32, #tpu.memory_space<vmem>>) semaphore(%arg30 : memref<!tpu.dma_semaphore, #tpu.memory_space<semaphore_mem>>)
        %dma_start3A_344 = arith.constant 0 : i32
        %dma_start3A_345 = arith.constant 0 : i32
        %dma_start3A_346 = tpu.memref_slice %arg3[%dma_start3A_344, %dma_start3A_345] : memref<100000x8xf32, #tpu.memory_space<hbm>> -> memref<100000x8xf32, #tpu.memory_space<hbm>>
        tpu.enqueue_indirect_dma source(%dma_start3A_346 : memref<100000x8xf32, #tpu.memory_space<hbm>>) target(%arg13 : memref<1024x8xf32, #tpu.memory_space<vmem>>) offsets(%arg9 : memref<1024xi32, #tpu.memory_space<vmem>>) semaphore(%arg30 : memref<!tpu.dma_semaphore, #tpu.memory_space<semaphore_mem>>)
      } else {
      }
      %dma_wait3A_224 = arith.constant 0 : i32
      %dma_wait3A_225 = arith.constant 0 : i32
      %dma_wait3A_226 = tpu.memref_slice %arg3[%dma_wait3A_224, %dma_wait3A_225] : memref<100000x8xf32, #tpu.memory_space<hbm>> -> memref<100000x8xf32, #tpu.memory_space<hbm>>
      tpu.wait_indirect_dma semaphore(%arg31 : memref<!tpu.dma_semaphore, #tpu.memory_space<semaphore_mem>>) src(%dma_wait3A_226 : memref<100000x8xf32, #tpu.memory_space<hbm>>) dst(%arg21 : memref<1024x8xf32, #tpu.memory_space<vmem>>)
      %dma_wait3A_227 = arith.constant 0 : i32
      %dma_wait3A_228 = arith.constant 0 : i32
      %dma_wait3A_229 = tpu.memref_slice %arg3[%dma_wait3A_227, %dma_wait3A_228] : memref<100000x8xf32, #tpu.memory_space<hbm>> -> memref<100000x8xf32, #tpu.memory_space<hbm>>
      tpu.wait_indirect_dma semaphore(%arg31 : memref<!tpu.dma_semaphore, #tpu.memory_space<semaphore_mem>>) src(%dma_wait3A_229 : memref<100000x8xf32, #tpu.memory_space<hbm>>) dst(%arg22 : memref<1024x8xf32, #tpu.memory_space<vmem>>)
      %dma_wait3A_230 = arith.constant 0 : i32
      %dma_wait3A_231 = arith.constant 0 : i32
      %dma_wait3A_232 = tpu.memref_slice %arg3[%dma_wait3A_230, %dma_wait3A_231] : memref<100000x8xf32, #tpu.memory_space<hbm>> -> memref<100000x8xf32, #tpu.memory_space<hbm>>
      tpu.wait_indirect_dma semaphore(%arg31 : memref<!tpu.dma_semaphore, #tpu.memory_space<semaphore_mem>>) src(%dma_wait3A_232 : memref<100000x8xf32, #tpu.memory_space<hbm>>) dst(%arg23 : memref<1024x8xf32, #tpu.memory_space<vmem>>)
      %dma_wait3A_233 = arith.constant 0 : i32
      %dma_wait3A_234 = arith.constant 0 : i32
      %dma_wait3A_235 = tpu.memref_slice %arg3[%dma_wait3A_233, %dma_wait3A_234] : memref<100000x8xf32, #tpu.memory_space<hbm>> -> memref<100000x8xf32, #tpu.memory_space<hbm>>
      tpu.wait_indirect_dma semaphore(%arg31 : memref<!tpu.dma_semaphore, #tpu.memory_space<semaphore_mem>>) src(%dma_wait3A_235 : memref<100000x8xf32, #tpu.memory_space<hbm>>) dst(%arg24 : memref<1024x8xf32, #tpu.memory_space<vmem>>)
      %scan3A_236 = arith.constant 0 : i32
      %scan3A_237 = arith.constant 0 : i32
      %scan3A_238 = arith.constant 32 : i32
      %scan3A_239 = arith.addi %scan3A_237, %scan3A_238 : i32
      %scan3A_240 = arith.constant 1 : i32
      scf.for %scan3A_307 = %scan3A_237 to %scan3A_239 step %scan3A_240  : i32 {
        %iota3A = tpu.iota {dimensions = array<i32: 0>} : vector<16xi32>
        %mul3A_308 = arith.constant 16 : i32
        %mul3A_309 = arith.muli %scan3A_307, %mul3A_308 : i32
        %add3A_310 = vector.broadcast %mul3A_309 : i32 to vector<16xi32>
        %add3A_311 = arith.addi %iota3A, %add3A_310 : vector<16xi32>
        %gather3A = tpu.vector_load_idx %arg21[%add3A_311, %broadcast_in_dim3A_9] : memref<1024x8xf32, #tpu.memory_space<vmem>>[vector<16xi32>, vector<16xi32>], vector<16xf32>,
        %convert_element_type3A_312 = arith.fptosi %gather3A : vector<16xf32> to vector<16xi32>
        %gather3A_313 = tpu.vector_load_idx %arg22[%add3A_311, %broadcast_in_dim3A_9] : memref<1024x8xf32, #tpu.memory_space<vmem>>[vector<16xi32>, vector<16xi32>], vector<16xf32>,
        %convert_element_type3A_314 = arith.fptosi %gather3A_313 : vector<16xf32> to vector<16xi32>
        %gather3A_315 = tpu.vector_load_idx %arg23[%add3A_311, %broadcast_in_dim3A_9] : memref<1024x8xf32, #tpu.memory_space<vmem>>[vector<16xi32>, vector<16xi32>], vector<16xf32>,
        %convert_element_type3A_316 = arith.fptosi %gather3A_315 : vector<16xf32> to vector<16xi32>
        %gather3A_317 = tpu.vector_load_idx %arg24[%add3A_311, %broadcast_in_dim3A_9] : memref<1024x8xf32, #tpu.memory_space<vmem>>[vector<16xi32>, vector<16xi32>], vector<16xf32>,
        %convert_element_type3A_318 = arith.fptosi %gather3A_317 : vector<16xf32> to vector<16xi32>
        %mul3A_319 = arith.constant 25 : i32
        %mul3A_320 = vector.broadcast %mul3A_319 : i32 to vector<16xi32>
        %mul3A_321 = arith.muli %convert_element_type3A_312, %mul3A_320 : vector<16xi32>
        %add3A_322 = arith.addi %mul3A_321, %convert_element_type3A_314 : vector<16xi32>
        %mul3A_323 = arith.constant 25 : i32
        %mul3A_324 = vector.broadcast %mul3A_323 : i32 to vector<16xi32>
        %mul3A_325 = arith.muli %add3A_322, %mul3A_324 : vector<16xi32>
        %add3A_326 = arith.addi %mul3A_325, %convert_element_type3A_316 : vector<16xi32>
        %mul3A_327 = arith.constant 25 : i32
        %mul3A_328 = vector.broadcast %mul3A_327 : i32 to vector<16xi32>
        %mul3A_329 = arith.muli %add3A_326, %mul3A_328 : vector<16xi32>
        %add3A_330 = arith.addi %mul3A_329, %convert_element_type3A_318 : vector<16xi32>
        %mul3A_331 = arith.constant 16 : i32
        %mul3A_332 = arith.muli %scan3A_307, %mul3A_331 : i32
        %swap3A = arith.index_cast %mul3A_332 : i32 to index
        %swap3A_333 = tpu.vector_load %arg25[%swap3A] {strides = array<i32>} : memref<1024xi32, #tpu.memory_space<vmem>>, vector<16xi32>,
        tpu.vector_store %arg25[%swap3A], %add3A_330 {strides = array<i32>} : memref<1024xi32, #tpu.memory_space<vmem>>, vector<16xi32>,
      }
      %scan3A_241 = arith.constant 32 : i32
      %dma_start3A_242 = arith.constant 0 : i32
      %dma_start3A_243 = arith.constant 0 : i32
      %dma_start3A_244 = tpu.memref_slice %arg26[%dma_start3A_242, %dma_start3A_243] : memref<1024x8xf32, #tpu.memory_space<vmem>> -> memref<512x8xf32, #tpu.memory_space<vmem>>
      %dma_start3A_245 = arith.constant 0 : i32
      %dma_start3A_246 = tpu.memref_slice %arg25[%dma_start3A_245] : memref<1024xi32, #tpu.memory_space<vmem>> -> memref<512xi32, #tpu.memory_space<vmem>>
      %dma_start3A_247 = arith.constant 0 : i32
      %dma_start3A_248 = arith.constant 0 : i32
      %dma_start3A_249 = tpu.memref_slice %arg4[%dma_start3A_247, %dma_start3A_248] : memref<390656x8xf32, #tpu.memory_space<hbm>> -> memref<390656x8xf32, #tpu.memory_space<hbm>>
      tpu.enqueue_indirect_dma source(%dma_start3A_249 : memref<390656x8xf32, #tpu.memory_space<hbm>>) target(%dma_start3A_244 : memref<512x8xf32, #tpu.memory_space<vmem>>) offsets(%dma_start3A_246 : memref<512xi32, #tpu.memory_space<vmem>>) semaphore(%arg33 : memref<!tpu.dma_semaphore, #tpu.memory_space<semaphore_mem>>)
      %scan3A_250 = arith.constant 0 : i32
      %scan3A_251 = arith.constant 32 : i32
      %scan3A_252 = arith.constant 32 : i32
      %scan3A_253 = arith.addi %scan3A_251, %scan3A_252 : i32
      %scan3A_254 = arith.constant 1 : i32
      scf.for %scan3A_307 = %scan3A_251 to %scan3A_253 step %scan3A_254  : i32 {
        %iota3A = tpu.iota {dimensions = array<i32: 0>} : vector<16xi32>
        %mul3A_308 = arith.constant 16 : i32
        %mul3A_309 = arith.muli %scan3A_307, %mul3A_308 : i32
        %add3A_310 = vector.broadcast %mul3A_309 : i32 to vector<16xi32>
        %add3A_311 = arith.addi %iota3A, %add3A_310 : vector<16xi32>
        %gather3A = tpu.vector_load_idx %arg21[%add3A_311, %broadcast_in_dim3A_9] : memref<1024x8xf32, #tpu.memory_space<vmem>>[vector<16xi32>, vector<16xi32>], vector<16xf32>,
        %convert_element_type3A_312 = arith.fptosi %gather3A : vector<16xf32> to vector<16xi32>
        %gather3A_313 = tpu.vector_load_idx %arg22[%add3A_311, %broadcast_in_dim3A_9] : memref<1024x8xf32, #tpu.memory_space<vmem>>[vector<16xi32>, vector<16xi32>], vector<16xf32>,
        %convert_element_type3A_314 = arith.fptosi %gather3A_313 : vector<16xf32> to vector<16xi32>
        %gather3A_315 = tpu.vector_load_idx %arg23[%add3A_311, %broadcast_in_dim3A_9] : memref<1024x8xf32, #tpu.memory_space<vmem>>[vector<16xi32>, vector<16xi32>], vector<16xf32>,
        %convert_element_type3A_316 = arith.fptosi %gather3A_315 : vector<16xf32> to vector<16xi32>
        %gather3A_317 = tpu.vector_load_idx %arg24[%add3A_311, %broadcast_in_dim3A_9] : memref<1024x8xf32, #tpu.memory_space<vmem>>[vector<16xi32>, vector<16xi32>], vector<16xf32>,
        %convert_element_type3A_318 = arith.fptosi %gather3A_317 : vector<16xf32> to vector<16xi32>
        %mul3A_319 = arith.constant 25 : i32
        %mul3A_320 = vector.broadcast %mul3A_319 : i32 to vector<16xi32>
        %mul3A_321 = arith.muli %convert_element_type3A_312, %mul3A_320 : vector<16xi32>
        %add3A_322 = arith.addi %mul3A_321, %convert_element_type3A_314 : vector<16xi32>
        %mul3A_323 = arith.constant 25 : i32
        %mul3A_324 = vector.broadcast %mul3A_323 : i32 to vector<16xi32>
        %mul3A_325 = arith.muli %add3A_322, %mul3A_324 : vector<16xi32>
        %add3A_326 = arith.addi %mul3A_325, %convert_element_type3A_316 : vector<16xi32>
        %mul3A_327 = arith.constant 25 : i32
        %mul3A_328 = vector.broadcast %mul3A_327 : i32 to vector<16xi32>
        %mul3A_329 = arith.muli %add3A_326, %mul3A_328 : vector<16xi32>
        %add3A_330 = arith.addi %mul3A_329, %convert_element_type3A_318 : vector<16xi32>
        %mul3A_331 = arith.constant 16 : i32
        %mul3A_332 = arith.muli %scan3A_307, %mul3A_331 : i32
        %swap3A = arith.index_cast %mul3A_332 : i32 to index
        %swap3A_333 = tpu.vector_load %arg25[%swap3A] {strides = array<i32>} : memref<1024xi32, #tpu.memory_space<vmem>>, vector<16xi32>,
        tpu.vector_store %arg25[%swap3A], %add3A_330 {strides = array<i32>} : memref<1024xi32, #tpu.memory_space<vmem>>, vector<16xi32>,
      }
      %scan3A_255 = arith.constant 32 : i32
      %dma_start3A_256 = arith.constant 512 : i32
      %dma_start3A_257 = arith.constant 0 : i32
      %dma_start3A_258 = tpu.memref_slice %arg26[%dma_start3A_256, %dma_start3A_257] : memref<1024x8xf32, #tpu.memory_space<vmem>> -> memref<512x8xf32, #tpu.memory_space<vmem>>
      %dma_start3A_259 = arith.constant 512 : i32
      %dma_start3A_260 = tpu.memref_slice %arg25[%dma_start3A_259] : memref<1024xi32, #tpu.memory_space<vmem>> -> memref<512xi32, #tpu.memory_space<vmem>>
      %dma_start3A_261 = arith.constant 0 : i32
      %dma_start3A_262 = arith.constant 0 : i32
      %dma_start3A_263 = tpu.memref_slice %arg4[%dma_start3A_261, %dma_start3A_262] : memref<390656x8xf32, #tpu.memory_space<hbm>> -> memref<390656x8xf32, #tpu.memory_space<hbm>>
      tpu.enqueue_indirect_dma source(%dma_start3A_263 : memref<390656x8xf32, #tpu.memory_space<hbm>>) target(%dma_start3A_258 : memref<512x8xf32, #tpu.memory_space<vmem>>) offsets(%dma_start3A_260 : memref<512xi32, #tpu.memory_space<vmem>>) semaphore(%arg33 : memref<!tpu.dma_semaphore, #tpu.memory_space<semaphore_mem>>)
      %dma_wait3A_264 = arith.constant 0 : i32
      %dma_wait3A_265 = arith.constant 0 : i32
      %dma_wait3A_266 = tpu.memref_slice %arg26[%dma_wait3A_264, %dma_wait3A_265] : memref<1024x8xf32, #tpu.memory_space<vmem>> -> memref<512x8xf32, #tpu.memory_space<vmem>>
      %dma_wait3A_267 = arith.constant 0 : i32
      %dma_wait3A_268 = tpu.memref_slice %arg25[%dma_wait3A_267] : memref<1024xi32, #tpu.memory_space<vmem>> -> memref<512xi32, #tpu.memory_space<vmem>>
      %dma_wait3A_269 = arith.constant 0 : i32
      %dma_wait3A_270 = arith.constant 0 : i32
      %dma_wait3A_271 = tpu.memref_slice %arg4[%dma_wait3A_269, %dma_wait3A_270] : memref<390656x8xf32, #tpu.memory_space<hbm>> -> memref<390656x8xf32, #tpu.memory_space<hbm>>
      tpu.wait_indirect_dma semaphore(%arg33 : memref<!tpu.dma_semaphore, #tpu.memory_space<semaphore_mem>>) src(%dma_wait3A_271 : memref<390656x8xf32, #tpu.memory_space<hbm>>) dst(%dma_wait3A_266 : memref<512x8xf32, #tpu.memory_space<vmem>>)
      %gt3A_272 = arith.constant 0 : i32
      %gt3A_273 = arith.cmpi sgt, %while3A_91, %gt3A_272 : i32
      %convert_element_type3A_274 = arith.extui %gt3A_273 : i1 to i32
      %cond3A_275 = arith.constant 0 : i32
      %cond3A_276 = arith.cmpi ne, %convert_element_type3A_274, %cond3A_275 : i32
      scf.if %cond3A_276 {
        %dma_wait3A_307 = arith.constant 0 : i32
        %dma_wait3A_308 = tpu.memref_slice %arg5[%dma_wait3A_307] : memref<3200000xf32, #tpu.memory_space<hbm>> -> memref<1024xf32, #tpu.memory_space<hbm>>
        %dma_wait3A_309 = arith.constant 0 : i32
        %dma_wait3A_310 = tpu.memref_slice %arg5[%dma_wait3A_309] : memref<3200000xf32, #tpu.memory_space<hbm>> -> memref<1024xf32, #tpu.memory_space<hbm>>
        tpu.wait_dma2 semaphore(%arg35 : memref<!tpu.dma_semaphore, #tpu.memory_space<semaphore_mem>>) src(%arg27 : memref<1024xf32, #tpu.memory_space<vmem>>) dst(%dma_wait3A_310 : memref<1024xf32, #tpu.memory_space<hbm>>)
      } else {
      }
      %scan3A_277 = arith.constant 0 : i32
      %scan3A_278 = arith.constant 0 : i32
      %scan3A_279 = arith.constant 32 : i32
      %scan3A_280 = arith.addi %scan3A_278, %scan3A_279 : i32
      %scan3A_281 = arith.constant 1 : i32
      scf.for %scan3A_307 = %scan3A_278 to %scan3A_280 step %scan3A_281  : i32 {
        %iota3A = tpu.iota {dimensions = array<i32: 0>} : vector<16xi32>
        %mul3A_308 = arith.constant 16 : i32
        %mul3A_309 = arith.muli %scan3A_307, %mul3A_308 : i32
        %add3A_310 = vector.broadcast %mul3A_309 : i32 to vector<16xi32>
        %add3A_311 = arith.addi %iota3A, %add3A_310 : vector<16xi32>
        %gather3A = tpu.vector_load_idx %arg21[%add3A_311, %broadcast_in_dim3A_3] : memref<1024x8xf32, #tpu.memory_space<vmem>>[vector<16xi32>, vector<16xi32>], vector<16xf32>,
        %gather3A_312 = tpu.vector_load_idx %arg21[%add3A_311, %broadcast_in_dim3A_5] : memref<1024x8xf32, #tpu.memory_space<vmem>>[vector<16xi32>, vector<16xi32>], vector<16xf32>,
        %gather3A_313 = tpu.vector_load_idx %arg21[%add3A_311, %broadcast_in_dim3A_7] : memref<1024x8xf32, #tpu.memory_space<vmem>>[vector<16xi32>, vector<16xi32>], vector<16xf32>,
        %gather3A_314 = tpu.vector_load_idx %arg22[%add3A_311, %broadcast_in_dim3A_3] : memref<1024x8xf32, #tpu.memory_space<vmem>>[vector<16xi32>, vector<16xi32>], vector<16xf32>,
        %gather3A_315 = tpu.vector_load_idx %arg22[%add3A_311, %broadcast_in_dim3A_5] : memref<1024x8xf32, #tpu.memory_space<vmem>>[vector<16xi32>, vector<16xi32>], vector<16xf32>,
        %gather3A_316 = tpu.vector_load_idx %arg22[%add3A_311, %broadcast_in_dim3A_7] : memref<1024x8xf32, #tpu.memory_space<vmem>>[vector<16xi32>, vector<16xi32>], vector<16xf32>,
        %gather3A_317 = tpu.vector_load_idx %arg23[%add3A_311, %broadcast_in_dim3A_3] : memref<1024x8xf32, #tpu.memory_space<vmem>>[vector<16xi32>, vector<16xi32>], vector<16xf32>,
        %gather3A_318 = tpu.vector_load_idx %arg23[%add3A_311, %broadcast_in_dim3A_5] : memref<1024x8xf32, #tpu.memory_space<vmem>>[vector<16xi32>, vector<16xi32>], vector<16xf32>,
        %gather3A_319 = tpu.vector_load_idx %arg23[%add3A_311, %broadcast_in_dim3A_7] : memref<1024x8xf32, #tpu.memory_space<vmem>>[vector<16xi32>, vector<16xi32>], vector<16xf32>,
        %gather3A_320 = tpu.vector_load_idx %arg24[%add3A_311, %broadcast_in_dim3A_3] : memref<1024x8xf32, #tpu.memory_space<vmem>>[vector<16xi32>, vector<16xi32>], vector<16xf32>,
        %gather3A_321 = tpu.vector_load_idx %arg24[%add3A_311, %broadcast_in_dim3A_5] : memref<1024x8xf32, #tpu.memory_space<vmem>>[vector<16xi32>, vector<16xi32>], vector<16xf32>,
        %gather3A_322 = tpu.vector_load_idx %arg24[%add3A_311, %broadcast_in_dim3A_7] : memref<1024x8xf32, #tpu.memory_space<vmem>>[vector<16xi32>, vector<16xi32>], vector<16xf32>,
        %sub3A = arith.subf %gather3A_314, %gather3A : vector<16xf32>
        %sub3A_323 = arith.subf %gather3A_315, %gather3A_312 : vector<16xf32>
        %sub3A_324 = arith.subf %gather3A_316, %gather3A_313 : vector<16xf32>
        %sub3A_325 = arith.subf %gather3A_317, %gather3A_314 : vector<16xf32>
        %sub3A_326 = arith.subf %gather3A_318, %gather3A_315 : vector<16xf32>
        %sub3A_327 = arith.subf %gather3A_319, %gather3A_316 : vector<16xf32>
        %sub3A_328 = arith.subf %gather3A_320, %gather3A_317 : vector<16xf32>
        %sub3A_329 = arith.subf %gather3A_321, %gather3A_318 : vector<16xf32>
        %sub3A_330 = arith.subf %gather3A_322, %gather3A_319 : vector<16xf32>
        %mul3A_331 = arith.mulf %sub3A_323, %sub3A_327 : vector<16xf32>
        %mul3A_332 = arith.mulf %sub3A_324, %sub3A_326 : vector<16xf32>
        %sub3A_333 = arith.subf %mul3A_331, %mul3A_332 : vector<16xf32>
        %mul3A_334 = arith.mulf %sub3A_324, %sub3A_325 : vector<16xf32>
        %mul3A_335 = arith.mulf %sub3A, %sub3A_327 : vector<16xf32>
        %sub3A_336 = arith.subf %mul3A_334, %mul3A_335 : vector<16xf32>
        %mul3A_337 = arith.mulf %sub3A, %sub3A_326 : vector<16xf32>
        %mul3A_338 = arith.mulf %sub3A_323, %sub3A_325 : vector<16xf32>
        %sub3A_339 = arith.subf %mul3A_337, %mul3A_338 : vector<16xf32>
        %mul3A_340 = arith.mulf %sub3A_326, %sub3A_330 : vector<16xf32>
        %mul3A_341 = arith.mulf %sub3A_327, %sub3A_329 : vector<16xf32>
        %sub3A_342 = arith.subf %mul3A_340, %mul3A_341 : vector<16xf32>
        %mul3A_343 = arith.mulf %sub3A_327, %sub3A_328 : vector<16xf32>
        %mul3A_344 = arith.mulf %sub3A_325, %sub3A_330 : vector<16xf32>
        %sub3A_345 = arith.subf %mul3A_343, %mul3A_344 : vector<16xf32>
        %mul3A_346 = arith.mulf %sub3A_325, %sub3A_329 : vector<16xf32>
        %mul3A_347 = arith.mulf %sub3A_326, %sub3A_328 : vector<16xf32>
        %sub3A_348 = arith.subf %mul3A_346, %mul3A_347 : vector<16xf32>
        %mul3A_349 = arith.mulf %sub3A_336, %sub3A_327 : vector<16xf32>
        %mul3A_350 = arith.mulf %sub3A_339, %sub3A_326 : vector<16xf32>
        %sub3A_351 = arith.subf %mul3A_349, %mul3A_350 : vector<16xf32>
        %mul3A_352 = arith.mulf %sub3A_339, %sub3A_325 : vector<16xf32>
        %mul3A_353 = arith.mulf %sub3A_333, %sub3A_327 : vector<16xf32>
        %sub3A_354 = arith.subf %mul3A_352, %mul3A_353 : vector<16xf32>
        %mul3A_355 = arith.mulf %sub3A_333, %sub3A_326 : vector<16xf32>
        %mul3A_356 = arith.mulf %sub3A_336, %sub3A_325 : vector<16xf32>
        %sub3A_357 = arith.subf %mul3A_355, %mul3A_356 : vector<16xf32>
        %mul3A_358 = arith.mulf %sub3A_333, %sub3A_342 : vector<16xf32>
        %mul3A_359 = arith.mulf %sub3A_336, %sub3A_345 : vector<16xf32>
        %add3A_360 = arith.addf %mul3A_358, %mul3A_359 : vector<16xf32>
        %mul3A_361 = arith.mulf %sub3A_339, %sub3A_348 : vector<16xf32>
        %add3A_362 = arith.addf %add3A_360, %mul3A_361 : vector<16xf32>
        %mul3A_363 = arith.mulf %sub3A_351, %sub3A_342 : vector<16xf32>
        %mul3A_364 = arith.mulf %sub3A_354, %sub3A_345 : vector<16xf32>
        %add3A_365 = arith.addf %mul3A_363, %mul3A_364 : vector<16xf32>
        %mul3A_366 = arith.mulf %sub3A_357, %sub3A_348 : vector<16xf32>
        %add3A_367 = arith.addf %add3A_365, %mul3A_366 : vector<16xf32>
        %mul3A_368 = arith.mulf %sub3A_325, %sub3A_325 : vector<16xf32>
        %mul3A_369 = arith.mulf %sub3A_326, %sub3A_326 : vector<16xf32>
        %add3A_370 = arith.addf %mul3A_368, %mul3A_369 : vector<16xf32>
        %mul3A_371 = arith.mulf %sub3A_327, %sub3A_327 : vector<16xf32>
        %add3A_372 = arith.addf %add3A_370, %mul3A_371 : vector<16xf32>
        %mul3A_373 = arith.mulf %add3A_362, %add3A_362 : vector<16xf32>
        %mul3A_374 = arith.mulf %mul3A_373, %add3A_372 : vector<16xf32>
        %mul3A_375 = arith.mulf %add3A_367, %add3A_367 : vector<16xf32>
        %add3A_376 = arith.addf %mul3A_374, %mul3A_375 : vector<16xf32>
        %bitcast3A = vector.bitcast %add3A_376 : vector<16xf32> to vector<16xi32>
        %shift_right_logical3A = arith.constant 1 : i32
        %shift_right_logical3A_377 = vector.broadcast %shift_right_logical3A : i32 to vector<16xi32>
        %shift_right_logical3A_378 = arith.shrui %bitcast3A, %shift_right_logical3A_377 : vector<16xi32>
        %sub3A_379 = arith.constant 1597463007 : i32
        %sub3A_380 = vector.broadcast %sub3A_379 : i32 to vector<16xi32>
        %sub3A_381 = arith.subi %sub3A_380, %shift_right_logical3A_378 : vector<16xi32>
        %bitcast3A_382 = vector.bitcast %sub3A_381 : vector<16xi32> to vector<16xf32>
        %mul3A_383 = arith.constant 5.000000e-01 : f32
        %mul3A_384 = vector.broadcast %mul3A_383 : f32 to vector<16xf32>
        %mul3A_385 = arith.mulf %mul3A_384, %add3A_376 : vector<16xf32>
        %mul3A_386 = arith.mulf %mul3A_385, %bitcast3A_382 : vector<16xf32>
        %mul3A_387 = arith.mulf %mul3A_386, %bitcast3A_382 : vector<16xf32>
        %sub3A_388 = arith.constant 1.500000e+00 : f32
        %sub3A_389 = vector.broadcast %sub3A_388 : f32 to vector<16xf32>
        %sub3A_390 = arith.subf %sub3A_389, %mul3A_387 : vector<16xf32>
        %mul3A_391 = arith.mulf %bitcast3A_382, %sub3A_390 : vector<16xf32>
        %mul3A_392 = arith.constant 5.000000e-01 : f32
        %mul3A_393 = vector.broadcast %mul3A_392 : f32 to vector<16xf32>
        %mul3A_394 = arith.mulf %mul3A_393, %add3A_376 : vector<16xf32>
        %mul3A_395 = arith.mulf %mul3A_394, %mul3A_391 : vector<16xf32>
        %mul3A_396 = arith.mulf %mul3A_395, %mul3A_391 : vector<16xf32>
        %sub3A_397 = arith.constant 1.500000e+00 : f32
        %sub3A_398 = vector.broadcast %sub3A_397 : f32 to vector<16xf32>
        %sub3A_399 = arith.subf %sub3A_398, %mul3A_396 : vector<16xf32>
        %mul3A_400 = arith.mulf %mul3A_391, %sub3A_399 : vector<16xf32>
        %bitcast3A_401 = vector.bitcast %add3A_372 : vector<16xf32> to vector<16xi32>
        %shift_right_logical3A_402 = arith.constant 1 : i32
        %shift_right_logical3A_403 = vector.broadcast %shift_right_logical3A_402 : i32 to vector<16xi32>
        %shift_right_logical3A_404 = arith.shrui %bitcast3A_401, %shift_right_logical3A_403 : vector<16xi32>
        %sub3A_405 = arith.constant 1597463007 : i32
        %sub3A_406 = vector.broadcast %sub3A_405 : i32 to vector<16xi32>
        %sub3A_407 = arith.subi %sub3A_406, %shift_right_logical3A_404 : vector<16xi32>
        %bitcast3A_408 = vector.bitcast %sub3A_407 : vector<16xi32> to vector<16xf32>
        %mul3A_409 = arith.constant 5.000000e-01 : f32
        %mul3A_410 = vector.broadcast %mul3A_409 : f32 to vector<16xf32>
        %mul3A_411 = arith.mulf %mul3A_410, %add3A_372 : vector<16xf32>
        %mul3A_412 = arith.mulf %mul3A_411, %bitcast3A_408 : vector<16xf32>
        %mul3A_413 = arith.mulf %mul3A_412, %bitcast3A_408 : vector<16xf32>
        %sub3A_414 = arith.constant 1.500000e+00 : f32
        %sub3A_415 = vector.broadcast %sub3A_414 : f32 to vector<16xf32>
        %sub3A_416 = arith.subf %sub3A_415, %mul3A_413 : vector<16xf32>
        %mul3A_417 = arith.mulf %bitcast3A_408, %sub3A_416 : vector<16xf32>
        %mul3A_418 = arith.constant 5.000000e-01 : f32
        %mul3A_419 = vector.broadcast %mul3A_418 : f32 to vector<16xf32>
        %mul3A_420 = arith.mulf %mul3A_419, %add3A_372 : vector<16xf32>
        %mul3A_421 = arith.mulf %mul3A_420, %mul3A_417 : vector<16xf32>
        %mul3A_422 = arith.mulf %mul3A_421, %mul3A_417 : vector<16xf32>
        %sub3A_423 = arith.constant 1.500000e+00 : f32
        %sub3A_424 = vector.broadcast %sub3A_423 : f32 to vector<16xf32>
        %sub3A_425 = arith.subf %sub3A_424, %mul3A_422 : vector<16xf32>
        %mul3A_426 = arith.mulf %mul3A_417, %sub3A_425 : vector<16xf32>
        %mul3A_427 = arith.mulf %add3A_372, %mul3A_426 : vector<16xf32>
        %mul3A_428 = arith.mulf %add3A_362, %mul3A_427 : vector<16xf32>
        %mul3A_429 = arith.mulf %mul3A_428, %mul3A_400 : vector<16xf32>
        %mul3A_430 = arith.mulf %add3A_367, %mul3A_400 : vector<16xf32>
        %gt3A_431 = arith.constant 0.000000e+00 : f32
        %gt3A_432 = vector.broadcast %gt3A_431 : f32 to vector<16xf32>
        %gt3A_433 = arith.cmpf ogt, %add3A_376, %gt3A_432 : vector<16xf32>
        %jit3A_434 = arith.constant 1.000000e+00 : f32
        %broadcast_in_dim3A_435 = vector.broadcast %jit3A_434 : f32 to vector<16xf32>
        %select_n3A_436 = arith.select %gt3A_433, %mul3A_429, %broadcast_in_dim3A_435 : vector<16xi1>, vector<16xf32>
        %jit3A_437 = arith.constant 0.000000e+00 : f32
        %broadcast_in_dim3A_438 = vector.broadcast %jit3A_437 : f32 to vector<16xf32>
        %select_n3A_439 = arith.select %gt3A_433, %mul3A_430, %broadcast_in_dim3A_438 : vector<16xi1>, vector<16xf32>
        %gather3A_440 = tpu.vector_load_idx %arg26[%add3A_311, %broadcast_in_dim3A_3] : memref<1024x8xf32, #tpu.memory_space<vmem>>[vector<16xi32>, vector<16xi32>], vector<16xf32>,
        %gather3A_441 = tpu.vector_load_idx %arg26[%add3A_311, %broadcast_in_dim3A_5] : memref<1024x8xf32, #tpu.memory_space<vmem>>[vector<16xi32>, vector<16xi32>], vector<16xf32>,
        %gather3A_442 = tpu.vector_load_idx %arg26[%add3A_311, %broadcast_in_dim3A_7] : memref<1024x8xf32, #tpu.memory_space<vmem>>[vector<16xi32>, vector<16xi32>], vector<16xf32>,
        %gather3A_443 = tpu.vector_load_idx %arg26[%add3A_311, %broadcast_in_dim3A_9] : memref<1024x8xf32, #tpu.memory_space<vmem>>[vector<16xi32>, vector<16xi32>], vector<16xf32>,
        %gather3A_444 = tpu.vector_load_idx %arg26[%add3A_311, %broadcast_in_dim3A_11] : memref<1024x8xf32, #tpu.memory_space<vmem>>[vector<16xi32>, vector<16xi32>], vector<16xf32>,
        %mul3A_445 = arith.mulf %gather3A_441, %select_n3A_436 : vector<16xf32>
        %sub3A_446 = arith.subf %gather3A_440, %mul3A_445 : vector<16xf32>
        %mul3A_447 = arith.mulf %gather3A_442, %select_n3A_439 : vector<16xf32>
        %sub3A_448 = arith.subf %sub3A_446, %mul3A_447 : vector<16xf32>
        %mul3A_449 = arith.mulf %select_n3A_436, %select_n3A_436 : vector<16xf32>
        %mul3A_450 = arith.mulf %gather3A_443, %mul3A_449 : vector<16xf32>
        %sub3A_451 = arith.subf %sub3A_448, %mul3A_450 : vector<16xf32>
        %mul3A_452 = arith.mulf %select_n3A_439, %select_n3A_436 : vector<16xf32>
        %mul3A_453 = arith.mulf %gather3A_444, %mul3A_452 : vector<16xf32>
        %sub3A_454 = arith.subf %sub3A_451, %mul3A_453 : vector<16xf32>
        %gt3A_455 = arith.constant 0.000000e+00 : f32
        %gt3A_456 = vector.broadcast %gt3A_455 : f32 to vector<16xf32>
        %gt3A_457 = arith.cmpf ogt, %add3A_372, %gt3A_456 : vector<16xf32>
        %jit3A_458 = arith.constant 0x7FC00000 : f32
        %broadcast_in_dim3A_459 = vector.broadcast %jit3A_458 : f32 to vector<16xf32>
        %select_n3A_460 = arith.select %gt3A_457, %sub3A_454, %broadcast_in_dim3A_459 : vector<16xi1>, vector<16xf32>
        %mul3A_461 = arith.constant 16 : i32
        %mul3A_462 = arith.muli %scan3A_307, %mul3A_461 : i32
        %swap3A = arith.index_cast %mul3A_462 : i32 to index
        %swap3A_463 = tpu.vector_load %arg27[%swap3A] {strides = array<i32>} : memref<1024xf32, #tpu.memory_space<vmem>>, vector<16xf32>,
        tpu.vector_store %arg27[%swap3A], %select_n3A_460 {strides = array<i32>} : memref<1024xf32, #tpu.memory_space<vmem>>, vector<16xf32>,
      }
      %scan3A_282 = arith.constant 32 : i32
      %dma_wait3A_283 = arith.constant 512 : i32
      %dma_wait3A_284 = arith.constant 0 : i32
      %dma_wait3A_285 = tpu.memref_slice %arg26[%dma_wait3A_283, %dma_wait3A_284] : memref<1024x8xf32, #tpu.memory_space<vmem>> -> memref<512x8xf32, #tpu.memory_space<vmem>>
      %dma_wait3A_286 = arith.constant 512 : i32
      %dma_wait3A_287 = tpu.memref_slice %arg25[%dma_wait3A_286] : memref<1024xi32, #tpu.memory_space<vmem>> -> memref<512xi32, #tpu.memory_space<vmem>>
      %dma_wait3A_288 = arith.constant 0 : i32
      %dma_wait3A_289 = arith.constant 0 : i32
      %dma_wait3A_290 = tpu.memref_slice %arg4[%dma_wait3A_288, %dma_wait3A_289] : memref<390656x8xf32, #tpu.memory_space<hbm>> -> memref<390656x8xf32, #tpu.memory_space<hbm>>
      tpu.wait_indirect_dma semaphore(%arg33 : memref<!tpu.dma_semaphore, #tpu.memory_space<semaphore_mem>>) src(%dma_wait3A_290 : memref<390656x8xf32, #tpu.memory_space<hbm>>) dst(%dma_wait3A_285 : memref<512x8xf32, #tpu.memory_space<vmem>>)
      %scan3A_291 = arith.constant 0 : i32
      %scan3A_292 = arith.constant 32 : i32
      %scan3A_293 = arith.constant 32 : i32
      %scan3A_294 = arith.addi %scan3A_292, %scan3A_293 : i32
      %scan3A_295 = arith.constant 1 : i32
      scf.for %scan3A_307 = %scan3A_292 to %scan3A_294 step %scan3A_295  : i32 {
        %iota3A = tpu.iota {dimensions = array<i32: 0>} : vector<16xi32>
        %mul3A_308 = arith.constant 16 : i32
        %mul3A_309 = arith.muli %scan3A_307, %mul3A_308 : i32
        %add3A_310 = vector.broadcast %mul3A_309 : i32 to vector<16xi32>
        %add3A_311 = arith.addi %iota3A, %add3A_310 : vector<16xi32>
        %gather3A = tpu.vector_load_idx %arg21[%add3A_311, %broadcast_in_dim3A_3] : memref<1024x8xf32, #tpu.memory_space<vmem>>[vector<16xi32>, vector<16xi32>], vector<16xf32>,
        %gather3A_312 = tpu.vector_load_idx %arg21[%add3A_311, %broadcast_in_dim3A_5] : memref<1024x8xf32, #tpu.memory_space<vmem>>[vector<16xi32>, vector<16xi32>], vector<16xf32>,
        %gather3A_313 = tpu.vector_load_idx %arg21[%add3A_311, %broadcast_in_dim3A_7] : memref<1024x8xf32, #tpu.memory_space<vmem>>[vector<16xi32>, vector<16xi32>], vector<16xf32>,
        %gather3A_314 = tpu.vector_load_idx %arg22[%add3A_311, %broadcast_in_dim3A_3] : memref<1024x8xf32, #tpu.memory_space<vmem>>[vector<16xi32>, vector<16xi32>], vector<16xf32>,
        %gather3A_315 = tpu.vector_load_idx %arg22[%add3A_311, %broadcast_in_dim3A_5] : memref<1024x8xf32, #tpu.memory_space<vmem>>[vector<16xi32>, vector<16xi32>], vector<16xf32>,
        %gather3A_316 = tpu.vector_load_idx %arg22[%add3A_311, %broadcast_in_dim3A_7] : memref<1024x8xf32, #tpu.memory_space<vmem>>[vector<16xi32>, vector<16xi32>], vector<16xf32>,
        %gather3A_317 = tpu.vector_load_idx %arg23[%add3A_311, %broadcast_in_dim3A_3] : memref<1024x8xf32, #tpu.memory_space<vmem>>[vector<16xi32>, vector<16xi32>], vector<16xf32>,
        %gather3A_318 = tpu.vector_load_idx %arg23[%add3A_311, %broadcast_in_dim3A_5] : memref<1024x8xf32, #tpu.memory_space<vmem>>[vector<16xi32>, vector<16xi32>], vector<16xf32>,
        %gather3A_319 = tpu.vector_load_idx %arg23[%add3A_311, %broadcast_in_dim3A_7] : memref<1024x8xf32, #tpu.memory_space<vmem>>[vector<16xi32>, vector<16xi32>], vector<16xf32>,
        %gather3A_320 = tpu.vector_load_idx %arg24[%add3A_311, %broadcast_in_dim3A_3] : memref<1024x8xf32, #tpu.memory_space<vmem>>[vector<16xi32>, vector<16xi32>], vector<16xf32>,
        %gather3A_321 = tpu.vector_load_idx %arg24[%add3A_311, %broadcast_in_dim3A_5] : memref<1024x8xf32, #tpu.memory_space<vmem>>[vector<16xi32>, vector<16xi32>], vector<16xf32>,
        %gather3A_322 = tpu.vector_load_idx %arg24[%add3A_311, %broadcast_in_dim3A_7] : memref<1024x8xf32, #tpu.memory_space<vmem>>[vector<16xi32>, vector<16xi32>], vector<16xf32>,
        %sub3A = arith.subf %gather3A_314, %gather3A : vector<16xf32>
        %sub3A_323 = arith.subf %gather3A_315, %gather3A_312 : vector<16xf32>
        %sub3A_324 = arith.subf %gather3A_316, %gather3A_313 : vector<16xf32>
        %sub3A_325 = arith.subf %gather3A_317, %gather3A_314 : vector<16xf32>
        %sub3A_326 = arith.subf %gather3A_318, %gather3A_315 : vector<16xf32>
        %sub3A_327 = arith.subf %gather3A_319, %gather3A_316 : vector<16xf32>
        %sub3A_328 = arith.subf %gather3A_320, %gather3A_317 : vector<16xf32>
        %sub3A_329 = arith.subf %gather3A_321, %gather3A_318 : vector<16xf32>
        %sub3A_330 = arith.subf %gather3A_322, %gather3A_319 : vector<16xf32>
        %mul3A_331 = arith.mulf %sub3A_323, %sub3A_327 : vector<16xf32>
        %mul3A_332 = arith.mulf %sub3A_324, %sub3A_326 : vector<16xf32>
        %sub3A_333 = arith.subf %mul3A_331, %mul3A_332 : vector<16xf32>
        %mul3A_334 = arith.mulf %sub3A_324, %sub3A_325 : vector<16xf32>
        %mul3A_335 = arith.mulf %sub3A, %sub3A_327 : vector<16xf32>
        %sub3A_336 = arith.subf %mul3A_334, %mul3A_335 : vector<16xf32>
        %mul3A_337 = arith.mulf %sub3A, %sub3A_326 : vector<16xf32>
        %mul3A_338 = arith.mulf %sub3A_323, %sub3A_325 : vector<16xf32>
        %sub3A_339 = arith.subf %mul3A_337, %mul3A_338 : vector<16xf32>
        %mul3A_340 = arith.mulf %sub3A_326, %sub3A_330 : vector<16xf32>
        %mul3A_341 = arith.mulf %sub3A_327, %sub3A_329 : vector<16xf32>
        %sub3A_342 = arith.subf %mul3A_340, %mul3A_341 : vector<16xf32>
        %mul3A_343 = arith.mulf %sub3A_327, %sub3A_328 : vector<16xf32>
        %mul3A_344 = arith.mulf %sub3A_325, %sub3A_330 : vector<16xf32>
        %sub3A_345 = arith.subf %mul3A_343, %mul3A_344 : vector<16xf32>
        %mul3A_346 = arith.mulf %sub3A_325, %sub3A_329 : vector<16xf32>
        %mul3A_347 = arith.mulf %sub3A_326, %sub3A_328 : vector<16xf32>
        %sub3A_348 = arith.subf %mul3A_346, %mul3A_347 : vector<16xf32>
        %mul3A_349 = arith.mulf %sub3A_336, %sub3A_327 : vector<16xf32>
        %mul3A_350 = arith.mulf %sub3A_339, %sub3A_326 : vector<16xf32>
        %sub3A_351 = arith.subf %mul3A_349, %mul3A_350 : vector<16xf32>
        %mul3A_352 = arith.mulf %sub3A_339, %sub3A_325 : vector<16xf32>
        %mul3A_353 = arith.mulf %sub3A_333, %sub3A_327 : vector<16xf32>
        %sub3A_354 = arith.subf %mul3A_352, %mul3A_353 : vector<16xf32>
        %mul3A_355 = arith.mulf %sub3A_333, %sub3A_326 : vector<16xf32>
        %mul3A_356 = arith.mulf %sub3A_336, %sub3A_325 : vector<16xf32>
        %sub3A_357 = arith.subf %mul3A_355, %mul3A_356 : vector<16xf32>
        %mul3A_358 = arith.mulf %sub3A_333, %sub3A_342 : vector<16xf32>
        %mul3A_359 = arith.mulf %sub3A_336, %sub3A_345 : vector<16xf32>
        %add3A_360 = arith.addf %mul3A_358, %mul3A_359 : vector<16xf32>
        %mul3A_361 = arith.mulf %sub3A_339, %sub3A_348 : vector<16xf32>
        %add3A_362 = arith.addf %add3A_360, %mul3A_361 : vector<16xf32>
        %mul3A_363 = arith.mulf %sub3A_351, %sub3A_342 : vector<16xf32>
        %mul3A_364 = arith.mulf %sub3A_354, %sub3A_345 : vector<16xf32>
        %add3A_365 = arith.addf %mul3A_363, %mul3A_364 : vector<16xf32>
        %mul3A_366 = arith.mulf %sub3A_357, %sub3A_348 : vector<16xf32>
        %add3A_367 = arith.addf %add3A_365, %mul3A_366 : vector<16xf32>
        %mul3A_368 = arith.mulf %sub3A_325, %sub3A_325 : vector<16xf32>
        %mul3A_369 = arith.mulf %sub3A_326, %sub3A_326 : vector<16xf32>
        %add3A_370 = arith.addf %mul3A_368, %mul3A_369 : vector<16xf32>
        %mul3A_371 = arith.mulf %sub3A_327, %sub3A_327 : vector<16xf32>
        %add3A_372 = arith.addf %add3A_370, %mul3A_371 : vector<16xf32>
        %mul3A_373 = arith.mulf %add3A_362, %add3A_362 : vector<16xf32>
        %mul3A_374 = arith.mulf %mul3A_373, %add3A_372 : vector<16xf32>
        %mul3A_375 = arith.mulf %add3A_367, %add3A_367 : vector<16xf32>
        %add3A_376 = arith.addf %mul3A_374, %mul3A_375 : vector<16xf32>
        %bitcast3A = vector.bitcast %add3A_376 : vector<16xf32> to vector<16xi32>
        %shift_right_logical3A = arith.constant 1 : i32
        %shift_right_logical3A_377 = vector.broadcast %shift_right_logical3A : i32 to vector<16xi32>
        %shift_right_logical3A_378 = arith.shrui %bitcast3A, %shift_right_logical3A_377 : vector<16xi32>
        %sub3A_379 = arith.constant 1597463007 : i32
        %sub3A_380 = vector.broadcast %sub3A_379 : i32 to vector<16xi32>
        %sub3A_381 = arith.subi %sub3A_380, %shift_right_logical3A_378 : vector<16xi32>
        %bitcast3A_382 = vector.bitcast %sub3A_381 : vector<16xi32> to vector<16xf32>
        %mul3A_383 = arith.constant 5.000000e-01 : f32
        %mul3A_384 = vector.broadcast %mul3A_383 : f32 to vector<16xf32>
        %mul3A_385 = arith.mulf %mul3A_384, %add3A_376 : vector<16xf32>
        %mul3A_386 = arith.mulf %mul3A_385, %bitcast3A_382 : vector<16xf32>
        %mul3A_387 = arith.mulf %mul3A_386, %bitcast3A_382 : vector<16xf32>
        %sub3A_388 = arith.constant 1.500000e+00 : f32
        %sub3A_389 = vector.broadcast %sub3A_388 : f32 to vector<16xf32>
        %sub3A_390 = arith.subf %sub3A_389, %mul3A_387 : vector<16xf32>
        %mul3A_391 = arith.mulf %bitcast3A_382, %sub3A_390 : vector<16xf32>
        %mul3A_392 = arith.constant 5.000000e-01 : f32
        %mul3A_393 = vector.broadcast %mul3A_392 : f32 to vector<16xf32>
        %mul3A_394 = arith.mulf %mul3A_393, %add3A_376 : vector<16xf32>
        %mul3A_395 = arith.mulf %mul3A_394, %mul3A_391 : vector<16xf32>
        %mul3A_396 = arith.mulf %mul3A_395, %mul3A_391 : vector<16xf32>
        %sub3A_397 = arith.constant 1.500000e+00 : f32
        %sub3A_398 = vector.broadcast %sub3A_397 : f32 to vector<16xf32>
        %sub3A_399 = arith.subf %sub3A_398, %mul3A_396 : vector<16xf32>
        %mul3A_400 = arith.mulf %mul3A_391, %sub3A_399 : vector<16xf32>
        %bitcast3A_401 = vector.bitcast %add3A_372 : vector<16xf32> to vector<16xi32>
        %shift_right_logical3A_402 = arith.constant 1 : i32
        %shift_right_logical3A_403 = vector.broadcast %shift_right_logical3A_402 : i32 to vector<16xi32>
        %shift_right_logical3A_404 = arith.shrui %bitcast3A_401, %shift_right_logical3A_403 : vector<16xi32>
        %sub3A_405 = arith.constant 1597463007 : i32
        %sub3A_406 = vector.broadcast %sub3A_405 : i32 to vector<16xi32>
        %sub3A_407 = arith.subi %sub3A_406, %shift_right_logical3A_404 : vector<16xi32>
        %bitcast3A_408 = vector.bitcast %sub3A_407 : vector<16xi32> to vector<16xf32>
        %mul3A_409 = arith.constant 5.000000e-01 : f32
        %mul3A_410 = vector.broadcast %mul3A_409 : f32 to vector<16xf32>
        %mul3A_411 = arith.mulf %mul3A_410, %add3A_372 : vector<16xf32>
        %mul3A_412 = arith.mulf %mul3A_411, %bitcast3A_408 : vector<16xf32>
        %mul3A_413 = arith.mulf %mul3A_412, %bitcast3A_408 : vector<16xf32>
        %sub3A_414 = arith.constant 1.500000e+00 : f32
        %sub3A_415 = vector.broadcast %sub3A_414 : f32 to vector<16xf32>
        %sub3A_416 = arith.subf %sub3A_415, %mul3A_413 : vector<16xf32>
        %mul3A_417 = arith.mulf %bitcast3A_408, %sub3A_416 : vector<16xf32>
        %mul3A_418 = arith.constant 5.000000e-01 : f32
        %mul3A_419 = vector.broadcast %mul3A_418 : f32 to vector<16xf32>
        %mul3A_420 = arith.mulf %mul3A_419, %add3A_372 : vector<16xf32>
        %mul3A_421 = arith.mulf %mul3A_420, %mul3A_417 : vector<16xf32>
        %mul3A_422 = arith.mulf %mul3A_421, %mul3A_417 : vector<16xf32>
        %sub3A_423 = arith.constant 1.500000e+00 : f32
        %sub3A_424 = vector.broadcast %sub3A_423 : f32 to vector<16xf32>
        %sub3A_425 = arith.subf %sub3A_424, %mul3A_422 : vector<16xf32>
        %mul3A_426 = arith.mulf %mul3A_417, %sub3A_425 : vector<16xf32>
        %mul3A_427 = arith.mulf %add3A_372, %mul3A_426 : vector<16xf32>
        %mul3A_428 = arith.mulf %add3A_362, %mul3A_427 : vector<16xf32>
        %mul3A_429 = arith.mulf %mul3A_428, %mul3A_400 : vector<16xf32>
        %mul3A_430 = arith.mulf %add3A_367, %mul3A_400 : vector<16xf32>
        %gt3A_431 = arith.constant 0.000000e+00 : f32
        %gt3A_432 = vector.broadcast %gt3A_431 : f32 to vector<16xf32>
        %gt3A_433 = arith.cmpf ogt, %add3A_376, %gt3A_432 : vector<16xf32>
        %jit3A_434 = arith.constant 1.000000e+00 : f32
        %broadcast_in_dim3A_435 = vector.broadcast %jit3A_434 : f32 to vector<16xf32>
        %select_n3A_436 = arith.select %gt3A_433, %mul3A_429, %broadcast_in_dim3A_435 : vector<16xi1>, vector<16xf32>
        %jit3A_437 = arith.constant 0.000000e+00 : f32
        %broadcast_in_dim3A_438 = vector.broadcast %jit3A_437 : f32 to vector<16xf32>
        %select_n3A_439 = arith.select %gt3A_433, %mul3A_430, %broadcast_in_dim3A_438 : vector<16xi1>, vector<16xf32>
        %gather3A_440 = tpu.vector_load_idx %arg26[%add3A_311, %broadcast_in_dim3A_3] : memref<1024x8xf32, #tpu.memory_space<vmem>>[vector<16xi32>, vector<16xi32>], vector<16xf32>,
        %gather3A_441 = tpu.vector_load_idx %arg26[%add3A_311, %broadcast_in_dim3A_5] : memref<1024x8xf32, #tpu.memory_space<vmem>>[vector<16xi32>, vector<16xi32>], vector<16xf32>,
        %gather3A_442 = tpu.vector_load_idx %arg26[%add3A_311, %broadcast_in_dim3A_7] : memref<1024x8xf32, #tpu.memory_space<vmem>>[vector<16xi32>, vector<16xi32>], vector<16xf32>,
        %gather3A_443 = tpu.vector_load_idx %arg26[%add3A_311, %broadcast_in_dim3A_9] : memref<1024x8xf32, #tpu.memory_space<vmem>>[vector<16xi32>, vector<16xi32>], vector<16xf32>,
        %gather3A_444 = tpu.vector_load_idx %arg26[%add3A_311, %broadcast_in_dim3A_11] : memref<1024x8xf32, #tpu.memory_space<vmem>>[vector<16xi32>, vector<16xi32>], vector<16xf32>,
        %mul3A_445 = arith.mulf %gather3A_441, %select_n3A_436 : vector<16xf32>
        %sub3A_446 = arith.subf %gather3A_440, %mul3A_445 : vector<16xf32>
        %mul3A_447 = arith.mulf %gather3A_442, %select_n3A_439 : vector<16xf32>
        %sub3A_448 = arith.subf %sub3A_446, %mul3A_447 : vector<16xf32>
        %mul3A_449 = arith.mulf %select_n3A_436, %select_n3A_436 : vector<16xf32>
        %mul3A_450 = arith.mulf %gather3A_443, %mul3A_449 : vector<16xf32>
        %sub3A_451 = arith.subf %sub3A_448, %mul3A_450 : vector<16xf32>
        %mul3A_452 = arith.mulf %select_n3A_439, %select_n3A_436 : vector<16xf32>
        %mul3A_453 = arith.mulf %gather3A_444, %mul3A_452 : vector<16xf32>
        %sub3A_454 = arith.subf %sub3A_451, %mul3A_453 : vector<16xf32>
        %gt3A_455 = arith.constant 0.000000e+00 : f32
        %gt3A_456 = vector.broadcast %gt3A_455 : f32 to vector<16xf32>
        %gt3A_457 = arith.cmpf ogt, %add3A_372, %gt3A_456 : vector<16xf32>
        %jit3A_458 = arith.constant 0x7FC00000 : f32
        %broadcast_in_dim3A_459 = vector.broadcast %jit3A_458 : f32 to vector<16xf32>
        %select_n3A_460 = arith.select %gt3A_457, %sub3A_454, %broadcast_in_dim3A_459 : vector<16xi1>, vector<16xf32>
        %mul3A_461 = arith.constant 16 : i32
        %mul3A_462 = arith.muli %scan3A_307, %mul3A_461 : i32
        %swap3A = arith.index_cast %mul3A_462 : i32 to index
        %swap3A_463 = tpu.vector_load %arg27[%swap3A] {strides = array<i32>} : memref<1024xf32, #tpu.memory_space<vmem>>, vector<16xf32>,
        tpu.vector_store %arg27[%swap3A], %select_n3A_460 {strides = array<i32>} : memref<1024xf32, #tpu.memory_space<vmem>>, vector<16xf32>,
      }
      %scan3A_296 = arith.constant 32 : i32
      %mul3A_297 = arith.constant 1024 : i32
      %mul3A_298 = arith.muli %add3A_100, %mul3A_297 : i32
      %dma_start3A_299 = tpu.memref_slice %arg5[%mul3A_298] : memref<3200000xf32, #tpu.memory_space<hbm>> -> memref<1024xf32, #tpu.memory_space<hbm>>
      %dma_start3A_300 = tpu.memref_slice %arg5[%mul3A_298] : memref<3200000xf32, #tpu.memory_space<hbm>> -> memref<1024xf32, #tpu.memory_space<hbm>>
      tpu.enqueue_dma source(%arg27 : memref<1024xf32, #tpu.memory_space<vmem>>) target(%dma_start3A_300 : memref<1024xf32, #tpu.memory_space<hbm>>) target_semaphore(%arg35 : memref<!tpu.dma_semaphore, #tpu.memory_space<semaphore_mem>>)
      %add3A_301 = arith.constant 1 : i32
      %add3A_302 = arith.addi %while3A_91, %add3A_301 : i32
      %lt3A_303 = arith.cmpi slt, %add3A_302, %select_n3A : i32
      %convert_element_type3A_304 = arith.extui %lt3A_303 : i1 to i32
      %cond3A_305 = arith.constant 0 : i32
      %cond3A_306 = arith.cmpi ne, %convert_element_type3A_304, %cond3A_305 : i32
      scf.if %cond3A_306 {
        %mul3A_307 = arith.constant 2 : i32
        %mul3A_308 = arith.muli %mul3A_307, %add3A_102 : i32
        %add3A_309 = arith.constant 1 : i32
        %add3A_310 = arith.addi %mul3A_308, %add3A_309 : i32
        %mul3A_311 = arith.constant 1024 : i32
        %mul3A_312 = arith.muli %add3A_310, %mul3A_311 : i32
        %add3A_313 = arith.constant 0 : i32
        %add3A_314 = arith.addi %add3A_313, %mul3A_312 : i32
        %dma_start3A_315 = tpu.memref_slice %arg2[%add3A_314] : memref<12800000xi32, #tpu.memory_space<hbm>> -> memref<1024xi32, #tpu.memory_space<hbm>>
        %dma_start3A_316 = tpu.memref_slice %arg2[%add3A_314] : memref<12800000xi32, #tpu.memory_space<hbm>> -> memref<1024xi32, #tpu.memory_space<hbm>>
        tpu.enqueue_dma source(%dma_start3A_316 : memref<1024xi32, #tpu.memory_space<hbm>>) target(%arg17 : memref<1024xi32, #tpu.memory_space<vmem>>) target_semaphore(%arg29 : memref<!tpu.dma_semaphore, #tpu.memory_space<semaphore_mem>>)
        %add3A_317 = arith.constant 3200000 : i32
        %add3A_318 = arith.addi %add3A_317, %mul3A_312 : i32
        %dma_start3A_319 = tpu.memref_slice %arg2[%add3A_318] : memref<12800000xi32, #tpu.memory_space<hbm>> -> memref<1024xi32, #tpu.memory_space<hbm>>
        %dma_start3A_320 = tpu.memref_slice %arg2[%add3A_318] : memref<12800000xi32, #tpu.memory_space<hbm>> -> memref<1024xi32, #tpu.memory_space<hbm>>
        tpu.enqueue_dma source(%dma_start3A_320 : memref<1024xi32, #tpu.memory_space<hbm>>) target(%arg18 : memref<1024xi32, #tpu.memory_space<vmem>>) target_semaphore(%arg29 : memref<!tpu.dma_semaphore, #tpu.memory_space<semaphore_mem>>)
        %add3A_321 = arith.constant 6400000 : i32
        %add3A_322 = arith.addi %add3A_321, %mul3A_312 : i32
        %dma_start3A_323 = tpu.memref_slice %arg2[%add3A_322] : memref<12800000xi32, #tpu.memory_space<hbm>> -> memref<1024xi32, #tpu.memory_space<hbm>>
        %dma_start3A_324 = tpu.memref_slice %arg2[%add3A_322] : memref<12800000xi32, #tpu.memory_space<hbm>> -> memref<1024xi32, #tpu.memory_space<hbm>>
        tpu.enqueue_dma source(%dma_start3A_324 : memref<1024xi32, #tpu.memory_space<hbm>>) target(%arg19 : memref<1024xi32, #tpu.memory_space<vmem>>) target_semaphore(%arg29 : memref<!tpu.dma_semaphore, #tpu.memory_space<semaphore_mem>>)
        %add3A_325 = arith.constant 9600000 : i32
        %add3A_326 = arith.addi %add3A_325, %mul3A_312 : i32
        %dma_start3A_327 = tpu.memref_slice %arg2[%add3A_326] : memref<12800000xi32, #tpu.memory_space<hbm>> -> memref<1024xi32, #tpu.memory_space<hbm>>
        %dma_start3A_328 = tpu.memref_slice %arg2[%add3A_326] : memref<12800000xi32, #tpu.memory_space<hbm>> -> memref<1024xi32, #tpu.memory_space<hbm>>
        tpu.enqueue_dma source(%dma_start3A_328 : memref<1024xi32, #tpu.memory_space<hbm>>) target(%arg20 : memref<1024xi32, #tpu.memory_space<vmem>>) target_semaphore(%arg29 : memref<!tpu.dma_semaphore, #tpu.memory_space<semaphore_mem>>)
      } else {
      }
    }
    %dma_wait3A_81 = arith.constant 0 : i32
    %dma_wait3A_82 = tpu.memref_slice %arg5[%dma_wait3A_81] : memref<3200000xf32, #tpu.memory_space<hbm>> -> memref<1024xf32, #tpu.memory_space<hbm>>
    %dma_wait3A_83 = arith.constant 0 : i32
    %dma_wait3A_84 = tpu.memref_slice %arg5[%dma_wait3A_83] : memref<3200000xf32, #tpu.memory_space<hbm>> -> memref<1024xf32, #tpu.memory_space<hbm>>
    tpu.wait_dma2 semaphore(%arg34 : memref<!tpu.dma_semaphore, #tpu.memory_space<semaphore_mem>>) src(%arg16 : memref<1024xf32, #tpu.memory_space<vmem>>) dst(%dma_wait3A_84 : memref<1024xf32, #tpu.memory_space<hbm>>)
    %dma_wait3A_85 = arith.constant 0 : i32
    %dma_wait3A_86 = tpu.memref_slice %arg5[%dma_wait3A_85] : memref<3200000xf32, #tpu.memory_space<hbm>> -> memref<1024xf32, #tpu.memory_space<hbm>>
    %dma_wait3A_87 = arith.constant 0 : i32
    %dma_wait3A_88 = tpu.memref_slice %arg5[%dma_wait3A_87] : memref<3200000xf32, #tpu.memory_space<hbm>> -> memref<1024xf32, #tpu.memory_space<hbm>>
    tpu.wait_dma2 semaphore(%arg35 : memref<!tpu.dma_semaphore, #tpu.memory_space<semaphore_mem>>) src(%arg27 : memref<1024xf32, #tpu.memory_space<vmem>>) dst(%dma_wait3A_88 : memref<1024xf32, #tpu.memory_space<hbm>>)
    %eq3A = arith.constant 26 : i32
    %eq3A_89 = arith.cmpi eq, %add3A, %eq3A : i32
    %convert_element_type3A = arith.extui %eq3A_89 : i1 to i32
    %cond3A = arith.constant 0 : i32
    %cond3A_90 = arith.cmpi ne, %convert_element_type3A, %cond3A : i32
    scf.if %cond3A_90 {
      %dma_start3A_91 = arith.constant 3198976 : i32
      %dma_start3A_92 = tpu.memref_slice %arg2[%dma_start3A_91] : memref<12800000xi32, #tpu.memory_space<hbm>> -> memref<1024xi32, #tpu.memory_space<hbm>>
      %dma_start3A_93 = arith.constant 3198976 : i32
      %dma_start3A_94 = tpu.memref_slice %arg2[%dma_start3A_93] : memref<12800000xi32, #tpu.memory_space<hbm>> -> memref<1024xi32, #tpu.memory_space<hbm>>
      tpu.enqueue_dma source(%dma_start3A_94 : memref<1024xi32, #tpu.memory_space<hbm>>) target(%arg6 : memref<1024xi32, #tpu.memory_space<vmem>>) target_semaphore(%arg28 : memref<!tpu.dma_semaphore, #tpu.memory_space<semaphore_mem>>)
      %dma_start3A_95 = arith.constant 6398976 : i32
      %dma_start3A_96 = tpu.memref_slice %arg2[%dma_start3A_95] : memref<12800000xi32, #tpu.memory_space<hbm>> -> memref<1024xi32, #tpu.memory_space<hbm>>
      %dma_start3A_97 = arith.constant 6398976 : i32
      %dma_start3A_98 = tpu.memref_slice %arg2[%dma_start3A_97] : memref<12800000xi32, #tpu.memory_space<hbm>> -> memref<1024xi32, #tpu.memory_space<hbm>>
      tpu.enqueue_dma source(%dma_start3A_98 : memref<1024xi32, #tpu.memory_space<hbm>>) target(%arg7 : memref<1024xi32, #tpu.memory_space<vmem>>) target_semaphore(%arg28 : memref<!tpu.dma_semaphore, #tpu.memory_space<semaphore_mem>>)
      %dma_start3A_99 = arith.constant 9598976 : i32
      %dma_start3A_100 = tpu.memref_slice %arg2[%dma_start3A_99] : memref<12800000xi32, #tpu.memory_space<hbm>> -> memref<1024xi32, #tpu.memory_space<hbm>>
      %dma_start3A_101 = arith.constant 9598976 : i32
      %dma_start3A_102 = tpu.memref_slice %arg2[%dma_start3A_101] : memref<12800000xi32, #tpu.memory_space<hbm>> -> memref<1024xi32, #tpu.memory_space<hbm>>
      tpu.enqueue_dma source(%dma_start3A_102 : memref<1024xi32, #tpu.memory_space<hbm>>) target(%arg8 : memref<1024xi32, #tpu.memory_space<vmem>>) target_semaphore(%arg28 : memref<!tpu.dma_semaphore, #tpu.memory_space<semaphore_mem>>)
      %dma_start3A_103 = arith.constant 12798976 : i32
      %dma_start3A_104 = tpu.memref_slice %arg2[%dma_start3A_103] : memref<12800000xi32, #tpu.memory_space<hbm>> -> memref<1024xi32, #tpu.memory_space<hbm>>
      %dma_start3A_105 = arith.constant 12798976 : i32
      %dma_start3A_106 = tpu.memref_slice %arg2[%dma_start3A_105] : memref<12800000xi32, #tpu.memory_space<hbm>> -> memref<1024xi32, #tpu.memory_space<hbm>>
      tpu.enqueue_dma source(%dma_start3A_106 : memref<1024xi32, #tpu.memory_space<hbm>>) target(%arg9 : memref<1024xi32, #tpu.memory_space<vmem>>) target_semaphore(%arg28 : memref<!tpu.dma_semaphore, #tpu.memory_space<semaphore_mem>>)
      %dma_wait3A_107 = arith.constant 3198976 : i32
      %dma_wait3A_108 = tpu.memref_slice %arg2[%dma_wait3A_107] : memref<12800000xi32, #tpu.memory_space<hbm>> -> memref<1024xi32, #tpu.memory_space<hbm>>
      %dma_wait3A_109 = arith.constant 3198976 : i32
      %dma_wait3A_110 = tpu.memref_slice %arg2[%dma_wait3A_109] : memref<12800000xi32, #tpu.memory_space<hbm>> -> memref<1024xi32, #tpu.memory_space<hbm>>
      tpu.wait_dma2 semaphore(%arg28 : memref<!tpu.dma_semaphore, #tpu.memory_space<semaphore_mem>>) src(%dma_wait3A_110 : memref<1024xi32, #tpu.memory_space<hbm>>) dst(%arg6 : memref<1024xi32, #tpu.memory_space<vmem>>)
      %dma_wait3A_111 = arith.constant 6398976 : i32
      %dma_wait3A_112 = tpu.memref_slice %arg2[%dma_wait3A_111] : memref<12800000xi32, #tpu.memory_space<hbm>> -> memref<1024xi32, #tpu.memory_space<hbm>>
      %dma_wait3A_113 = arith.constant 6398976 : i32
      %dma_wait3A_114 = tpu.memref_slice %arg2[%dma_wait3A_113] : memref<12800000xi32, #tpu.memory_space<hbm>> -> memref<1024xi32, #tpu.memory_space<hbm>>
      tpu.wait_dma2 semaphore(%arg28 : memref<!tpu.dma_semaphore, #tpu.memory_space<semaphore_mem>>) src(%dma_wait3A_114 : memref<1024xi32, #tpu.memory_space<hbm>>) dst(%arg7 : memref<1024xi32, #tpu.memory_space<vmem>>)
      %dma_wait3A_115 = arith.constant 9598976 : i32
      %dma_wait3A_116 = tpu.memref_slice %arg2[%dma_wait3A_115] : memref<12800000xi32, #tpu.memory_space<hbm>> -> memref<1024xi32, #tpu.memory_space<hbm>>
      %dma_wait3A_117 = arith.constant 9598976 : i32
      %dma_wait3A_118 = tpu.memref_slice %arg2[%dma_wait3A_117] : memref<12800000xi32, #tpu.memory_space<hbm>> -> memref<1024xi32, #tpu.memory_space<hbm>>
      tpu.wait_dma2 semaphore(%arg28 : memref<!tpu.dma_semaphore, #tpu.memory_space<semaphore_mem>>) src(%dma_wait3A_118 : memref<1024xi32, #tpu.memory_space<hbm>>) dst(%arg8 : memref<1024xi32, #tpu.memory_space<vmem>>)
      %dma_wait3A_119 = arith.constant 12798976 : i32
      %dma_wait3A_120 = tpu.memref_slice %arg2[%dma_wait3A_119] : memref<12800000xi32, #tpu.memory_space<hbm>> -> memref<1024xi32, #tpu.memory_space<hbm>>
      %dma_wait3A_121 = arith.constant 12798976 : i32
      %dma_wait3A_122 = tpu.memref_slice %arg2[%dma_wait3A_121] : memref<12800000xi32, #tpu.memory_space<hbm>> -> memref<1024xi32, #tpu.memory_space<hbm>>
      tpu.wait_dma2 semaphore(%arg28 : memref<!tpu.dma_semaphore, #tpu.memory_space<semaphore_mem>>) src(%dma_wait3A_122 : memref<1024xi32, #tpu.memory_space<hbm>>) dst(%arg9 : memref<1024xi32, #tpu.memory_space<vmem>>)
      %dma_start3A_123 = arith.constant 0 : i32
      %dma_start3A_124 = arith.constant 0 : i32
      %dma_start3A_125 = tpu.memref_slice %arg3[%dma_start3A_123, %dma_start3A_124] : memref<100000x8xf32, #tpu.memory_space<hbm>> -> memref<100000x8xf32, #tpu.memory_space<hbm>>
      tpu.enqueue_indirect_dma source(%dma_start3A_125 : memref<100000x8xf32, #tpu.memory_space<hbm>>) target(%arg10 : memref<1024x8xf32, #tpu.memory_space<vmem>>) offsets(%arg6 : memref<1024xi32, #tpu.memory_space<vmem>>) semaphore(%arg30 : memref<!tpu.dma_semaphore, #tpu.memory_space<semaphore_mem>>)
      %dma_start3A_126 = arith.constant 0 : i32
      %dma_start3A_127 = arith.constant 0 : i32
      %dma_start3A_128 = tpu.memref_slice %arg3[%dma_start3A_126, %dma_start3A_127] : memref<100000x8xf32, #tpu.memory_space<hbm>> -> memref<100000x8xf32, #tpu.memory_space<hbm>>
      tpu.enqueue_indirect_dma source(%dma_start3A_128 : memref<100000x8xf32, #tpu.memory_space<hbm>>) target(%arg11 : memref<1024x8xf32, #tpu.memory_space<vmem>>) offsets(%arg7 : memref<1024xi32, #tpu.memory_space<vmem>>) semaphore(%arg30 : memref<!tpu.dma_semaphore, #tpu.memory_space<semaphore_mem>>)
      %dma_start3A_129 = arith.constant 0 : i32
      %dma_start3A_130 = arith.constant 0 : i32
      %dma_start3A_131 = tpu.memref_slice %arg3[%dma_start3A_129, %dma_start3A_130] : memref<100000x8xf32, #tpu.memory_space<hbm>> -> memref<100000x8xf32, #tpu.memory_space<hbm>>
      tpu.enqueue_indirect_dma source(%dma_start3A_131 : memref<100000x8xf32, #tpu.memory_space<hbm>>) target(%arg12 : memref<1024x8xf32, #tpu.memory_space<vmem>>) offsets(%arg8 : memref<1024xi32, #tpu.memory_space<vmem>>) semaphore(%arg30 : memref<!tpu.dma_semaphore, #tpu.memory_space<semaphore_mem>>)
      %dma_start3A_132 = arith.constant 0 : i32
      %dma_start3A_133 = arith.constant 0 : i32
      %dma_start3A_134 = tpu.memref_slice %arg3[%dma_start3A_132, %dma_start3A_133] : memref<100000x8xf32, #tpu.memory_space<hbm>> -> memref<100000x8xf32, #tpu.memory_space<hbm>>
      tpu.enqueue_indirect_dma source(%dma_start3A_134 : memref<100000x8xf32, #tpu.memory_space<hbm>>) target(%arg13 : memref<1024x8xf32, #tpu.memory_space<vmem>>) offsets(%arg9 : memref<1024xi32, #tpu.memory_space<vmem>>) semaphore(%arg30 : memref<!tpu.dma_semaphore, #tpu.memory_space<semaphore_mem>>)
      %dma_wait3A_135 = arith.constant 0 : i32
      %dma_wait3A_136 = arith.constant 0 : i32
      %dma_wait3A_137 = tpu.memref_slice %arg3[%dma_wait3A_135, %dma_wait3A_136] : memref<100000x8xf32, #tpu.memory_space<hbm>> -> memref<100000x8xf32, #tpu.memory_space<hbm>>
      tpu.wait_indirect_dma semaphore(%arg30 : memref<!tpu.dma_semaphore, #tpu.memory_space<semaphore_mem>>) src(%dma_wait3A_137 : memref<100000x8xf32, #tpu.memory_space<hbm>>) dst(%arg10 : memref<1024x8xf32, #tpu.memory_space<vmem>>)
      %dma_wait3A_138 = arith.constant 0 : i32
      %dma_wait3A_139 = arith.constant 0 : i32
      %dma_wait3A_140 = tpu.memref_slice %arg3[%dma_wait3A_138, %dma_wait3A_139] : memref<100000x8xf32, #tpu.memory_space<hbm>> -> memref<100000x8xf32, #tpu.memory_space<hbm>>
      tpu.wait_indirect_dma semaphore(%arg30 : memref<!tpu.dma_semaphore, #tpu.memory_space<semaphore_mem>>) src(%dma_wait3A_140 : memref<100000x8xf32, #tpu.memory_space<hbm>>) dst(%arg11 : memref<1024x8xf32, #tpu.memory_space<vmem>>)
      %dma_wait3A_141 = arith.constant 0 : i32
      %dma_wait3A_142 = arith.constant 0 : i32
      %dma_wait3A_143 = tpu.memref_slice %arg3[%dma_wait3A_141, %dma_wait3A_142] : memref<100000x8xf32, #tpu.memory_space<hbm>> -> memref<100000x8xf32, #tpu.memory_space<hbm>>
      tpu.wait_indirect_dma semaphore(%arg30 : memref<!tpu.dma_semaphore, #tpu.memory_space<semaphore_mem>>) src(%dma_wait3A_143 : memref<100000x8xf32, #tpu.memory_space<hbm>>) dst(%arg12 : memref<1024x8xf32, #tpu.memory_space<vmem>>)
      %dma_wait3A_144 = arith.constant 0 : i32
      %dma_wait3A_145 = arith.constant 0 : i32
      %dma_wait3A_146 = tpu.memref_slice %arg3[%dma_wait3A_144, %dma_wait3A_145] : memref<100000x8xf32, #tpu.memory_space<hbm>> -> memref<100000x8xf32, #tpu.memory_space<hbm>>
      tpu.wait_indirect_dma semaphore(%arg30 : memref<!tpu.dma_semaphore, #tpu.memory_space<semaphore_mem>>) src(%dma_wait3A_146 : memref<100000x8xf32, #tpu.memory_space<hbm>>) dst(%arg13 : memref<1024x8xf32, #tpu.memory_space<vmem>>)
      %scan3A = arith.constant 0 : i32
      %scan3A_147 = arith.constant 0 : i32
      %scan3A_148 = arith.constant 64 : i32
      %scan3A_149 = arith.addi %scan3A_147, %scan3A_148 : i32
      %scan3A_150 = arith.constant 1 : i32
      scf.for %scan3A_172 = %scan3A_147 to %scan3A_149 step %scan3A_150  : i32 {
        %iota3A = tpu.iota {dimensions = array<i32: 0>} : vector<16xi32>
        %mul3A_173 = arith.constant 16 : i32
        %mul3A_174 = arith.muli %scan3A_172, %mul3A_173 : i32
        %add3A_175 = vector.broadcast %mul3A_174 : i32 to vector<16xi32>
        %add3A_176 = arith.addi %iota3A, %add3A_175 : vector<16xi32>
        %gather3A = tpu.vector_load_idx %arg10[%add3A_176, %broadcast_in_dim3A_9] : memref<1024x8xf32, #tpu.memory_space<vmem>>[vector<16xi32>, vector<16xi32>], vector<16xf32>,
        %convert_element_type3A_177 = arith.fptosi %gather3A : vector<16xf32> to vector<16xi32>
        %gather3A_178 = tpu.vector_load_idx %arg11[%add3A_176, %broadcast_in_dim3A_9] : memref<1024x8xf32, #tpu.memory_space<vmem>>[vector<16xi32>, vector<16xi32>], vector<16xf32>,
        %convert_element_type3A_179 = arith.fptosi %gather3A_178 : vector<16xf32> to vector<16xi32>
        %gather3A_180 = tpu.vector_load_idx %arg12[%add3A_176, %broadcast_in_dim3A_9] : memref<1024x8xf32, #tpu.memory_space<vmem>>[vector<16xi32>, vector<16xi32>], vector<16xf32>,
        %convert_element_type3A_181 = arith.fptosi %gather3A_180 : vector<16xf32> to vector<16xi32>
        %gather3A_182 = tpu.vector_load_idx %arg13[%add3A_176, %broadcast_in_dim3A_9] : memref<1024x8xf32, #tpu.memory_space<vmem>>[vector<16xi32>, vector<16xi32>], vector<16xf32>,
        %convert_element_type3A_183 = arith.fptosi %gather3A_182 : vector<16xf32> to vector<16xi32>
        %mul3A_184 = arith.constant 25 : i32
        %mul3A_185 = vector.broadcast %mul3A_184 : i32 to vector<16xi32>
        %mul3A_186 = arith.muli %convert_element_type3A_177, %mul3A_185 : vector<16xi32>
        %add3A_187 = arith.addi %mul3A_186, %convert_element_type3A_179 : vector<16xi32>
        %mul3A_188 = arith.constant 25 : i32
        %mul3A_189 = vector.broadcast %mul3A_188 : i32 to vector<16xi32>
        %mul3A_190 = arith.muli %add3A_187, %mul3A_189 : vector<16xi32>
        %add3A_191 = arith.addi %mul3A_190, %convert_element_type3A_181 : vector<16xi32>
        %mul3A_192 = arith.constant 25 : i32
        %mul3A_193 = vector.broadcast %mul3A_192 : i32 to vector<16xi32>
        %mul3A_194 = arith.muli %add3A_191, %mul3A_193 : vector<16xi32>
        %add3A_195 = arith.addi %mul3A_194, %convert_element_type3A_183 : vector<16xi32>
        %mul3A_196 = arith.constant 16 : i32
        %mul3A_197 = arith.muli %scan3A_172, %mul3A_196 : i32
        %swap3A = arith.index_cast %mul3A_197 : i32 to index
        %swap3A_198 = tpu.vector_load %arg14[%swap3A] {strides = array<i32>} : memref<1024xi32, #tpu.memory_space<vmem>>, vector<16xi32>,
        tpu.vector_store %arg14[%swap3A], %add3A_195 {strides = array<i32>} : memref<1024xi32, #tpu.memory_space<vmem>>, vector<16xi32>,
      }
      %scan3A_151 = arith.constant 64 : i32
      %dma_start3A_152 = arith.constant 0 : i32
      %dma_start3A_153 = arith.constant 0 : i32
      %dma_start3A_154 = tpu.memref_slice %arg4[%dma_start3A_152, %dma_start3A_153] : memref<390656x8xf32, #tpu.memory_space<hbm>> -> memref<390656x8xf32, #tpu.memory_space<hbm>>
      tpu.enqueue_indirect_dma source(%dma_start3A_154 : memref<390656x8xf32, #tpu.memory_space<hbm>>) target(%arg15 : memref<1024x8xf32, #tpu.memory_space<vmem>>) offsets(%arg14 : memref<1024xi32, #tpu.memory_space<vmem>>) semaphore(%arg32 : memref<!tpu.dma_semaphore, #tpu.memory_space<semaphore_mem>>)
      %dma_wait3A_155 = arith.constant 0 : i32
      %dma_wait3A_156 = arith.constant 0 : i32
      %dma_wait3A_157 = tpu.memref_slice %arg4[%dma_wait3A_155, %dma_wait3A_156] : memref<390656x8xf32, #tpu.memory_space<hbm>> -> memref<390656x8xf32, #tpu.memory_space<hbm>>
      tpu.wait_indirect_dma semaphore(%arg32 : memref<!tpu.dma_semaphore, #tpu.memory_space<semaphore_mem>>) src(%dma_wait3A_157 : memref<390656x8xf32, #tpu.memory_space<hbm>>) dst(%arg15 : memref<1024x8xf32, #tpu.memory_space<vmem>>)
      %scan3A_158 = arith.constant 0 : i32
      %scan3A_159 = arith.constant 0 : i32
      %scan3A_160 = arith.constant 64 : i32
      %scan3A_161 = arith.addi %scan3A_159, %scan3A_160 : i32
      %scan3A_162 = arith.constant 1 : i32
      scf.for %scan3A_172 = %scan3A_159 to %scan3A_161 step %scan3A_162  : i32 {
        %iota3A = tpu.iota {dimensions = array<i32: 0>} : vector<16xi32>
        %mul3A_173 = arith.constant 16 : i32
        %mul3A_174 = arith.muli %scan3A_172, %mul3A_173 : i32
        %add3A_175 = vector.broadcast %mul3A_174 : i32 to vector<16xi32>
        %add3A_176 = arith.addi %iota3A, %add3A_175 : vector<16xi32>
        %gather3A = tpu.vector_load_idx %arg10[%add3A_176, %broadcast_in_dim3A_3] : memref<1024x8xf32, #tpu.memory_space<vmem>>[vector<16xi32>, vector<16xi32>], vector<16xf32>,
        %gather3A_177 = tpu.vector_load_idx %arg10[%add3A_176, %broadcast_in_dim3A_5] : memref<1024x8xf32, #tpu.memory_space<vmem>>[vector<16xi32>, vector<16xi32>], vector<16xf32>,
        %gather3A_178 = tpu.vector_load_idx %arg10[%add3A_176, %broadcast_in_dim3A_7] : memref<1024x8xf32, #tpu.memory_space<vmem>>[vector<16xi32>, vector<16xi32>], vector<16xf32>,
        %gather3A_179 = tpu.vector_load_idx %arg11[%add3A_176, %broadcast_in_dim3A_3] : memref<1024x8xf32, #tpu.memory_space<vmem>>[vector<16xi32>, vector<16xi32>], vector<16xf32>,
        %gather3A_180 = tpu.vector_load_idx %arg11[%add3A_176, %broadcast_in_dim3A_5] : memref<1024x8xf32, #tpu.memory_space<vmem>>[vector<16xi32>, vector<16xi32>], vector<16xf32>,
        %gather3A_181 = tpu.vector_load_idx %arg11[%add3A_176, %broadcast_in_dim3A_7] : memref<1024x8xf32, #tpu.memory_space<vmem>>[vector<16xi32>, vector<16xi32>], vector<16xf32>,
        %gather3A_182 = tpu.vector_load_idx %arg12[%add3A_176, %broadcast_in_dim3A_3] : memref<1024x8xf32, #tpu.memory_space<vmem>>[vector<16xi32>, vector<16xi32>], vector<16xf32>,
        %gather3A_183 = tpu.vector_load_idx %arg12[%add3A_176, %broadcast_in_dim3A_5] : memref<1024x8xf32, #tpu.memory_space<vmem>>[vector<16xi32>, vector<16xi32>], vector<16xf32>,
        %gather3A_184 = tpu.vector_load_idx %arg12[%add3A_176, %broadcast_in_dim3A_7] : memref<1024x8xf32, #tpu.memory_space<vmem>>[vector<16xi32>, vector<16xi32>], vector<16xf32>,
        %gather3A_185 = tpu.vector_load_idx %arg13[%add3A_176, %broadcast_in_dim3A_3] : memref<1024x8xf32, #tpu.memory_space<vmem>>[vector<16xi32>, vector<16xi32>], vector<16xf32>,
        %gather3A_186 = tpu.vector_load_idx %arg13[%add3A_176, %broadcast_in_dim3A_5] : memref<1024x8xf32, #tpu.memory_space<vmem>>[vector<16xi32>, vector<16xi32>], vector<16xf32>,
        %gather3A_187 = tpu.vector_load_idx %arg13[%add3A_176, %broadcast_in_dim3A_7] : memref<1024x8xf32, #tpu.memory_space<vmem>>[vector<16xi32>, vector<16xi32>], vector<16xf32>,
        %sub3A = arith.subf %gather3A_179, %gather3A : vector<16xf32>
        %sub3A_188 = arith.subf %gather3A_180, %gather3A_177 : vector<16xf32>
        %sub3A_189 = arith.subf %gather3A_181, %gather3A_178 : vector<16xf32>
        %sub3A_190 = arith.subf %gather3A_182, %gather3A_179 : vector<16xf32>
        %sub3A_191 = arith.subf %gather3A_183, %gather3A_180 : vector<16xf32>
        %sub3A_192 = arith.subf %gather3A_184, %gather3A_181 : vector<16xf32>
        %sub3A_193 = arith.subf %gather3A_185, %gather3A_182 : vector<16xf32>
        %sub3A_194 = arith.subf %gather3A_186, %gather3A_183 : vector<16xf32>
        %sub3A_195 = arith.subf %gather3A_187, %gather3A_184 : vector<16xf32>
        %mul3A_196 = arith.mulf %sub3A_188, %sub3A_192 : vector<16xf32>
        %mul3A_197 = arith.mulf %sub3A_189, %sub3A_191 : vector<16xf32>
        %sub3A_198 = arith.subf %mul3A_196, %mul3A_197 : vector<16xf32>
        %mul3A_199 = arith.mulf %sub3A_189, %sub3A_190 : vector<16xf32>
        %mul3A_200 = arith.mulf %sub3A, %sub3A_192 : vector<16xf32>
        %sub3A_201 = arith.subf %mul3A_199, %mul3A_200 : vector<16xf32>
        %mul3A_202 = arith.mulf %sub3A, %sub3A_191 : vector<16xf32>
        %mul3A_203 = arith.mulf %sub3A_188, %sub3A_190 : vector<16xf32>
        %sub3A_204 = arith.subf %mul3A_202, %mul3A_203 : vector<16xf32>
        %mul3A_205 = arith.mulf %sub3A_191, %sub3A_195 : vector<16xf32>
        %mul3A_206 = arith.mulf %sub3A_192, %sub3A_194 : vector<16xf32>
        %sub3A_207 = arith.subf %mul3A_205, %mul3A_206 : vector<16xf32>
        %mul3A_208 = arith.mulf %sub3A_192, %sub3A_193 : vector<16xf32>
        %mul3A_209 = arith.mulf %sub3A_190, %sub3A_195 : vector<16xf32>
        %sub3A_210 = arith.subf %mul3A_208, %mul3A_209 : vector<16xf32>
        %mul3A_211 = arith.mulf %sub3A_190, %sub3A_194 : vector<16xf32>
        %mul3A_212 = arith.mulf %sub3A_191, %sub3A_193 : vector<16xf32>
        %sub3A_213 = arith.subf %mul3A_211, %mul3A_212 : vector<16xf32>
        %mul3A_214 = arith.mulf %sub3A_201, %sub3A_192 : vector<16xf32>
        %mul3A_215 = arith.mulf %sub3A_204, %sub3A_191 : vector<16xf32>
        %sub3A_216 = arith.subf %mul3A_214, %mul3A_215 : vector<16xf32>
        %mul3A_217 = arith.mulf %sub3A_204, %sub3A_190 : vector<16xf32>
        %mul3A_218 = arith.mulf %sub3A_198, %sub3A_192 : vector<16xf32>
        %sub3A_219 = arith.subf %mul3A_217, %mul3A_218 : vector<16xf32>
        %mul3A_220 = arith.mulf %sub3A_198, %sub3A_191 : vector<16xf32>
        %mul3A_221 = arith.mulf %sub3A_201, %sub3A_190 : vector<16xf32>
        %sub3A_222 = arith.subf %mul3A_220, %mul3A_221 : vector<16xf32>
        %mul3A_223 = arith.mulf %sub3A_198, %sub3A_207 : vector<16xf32>
        %mul3A_224 = arith.mulf %sub3A_201, %sub3A_210 : vector<16xf32>
        %add3A_225 = arith.addf %mul3A_223, %mul3A_224 : vector<16xf32>
        %mul3A_226 = arith.mulf %sub3A_204, %sub3A_213 : vector<16xf32>
        %add3A_227 = arith.addf %add3A_225, %mul3A_226 : vector<16xf32>
        %mul3A_228 = arith.mulf %sub3A_216, %sub3A_207 : vector<16xf32>
        %mul3A_229 = arith.mulf %sub3A_219, %sub3A_210 : vector<16xf32>
        %add3A_230 = arith.addf %mul3A_228, %mul3A_229 : vector<16xf32>
        %mul3A_231 = arith.mulf %sub3A_222, %sub3A_213 : vector<16xf32>
        %add3A_232 = arith.addf %add3A_230, %mul3A_231 : vector<16xf32>
        %mul3A_233 = arith.mulf %sub3A_190, %sub3A_190 : vector<16xf32>
        %mul3A_234 = arith.mulf %sub3A_191, %sub3A_191 : vector<16xf32>
        %add3A_235 = arith.addf %mul3A_233, %mul3A_234 : vector<16xf32>
        %mul3A_236 = arith.mulf %sub3A_192, %sub3A_192 : vector<16xf32>
        %add3A_237 = arith.addf %add3A_235, %mul3A_236 : vector<16xf32>
        %mul3A_238 = arith.mulf %add3A_227, %add3A_227 : vector<16xf32>
        %mul3A_239 = arith.mulf %mul3A_238, %add3A_237 : vector<16xf32>
        %mul3A_240 = arith.mulf %add3A_232, %add3A_232 : vector<16xf32>
        %add3A_241 = arith.addf %mul3A_239, %mul3A_240 : vector<16xf32>
        %bitcast3A = vector.bitcast %add3A_241 : vector<16xf32> to vector<16xi32>
        %shift_right_logical3A = arith.constant 1 : i32
        %shift_right_logical3A_242 = vector.broadcast %shift_right_logical3A : i32 to vector<16xi32>
        %shift_right_logical3A_243 = arith.shrui %bitcast3A, %shift_right_logical3A_242 : vector<16xi32>
        %sub3A_244 = arith.constant 1597463007 : i32
        %sub3A_245 = vector.broadcast %sub3A_244 : i32 to vector<16xi32>
        %sub3A_246 = arith.subi %sub3A_245, %shift_right_logical3A_243 : vector<16xi32>
        %bitcast3A_247 = vector.bitcast %sub3A_246 : vector<16xi32> to vector<16xf32>
        %mul3A_248 = arith.constant 5.000000e-01 : f32
        %mul3A_249 = vector.broadcast %mul3A_248 : f32 to vector<16xf32>
        %mul3A_250 = arith.mulf %mul3A_249, %add3A_241 : vector<16xf32>
        %mul3A_251 = arith.mulf %mul3A_250, %bitcast3A_247 : vector<16xf32>
        %mul3A_252 = arith.mulf %mul3A_251, %bitcast3A_247 : vector<16xf32>
        %sub3A_253 = arith.constant 1.500000e+00 : f32
        %sub3A_254 = vector.broadcast %sub3A_253 : f32 to vector<16xf32>
        %sub3A_255 = arith.subf %sub3A_254, %mul3A_252 : vector<16xf32>
        %mul3A_256 = arith.mulf %bitcast3A_247, %sub3A_255 : vector<16xf32>
        %mul3A_257 = arith.constant 5.000000e-01 : f32
        %mul3A_258 = vector.broadcast %mul3A_257 : f32 to vector<16xf32>
        %mul3A_259 = arith.mulf %mul3A_258, %add3A_241 : vector<16xf32>
        %mul3A_260 = arith.mulf %mul3A_259, %mul3A_256 : vector<16xf32>
        %mul3A_261 = arith.mulf %mul3A_260, %mul3A_256 : vector<16xf32>
        %sub3A_262 = arith.constant 1.500000e+00 : f32
        %sub3A_263 = vector.broadcast %sub3A_262 : f32 to vector<16xf32>
        %sub3A_264 = arith.subf %sub3A_263, %mul3A_261 : vector<16xf32>
        %mul3A_265 = arith.mulf %mul3A_256, %sub3A_264 : vector<16xf32>
        %bitcast3A_266 = vector.bitcast %add3A_237 : vector<16xf32> to vector<16xi32>
        %shift_right_logical3A_267 = arith.constant 1 : i32
        %shift_right_logical3A_268 = vector.broadcast %shift_right_logical3A_267 : i32 to vector<16xi32>
        %shift_right_logical3A_269 = arith.shrui %bitcast3A_266, %shift_right_logical3A_268 : vector<16xi32>
        %sub3A_270 = arith.constant 1597463007 : i32
        %sub3A_271 = vector.broadcast %sub3A_270 : i32 to vector<16xi32>
        %sub3A_272 = arith.subi %sub3A_271, %shift_right_logical3A_269 : vector<16xi32>
        %bitcast3A_273 = vector.bitcast %sub3A_272 : vector<16xi32> to vector<16xf32>
        %mul3A_274 = arith.constant 5.000000e-01 : f32
        %mul3A_275 = vector.broadcast %mul3A_274 : f32 to vector<16xf32>
        %mul3A_276 = arith.mulf %mul3A_275, %add3A_237 : vector<16xf32>
        %mul3A_277 = arith.mulf %mul3A_276, %bitcast3A_273 : vector<16xf32>
        %mul3A_278 = arith.mulf %mul3A_277, %bitcast3A_273 : vector<16xf32>
        %sub3A_279 = arith.constant 1.500000e+00 : f32
        %sub3A_280 = vector.broadcast %sub3A_279 : f32 to vector<16xf32>
        %sub3A_281 = arith.subf %sub3A_280, %mul3A_278 : vector<16xf32>
        %mul3A_282 = arith.mulf %bitcast3A_273, %sub3A_281 : vector<16xf32>
        %mul3A_283 = arith.constant 5.000000e-01 : f32
        %mul3A_284 = vector.broadcast %mul3A_283 : f32 to vector<16xf32>
        %mul3A_285 = arith.mulf %mul3A_284, %add3A_237 : vector<16xf32>
        %mul3A_286 = arith.mulf %mul3A_285, %mul3A_282 : vector<16xf32>
        %mul3A_287 = arith.mulf %mul3A_286, %mul3A_282 : vector<16xf32>
        %sub3A_288 = arith.constant 1.500000e+00 : f32
        %sub3A_289 = vector.broadcast %sub3A_288 : f32 to vector<16xf32>
        %sub3A_290 = arith.subf %sub3A_289, %mul3A_287 : vector<16xf32>
        %mul3A_291 = arith.mulf %mul3A_282, %sub3A_290 : vector<16xf32>
        %mul3A_292 = arith.mulf %add3A_237, %mul3A_291 : vector<16xf32>
        %mul3A_293 = arith.mulf %add3A_227, %mul3A_292 : vector<16xf32>
        %mul3A_294 = arith.mulf %mul3A_293, %mul3A_265 : vector<16xf32>
        %mul3A_295 = arith.mulf %add3A_232, %mul3A_265 : vector<16xf32>
        %gt3A = arith.constant 0.000000e+00 : f32
        %gt3A_296 = vector.broadcast %gt3A : f32 to vector<16xf32>
        %gt3A_297 = arith.cmpf ogt, %add3A_241, %gt3A_296 : vector<16xf32>
        %jit3A_298 = arith.constant 1.000000e+00 : f32
        %broadcast_in_dim3A_299 = vector.broadcast %jit3A_298 : f32 to vector<16xf32>
        %select_n3A_300 = arith.select %gt3A_297, %mul3A_294, %broadcast_in_dim3A_299 : vector<16xi1>, vector<16xf32>
        %jit3A_301 = arith.constant 0.000000e+00 : f32
        %broadcast_in_dim3A_302 = vector.broadcast %jit3A_301 : f32 to vector<16xf32>
        %select_n3A_303 = arith.select %gt3A_297, %mul3A_295, %broadcast_in_dim3A_302 : vector<16xi1>, vector<16xf32>
        %gather3A_304 = tpu.vector_load_idx %arg15[%add3A_176, %broadcast_in_dim3A_3] : memref<1024x8xf32, #tpu.memory_space<vmem>>[vector<16xi32>, vector<16xi32>], vector<16xf32>,
        %gather3A_305 = tpu.vector_load_idx %arg15[%add3A_176, %broadcast_in_dim3A_5] : memref<1024x8xf32, #tpu.memory_space<vmem>>[vector<16xi32>, vector<16xi32>], vector<16xf32>,
        %gather3A_306 = tpu.vector_load_idx %arg15[%add3A_176, %broadcast_in_dim3A_7] : memref<1024x8xf32, #tpu.memory_space<vmem>>[vector<16xi32>, vector<16xi32>], vector<16xf32>,
        %gather3A_307 = tpu.vector_load_idx %arg15[%add3A_176, %broadcast_in_dim3A_9] : memref<1024x8xf32, #tpu.memory_space<vmem>>[vector<16xi32>, vector<16xi32>], vector<16xf32>,
        %gather3A_308 = tpu.vector_load_idx %arg15[%add3A_176, %broadcast_in_dim3A_11] : memref<1024x8xf32, #tpu.memory_space<vmem>>[vector<16xi32>, vector<16xi32>], vector<16xf32>,
        %mul3A_309 = arith.mulf %gather3A_305, %select_n3A_300 : vector<16xf32>
        %sub3A_310 = arith.subf %gather3A_304, %mul3A_309 : vector<16xf32>
        %mul3A_311 = arith.mulf %gather3A_306, %select_n3A_303 : vector<16xf32>
        %sub3A_312 = arith.subf %sub3A_310, %mul3A_311 : vector<16xf32>
        %mul3A_313 = arith.mulf %select_n3A_300, %select_n3A_300 : vector<16xf32>
        %mul3A_314 = arith.mulf %gather3A_307, %mul3A_313 : vector<16xf32>
        %sub3A_315 = arith.subf %sub3A_312, %mul3A_314 : vector<16xf32>
        %mul3A_316 = arith.mulf %select_n3A_303, %select_n3A_300 : vector<16xf32>
        %mul3A_317 = arith.mulf %gather3A_308, %mul3A_316 : vector<16xf32>
        %sub3A_318 = arith.subf %sub3A_315, %mul3A_317 : vector<16xf32>
        %gt3A_319 = arith.constant 0.000000e+00 : f32
        %gt3A_320 = vector.broadcast %gt3A_319 : f32 to vector<16xf32>
        %gt3A_321 = arith.cmpf ogt, %add3A_237, %gt3A_320 : vector<16xf32>
        %jit3A_322 = arith.constant 0x7FC00000 : f32
        %broadcast_in_dim3A_323 = vector.broadcast %jit3A_322 : f32 to vector<16xf32>
        %select_n3A_324 = arith.select %gt3A_321, %sub3A_318, %broadcast_in_dim3A_323 : vector<16xi1>, vector<16xf32>
        %mul3A_325 = arith.constant 16 : i32
        %mul3A_326 = arith.muli %scan3A_172, %mul3A_325 : i32
        %swap3A = arith.index_cast %mul3A_326 : i32 to index
        %swap3A_327 = tpu.vector_load %arg16[%swap3A] {strides = array<i32>} : memref<1024xf32, #tpu.memory_space<vmem>>, vector<16xf32>,
        tpu.vector_store %arg16[%swap3A], %select_n3A_324 {strides = array<i32>} : memref<1024xf32, #tpu.memory_space<vmem>>, vector<16xf32>,
      }
      %scan3A_163 = arith.constant 64 : i32
      %dma_start3A_164 = arith.constant 3198976 : i32
      %dma_start3A_165 = tpu.memref_slice %arg5[%dma_start3A_164] : memref<3200000xf32, #tpu.memory_space<hbm>> -> memref<1024xf32, #tpu.memory_space<hbm>>
      %dma_start3A_166 = arith.constant 3198976 : i32
      %dma_start3A_167 = tpu.memref_slice %arg5[%dma_start3A_166] : memref<3200000xf32, #tpu.memory_space<hbm>> -> memref<1024xf32, #tpu.memory_space<hbm>>
      tpu.enqueue_dma source(%arg16 : memref<1024xf32, #tpu.memory_space<vmem>>) target(%dma_start3A_167 : memref<1024xf32, #tpu.memory_space<hbm>>) target_semaphore(%arg34 : memref<!tpu.dma_semaphore, #tpu.memory_space<semaphore_mem>>)
      %dma_wait3A_168 = arith.constant 3198976 : i32
      %dma_wait3A_169 = tpu.memref_slice %arg5[%dma_wait3A_168] : memref<3200000xf32, #tpu.memory_space<hbm>> -> memref<1024xf32, #tpu.memory_space<hbm>>
      %dma_wait3A_170 = arith.constant 3198976 : i32
      %dma_wait3A_171 = tpu.memref_slice %arg5[%dma_wait3A_170] : memref<3200000xf32, #tpu.memory_space<hbm>> -> memref<1024xf32, #tpu.memory_space<hbm>>
      tpu.wait_dma2 semaphore(%arg34 : memref<!tpu.dma_semaphore, #tpu.memory_space<semaphore_mem>>) src(%arg16 : memref<1024xf32, #tpu.memory_space<vmem>>) dst(%dma_wait3A_171 : memref<1024xf32, #tpu.memory_space<hbm>>)
    } else {
    }
    return
  }
}

module attributes {stable_mosaic.version = 14 : i64} {
  func.func @_coef_body(%arg0: memref<3052x128xf32, #tpu.memory_space<vmem>>, %arg1: memref<3052x128xf32, #tpu.memory_space<vmem>>, %arg2: memref<3052x128xf32, #tpu.memory_space<vmem>>, %arg3: memref<3052x128xf32, #tpu.memory_space<vmem>>, %arg4: memref<3052x128xf32, #tpu.memory_space<vmem>>, %arg5: memref<3052x128xf32, #tpu.memory_space<vmem>>, %arg6: memref<3052x128xf32, #tpu.memory_space<vmem>>, %arg7: memref<3052x128xf32, #tpu.memory_space<vmem>>, %arg8: memref<3052x128xf32, #tpu.memory_space<vmem>>) attributes {dimension_semantics = [], scalar_prefetch = 0 : i64, scratch_operands = 0 : i64, tpu.core_type = #tpu.core_type<tc>} {
    %get3A = arith.constant 0 : index
    %get3A_0 = arith.constant 0 : index
    %get3A_1 = vector.load %arg0[%get3A, %get3A_0] : memref<3052x128xf32, #tpu.memory_space<vmem>>, vector<3052x128xf32>
    %get3A_2 = arith.constant 0 : index
    %get3A_3 = arith.constant 0 : index
    %get3A_4 = vector.load %arg1[%get3A_2, %get3A_3] : memref<3052x128xf32, #tpu.memory_space<vmem>>, vector<3052x128xf32>
    %get3A_5 = arith.constant 0 : index
    %get3A_6 = arith.constant 0 : index
    %get3A_7 = vector.load %arg2[%get3A_5, %get3A_6] : memref<3052x128xf32, #tpu.memory_space<vmem>>, vector<3052x128xf32>
    %get3A_8 = arith.constant 0 : index
    %get3A_9 = arith.constant 0 : index
    %get3A_10 = vector.load %arg3[%get3A_8, %get3A_9] : memref<3052x128xf32, #tpu.memory_space<vmem>>, vector<3052x128xf32>
    %cos3A = math.cos %get3A_7 : vector<3052x128xf32>
    %add3A = arith.addf %get3A_4, %get3A_10 : vector<3052x128xf32>
    %mul3A = arith.mulf %get3A_10, %cos3A : vector<3052x128xf32>
    %add3A_11 = arith.addf %add3A, %mul3A : vector<3052x128xf32>
    %swap3A = arith.constant 0 : index
    %swap3A_12 = arith.constant 0 : index
    %swap3A_13 = vector.load %arg4[%swap3A, %swap3A_12] : memref<3052x128xf32, #tpu.memory_space<vmem>>, vector<3052x128xf32>
    tpu.vector_store %arg4[%swap3A, %swap3A_12], %add3A_11 {strides = array<i32>} : memref<3052x128xf32, #tpu.memory_space<vmem>>, vector<3052x128xf32>,
    %cos3A_14 = math.cos %get3A_1 : vector<3052x128xf32>
    %mul3A_15 = arith.mulf %get3A_4, %cos3A_14 : vector<3052x128xf32>
    %swap3A_16 = arith.constant 0 : index
    %swap3A_17 = arith.constant 0 : index
    %swap3A_18 = vector.load %arg5[%swap3A_16, %swap3A_17] : memref<3052x128xf32, #tpu.memory_space<vmem>>, vector<3052x128xf32>
    tpu.vector_store %arg5[%swap3A_16, %swap3A_17], %mul3A_15 {strides = array<i32>} : memref<3052x128xf32, #tpu.memory_space<vmem>>, vector<3052x128xf32>,
    %sin3A = math.sin %get3A_1 : vector<3052x128xf32>
    %mul3A_19 = arith.mulf %get3A_4, %sin3A : vector<3052x128xf32>
    %swap3A_20 = arith.constant 0 : index
    %swap3A_21 = arith.constant 0 : index
    %swap3A_22 = vector.load %arg6[%swap3A_20, %swap3A_21] : memref<3052x128xf32, #tpu.memory_space<vmem>>, vector<3052x128xf32>
    tpu.vector_store %arg6[%swap3A_20, %swap3A_21], %mul3A_19 {strides = array<i32>} : memref<3052x128xf32, #tpu.memory_space<vmem>>, vector<3052x128xf32>,
    %mul3A_23 = arith.constant 2.000000e+00 : f32
    %mul3A_24 = vector.broadcast %mul3A_23 : f32 to vector<3052x128xf32>
    %mul3A_25 = arith.mulf %mul3A_24, %get3A_10 : vector<3052x128xf32>
    %mul3A_26 = arith.mulf %mul3A_25, %cos3A : vector<3052x128xf32>
    %swap3A_27 = arith.constant 0 : index
    %swap3A_28 = arith.constant 0 : index
    %swap3A_29 = vector.load %arg7[%swap3A_27, %swap3A_28] : memref<3052x128xf32, #tpu.memory_space<vmem>>, vector<3052x128xf32>
    tpu.vector_store %arg7[%swap3A_27, %swap3A_28], %mul3A_26 {strides = array<i32>} : memref<3052x128xf32, #tpu.memory_space<vmem>>, vector<3052x128xf32>,
    %mul3A_30 = arith.constant 2.000000e+00 : f32
    %mul3A_31 = vector.broadcast %mul3A_30 : f32 to vector<3052x128xf32>
    %mul3A_32 = arith.mulf %mul3A_31, %get3A_10 : vector<3052x128xf32>
    %sin3A_33 = math.sin %get3A_7 : vector<3052x128xf32>
    %mul3A_34 = arith.mulf %mul3A_32, %sin3A_33 : vector<3052x128xf32>
    %swap3A_35 = arith.constant 0 : index
    %swap3A_36 = arith.constant 0 : index
    %swap3A_37 = vector.load %arg8[%swap3A_35, %swap3A_36] : memref<3052x128xf32, #tpu.memory_space<vmem>>, vector<3052x128xf32>
    tpu.vector_store %arg8[%swap3A_35, %swap3A_36], %mul3A_34 {strides = array<i32>} : memref<3052x128xf32, #tpu.memory_space<vmem>>, vector<3052x128xf32>,
    return
  }
}

</mosaic_0001>

<sc_bundles>
// kernel: kernel.4.cloned.1.call-start
scs
__scs_entry_jumppad:
0x0: {  	(pc) =	sbr.rel $0x88, $3  }
0x1: {  	(tag) =	ssettag $0x0;
	lr =	simm.s32 $0x1  }
0x2: {  	[smem:$0x3F9A] =	sst lr;
	_ =	strace $0xD0000000  }
0x3: {  	_ = 	snop  }
0x4: {  	_ = 	snop  }
0x5: {  	_ = 	snop  }
0x6: {  	_ = 	snop  }
0x7: {  	_ = 	snop  }
__scs_overlays_trampoline_lowered:
0x8: {  	[smem:$0x3FA9] =	sst s0  }
0x9: {  	[smem:$0x3FAA] =	sst s1  }
0xa: {  	[smem:$0x3FAB] =	sst s2  }
0xb: {  	[smem:$0x3FAC] =	sst s3  }
0xc: {  	[smem:$0x3FAD] =	sst s4  }
0xd: {  	[smem:$0x3FAE] =	sst s5  }
0xe: {  	[smem:$0x3FAF] =	sst s6  }
0xf: {  	[smem:$0x3FB0] =	sst s7  }
0x10: {  	[smem:$0x3FB1] =	sst s8  }
0x11: {  	[smem:$0x3FB2] =	sst s9;
	s0 =	simm.s32 @!p0 $0x0  }
0x12: {  	s1 =	sld [smem:$0x3F98];
	s0 =	simm.s32 @p0 $0x1  }
0x13: {  	[smem:$0x3FB3] =	sst s0;
	s0 =	simm.s32 @!p1 $0x0  }
0x14: {  	s2 =	sld [smem:$0x3F97];
	s0 =	simm.s32 @p1 $0x1  }
0x15: {  	[smem:$0x3FB4] =	sst s0;
	s0 =	simm.s32 @!p2 $0x0  }
0x16: {  	s3 =	sld [smem:$0x3FDB];
	s0 =	simm.s32 @p2 $0x1  }
0x17: {  	s4 =	simm.s32 $0x1BF5;
	[smem:$0x3FB6] =	sst s0  }
0x18: {  	s0 =	sld [smem:$0x3F99];
	_ =	swait.ge [sflag:s4], $0x0  }
0x19: {  	s7 =	sld [smem:$0x3F9A]  }
0x1a: {  	s8 =	sadd.s32 $0xFFFFE003, lr  }
0x1b: {  	s9 =	sadd.s32 $0xFFFFFEF7, lr;
	s5 =	simm.s32 $0xFFFFFFFF;
	p2 =	slt.u32 s8, $0xFFFFF086  }
0x1c: {  	p1 =	slt.u32 s9, $0xF7A;
	s5 =	simm.s32 @!p2 $0x0  }
0x1d: {  	s5 =	simm.s32 @p1 $0x1;
	p0 =	seq.s32 s7, s2  }
0x1e: {  	s7 =	smul.u32 @!p0 $0xF7A, s2;
	p2 =	seq.s32 @!p0 s5, $0x0  }
0x1f: {  	s9 =	smul.u32 $0xF7A, s1;
	s8 =	simm.s32 @!p0 $0x1BF5;
	p2 =	por !p2, p0  }
0x20: {  	[sflag:s8] =	ssyncset.s32 @!p0 $0xFFFFF086;
	s6 =	sadd.s32 @!p0 s3, s7;
	s7 =	simm.s32 @!p0 $0x108  }
0x21: {  	s3 =	sadd.s32 s3, s9;
	s6 =	sadd.s32 @!p0 $0x88, s6;
	s7 =	simm.s32 @p2 $0x1082  }
0x22: {  	[simem:s7], [sflag:s8] =	dma.local @!p0 [hbm:s6], $0xF7A  }
0x23: {  	s9 =	sor.u32 $0xD0000000, s2;
	s6 =	simm.s32 $0x108;
	_ =	swait.ge @!p0 [sflag:s8], $0x0  }
0x24: {  	s3 =	sadd.s32 $0x88, s3;
	s6 =	simm.s32 @!p1 $0x1082;
	[sflag:s4] =	ssyncset.s32 $0xFFFFF086  }
0x25: {  	[simem:s6], [sflag:s4] =	dma.local [hbm:s3], $0xF7A  }
0x26: {  	[smem:$0x3F9A] =	sst s1;
	(tag) =	ssettag s2;
	_ =	strace s9  }
0x27: {  	s1 =	sld [smem:$0x3FAA]  }
0x28: {  	s2 =	sld [smem:$0x3FAB]  }
0x29: {  	s4 =	sld [smem:$0x3FAD]  }
0x2a: {  	p0 =	seq.s32 s5, $0x0;
	s5 =	sld [smem:$0x3FAE]  }
0x2b: {  	s6 =	sld [smem:$0x3FAF]  }
0x2c: {  	s7 =	sld [smem:$0x3FB0]  }
0x2d: {  	s3 =	simm.s32 $0x108;
	s8 =	sld [smem:$0x3FB1]  }
0x2e: {  	s3 =	simm.s32 @!p0 $0x1082;
	s9 =	sld [smem:$0x3FB2]  }
0x2f: {  	lr =	sadd.s32 s0, s3;
	s0 =	sld [smem:$0x3FA9]  }
0x30: {  	s3 =	sld [smem:$0x3FAC]  }
0x31: {  	[smem:$0x3FB5] =	sst s10  }
0x32: {  	s10 =	sld [smem:$0x3FB3];
	_ =	sdelay $0x3  }
0x33: {  	p0 =	seq.s32 s10, $0x1;
	s10 =	sld [smem:$0x3FB5];
	_ =	sdelay $0x3  }
0x34: {  	[smem:$0x3FB5] =	sst s10  }
0x35: {  	s10 =	sld [smem:$0x3FB4];
	_ =	sdelay $0x3  }
0x36: {  	p1 =	seq.s32 s10, $0x1;
	s10 =	sld [smem:$0x3FB5];
	_ =	sdelay $0x3  }
0x37: {  	[smem:$0x3FB5] =	sst s10  }
0x38: {  	s10 =	sld [smem:$0x3FB6]  }
0x39: {  	_ = 	snop;
	(pc) =	sbr.ind lr, $3  }
0x3a: {  	_ = 	snop  }
0x3b: {  	_ = 	snop  }
0x3c: {  	p2 =	seq.s32 s10, $0x1;
	s10 =	sld [smem:$0x3FB5]  }
0x3d: {  	_ =	shalt  }
0x3e: {  	_ =	shalt  }
0x3f: {  	_ =	shalt  }
0x40: {  	_ =	shalt  }
0x41: {  	_ =	shalt  }
0x42: {  	_ =	shalt  }
0x43: {  	_ =	shalt  }
0x44: {  	_ =	shalt  }
0x45: {  	_ =	shalt  }
0x46: {  	_ =	shalt  }
0x47: {  	_ =	shalt  }
0x48: {  	_ =	shalt  }
0x49: {  	_ =	shalt  }
0x4a: {  	_ =	shalt  }
0x4b: {  	_ =	shalt  }
0x4c: {  	_ =	shalt  }
0x4d: {  	_ =	shalt  }
0x4e: {  	_ =	shalt  }
0x4f: {  	_ =	shalt  }
0x50: {  	_ =	shalt  }
0x51: {  	_ =	shalt  }
0x52: {  	_ =	shalt  }
0x53: {  	_ =	shalt  }
0x54: {  	_ =	shalt  }
0x55: {  	_ =	shalt  }
0x56: {  	_ =	shalt  }
0x57: {  	_ =	shalt  }
0x58: {  	_ =	shalt  }
0x59: {  	_ =	shalt  }
0x5a: {  	_ =	shalt  }
0x5b: {  	_ =	shalt  }
0x5c: {  	_ =	shalt  }
0x5d: {  	_ =	shalt  }
0x5e: {  	_ =	shalt  }
0x5f: {  	_ =	shalt  }
0x60: {  	_ =	shalt  }
0x61: {  	_ =	shalt  }
0x62: {  	_ =	shalt  }
0x63: {  	_ =	shalt  }
0x64: {  	_ =	shalt  }
0x65: {  	_ =	shalt  }
0x66: {  	_ =	shalt  }
0x67: {  	_ =	shalt  }
0x68: {  	_ =	shalt  }
0x69: {  	_ =	shalt  }
0x6a: {  	_ =	shalt  }
0x6b: {  	_ =	shalt  }
0x6c: {  	_ =	shalt  }
0x6d: {  	_ =	shalt  }
0x6e: {  	_ =	shalt  }
0x6f: {  	_ =	shalt  }
0x70: {  	_ =	shalt  }
0x71: {  	_ =	shalt  }
0x72: {  	_ =	shalt  }
0x73: {  	_ =	shalt  }
0x74: {  	_ =	shalt  }
0x75: {  	_ =	shalt  }
0x76: {  	_ =	shalt  }
0x77: {  	_ =	shalt  }
0x78: {  	_ =	shalt  }
0x79: {  	_ =	shalt  }
0x7a: {  	_ =	shalt  }
0x7b: {  	_ =	shalt  }
0x7c: {  	_ =	shalt  }
0x7d: {  	_ =	shalt  }
0x7e: {  	_ =	shalt  }
0x7f: {  	_ =	shalt  }
0x80: {  	_ =	shalt  }
0x81: {  	_ =	shalt  }
0x82: {  	_ =	shalt  }
0x83: {  	_ =	shalt  }
0x84: {  	_ =	shalt  }
0x85: {  	_ =	shalt  }
0x86: {  	_ =	shalt  }
0x87: {  	_ =	shalt  }
.Lfunc_end0:
.L_simem_size_0:
called_computation.1_lowered:
.L_overlay_start_0:
0x88: {  	s2 =	sld [smem:$0x3FD9]  }
0x89: {  	s3 =	sld [smem:$0x3FFE];
	_ =	sdelay $0x1  }
0x8a: {  	s1 =	srdreg.scid  }
0x8b: {  	s0 =	sand.u32 $0x1, s1  }
0x8c: {  	s17 =	sshll.u32 s0, $0xA;
	s2 =	sadd.s32 s3, s2  }
0x8d: {  	s2 =	sadd.s32 s2, s17  }
0x8e: {  	[smem:$0x3FC1] =	sst s2  }
0x8f: {  	_ = 	snop  }
0x90: {  	s2 =	sld [smem:$0x3FD0];
	(tm) =	ssettm $0x1  }
0x91: {  	s18 =	sld [smem:$0x3FFB];
	_ =	sdelay $0x3  }
0x92: {  	_ =	strace s18  }
0x93: {  	s3 =	sld [smem:$0x3FFC];
	_ =	sdelay $0x3  }
0x94: {  	_ =	strace s3  }
0x95: {  	s3 =	sld [smem:$0x3FFD];
	_ =	sdelay $0x3  }
0x96: {  	_ =	strace s3  }
0x97: {  	_ =	strace $0x8FFFFFFF  }
0x98: {  	s19 =	sld [smem:$0x3FDB];
	_ =	sdelay $0x1  }
0x99: {  	s4 =	simm.s32 $_scs_section_size  }
0x9a: {  	s5 =	simm.s32 $_size__tile_overlayer_lowered;
	s6 =	simm.s32 $_tile_overlayer_lowered  }
0x9b: {  	s22 =	simm.s32 $0x1BFF;
	s21 =	sshll.u32 s6, $0x1;
	s3 =	sadd.s32 s4, s19  }
0x9c: {  	s7 =	simm.s32 $0x0;
	s20 =	sshll.u32 s5, $0x1;
	s5 =	sadd.s32 s21, s3  }
0x9d: {  	[timem:s7], [sflag:s22] =	dma.local [hbm:s5], s20  }
0x9e: {  	_ =	swait.ge [sflag:s22], s20  }
0x9f: {  	s4 =	ssub.s32 $0x0, s20;
	[sflag:s22] =	ssyncset.done $0x0  }
0xa0: {  	[sflag:s22] =	ssyncadd.s32 s4;
	_ =	sdelay $0x1  }
0xa1: {  	s23 =	simm.s32 $0x1B8B  }
0xa2: {  	_ =	swait.ge [sflag:s23], $0x1  }
0xa3: {  	[sflag:s23] =	ssyncset.done $0x0  }
0xa4: {  	s25 =	simm.s32 $0x1B8E;
	s24 =	sld [smem:$0x3FFE];
	[sflag:s23] =	ssyncadd.s32 $0xFFFFFFFF  }
0xa5: {  	s26 =	simm.s32 $execute0_lowered;
	[smem:$0x3FD2] =	sst s25  }
0xa6: {  	s5 =	sshll.u32 s26, $0x1;
	_ =	strace $0x80000049;
	[dreg:$0x1] =	wrdreg $0xFFFFFFFF  }
0xa7: {  	s28 =	simm.s32 $_size_execute0_lowered;
	s3 =	sadd.s32 s3, s5;
	[dreg:$0x0] =	wrdreg $0x0  }
0xa8: {  	s5 =	sshll.u32 s28, $0x1;
	[dreg:$0x2] =	wrdreg s3  }
0xa9: {  	[dreg:$0x3] =	wrdreg s5  }
0xaa: {  	[dreg:$0x4] =	wrdreg $0xC0  }
0xab: {  	_ =	task [dreg:s7], $0x5FFFF  }
0xac: {  	[dreg:$0x1] =	wrdreg $0xFFFFFFFF  }
0xad: {  	[dreg:$0x0] =	wrdreg $0x60  }
0xae: {  	[dreg:$0x2] =	wrdreg s24  }
0xaf: {  	[dreg:$0x3] =	wrdreg s2  }
0xb0: {  	[dreg:$0x4] =	wrdreg $0x9  }
0xb1: {  	_ =	task.clear_ibuf [dreg:s7], $0x5FFFF;
	_ =	strace $0x90000049  }
0xb2: {  	s29 =	simm.s32 $0x9;
	_ =	strace $0x8000004B  }
0xb3: {  	_ =	swait.ge [sflag:s29], $0x1  }
0xb4: {  	[sflag:s29] =	ssyncadd.s32 $0xFFFFFFFF  }
0xb5: {  	_ =	strace $0x9000004B  }
0xb6: {  	_ =	sfence  }
0xb7: {  	s30 =	sld [smem:$0x0];
	_ =	sdelay $0x2  }
0xb8: {  	s31 =	sshll.u32 s1, $0xD;
	s1 =	sshrl.u32 s1, $0x2  }
0xb9: {  	s3 =	sand.u32 $0x4000, s31;
	s1 =	sadd.s32 s1, s30  }
0xba: {  	s0 =	sor.u32 s3, s0;
	s1 =	sshll.u32 s1, $0x11  }
0xbb: {  	s0 =	sor.u32 s1, s0  }
0xbc: {  	s0 =	sadd.s32 $0x8F2B, s0  }
0xbd: {  	[sflag:s0] =	ssyncadd.remote.s32 $0x1  }
0xbe: {  	_ =	sfence.sel $0xFFFF  }
0xbf: {  	[dreg:$0x0] =	wrdreg $0xFFFFFFFF;
	(pc) =	sbr.abs _section_cstart, $3  }
0xc0: {  	[dreg:$0x1] =	wrdreg $0xFFFFFFFF  }
0xc1: {  	_ =	task.clear_ibuf [dreg:s7], $0x2FFFF;
	_ =	strace $0x9FFFFFFF  }
0xc2: {  	(tm) =	ssettm $0x7FFFFFFF  }
0xc3: {  	_ =	shalt  }
tec
execute0_lowered:
.L_overlay_start_1:
0x0: {  	(tag) =	ssettag $0x1  }
0x1: {  	s0 =	rddreg [dreg:$0x0]  }
0x2: {  	s4 =	rddreg [dreg:$0x1];
	s2 =	simm.s32 $0x0;
	s1 =	srdreg.scid  }
0x3: {  	s8 =	stileid.u32;
	s30 =	simm.s32 $0x1000;
	s31 =	simm.s32 $0x3000  }
0x4: {  	s13 =	simm.s32 $0xE800;
	s14 =	simm.s32 $0x10800;
	s28 =	simm.s32 $0x5  }
0x5: {  	[smem:$0x7FF] =	sst s2;
	s10 =	sadd.s32 $0x1C00, s0;
	s1 =	sand.u32 $0x1, s1  }
0x6: {  	s5 =	sadd.s32 $0x30F000, s0;
	s7 =	sshll.u32 s8, $0x1;
	s6 =	sadd.s32 $0x77E600, s0  }
0x7: {  	s21 =	sadd.s32 $0x80, s4;
	_ =	strace $0x8000004A;
	[dreg:$0x3] =	wrdreg s10  }
0x8: {  	p0 =	slt.u32 s8, $0xD;
	s22 =	sadd.s32 $0x63600, s0;
	[dreg:$0xc] =	wrdreg s21  }
0x9: {  	s8 =	simm.s32 $0x31;
	s23 =	sadd.s32 $0xC5080, s0;
	[dreg:$0xd] =	wrdreg s22  }
0xa: {  	s17 =	sadd.s32 $0x1C80, s0;
	s25 =	sadd.s32 $0x126B00, s0;
	[dreg:$0xe] =	wrdreg s23  }
0xb: {  	s0 =	sadd.s32 $0x188580, s0;
	s26 =	sadd.s32 $0x61A00, s4;
	[dreg:$0xf] =	wrdreg s25  }
0xc: {  	s3 =	ssub.s32 $0x2, s1;
	s7 =	sor.u32 s1, s7;
	[dreg:$0x10] =	wrdreg s0  }
0xd: {  	s8 =	simm.s32 @!p0 $0x30;
	s24 =	smov.u32 s17;
	[dreg:$0x11] =	wrdreg s26  }
0xe: {  	s25 =	simm.s32 $0x400;
	s0 =	simm.s32 $0x5000;
	s1 =	sshll.u32 s7, $0x8  }
0xf: {  	s23 =	simm.s32 $0x3;
	s15 =	sadd.s32 s10, s1;
	s1 =	sadd.s32 s1, s17  }
0x10: {  	s26 =	simm.s32 $0x14C00;
	s9 =	sshrl.u32 s3, $0x1;
	[dreg:$0x8] =	wrdreg s1  }
0x11: {  	p0 =	sne.s32 s7, $0x1A;
	s10 =	sadd.s32 $0x61A80, s15;
	[dreg:$0x4] =	wrdreg s15  }
0x12: {  	s3 =	ssub.s32 s3, s9;
	s16 =	sadd.s32 $0xC3500, s15;
	[dreg:$0x5] =	wrdreg s10  }
0x13: {  	s17 =	simm.s32 $0x9400;
	s11 =	sadd.s32 $0x124F80, s15;
	[dreg:$0x6] =	wrdreg s16  }
0x14: {  	s9 =	simm.s32 $0x6;
	s18 =	sadd.s32 $0x61B00, s15;
	[dreg:$0x7] =	wrdreg s11  }
.Ltmp0:
0x15: {  	s19 =	sadd.s32 $0xC3580, s15;
	[dreg:$0x9] =	wrdreg s18;
	(pc) =	sbr.rel .LBB2_1-.Ltmp0, $4  }
0x16: {  	s20 =	sadd.s32 $0x125000, s15;
	s29 =	smax.u32 s3, $0x1;
	[dreg:$0xa] =	wrdreg s19  }
0x17: {  	s3 =	simm.s32 $0x7000;
	s15 =	simm.s32 $0x12800;
	[dreg:$0xb] =	wrdreg s20  }
0x18: {  	v0 =	vlaneseq.u32;
	s1 =	simm.s32 $0x4;
	[dreg:$0x12] =	wrdreg s29;
	s18 =	smov.u32 s7  }
0x19: {  	v0 =	vmul.u32 $0x8, v0;
	s10 =	simm.s32 $0x2;
	s11 =	simm.s32 $0xC800;
	s7 =	simm.s32 $0x0  }
.LBB2_25:
0x1a: {  	s7 =	sadd.s32 $0x1, s7;
	s4 =	rddreg [dreg:$0x12]  }
0x1b: {  	p1 =	sne.s32 s7, s4  }
.Ltmp1:
0x1c: {  	_ = 	snop;
	(pc) =	sbr.rel @!p1 .LBB2_26-.Ltmp1, $1  }
0x1d: {  	_ =	sdelay $0x3  }
.LBB2_1:
0x1e: {  	[dreg:$0x13] =	wrdreg s7  }
0x1f: {  	s4 =	rddreg [dreg:$0x4]  }
0x20: {  	[tilespmem:s2], [sflag:$0x1] =	stream.linear.gather [hbm4b:s4+s2], $0x400, $0x38;
	[tilespmem:$0x17000] =	vst v63  }
0x21: {  	s19 =	rddreg [dreg:$0x5]  }
0x22: {  	[tilespmem:s25], [sflag:$0x1] =	stream.linear.gather [hbm4b:s19+s2], $0x400, $0x38;
	[tilespmem:$0x17000] =	vst v63  }
0x23: {  	s20 =	rddreg [dreg:$0x6];
	s21 =	simm.s32 $0x800  }
0x24: {  	[tilespmem:s21], [sflag:$0x1] =	stream.linear.gather [hbm4b:s20+s2], $0x400, $0x38;
	[tilespmem:$0x17000] =	vst v63  }
0x25: {  	s22 =	rddreg [dreg:$0x7];
	s12 =	simm.s32 $0xC00;
	s29 =	simm.s32 $0x1  }
0x26: {  	[tilespmem:s12], [sflag:$0x1] =	stream.linear.gather [hbm4b:s22+s2], $0x400, $0x38;
	[tilespmem:$0x17000] =	vst v63  }
0x27: {  	_ =	swait.ge [sflag:s29], $0x400  }
0x28: {  	[sflag:s29] =	ssyncset.done $0x0  }
0x29: {  	[sflag:s29] =	ssyncadd.s32 $0xFFFFFC00  }
0x2a: {  	_ =	swait.ge [sflag:s29], $0x400  }
0x2b: {  	[sflag:s29] =	ssyncset.done $0x0  }
0x2c: {  	[sflag:s29] =	ssyncadd.s32 $0xFFFFFC00  }
0x2d: {  	_ =	swait.ge [sflag:s29], $0x400  }
0x2e: {  	[sflag:s29] =	ssyncset.done $0x0  }
0x2f: {  	[sflag:s29] =	ssyncadd.s32 $0xFFFFFC00  }
0x30: {  	_ =	swait.ge [sflag:s29], $0x400  }
0x31: {  	[sflag:s29] =	ssyncset.done $0x0  }
0x32: {  	[sflag:s29] =	ssyncadd.s32 $0xFFFFFC00  }
0x33: {  	[tilespmem:s30], [sflag:$0x3] =	stream.indirect.gather [hbm4b:s5+s25], $0x8, s2, s25, $0xb8;
	[tilespmem:$0x17000] =	vst v63  }
0x34: {  	_ = 	snop  }
0x35: {  	[tilespmem:s31], [sflag:$0x3] =	stream.indirect.gather [hbm4b:s5+s25], $0x8, s25, s25, $0xb8;
	[tilespmem:$0x17000] =	vst v63  }
0x36: {  	_ = 	snop  }
0x37: {  	[tilespmem:s0], [sflag:$0x3] =	stream.indirect.gather [hbm4b:s5+s25], $0x8, s21, s25, $0xb8;
	[tilespmem:$0x17000] =	vst v63  }
0x38: {  	_ = 	snop  }
0x39: {  	[tilespmem:s3], [sflag:$0x3] =	stream.indirect.gather [hbm4b:s5+s25], $0x8, s12, s25, $0xb8;
	[tilespmem:$0x17000] =	vst v63  }
0x3a: {  	s7 =	rddreg [dreg:$0x8];
	s12 =	simm.s32 $0xB800  }
0x3b: {  	[tilespmem:s12], [sflag:$0x2] =	stream.linear.gather [hbm4b:s7+s2], $0x400, $0x38;
	[tilespmem:$0x17000] =	vst v63  }
0x3c: {  	s19 =	simm.s32 $0xBC00;
	s16 =	rddreg [dreg:$0x9]  }
0x3d: {  	[tilespmem:s19], [sflag:$0x2] =	stream.linear.gather [hbm4b:s16+s2], $0x400, $0x38;
	[tilespmem:$0x17000] =	vst v63  }
0x3e: {  	s20 =	rddreg [dreg:$0xa];
	s21 =	simm.s32 $0xC000  }
0x3f: {  	[tilespmem:s21], [sflag:$0x2] =	stream.linear.gather [hbm4b:s20+s2], $0x400, $0x38;
	[tilespmem:$0x17000] =	vst v63  }
0x40: {  	s22 =	rddreg [dreg:$0xb];
	s29 =	simm.s32 $0xC400;
	s16 =	simm.s32 $0x0  }
0x41: {  	[tilespmem:s29], [sflag:$0x2] =	stream.linear.gather [hbm4b:s22+s2], $0x400, $0x38;
	[tilespmem:$0x17000] =	vst v63  }
.LBB2_2:
0x42: {  	_ =	swait.ge [sflag:s23], $0x2000  }
0x43: {  	[sflag:s23] =	ssyncset.done $0x0  }
0x44: {  	[sflag:s23] =	ssyncadd.s32 $0xFFFFE000  }
0x45: {  	_ =	swait.ge [sflag:s23], $0x2000  }
0x46: {  	[sflag:s23] =	ssyncset.done $0x0  }
0x47: {  	[sflag:s23] =	ssyncadd.s32 $0xFFFFE000  }
0x48: {  	_ =	swait.ge [sflag:s23], $0x2000  }
0x49: {  	[sflag:s23] =	ssyncset.done $0x0  }
0x4a: {  	[sflag:s23] =	ssyncadd.s32 $0xFFFFE000  }
0x4b: {  	_ =	swait.ge [sflag:s23], $0x2000  }
0x4c: {  	[sflag:s23] =	ssyncset.done $0x0  }
0x4d: {  	[sflag:s23] =	ssyncadd.s32 $0xFFFFE000  }
0x4e: {  	_ =	swait.ge [sflag:s10], $0x400  }
0x4f: {  	[sflag:s10] =	ssyncset.done $0x0  }
0x50: {  	[sflag:s10] =	ssyncadd.s32 $0xFFFFFC00  }
0x51: {  	_ =	swait.ge [sflag:s10], $0x400  }
0x52: {  	[sflag:s10] =	ssyncset.done $0x0  }
0x53: {  	[sflag:s10] =	ssyncadd.s32 $0xFFFFFC00  }
0x54: {  	_ =	swait.ge [sflag:s10], $0x400  }
0x55: {  	[sflag:s10] =	ssyncset.done $0x0  }
0x56: {  	[sflag:s10] =	ssyncadd.s32 $0xFFFFFC00  }
0x57: {  	_ =	swait.ge [sflag:s10], $0x400  }
0x58: {  	s19 =	simm.s32 $0x0;
	[sflag:s10] =	ssyncset.done $0x0  }
0x59: {  	s4 =	simm.s32 $0xB800;
	v1 =	vmov s19;
	[sflag:s10] =	ssyncadd.s32 $0xFFFFFC00  }
0x5a: {  	v1 =	vshll.u32 v1, $0x3;
	[tilespmem:s11], [sflag:$0x4] =	stream.indirect.gather [hbm4b:s5+s25], $0x8, s4, s25, $0xb8;
	[tilespmem:$0x17000] =	vst v63  }
0x5b: {  	s20 =	simm.s32 $0xBC00;
	v1 =	vor.u32 v0, v1  }
0x5c: {  	v1 =	vor.u32 $0x3, v1;
	[tilespmem:s13], [sflag:$0x4] =	stream.indirect.gather [hbm4b:s5+s25], $0x8, s20, s25, $0xb8;
	[tilespmem:$0x17000] =	vst v63  }
0x5d: {  	s21 =	simm.s32 $0xC000  }
0x5e: {  	[tilespmem:s14], [sflag:$0x4] =	stream.indirect.gather [hbm4b:s5+s25], $0x8, s21, s25, $0xb8;
	[tilespmem:$0x17000] =	vst v63  }
0x5f: {  	s22 =	simm.s32 $0xC400  }
0x60: {  	[tilespmem:s15], [sflag:$0x4] =	stream.indirect.gather [hbm4b:s5+s25], $0x8, s22, s25, $0xb8;
	[tilespmem:$0x17000] =	vst v63  }
0x61: {  	v2 =	vld.idx.msk [tilespmem:v1+s30+$0x0], $0xffff;
	_ =	sdelay $0x1  }
0x62: {  	v3 =	vld.idx.msk [tilespmem:v1+s31+$0x0], $0xffff;
	_ =	sdelay $0x2  }
0x63: {  	v4 =	vld.idx.msk [tilespmem:v1+s0+$0x0], $0xffff;
	v2 =	vtrunc.f32 v2  }
0x64: {  	v2 =	vcvt.f32.s32 v2  }
0x65: {  	v3 =	vtrunc.f32 v3  }
0x66: {  	v1 =	vld.idx.msk [tilespmem:v1+s3+$0x0], $0xffff;
	v3 =	vcvt.f32.s32 v3;
	v2 =	vmul.u32 $0x19, v2  }
0x67: {  	s29 =	simm.s32 $0x10  }
0x68: {  	v5 =	vmov s29;
	v4 =	vtrunc.f32 v4;
	v2 =	vadd.s32 v3, v2  }
0x69: {  	v4 =	vcvt.f32.s32 v4;
	v3 =	vshll.u32 v5, $0x3;
	v2 =	vmul.u32 $0x19, v2  }
0x6a: {  	v3 =	vor.u32 v0, v3  }
0x6b: {  	v1 =	vtrunc.f32 v1;
	v3 =	vor.u32 $0x3, v3;
	v2 =	vadd.s32 v4, v2  }
0x6c: {  	v1 =	vcvt.f32.s32 v1;
	v2 =	vmul.u32 $0x19, v2;
	_ =	sdelay $0x1  }
0x6d: {  	s19 =	simm.s32 $0x9000;
	v1 =	vadd.s32 v1, v2  }
0x6e: {  	[tilespmem:s19+$0x0] =	vst v1  }
0x6f: {  	v1 =	vld.idx.msk [tilespmem:v3+s30+$0x0], $0xffff;
	_ =	sdelay $0x1  }
0x70: {  	v2 =	vld.idx.msk [tilespmem:v3+s31+$0x0], $0xffff;
	_ =	sdelay $0x2  }
0x71: {  	v4 =	vld.idx.msk [tilespmem:v3+s0+$0x0], $0xffff;
	v1 =	vtrunc.f32 v1  }
0x72: {  	v1 =	vcvt.f32.s32 v1  }
0x73: {  	v2 =	vtrunc.f32 v2  }
0x74: {  	v5 =	vcvt.f32.s32 v2;
	v6 =	vmul.u32 $0x19, v1;
	v1 =	vld.idx.msk [tilespmem:v3+s3+$0x0], $0xffff  }
0x75: {  	s20 =	simm.s32 $0x20  }
0x76: {  	v2 =	vmov s20;
	s20 =	simm.s32 $0x30;
	v3 =	vtrunc.f32 v4;
	v4 =	vadd.s32 v5, v6  }
.LBB2_3:
0x77: {  	p1 =	sne.s32 s20, $0x1F0;
	v2 =	vshll.u32 v2, $0x3;
	v3 =	vcvt.f32.s32 v3;
	v4 =	vmul.u32 $0x19, v4  }
0x78: {  	v2 =	vor.u32 v0, v2  }
0x79: {  	v1 =	vtrunc.f32 v1;
	v2 =	vor.u32 $0x3, v2;
	v3 =	vadd.s32 v3, v4  }
0x7a: {  	v1 =	vcvt.f32.s32 v1;
	v3 =	vmul.u32 $0x19, v3;
	_ =	sdelay $0x1  }
0x7b: {  	s19 =	sadd.s32 $0x10, s19;
	v1 =	vadd.s32 v1, v3  }
0x7c: {  	[tilespmem:s19+$0x0] =	vst v1  }
0x7d: {  	v1 =	vld.idx.msk [tilespmem:v2+s30+$0x0], $0xffff;
	_ =	sdelay $0x1  }
0x7e: {  	v3 =	vld.idx.msk [tilespmem:v2+s31+$0x0], $0xffff;
	_ =	sdelay $0x2  }
0x7f: {  	v4 =	vld.idx.msk [tilespmem:v2+s0+$0x0], $0xffff  }
0x80: {  	v1 =	vtrunc.f32 v1  }
.Ltmp2:
0x81: {  	v5 =	vcvt.f32.s32 v1;
	(pc) =	sbr.rel @p1 .LBB2_3-.Ltmp2, $3  }
0x82: {  	v3 =	vtrunc.f32 v3;
	v1 =	vld.idx.msk [tilespmem:v2+s3+$0x0], $0xffff  }
0x83: {  	v6 =	vcvt.f32.s32 v3;
	v5 =	vmul.u32 $0x19, v5;
	_ =	sdelay $0x1  }
0x84: {  	v2 =	vmov s20;
	s20 =	sadd.s32 $0x10, s20;
	v3 =	vtrunc.f32 v4;
	v4 =	vadd.s32 v6, v5  }
0x85: {  	v2 =	vshll.u32 v2, $0x3;
	v3 =	vcvt.f32.s32 v3;
	v4 =	vmul.u32 $0x19, v4  }
0x86: {  	v2 =	vor.u32 v0, v2  }
0x87: {  	v1 =	vtrunc.f32 v1;
	v2 =	vor.u32 $0x3, v2;
	v3 =	vadd.s32 v3, v4  }
0x88: {  	v1 =	vcvt.f32.s32 v1;
	v3 =	vmul.u32 $0x19, v3;
	_ =	sdelay $0x1  }
0x89: {  	s19 =	sadd.s32 $0x10, s19;
	v1 =	vadd.s32 v1, v3  }
0x8a: {  	[tilespmem:s19+$0x0] =	vst v1  }
0x8b: {  	v1 =	vld.idx.msk [tilespmem:v2+s30+$0x0], $0xffff;
	_ =	sdelay $0x1  }
0x8c: {  	v3 =	vld.idx.msk [tilespmem:v2+s31+$0x0], $0xffff;
	_ =	sdelay $0x2  }
0x8d: {  	v4 =	vld.idx.msk [tilespmem:v2+s0+$0x0], $0xffff;
	v1 =	vtrunc.f32 v1  }
0x8e: {  	v1 =	vcvt.f32.s32 v1  }
0x8f: {  	v3 =	vtrunc.f32 v3  }
0x90: {  	v2 =	vld.idx.msk [tilespmem:v2+s3+$0x0], $0xffff;
	v3 =	vcvt.f32.s32 v3;
	v1 =	vmul.u32 $0x19, v1;
	_ =	sdelay $0x1  }
0x91: {  	s20 =	simm.s32 $0x200;
	v4 =	vtrunc.f32 v4;
	v1 =	vadd.s32 v3, v1  }
0x92: {  	v3 =	vcvt.f32.s32 v4;
	v4 =	vmov s20;
	v1 =	vmul.u32 $0x19, v1  }
0x93: {  	v4 =	vshll.u32 v4, $0x3  }
0x94: {  	v2 =	vtrunc.f32 v2;
	v1 =	vadd.s32 v3, v1;
	v3 =	vor.u32 v0, v4  }
0x95: {  	v2 =	vcvt.f32.s32 v2;
	v1 =	vmul.u32 $0x19, v1;
	v3 =	vor.u32 $0x3, v3;
	_ =	sdelay $0x1  }
0x96: {  	s19 =	sadd.s32 $0x10, s19;
	v1 =	vadd.s32 v2, v1  }
0x97: {  	s4 =	simm.s32 $0x9000;
	[tilespmem:s19+$0x0] =	vst v1  }
0x98: {  	[tilespmem:s17], [sflag:$0x5] =	stream.indirect.gather [hbm4b:s6+s20], $0x8, s4, s20, $0xb8;
	[tilespmem:$0x17000] =	vst v63  }
0x99: {  	v1 =	vld.idx.msk [tilespmem:v3+s30+$0x0], $0xffff;
	_ =	sdelay $0x1  }
0x9a: {  	v2 =	vld.idx.msk [tilespmem:v3+s31+$0x0], $0xffff;
	_ =	sdelay $0x2  }
0x9b: {  	v4 =	vld.idx.msk [tilespmem:v3+s0+$0x0], $0xffff;
	v1 =	vtrunc.f32 v1  }
0x9c: {  	v1 =	vcvt.f32.s32 v1  }
0x9d: {  	v2 =	vtrunc.f32 v2  }
0x9e: {  	v3 =	vld.idx.msk [tilespmem:v3+s3+$0x0], $0xffff;
	v2 =	vcvt.f32.s32 v2;
	v1 =	vmul.u32 $0x19, v1  }
0x9f: {  	s22 =	simm.s32 $0x210  }
0xa0: {  	v5 =	vmov s22;
	v4 =	vtrunc.f32 v4;
	v1 =	vadd.s32 v2, v1  }
0xa1: {  	v4 =	vcvt.f32.s32 v4;
	v2 =	vshll.u32 v5, $0x3;
	v1 =	vmul.u32 $0x19, v1  }
0xa2: {  	v2 =	vor.u32 v0, v2  }
0xa3: {  	v3 =	vtrunc.f32 v3;
	v2 =	vor.u32 $0x3, v2;
	v1 =	vadd.s32 v4, v1  }
0xa4: {  	v3 =	vcvt.f32.s32 v3;
	v1 =	vmul.u32 $0x19, v1;
	_ =	sdelay $0x1  }
0xa5: {  	s19 =	simm.s32 $0x9200;
	v1 =	vadd.s32 v3, v1  }
0xa6: {  	[tilespmem:s19+$0x0] =	vst v1  }
0xa7: {  	v1 =	vld.idx.msk [tilespmem:v2+s30+$0x0], $0xffff;
	_ =	sdelay $0x1  }
0xa8: {  	v3 =	vld.idx.msk [tilespmem:v2+s31+$0x0], $0xffff;
	_ =	sdelay $0x2  }
0xa9: {  	v4 =	vld.idx.msk [tilespmem:v2+s0+$0x0], $0xffff;
	v1 =	vtrunc.f32 v1  }
0xaa: {  	v1 =	vcvt.f32.s32 v1  }
0xab: {  	v3 =	vtrunc.f32 v3  }
0xac: {  	v5 =	vcvt.f32.s32 v3;
	v6 =	vmul.u32 $0x19, v1;
	v1 =	vld.idx.msk [tilespmem:v2+s3+$0x0], $0xffff  }
0xad: {  	s29 =	simm.s32 $0x220  }
0xae: {  	s20 =	simm.s32 $0x230;
	v3 =	vtrunc.f32 v4;
	v2 =	vmov s29;
	v4 =	vadd.s32 v5, v6  }
.LBB2_5:
0xaf: {  	p1 =	sne.s32 s20, $0x3F0;
	v2 =	vshll.u32 v2, $0x3;
	v3 =	vcvt.f32.s32 v3;
	v4 =	vmul.u32 $0x19, v4  }
0xb0: {  	v2 =	vor.u32 v0, v2  }
0xb1: {  	v1 =	vtrunc.f32 v1;
	v2 =	vor.u32 $0x3, v2;
	v3 =	vadd.s32 v3, v4  }
0xb2: {  	v1 =	vcvt.f32.s32 v1;
	v3 =	vmul.u32 $0x19, v3;
	_ =	sdelay $0x1  }
0xb3: {  	s19 =	sadd.s32 $0x10, s19;
	v1 =	vadd.s32 v1, v3  }
0xb4: {  	[tilespmem:s19+$0x0] =	vst v1  }
0xb5: {  	v1 =	vld.idx.msk [tilespmem:v2+s30+$0x0], $0xffff;
	_ =	sdelay $0x1  }
0xb6: {  	v3 =	vld.idx.msk [tilespmem:v2+s31+$0x0], $0xffff;
	_ =	sdelay $0x2  }
0xb7: {  	v4 =	vld.idx.msk [tilespmem:v2+s0+$0x0], $0xffff  }
0xb8: {  	v1 =	vtrunc.f32 v1  }
.Ltmp3:
0xb9: {  	v5 =	vcvt.f32.s32 v1;
	(pc) =	sbr.rel @p1 .LBB2_5-.Ltmp3, $3  }
0xba: {  	v3 =	vtrunc.f32 v3;
	v1 =	vld.idx.msk [tilespmem:v2+s3+$0x0], $0xffff  }
0xbb: {  	v6 =	vcvt.f32.s32 v3;
	v5 =	vmul.u32 $0x19, v5;
	_ =	sdelay $0x1  }
0xbc: {  	v2 =	vmov s20;
	s20 =	sadd.s32 $0x10, s20;
	v3 =	vtrunc.f32 v4;
	v4 =	vadd.s32 v6, v5  }
0xbd: {  	v2 =	vshll.u32 v2, $0x3;
	v3 =	vcvt.f32.s32 v3;
	v4 =	vmul.u32 $0x19, v4  }
0xbe: {  	v2 =	vor.u32 v0, v2  }
0xbf: {  	v1 =	vtrunc.f32 v1;
	v2 =	vor.u32 $0x3, v2;
	v3 =	vadd.s32 v3, v4  }
0xc0: {  	v1 =	vcvt.f32.s32 v1;
	v3 =	vmul.u32 $0x19, v3;
	_ =	sdelay $0x1  }
0xc1: {  	s19 =	sadd.s32 $0x10, s19;
	v1 =	vadd.s32 v1, v3  }
0xc2: {  	[tilespmem:s19+$0x0] =	vst v1  }
0xc3: {  	v1 =	vld.idx.msk [tilespmem:v2+s30+$0x0], $0xffff;
	_ =	sdelay $0x1  }
0xc4: {  	v3 =	vld.idx.msk [tilespmem:v2+s31+$0x0], $0xffff;
	_ =	sdelay $0x2  }
0xc5: {  	v4 =	vld.idx.msk [tilespmem:v2+s0+$0x0], $0xffff;
	v1 =	vtrunc.f32 v1  }
0xc6: {  	v1 =	vcvt.f32.s32 v1  }
0xc7: {  	v3 =	vtrunc.f32 v3  }
0xc8: {  	v2 =	vld.idx.msk [tilespmem:v2+s3+$0x0], $0xffff;
	v3 =	vcvt.f32.s32 v3;
	v1 =	vmul.u32 $0x19, v1;
	_ =	sdelay $0x1  }
0xc9: {  	v4 =	vtrunc.f32 v4;
	v1 =	vadd.s32 v3, v1  }
0xca: {  	v3 =	vcvt.f32.s32 v4;
	v1 =	vmul.u32 $0x19, v1;
	_ =	sdelay $0x1  }
0xcb: {  	v2 =	vtrunc.f32 v2;
	v1 =	vadd.s32 v3, v1  }
0xcc: {  	v2 =	vcvt.f32.s32 v2;
	v1 =	vmul.u32 $0x19, v1;
	_ =	sdelay $0x1  }
0xcd: {  	s20 =	simm.s32 $0x0;
	s19 =	sadd.s32 $0x10, s19;
	v1 =	vadd.s32 v2, v1  }
0xce: {  	s4 =	simm.s32 $0x200;
	s7 =	simm.s32 $0x9200;
	s12 =	simm.s32 $0xA400;
	[tilespmem:s19+$0x0] =	vst v1  }
0xcf: {  	v1 =	vmov s20;
	[tilespmem:s12], [sflag:$0x5] =	stream.indirect.gather [hbm4b:s6+s4], $0x8, s7, s4, $0xb8;
	[tilespmem:$0x17000] =	vst v63  }
0xd0: {  	v1 =	vshll.u32 v1, $0x3;
	_ =	swait.ge [sflag:s28], $0x1000  }
0xd1: {  	p1 =	seq.s32 s16, $0x0;
	v1 =	vor.u32 v0, v1;
	[sflag:s28] =	ssyncset.done $0x0  }
0xd2: {  	s19 =	simm.s32 @!p1 $0x7;
	v2 =	vor.u32 $0x2, v1;
	[sflag:s28] =	ssyncadd.s32 $0xFFFFF000  }
0xd3: {  	_ =	swait.ge @!p1 [sflag:s19], $0x400  }
0xd4: {  	[sflag:s19] =	ssyncset.done @!p1 $0x0  }
0xd5: {  	[sflag:s19] =	ssyncadd.s32 @!p1 $0xFFFFFC00  }
0xd6: {  	v3 =	vld.idx.msk [tilespmem:v1+s30+$0x0], $0xffff  }
0xd7: {  	v4 =	vld.idx.msk [tilespmem:v2+s30+$0x0], $0xffff  }
0xd8: {  	v5 =	vld.idx.msk [tilespmem:v2+s0+$0x0], $0xffff  }
0xd9: {  	v6 =	vor.u32 $0x1, v1;
	v7 =	vld.idx.msk [tilespmem:v2+s31+$0x0], $0xffff  }
0xda: {  	v8 =	vld.idx.msk [tilespmem:v1+s31+$0x0], $0xffff  }
0xdb: {  	v9 =	vld.idx.msk [tilespmem:v1+s0+$0x0], $0xffff  }
0xdc: {  	v10 =	vld.idx.msk [tilespmem:v1+s3+$0x0], $0xffff  }
0xdd: {  	v11 =	vld.idx.msk [tilespmem:v2+s3+$0x0], $0xffff  }
0xde: {  	v12 =	vld.idx.msk [tilespmem:v6+s30+$0x0], $0xffff  }
0xdf: {  	v14 =	vld.idx.msk [tilespmem:v6+s31+$0x0], $0xffff  }
0xe0: {  	v13 =	vld.idx.msk [tilespmem:v6+s0+$0x0], $0xffff  }
0xe1: {  	v4 =	vsub.f32 v7, v4  }
0xe2: {  	v15 =	vld.idx.msk [tilespmem:v6+s3+$0x0], $0xffff;
	v7 =	vsub.f32 v5, v7;
	v3 =	vsub.f32 v8, v3  }
0xe3: {  	v8 =	vsub.f32 v9, v8;
	v9 =	vsub.f32 v10, v9  }
0xe4: {  	v5 =	vsub.f32 v11, v5;
	v12 =	vsub.f32 v14, v12  }
0xe5: {  	v14 =	vsub.f32 v13, v14;
	v16 =	vmul.f32 v8, v4;
	v17 =	vmul.f32 v7, v3  }
0xe6: {  	v43 =	vmul.f32 v8, v8;
	v44 =	vmul.f32 v9, v7  }
0xe7: {  	v13 =	vsub.f32 v15, v13;
	v45 =	vmul.f32 v5, v8;
	v3 =	vmul.f32 v14, v3  }
0xe8: {  	v46 =	vmul.f32 v8, v12;
	v12 =	vmul.f32 v7, v12  }
0xe9: {  	v4 =	vmul.f32 v14, v4;
	v47 =	vmul.f32 v13, v8;
	v42 =	vsub.f32 v16, v17  }
0xea: {  	v5 =	vmul.f32 v5, v14;
	v48 =	vmul.f32 v13, v7;
	v3 =	vsub.f32 v3, v46  }
0xeb: {  	v9 =	vmul.f32 v9, v14;
	v4 =	vsub.f32 v12, v4;
	v18 =	vmul.f32 v42, v8  }
0xec: {  	v49 =	vsub.f32 v44, v45;
	v19 =	vmul.f32 v42, v7;
	v50 =	vmul.f32 v3, v14  }
0xed: {  	v5 =	vsub.f32 v5, v48;
	v8 =	vmul.f32 v3, v8;
	v51 =	vmul.f32 v4, v7  }
0xee: {  	v9 =	vsub.f32 v47, v9;
	v52 =	vmul.f32 v4, v14;
	v10 =	vmul.f32 v49, v42  }
0xef: {  	v4 =	vmul.f32 v5, v4;
	v16 =	vsub.f32 v19, v50;
	v8 =	vsub.f32 v8, v51  }
0xf0: {  	v3 =	vmul.f32 v9, v3;
	v14 =	vmul.f32 v14, v14;
	v53 =	vsub.f32 v52, v18  }
0xf1: {  	v4 =	vadd.f32 v10, v4;
	v5 =	vmul.f32 v5, v16;
	v8 =	vmul.f32 v49, v8  }
0xf2: {  	v7 =	vmul.f32 v7, v7;
	v54 =	vadd.f32 v14, v43  }
0xf3: {  	v3 =	vadd.f32 v4, v3;
	v4 =	vadd.f32 v8, v5;
	v5 =	vmul.f32 v9, v53  }
0xf4: {  	v7 =	vadd.f32 v7, v54  }
0xf5: {  	v4 =	vadd.f32 v4, v5;
	v5 =	vmul.f32 v3, v3  }
0xf6: {  	v8 =	vmul.f32 $5.000000000e-01, v7  }
0xf7: {  	v10 =	vshrl.u32 v7, $0x1;
	v5 =	vmul.f32 v5, v7;
	v55 =	vmul.f32 v4, v4  }
0xf8: {  	v10 =	vsub.s32 $0x5F3759DF, v10  }
0xf9: {  	v56 =	vmul.f32 v10, v8;
	v5 =	vadd.f32 v5, v55;
	_ =	sdelay $0x1  }
0xfa: {  	v9 =	vmul.f32 v10, v56;
	v57 =	vshrl.u32 v5, $0x1;
	v58 =	vmul.f32 $5.000000000e-01, v5  }
0xfb: {  	v11 =	vsub.s32 $0x5F3759DF, v57  }
0xfc: {  	v9 =	vsub.f32 $1.500000000e+00, v9;
	v59 =	vmul.f32 v11, v58;
	_ =	sdelay $0x1  }
0xfd: {  	v9 =	vmul.f32 v10, v9;
	v13 =	vmul.f32 v11, v59;
	_ =	sdelay $0x1  }
0xfe: {  	v8 =	vmul.f32 v9, v8;
	v60 =	vsub.f32 $1.500000000e+00, v13;
	_ =	sdelay $0x1  }
0xff: {  	v8 =	vmul.f32 v8, v9;
	v10 =	vmul.f32 v11, v60;
	_ =	sdelay $0x1  }
0x100: {  	v8 =	vsub.f32 $1.500000000e+00, v8;
	v11 =	vmul.f32 v10, v58;
	_ =	sdelay $0x1  }
0x101: {  	v8 =	vmul.f32 v8, v9;
	v11 =	vmul.f32 v11, v10;
	_ =	sdelay $0x1  }
0x102: {  	v8 =	vmul.f32 v8, v7;
	v61 =	vsub.f32 $1.500000000e+00, v11  }
0x103: {  	v62 =	vor.u32 $0x3, v1  }
0x104: {  	v6 =	vld.idx.msk [tilespmem:v6+s17+$0x0], $0xffff;
	v3 =	vmul.f32 v8, v3;
	v9 =	vmul.f32 v61, v10  }
0x105: {  	v8 =	vld.idx.msk [tilespmem:v1+s17+$0x0], $0xffff;
	v1 =	vor.u32 $0x4, v1  }
0x106: {  	v2 =	vld.idx.msk [tilespmem:v2+s17+$0x0], $0xffff;
	v3 =	vmul.f32 v9, v3  }
0x107: {  	vm0 =	vgt.f32 v5, $0.0e+00  }
0x108: {  	v5 =	vld.idx.msk [tilespmem:v62+s17+$0x0], $0xffff;
	v4 =	vmul.f32 v9, v4;
	v3 =	vnsel vm0, $0x3F800000, v3  }
0x109: {  	v6 =	vmul.f32 v3, v6  }
0x10a: {  	v1 =	vld.idx.msk [tilespmem:v1+s17+$0x0], $0xffff;
	v4 =	vnsel vm0, $0x0, v4  }
0x10b: {  	v63 =	vmul.f32 v3, v3;
	v2 =	vmul.f32 v4, v2;
	v6 =	vsub.f32 v8, v6;
	_ =	sdelay $0x1  }
0x10c: {  	s21 =	simm.s32 $0x10;
	v3 =	vmul.f32 v3, v4;
	v4 =	vmul.f32 v63, v5;
	v2 =	vsub.f32 v6, v2  }
0x10d: {  	v5 =	vmov s21  }
0x10e: {  	v3 =	vmul.f32 v3, v1;
	v5 =	vshll.u32 v5, $0x3;
	v4 =	vsub.f32 v2, v4  }
0x10f: {  	v1 =	vor.u32 v0, v5  }
0x110: {  	v2 =	vor.u32 $0x2, v1;
	v3 =	vsub.f32 v4, v3  }
0x111: {  	vm15 =	vgt.f32 v7, $0.0e+00  }
0x112: {  	s29 =	simm.s32 $0xB400;
	v3 =	vnsel vm15, $0x7FC00000, v3  }
0x113: {  	[tilespmem:s29+$0x0] =	vst v3  }
0x114: {  	v5 =	vld.idx.msk [tilespmem:v1+s30+$0x0], $0xffff  }
0x115: {  	s22 =	sshll.u32 s16, $0x5;
	v6 =	vld.idx.msk [tilespmem:v2+s30+$0x0], $0xffff  }
0x116: {  	s19 =	sor.u32 s18, s22;
	v4 =	vld.idx.msk [tilespmem:v2+s0+$0x0], $0xffff  }
0x117: {  	s20 =	sadd.s32 $0x20, s19;
	s21 =	simm.s32 $0x20;
	v3 =	vor.u32 $0x1, v1;
	v7 =	vld.idx.msk [tilespmem:v2+s31+$0x0], $0xffff  }
.LBB2_7:
0x118: {  	p2 =	sne.s32 s21, $0x1F0;
	v8 =	vld.idx.msk [tilespmem:v1+s31+$0x0], $0xffff  }
0x119: {  	v9 =	vld.idx.msk [tilespmem:v1+s0+$0x0], $0xffff  }
0x11a: {  	v10 =	vld.idx.msk [tilespmem:v1+s3+$0x0], $0xffff  }
0x11b: {  	v11 =	vld.idx.msk [tilespmem:v2+s3+$0x0], $0xffff  }
0x11c: {  	v12 =	vld.idx.msk [tilespmem:v3+s30+$0x0], $0xffff  }
0x11d: {  	v13 =	vld.idx.msk [tilespmem:v3+s0+$0x0], $0xffff  }
0x11e: {  	v6 =	vsub.f32 v7, v6;
	v7 =	vsub.f32 v4, v7;
	v14 =	vld.idx.msk [tilespmem:v3+s31+$0x0], $0xffff  }
0x11f: {  	v5 =	vsub.f32 v8, v5;
	v8 =	vsub.f32 v9, v8  }
0x120: {  	v15 =	vld.idx.msk [tilespmem:v3+s3+$0x0], $0xffff  }
0x121: {  	v17 =	vmul.f32 v7, v5;
	v16 =	vmul.f32 v8, v6  }
0x122: {  	v9 =	vsub.f32 v10, v9  }
0x123: {  	v4 =	vsub.f32 v11, v4;
	v11 =	vmul.f32 v8, v8;
	v10 =	vsub.f32 v16, v17  }
0x124: {  	v16 =	vmul.f32 v9, v7;
	v12 =	vsub.f32 v14, v12;
	v14 =	vsub.f32 v13, v14  }
0x125: {  	v17 =	vmul.f32 v4, v8;
	v18 =	vmul.f32 v10, v8  }
0x126: {  	v13 =	vsub.f32 v15, v13;
	v5 =	vmul.f32 v14, v5;
	v15 =	vmul.f32 v8, v12  }
0x127: {  	v12 =	vmul.f32 v7, v12;
	v6 =	vmul.f32 v14, v6  }
0x128: {  	v19 =	vmul.f32 v10, v7;
	v5 =	vsub.f32 v5, v15;
	v15 =	vmul.f32 v13, v8  }
0x129: {  	v4 =	vmul.f32 v4, v14;
	v6 =	vsub.f32 v12, v6;
	v12 =	vmul.f32 v13, v7  }
0x12a: {  	v9 =	vmul.f32 v9, v14;
	v13 =	vsub.f32 v16, v17;
	v16 =	vmul.f32 v5, v14  }
0x12b: {  	v4 =	vsub.f32 v4, v12;
	v8 =	vmul.f32 v5, v8;
	v12 =	vmul.f32 v6, v7  }
0x12c: {  	v9 =	vsub.f32 v15, v9;
	v15 =	vmul.f32 v6, v14;
	v10 =	vmul.f32 v13, v10  }
0x12d: {  	v16 =	vsub.f32 v19, v16;
	v8 =	vsub.f32 v8, v12;
	v6 =	vmul.f32 v4, v6  }
0x12e: {  	v14 =	vmul.f32 v14, v14;
	v12 =	vsub.f32 v15, v18;
	v5 =	vmul.f32 v9, v5  }
0x12f: {  	v6 =	vadd.f32 v10, v6;
	v4 =	vmul.f32 v4, v16;
	v8 =	vmul.f32 v13, v8  }
0x130: {  	v7 =	vmul.f32 v7, v7;
	v10 =	vadd.f32 v14, v11  }
0x131: {  	v5 =	vadd.f32 v6, v5;
	v4 =	vadd.f32 v8, v4;
	v6 =	vmul.f32 v9, v12  }
0x132: {  	v7 =	vadd.f32 v7, v10  }
0x133: {  	v4 =	vadd.f32 v4, v6;
	v6 =	vmul.f32 v5, v5  }
0x134: {  	v8 =	vmul.f32 $5.000000000e-01, v7;
	vm0 =	vgt.f32 v7, $0.0e+00  }
0x135: {  	v10 =	vshrl.u32 v7, $0x1;
	v6 =	vmul.f32 v6, v7;
	v9 =	vmul.f32 v4, v4  }
0x136: {  	v10 =	vsub.s32 $0x5F3759DF, v10  }
0x137: {  	v6 =	vadd.f32 v6, v9;
	v9 =	vmul.f32 v10, v8;
	_ =	sdelay $0x1  }
0x138: {  	v11 =	vshrl.u32 v6, $0x1;
	v12 =	vmul.f32 $5.000000000e-01, v6;
	v9 =	vmul.f32 v10, v9  }
0x139: {  	v11 =	vsub.s32 $0x5F3759DF, v11  }
0x13a: {  	v13 =	vmul.f32 v11, v12;
	v9 =	vsub.f32 $1.500000000e+00, v9;
	_ =	sdelay $0x1  }
0x13b: {  	v13 =	vmul.f32 v11, v13;
	v9 =	vmul.f32 v10, v9;
	_ =	sdelay $0x1  }
0x13c: {  	v10 =	vsub.f32 $1.500000000e+00, v13;
	v8 =	vmul.f32 v9, v8;
	_ =	sdelay $0x1  }
0x13d: {  	v10 =	vmul.f32 v11, v10;
	v8 =	vmul.f32 v8, v9;
	_ =	sdelay $0x1  }
0x13e: {  	v11 =	vmul.f32 v10, v12;
	v8 =	vsub.f32 $1.500000000e+00, v8;
	_ =	sdelay $0x1  }
0x13f: {  	v11 =	vmul.f32 v11, v10;
	v8 =	vmul.f32 v8, v9;
	_ =	sdelay $0x1  }
0x140: {  	v9 =	vsub.f32 $1.500000000e+00, v11;
	v7 =	vmul.f32 v8, v7;
	v8 =	vor.u32 $0x3, v1  }
0x141: {  	v3 =	vld.idx.msk [tilespmem:v3+s17+$0x0], $0xffff  }
0x142: {  	v9 =	vmul.f32 v9, v10;
	v5 =	vmul.f32 v7, v5;
	v7 =	vld.idx.msk [tilespmem:v1+s17+$0x0], $0xffff;
	v1 =	vor.u32 $0x4, v1  }
0x143: {  	v2 =	vld.idx.msk [tilespmem:v2+s17+$0x0], $0xffff  }
0x144: {  	v5 =	vmul.f32 v9, v5;
	v4 =	vmul.f32 v9, v4  }
0x145: {  	vm1 =	vgt.f32 v6, $0.0e+00;
	v6 =	vld.idx.msk [tilespmem:v8+s17+$0x0], $0xffff  }
0x146: {  	v5 =	vnsel vm1, $0x3F800000, v5  }
0x147: {  	v8 =	vmul.f32 v5, v5;
	v3 =	vmul.f32 v5, v3;
	v1 =	vld.idx.msk [tilespmem:v1+s17+$0x0], $0xffff  }
0x148: {  	v4 =	vnsel vm1, $0x0, v4  }
0x149: {  	v3 =	vsub.f32 v7, v3;
	v2 =	vmul.f32 v4, v2;
	v4 =	vmul.f32 v5, v4;
	_ =	sdelay $0x1  }
0x14a: {  	v2 =	vsub.f32 v3, v2;
	v3 =	vmul.f32 v8, v6  }
0x14b: {  	v5 =	vmov s21  }
0x14c: {  	v5 =	vshll.u32 v5, $0x3;
	v3 =	vsub.f32 v2, v3;
	v4 =	vmul.f32 v4, v1  }
0x14d: {  	v1 =	vor.u32 v0, v5  }
0x14e: {  	v2 =	vor.u32 $0x2, v1;
	v3 =	vsub.f32 v3, v4;
	_ =	sdelay $0x1  }
0x14f: {  	s29 =	sadd.s32 $0x10, s29;
	v3 =	vnsel vm0, $0x7FC00000, v3  }
.Ltmp4:
0x150: {  	[tilespmem:s29+$0x0] =	vst v3;
	(pc) =	sbr.rel @p2 .LBB2_7-.Ltmp4, $4  }
0x151: {  	v5 =	vld.idx.msk [tilespmem:v1+s30+$0x0], $0xffff  }
0x152: {  	v6 =	vld.idx.msk [tilespmem:v2+s30+$0x0], $0xffff  }
0x153: {  	v4 =	vld.idx.msk [tilespmem:v2+s0+$0x0], $0xffff  }
0x154: {  	s21 =	sadd.s32 $0x10, s21;
	v3 =	vor.u32 $0x1, v1;
	v7 =	vld.idx.msk [tilespmem:v2+s31+$0x0], $0xffff  }
0x155: {  	_ =	sdelay $0x3  }
0x156: {  	v8 =	vld.idx.msk [tilespmem:v1+s31+$0x0], $0xffff  }
0x157: {  	v9 =	vld.idx.msk [tilespmem:v1+s0+$0x0], $0xffff  }
0x158: {  	v10 =	vld.idx.msk [tilespmem:v1+s3+$0x0], $0xffff  }
0x159: {  	v11 =	vld.idx.msk [tilespmem:v2+s3+$0x0], $0xffff  }
0x15a: {  	v12 =	vld.idx.msk [tilespmem:v3+s30+$0x0], $0xffff  }
0x15b: {  	v14 =	vld.idx.msk [tilespmem:v3+s31+$0x0], $0xffff  }
0x15c: {  	v13 =	vld.idx.msk [tilespmem:v3+s0+$0x0], $0xffff  }
0x15d: {  	v6 =	vsub.f32 v7, v6  }
0x15e: {  	v15 =	vld.idx.msk [tilespmem:v3+s3+$0x0], $0xffff;
	v7 =	vsub.f32 v4, v7;
	v5 =	vsub.f32 v8, v5  }
0x15f: {  	v8 =	vsub.f32 v9, v8;
	v9 =	vsub.f32 v10, v9  }
0x160: {  	v4 =	vsub.f32 v11, v4;
	v12 =	vsub.f32 v14, v12  }
0x161: {  	v14 =	vsub.f32 v13, v14;
	v16 =	vmul.f32 v8, v6;
	v17 =	vmul.f32 v7, v5  }
0x162: {  	v54 =	vmul.f32 v8, v8;
	v55 =	vmul.f32 v9, v7  }
0x163: {  	v13 =	vsub.f32 v15, v13;
	v56 =	vmul.f32 v4, v8;
	v5 =	vmul.f32 v14, v5  }
0x164: {  	v57 =	vmul.f32 v8, v12;
	v12 =	vmul.f32 v7, v12  }
0x165: {  	v6 =	vmul.f32 v14, v6;
	v58 =	vmul.f32 v13, v8;
	v53 =	vsub.f32 v16, v17  }
0x166: {  	v4 =	vmul.f32 v4, v14;
	v59 =	vmul.f32 v13, v7;
	v5 =	vsub.f32 v5, v57  }
0x167: {  	v9 =	vmul.f32 v9, v14;
	v6 =	vsub.f32 v12, v6;
	v18 =	vmul.f32 v53, v8  }
0x168: {  	v60 =	vsub.f32 v55, v56;
	v19 =	vmul.f32 v53, v7;
	v61 =	vmul.f32 v5, v14  }
0x169: {  	v4 =	vsub.f32 v4, v59;
	v8 =	vmul.f32 v5, v8;
	v62 =	vmul.f32 v6, v7  }
0x16a: {  	v9 =	vsub.f32 v58, v9;
	v63 =	vmul.f32 v6, v14;
	v10 =	vmul.f32 v60, v53  }
0x16b: {  	v6 =	vmul.f32 v4, v6;
	v16 =	vsub.f32 v19, v61;
	v8 =	vsub.f32 v8, v62  }
0x16c: {  	v5 =	vmul.f32 v9, v5;
	v14 =	vmul.f32 v14, v14;
	v20 =	vsub.f32 v63, v18  }
0x16d: {  	v6 =	vadd.f32 v10, v6;
	v4 =	vmul.f32 v4, v16;
	v8 =	vmul.f32 v60, v8  }
0x16e: {  	v7 =	vmul.f32 v7, v7;
	v21 =	vadd.f32 v14, v54  }
0x16f: {  	v5 =	vadd.f32 v6, v5;
	v6 =	vmul.f32 v9, v20;
	v4 =	vadd.f32 v8, v4  }
0x170: {  	v7 =	vadd.f32 v7, v21  }
0x171: {  	v4 =	vadd.f32 v4, v6;
	v6 =	vmul.f32 v5, v5  }
0x172: {  	v8 =	vmul.f32 $5.000000000e-01, v7  }
0x173: {  	v10 =	vshrl.u32 v7, $0x1;
	v6 =	vmul.f32 v6, v7;
	v22 =	vmul.f32 v4, v4  }
0x174: {  	v10 =	vsub.s32 $0x5F3759DF, v10  }
0x175: {  	v23 =	vmul.f32 v10, v8;
	v6 =	vadd.f32 v6, v22;
	_ =	sdelay $0x1  }
0x176: {  	v9 =	vmul.f32 v10, v23;
	v24 =	vshrl.u32 v6, $0x1;
	v25 =	vmul.f32 $5.000000000e-01, v6  }
0x177: {  	v11 =	vsub.s32 $0x5F3759DF, v24  }
0x178: {  	v9 =	vsub.f32 $1.500000000e+00, v9;
	v26 =	vmul.f32 v11, v25;
	_ =	sdelay $0x1  }
0x179: {  	v9 =	vmul.f32 v10, v9;
	v13 =	vmul.f32 v11, v26;
	_ =	sdelay $0x1  }
0x17a: {  	v8 =	vmul.f32 v9, v8;
	v27 =	vsub.f32 $1.500000000e+00, v13;
	_ =	sdelay $0x1  }
0x17b: {  	v8 =	vmul.f32 v8, v9;
	v10 =	vmul.f32 v11, v27;
	_ =	sdelay $0x1  }
0x17c: {  	v8 =	vsub.f32 $1.500000000e+00, v8;
	v11 =	vmul.f32 v10, v25;
	_ =	sdelay $0x1  }
0x17d: {  	v8 =	vmul.f32 v8, v9;
	v11 =	vmul.f32 v11, v10;
	_ =	sdelay $0x1  }
0x17e: {  	v8 =	vmul.f32 v8, v7;
	v28 =	vsub.f32 $1.500000000e+00, v11  }
0x17f: {  	v29 =	vor.u32 $0x3, v1  }
0x180: {  	v3 =	vld.idx.msk [tilespmem:v3+s17+$0x0], $0xffff;
	v5 =	vmul.f32 v8, v5;
	v9 =	vmul.f32 v28, v10  }
0x181: {  	v8 =	vld.idx.msk [tilespmem:v1+s17+$0x0], $0xffff;
	v1 =	vor.u32 $0x4, v1  }
0x182: {  	v2 =	vld.idx.msk [tilespmem:v2+s17+$0x0], $0xffff;
	v5 =	vmul.f32 v9, v5  }
0x183: {  	vm0 =	vgt.f32 v6, $0.0e+00  }
0x184: {  	v6 =	vld.idx.msk [tilespmem:v29+s17+$0x0], $0xffff;
	v4 =	vmul.f32 v9, v4;
	v5 =	vnsel vm0, $0x3F800000, v5  }
0x185: {  	v3 =	vmul.f32 v5, v3  }
0x186: {  	v1 =	vld.idx.msk [tilespmem:v1+s17+$0x0], $0xffff;
	v4 =	vnsel vm0, $0x0, v4  }
0x187: {  	v30 =	vmul.f32 v5, v5;
	v2 =	vmul.f32 v4, v2;
	v3 =	vsub.f32 v8, v3;
	_ =	sdelay $0x1  }
0x188: {  	v4 =	vmul.f32 v5, v4;
	v2 =	vsub.f32 v3, v2;
	v3 =	vmul.f32 v30, v6;
	_ =	sdelay $0x1  }
0x189: {  	v1 =	vmul.f32 v4, v1;
	v2 =	vsub.f32 v2, v3  }
0x18a: {  	s21 =	simm.s32 $0x200  }
0x18b: {  	v1 =	vsub.f32 v2, v1;
	v2 =	vmov s21  }
0x18c: {  	vm13 =	vgt.f32 v7, $0.0e+00;
	v2 =	vshll.u32 v2, $0x3  }
0x18d: {  	s12 =	sadd.s32 $0x10, s29;
	v1 =	vnsel vm13, $0x7FC00000, v1;
	v2 =	vor.u32 v0, v2  }
0x18e: {  	[tilespmem:s12+$0x0] =	vst v1  }
0x18f: {  	_ =	swait.ge [sflag:s28], $0x1000  }
0x190: {  	[sflag:s28] =	ssyncset.done $0x0  }
0x191: {  	v1 =	vor.u32 $0x2, v2;
	[sflag:s28] =	ssyncadd.s32 $0xFFFFF000  }
0x192: {  	v3 =	vld.idx.msk [tilespmem:v2+s30+$0x0], $0xffff  }
0x193: {  	v8 =	vld.idx.msk [tilespmem:v2+s31+$0x0], $0xffff  }
0x194: {  	v31 =	vld.idx.msk [tilespmem:v2+s0+$0x0], $0xffff  }
0x195: {  	v6 =	vor.u32 $0x1, v2;
	v32 =	vld.idx.msk [tilespmem:v2+s3+$0x0], $0xffff  }
0x196: {  	v4 =	vld.idx.msk [tilespmem:v1+s30+$0x0], $0xffff  }
0x197: {  	v5 =	vld.idx.msk [tilespmem:v1+s0+$0x0], $0xffff  }
0x198: {  	v7 =	vld.idx.msk [tilespmem:v1+s31+$0x0], $0xffff  }
0x199: {  	v33 =	vld.idx.msk [tilespmem:v1+s3+$0x0], $0xffff  }
0x19a: {  	v35 =	vld.idx.msk [tilespmem:v6+s0+$0x0], $0xffff  }
0x19b: {  	v36 =	vld.idx.msk [tilespmem:v6+s31+$0x0], $0xffff  }
0x19c: {  	v34 =	vld.idx.msk [tilespmem:v6+s30+$0x0], $0xffff  }
0x19d: {  	v37 =	vld.idx.msk [tilespmem:v6+s3+$0x0], $0xffff;
	v3 =	vsub.f32 v8, v3;
	v8 =	vsub.f32 v31, v8  }
0x19e: {  	v9 =	vsub.f32 v32, v31;
	v4 =	vsub.f32 v7, v4  }
0x19f: {  	v7 =	vsub.f32 v5, v7;
	v5 =	vsub.f32 v33, v5  }
0x1a0: {  	v14 =	vsub.f32 v35, v36;
	v41 =	vmul.f32 v8, v8;
	v38 =	vmul.f32 v8, v4  }
0x1a1: {  	v12 =	vsub.f32 v36, v34;
	v39 =	vmul.f32 v7, v3;
	v42 =	vmul.f32 v9, v7  }
0x1a2: {  	v13 =	vsub.f32 v37, v35;
	v43 =	vmul.f32 v5, v8;
	v3 =	vmul.f32 v14, v3  }
0x1a3: {  	v45 =	vmul.f32 v8, v12;
	v12 =	vmul.f32 v7, v12  }
0x1a4: {  	v4 =	vmul.f32 v14, v4;
	v46 =	vmul.f32 v13, v8;
	v40 =	vsub.f32 v38, v39  }
0x1a5: {  	v5 =	vmul.f32 v5, v14;
	v48 =	vmul.f32 v13, v7;
	v3 =	vsub.f32 v3, v45  }
0x1a6: {  	v9 =	vmul.f32 v9, v14;
	v4 =	vsub.f32 v12, v4;
	v44 =	vmul.f32 v40, v8  }
0x1a7: {  	v49 =	vsub.f32 v42, v43;
	v47 =	vmul.f32 v40, v7;
	v50 =	vmul.f32 v3, v14  }
0x1a8: {  	v5 =	vsub.f32 v5, v48;
	v8 =	vmul.f32 v3, v8;
	v51 =	vmul.f32 v4, v7  }
0x1a9: {  	v9 =	vsub.f32 v46, v9;
	v52 =	vmul.f32 v4, v14;
	v10 =	vmul.f32 v49, v40  }
0x1aa: {  	v4 =	vmul.f32 v5, v4;
	v16 =	vsub.f32 v47, v50;
	v8 =	vsub.f32 v8, v51  }
0x1ab: {  	v3 =	vmul.f32 v9, v3;
	v14 =	vmul.f32 v14, v14;
	v53 =	vsub.f32 v52, v44  }
0x1ac: {  	v4 =	vadd.f32 v10, v4;
	v5 =	vmul.f32 v5, v16;
	v8 =	vmul.f32 v49, v8  }
0x1ad: {  	v7 =	vmul.f32 v7, v7;
	v54 =	vadd.f32 v14, v41  }
0x1ae: {  	v3 =	vadd.f32 v4, v3;
	v4 =	vadd.f32 v8, v5;
	v5 =	vmul.f32 v9, v53  }
0x1af: {  	v7 =	vadd.f32 v7, v54  }
0x1b0: {  	v4 =	vadd.f32 v4, v5;
	v5 =	vmul.f32 v3, v3  }
0x1b1: {  	v8 =	vmul.f32 $5.000000000e-01, v7  }
0x1b2: {  	v10 =	vshrl.u32 v7, $0x1;
	v5 =	vmul.f32 v5, v7;
	v55 =	vmul.f32 v4, v4  }
0x1b3: {  	v10 =	vsub.s32 $0x5F3759DF, v10  }
0x1b4: {  	v56 =	vmul.f32 v10, v8;
	v5 =	vadd.f32 v5, v55;
	_ =	sdelay $0x1  }
0x1b5: {  	v9 =	vmul.f32 v10, v56;
	v57 =	vshrl.u32 v5, $0x1;
	v58 =	vmul.f32 $5.000000000e-01, v5  }
0x1b6: {  	v11 =	vsub.s32 $0x5F3759DF, v57  }
0x1b7: {  	v9 =	vsub.f32 $1.500000000e+00, v9;
	v59 =	vmul.f32 v11, v58;
	_ =	sdelay $0x1  }
0x1b8: {  	v9 =	vmul.f32 v10, v9;
	v13 =	vmul.f32 v11, v59;
	_ =	sdelay $0x1  }
0x1b9: {  	v8 =	vmul.f32 v9, v8;
	v60 =	vsub.f32 $1.500000000e+00, v13;
	_ =	sdelay $0x1  }
0x1ba: {  	v8 =	vmul.f32 v8, v9;
	v10 =	vmul.f32 v11, v60;
	_ =	sdelay $0x1  }
0x1bb: {  	v8 =	vsub.f32 $1.500000000e+00, v8;
	v11 =	vmul.f32 v10, v58;
	_ =	sdelay $0x1  }
0x1bc: {  	v8 =	vmul.f32 v8, v9;
	v11 =	vmul.f32 v11, v10;
	_ =	sdelay $0x1  }
0x1bd: {  	v8 =	vmul.f32 v8, v7;
	v61 =	vsub.f32 $1.500000000e+00, v11  }
0x1be: {  	v62 =	vor.u32 $0x3, v2  }
0x1bf: {  	v6 =	vld.idx.msk [tilespmem:v6+s17+$0x0], $0xffff;
	v3 =	vmul.f32 v8, v3;
	v9 =	vmul.f32 v61, v10  }
0x1c0: {  	v8 =	vld.idx.msk [tilespmem:v2+s17+$0x0], $0xffff;
	v2 =	vor.u32 $0x4, v2  }
0x1c1: {  	v1 =	vld.idx.msk [tilespmem:v1+s17+$0x0], $0xffff;
	v3 =	vmul.f32 v9, v3  }
0x1c2: {  	vm14 =	vgt.f32 v5, $0.0e+00  }
0x1c3: {  	v5 =	vld.idx.msk [tilespmem:v62+s17+$0x0], $0xffff;
	v4 =	vmul.f32 v9, v4;
	v3 =	vnsel vm14, $0x3F800000, v3  }
0x1c4: {  	v6 =	vmul.f32 v3, v6  }
0x1c5: {  	v2 =	vld.idx.msk [tilespmem:v2+s17+$0x0], $0xffff;
	v4 =	vnsel vm14, $0x0, v4  }
0x1c6: {  	v63 =	vmul.f32 v3, v3;
	v1 =	vmul.f32 v4, v1;
	v6 =	vsub.f32 v8, v6;
	_ =	sdelay $0x1  }
0x1c7: {  	s22 =	simm.s32 $0x210;
	v3 =	vmul.f32 v3, v4;
	v4 =	vmul.f32 v63, v5;
	v1 =	vsub.f32 v6, v1  }
0x1c8: {  	v5 =	vmov s22  }
0x1c9: {  	v3 =	vmul.f32 v3, v2;
	v5 =	vshll.u32 v5, $0x3;
	v4 =	vsub.f32 v1, v4  }
0x1ca: {  	v1 =	vor.u32 v0, v5  }
0x1cb: {  	v2 =	vor.u32 $0x2, v1;
	v3 =	vsub.f32 v4, v3  }
0x1cc: {  	vm15 =	vgt.f32 v7, $0.0e+00  }
0x1cd: {  	s21 =	simm.s32 $0xB600;
	v3 =	vnsel vm15, $0x7FC00000, v3  }
0x1ce: {  	[tilespmem:s21+$0x0] =	vst v3  }
0x1cf: {  	v5 =	vld.idx.msk [tilespmem:v1+s30+$0x0], $0xffff  }
0x1d0: {  	v6 =	vld.idx.msk [tilespmem:v2+s30+$0x0], $0xffff  }
0x1d1: {  	v4 =	vld.idx.msk [tilespmem:v2+s0+$0x0], $0xffff  }
0x1d2: {  	s29 =	simm.s32 $0x220;
	v3 =	vor.u32 $0x1, v1;
	v7 =	vld.idx.msk [tilespmem:v2+s31+$0x0], $0xffff  }
.LBB2_9:
0x1d3: {  	p2 =	sne.s32 s29, $0x3F0;
	v8 =	vld.idx.msk [tilespmem:v1+s31+$0x0], $0xffff  }
0x1d4: {  	v9 =	vld.idx.msk [tilespmem:v1+s0+$0x0], $0xffff  }
0x1d5: {  	v10 =	vld.idx.msk [tilespmem:v1+s3+$0x0], $0xffff  }
0x1d6: {  	v11 =	vld.idx.msk [tilespmem:v2+s3+$0x0], $0xffff  }
0x1d7: {  	v12 =	vld.idx.msk [tilespmem:v3+s30+$0x0], $0xffff  }
0x1d8: {  	v13 =	vld.idx.msk [tilespmem:v3+s0+$0x0], $0xffff  }
0x1d9: {  	v6 =	vsub.f32 v7, v6;
	v7 =	vsub.f32 v4, v7;
	v14 =	vld.idx.msk [tilespmem:v3+s31+$0x0], $0xffff  }
0x1da: {  	v5 =	vsub.f32 v8, v5;
	v8 =	vsub.f32 v9, v8  }
0x1db: {  	v15 =	vld.idx.msk [tilespmem:v3+s3+$0x0], $0xffff  }
0x1dc: {  	v17 =	vmul.f32 v7, v5;
	v16 =	vmul.f32 v8, v6  }
0x1dd: {  	v9 =	vsub.f32 v10, v9  }
0x1de: {  	v4 =	vsub.f32 v11, v4;
	v11 =	vmul.f32 v8, v8;
	v10 =	vsub.f32 v16, v17  }
0x1df: {  	v16 =	vmul.f32 v9, v7;
	v12 =	vsub.f32 v14, v12;
	v14 =	vsub.f32 v13, v14  }
0x1e0: {  	v17 =	vmul.f32 v4, v8;
	v18 =	vmul.f32 v10, v8  }
0x1e1: {  	v13 =	vsub.f32 v15, v13;
	v5 =	vmul.f32 v14, v5;
	v15 =	vmul.f32 v8, v12  }
0x1e2: {  	v12 =	vmul.f32 v7, v12;
	v6 =	vmul.f32 v14, v6  }
0x1e3: {  	v19 =	vmul.f32 v10, v7;
	v5 =	vsub.f32 v5, v15;
	v15 =	vmul.f32 v13, v8  }
0x1e4: {  	v4 =	vmul.f32 v4, v14;
	v6 =	vsub.f32 v12, v6;
	v12 =	vmul.f32 v13, v7  }
0x1e5: {  	v9 =	vmul.f32 v9, v14;
	v13 =	vsub.f32 v16, v17;
	v16 =	vmul.f32 v5, v14  }
0x1e6: {  	v4 =	vsub.f32 v4, v12;
	v8 =	vmul.f32 v5, v8;
	v12 =	vmul.f32 v6, v7  }
0x1e7: {  	v9 =	vsub.f32 v15, v9;
	v15 =	vmul.f32 v6, v14;
	v10 =	vmul.f32 v13, v10  }
0x1e8: {  	v16 =	vsub.f32 v19, v16;
	v8 =	vsub.f32 v8, v12;
	v6 =	vmul.f32 v4, v6  }
0x1e9: {  	v14 =	vmul.f32 v14, v14;
	v12 =	vsub.f32 v15, v18;
	v5 =	vmul.f32 v9, v5  }
0x1ea: {  	v6 =	vadd.f32 v10, v6;
	v4 =	vmul.f32 v4, v16;
	v8 =	vmul.f32 v13, v8  }
0x1eb: {  	v7 =	vmul.f32 v7, v7;
	v10 =	vadd.f32 v14, v11  }
0x1ec: {  	v5 =	vadd.f32 v6, v5;
	v4 =	vadd.f32 v8, v4;
	v6 =	vmul.f32 v9, v12  }
0x1ed: {  	v7 =	vadd.f32 v7, v10  }
0x1ee: {  	v4 =	vadd.f32 v4, v6;
	v6 =	vmul.f32 v5, v5  }
0x1ef: {  	v8 =	vmul.f32 $5.000000000e-01, v7;
	vm0 =	vgt.f32 v7, $0.0e+00  }
0x1f0: {  	v10 =	vshrl.u32 v7, $0x1;
	v6 =	vmul.f32 v6, v7;
	v9 =	vmul.f32 v4, v4  }
0x1f1: {  	v10 =	vsub.s32 $0x5F3759DF, v10  }
0x1f2: {  	v6 =	vadd.f32 v6, v9;
	v9 =	vmul.f32 v10, v8;
	_ =	sdelay $0x1  }
0x1f3: {  	v11 =	vshrl.u32 v6, $0x1;
	v12 =	vmul.f32 $5.000000000e-01, v6;
	v9 =	vmul.f32 v10, v9  }
0x1f4: {  	v11 =	vsub.s32 $0x5F3759DF, v11  }
0x1f5: {  	v13 =	vmul.f32 v11, v12;
	v9 =	vsub.f32 $1.500000000e+00, v9;
	_ =	sdelay $0x1  }
0x1f6: {  	v13 =	vmul.f32 v11, v13;
	v9 =	vmul.f32 v10, v9;
	_ =	sdelay $0x1  }
0x1f7: {  	v10 =	vsub.f32 $1.500000000e+00, v13;
	v8 =	vmul.f32 v9, v8;
	_ =	sdelay $0x1  }
0x1f8: {  	v10 =	vmul.f32 v11, v10;
	v8 =	vmul.f32 v8, v9;
	_ =	sdelay $0x1  }
0x1f9: {  	v11 =	vmul.f32 v10, v12;
	v8 =	vsub.f32 $1.500000000e+00, v8;
	_ =	sdelay $0x1  }
0x1fa: {  	v11 =	vmul.f32 v11, v10;
	v8 =	vmul.f32 v8, v9;
	_ =	sdelay $0x1  }
0x1fb: {  	v9 =	vsub.f32 $1.500000000e+00, v11;
	v7 =	vmul.f32 v8, v7;
	v8 =	vor.u32 $0x3, v1  }
0x1fc: {  	v3 =	vld.idx.msk [tilespmem:v3+s17+$0x0], $0xffff  }
0x1fd: {  	v9 =	vmul.f32 v9, v10;
	v5 =	vmul.f32 v7, v5;
	v7 =	vld.idx.msk [tilespmem:v1+s17+$0x0], $0xffff;
	v1 =	vor.u32 $0x4, v1  }
0x1fe: {  	v2 =	vld.idx.msk [tilespmem:v2+s17+$0x0], $0xffff  }
0x1ff: {  	v5 =	vmul.f32 v9, v5;
	v4 =	vmul.f32 v9, v4  }
0x200: {  	vm1 =	vgt.f32 v6, $0.0e+00;
	v6 =	vld.idx.msk [tilespmem:v8+s17+$0x0], $0xffff  }
0x201: {  	v5 =	vnsel vm1, $0x3F800000, v5  }
0x202: {  	v8 =	vmul.f32 v5, v5;
	v3 =	vmul.f32 v5, v3;
	v1 =	vld.idx.msk [tilespmem:v1+s17+$0x0], $0xffff  }
0x203: {  	v4 =	vnsel vm1, $0x0, v4  }
0x204: {  	v3 =	vsub.f32 v7, v3;
	v2 =	vmul.f32 v4, v2;
	v4 =	vmul.f32 v5, v4;
	_ =	sdelay $0x1  }
0x205: {  	v2 =	vsub.f32 v3, v2;
	v3 =	vmul.f32 v8, v6  }
0x206: {  	v5 =	vmov s29  }
0x207: {  	v5 =	vshll.u32 v5, $0x3;
	v3 =	vsub.f32 v2, v3;
	v4 =	vmul.f32 v4, v1  }
0x208: {  	v1 =	vor.u32 v0, v5  }
0x209: {  	v2 =	vor.u32 $0x2, v1;
	v3 =	vsub.f32 v3, v4;
	_ =	sdelay $0x1  }
0x20a: {  	s21 =	sadd.s32 $0x10, s21;
	v3 =	vnsel vm0, $0x7FC00000, v3  }
.Ltmp5:
0x20b: {  	[tilespmem:s21+$0x0] =	vst v3;
	(pc) =	sbr.rel @p2 .LBB2_9-.Ltmp5, $4  }
0x20c: {  	v5 =	vld.idx.msk [tilespmem:v1+s30+$0x0], $0xffff  }
0x20d: {  	v6 =	vld.idx.msk [tilespmem:v2+s30+$0x0], $0xffff  }
0x20e: {  	v4 =	vld.idx.msk [tilespmem:v2+s0+$0x0], $0xffff  }
0x20f: {  	s29 =	sadd.s32 $0x10, s29;
	v3 =	vor.u32 $0x1, v1;
	v7 =	vld.idx.msk [tilespmem:v2+s31+$0x0], $0xffff  }
0x210: {  	_ =	sdelay $0x3  }
0x211: {  	v8 =	vld.idx.msk [tilespmem:v1+s31+$0x0], $0xffff  }
0x212: {  	v9 =	vld.idx.msk [tilespmem:v1+s0+$0x0], $0xffff  }
0x213: {  	v10 =	vld.idx.msk [tilespmem:v1+s3+$0x0], $0xffff  }
0x214: {  	v11 =	vld.idx.msk [tilespmem:v2+s3+$0x0], $0xffff  }
0x215: {  	v12 =	vld.idx.msk [tilespmem:v3+s30+$0x0], $0xffff  }
0x216: {  	v14 =	vld.idx.msk [tilespmem:v3+s31+$0x0], $0xffff  }
0x217: {  	v13 =	vld.idx.msk [tilespmem:v3+s0+$0x0], $0xffff  }
0x218: {  	v6 =	vsub.f32 v7, v6  }
0x219: {  	v15 =	vld.idx.msk [tilespmem:v3+s3+$0x0], $0xffff;
	v7 =	vsub.f32 v4, v7;
	v5 =	vsub.f32 v8, v5  }
0x21a: {  	v8 =	vsub.f32 v9, v8;
	v9 =	vsub.f32 v10, v9  }
0x21b: {  	v4 =	vsub.f32 v11, v4;
	v12 =	vsub.f32 v14, v12  }
0x21c: {  	v14 =	vsub.f32 v13, v14;
	v16 =	vmul.f32 v8, v6;
	v17 =	vmul.f32 v7, v5  }
0x21d: {  	v41 =	vmul.f32 v8, v8;
	v42 =	vmul.f32 v9, v7  }
0x21e: {  	v13 =	vsub.f32 v15, v13;
	v43 =	vmul.f32 v4, v8;
	v5 =	vmul.f32 v14, v5  }
0x21f: {  	v44 =	vmul.f32 v8, v12;
	v12 =	vmul.f32 v7, v12  }
0x220: {  	v6 =	vmul.f32 v14, v6;
	v45 =	vmul.f32 v13, v8;
	v40 =	vsub.f32 v16, v17  }
0x221: {  	v4 =	vmul.f32 v4, v14;
	v46 =	vmul.f32 v13, v7;
	v5 =	vsub.f32 v5, v44  }
0x222: {  	v9 =	vmul.f32 v9, v14;
	v6 =	vsub.f32 v12, v6;
	v18 =	vmul.f32 v40, v8  }
0x223: {  	v47 =	vsub.f32 v42, v43;
	v19 =	vmul.f32 v40, v7;
	v48 =	vmul.f32 v5, v14  }
0x224: {  	v4 =	vsub.f32 v4, v46;
	v8 =	vmul.f32 v5, v8;
	v49 =	vmul.f32 v6, v7  }
0x225: {  	v9 =	vsub.f32 v45, v9;
	v50 =	vmul.f32 v6, v14;
	v10 =	vmul.f32 v47, v40  }
0x226: {  	v6 =	vmul.f32 v4, v6;
	v16 =	vsub.f32 v19, v48;
	v8 =	vsub.f32 v8, v49  }
0x227: {  	v5 =	vmul.f32 v9, v5;
	v14 =	vmul.f32 v14, v14;
	v51 =	vsub.f32 v50, v18  }
0x228: {  	v6 =	vadd.f32 v10, v6;
	v4 =	vmul.f32 v4, v16;
	v8 =	vmul.f32 v47, v8  }
0x229: {  	v7 =	vmul.f32 v7, v7;
	v52 =	vadd.f32 v14, v41  }
0x22a: {  	v5 =	vadd.f32 v6, v5;
	v6 =	vmul.f32 v9, v51;
	v4 =	vadd.f32 v8, v4  }
0x22b: {  	v7 =	vadd.f32 v7, v52  }
0x22c: {  	v4 =	vadd.f32 v4, v6;
	v6 =	vmul.f32 v5, v5  }
0x22d: {  	v53 =	vmul.f32 $5.000000000e-01, v7  }
0x22e: {  	v10 =	vshrl.u32 v7, $0x1;
	v6 =	vmul.f32 v6, v7;
	v54 =	vmul.f32 v4, v4  }
0x22f: {  	v10 =	vsub.s32 $0x5F3759DF, v10  }
0x230: {  	v55 =	vmul.f32 v10, v53;
	v6 =	vadd.f32 v6, v54;
	_ =	sdelay $0x1  }
0x231: {  	v9 =	vmul.f32 v10, v55;
	v56 =	vshrl.u32 v6, $0x1;
	v57 =	vmul.f32 $5.000000000e-01, v6  }
0x232: {  	v11 =	vsub.s32 $0x5F3759DF, v56  }
0x233: {  	v9 =	vsub.f32 $1.500000000e+00, v9;
	v58 =	vmul.f32 v11, v57;
	_ =	sdelay $0x1  }
0x234: {  	v9 =	vmul.f32 v10, v9;
	v13 =	vmul.f32 v11, v58;
	_ =	sdelay $0x1  }
0x235: {  	v8 =	vmul.f32 v9, v53;
	v59 =	vsub.f32 $1.500000000e+00, v13;
	_ =	sdelay $0x1  }
0x236: {  	v8 =	vmul.f32 v8, v9;
	v10 =	vmul.f32 v11, v59;
	_ =	sdelay $0x1  }
0x237: {  	v8 =	vsub.f32 $1.500000000e+00, v8;
	v11 =	vmul.f32 v10, v57;
	_ =	sdelay $0x1  }
0x238: {  	v8 =	vmul.f32 v8, v9;
	v11 =	vmul.f32 v11, v10;
	_ =	sdelay $0x1  }
0x239: {  	v8 =	vmul.f32 v8, v7;
	v60 =	vsub.f32 $1.500000000e+00, v11  }
0x23a: {  	v61 =	vor.u32 $0x3, v1  }
0x23b: {  	v3 =	vld.idx.msk [tilespmem:v3+s17+$0x0], $0xffff;
	v5 =	vmul.f32 v8, v5;
	v9 =	vmul.f32 v60, v10  }
0x23c: {  	v62 =	vld.idx.msk [tilespmem:v1+s17+$0x0], $0xffff;
	v1 =	vor.u32 $0x4, v1  }
0x23d: {  	v2 =	vld.idx.msk [tilespmem:v2+s17+$0x0], $0xffff;
	v5 =	vmul.f32 v9, v5  }
0x23e: {  	vm0 =	vgt.f32 v6, $0.0e+00  }
0x23f: {  	v6 =	vld.idx.msk [tilespmem:v61+s17+$0x0], $0xffff;
	v4 =	vmul.f32 v9, v4;
	v5 =	vnsel vm0, $0x3F800000, v5  }
0x240: {  	v3 =	vmul.f32 v5, v3  }
0x241: {  	v1 =	vld.idx.msk [tilespmem:v1+s17+$0x0], $0xffff;
	v4 =	vnsel vm0, $0x0, v4  }
0x242: {  	v63 =	vmul.f32 v5, v5;
	v2 =	vmul.f32 v4, v2;
	v3 =	vsub.f32 v62, v3;
	_ =	sdelay $0x1  }
0x243: {  	v4 =	vmul.f32 v5, v4;
	v2 =	vsub.f32 v3, v2;
	v3 =	vmul.f32 v63, v6;
	_ =	sdelay $0x1  }
0x244: {  	v1 =	vmul.f32 v4, v1;
	v2 =	vsub.f32 v2, v3;
	_ =	sdelay $0x1  }
0x245: {  	v1 =	vsub.f32 v2, v1  }
0x246: {  	s21 =	sadd.s32 $0x10, s21;
	s16 =	sadd.s32 $0x1, s16;
	vm15 =	vgt.f32 v7, $0.0e+00  }
0x247: {  	s19 =	sshll.u32 s19, $0x8;
	s4 =	rddreg [dreg:$0x1];
	p2 =	sge.u32 s16, s8;
	v1 =	vnsel vm15, $0x7FC00000, v1  }
0x248: {  	s7 =	simm.s32 $0xB400;
	s4 =	sadd.s32 s4, s19;
	s20 =	sshll.u32 @!p2 s20, $0x8;
	[tilespmem:s21+$0x0] =	vst v1  }
0x249: {  	[hbm4b:s4+s2] =	stream.linear.scatter [tilespmem:s7], [sflag:$0x7], $0x400, $0x38;
	[tilespmem:$0x17000] =	vst v63  }
0x24a: {  	s20 =	sand.u32 @!p2 $0x1FFFFF00, s20;
	s4 =	rddreg [dreg:$0x3]  }
0x24b: {  	s21 =	simm.s32 @!p2 $0x0;
	s29 =	sadd.s32 @!p2 s4, s20  }
0x24c: {  	[tilespmem:s21], [sflag:$0x1] =	stream.linear.gather @!p2 [hbm4b:s29+s21], $0x400, $0x38;
	[tilespmem:$0x17000] =	vst v63  }
0x24d: {  	s4 =	simm.s32 @!p2 $0x400;
	s22 =	sadd.s32 @!p2 $0x61A80, s29  }
0x24e: {  	[tilespmem:s4], [sflag:$0x1] =	stream.linear.gather @!p2 [hbm4b:s22+s21], $0x400, $0x38;
	[tilespmem:$0x17000] =	vst v63  }
0x24f: {  	s7 =	simm.s32 @!p2 $0x800;
	s22 =	sadd.s32 @!p2 $0xC3500, s29  }
0x250: {  	[tilespmem:s7], [sflag:$0x1] =	stream.linear.gather @!p2 [hbm4b:s22+s21], $0x400, $0x38;
	[tilespmem:$0x17000] =	vst v63  }
0x251: {  	s12 =	simm.s32 @!p2 $0xC00;
	s22 =	sadd.s32 @!p2 $0x124F80, s29  }
0x252: {  	[tilespmem:s12], [sflag:$0x1] =	stream.linear.gather @!p2 [hbm4b:s22+s21], $0x400, $0x38;
	[tilespmem:$0x17000] =	vst v63  }
0x253: {  	s22 =	simm.s32 @!p2 $0x1  }
0x254: {  	_ =	swait.ge @!p2 [sflag:s22], $0x400  }
0x255: {  	[sflag:s22] =	ssyncset.done @!p2 $0x0  }
0x256: {  	[sflag:s22] =	ssyncadd.s32 @!p2 $0xFFFFFC00  }
0x257: {  	_ =	swait.ge @!p2 [sflag:s22], $0x400  }
0x258: {  	[sflag:s22] =	ssyncset.done @!p2 $0x0  }
0x259: {  	[sflag:s22] =	ssyncadd.s32 @!p2 $0xFFFFFC00  }
0x25a: {  	_ =	swait.ge @!p2 [sflag:s22], $0x400  }
0x25b: {  	[sflag:s22] =	ssyncset.done @!p2 $0x0  }
0x25c: {  	[sflag:s22] =	ssyncadd.s32 @!p2 $0xFFFFFC00  }
0x25d: {  	_ =	swait.ge @!p2 [sflag:s22], $0x400  }
0x25e: {  	[sflag:s22] =	ssyncset.done @!p2 $0x0  }
0x25f: {  	[sflag:s22] =	ssyncadd.s32 @!p2 $0xFFFFFC00;
	s22 =	simm.s32 @!p2 $0x1000  }
0x260: {  	[tilespmem:s22], [sflag:$0x3] =	stream.indirect.gather @!p2 [hbm4b:s5+s4], $0x8, s21, s4, $0xb8;
	[tilespmem:$0x17000] =	vst v63  }
0x261: {  	s21 =	simm.s32 @!p2 $0x3000  }
0x262: {  	[tilespmem:s21], [sflag:$0x3] =	stream.indirect.gather @!p2 [hbm4b:s5+s4], $0x8, s4, s4, $0xb8;
	[tilespmem:$0x17000] =	vst v63  }
0x263: {  	s21 =	simm.s32 @!p2 $0x5000  }
0x264: {  	[tilespmem:s21], [sflag:$0x3] =	stream.indirect.gather @!p2 [hbm4b:s5+s4], $0x8, s7, s4, $0xb8;
	[tilespmem:$0x17000] =	vst v63  }
0x265: {  	s7 =	simm.s32 @!p2 $0x7000  }
0x266: {  	[tilespmem:s7], [sflag:$0x3] =	stream.indirect.gather @!p2 [hbm4b:s5+s4], $0x8, s12, s4, $0xb8;
	[tilespmem:$0x17000] =	vst v63  }
0x267: {  	_ =	swait.ge [sflag:s1], $0x2000  }
0x268: {  	[sflag:s1] =	ssyncset.done $0x0  }
0x269: {  	[sflag:s1] =	ssyncadd.s32 $0xFFFFE000  }
0x26a: {  	s12 =	simm.s32 $0x0;
	_ =	swait.ge [sflag:s1], $0x2000  }
0x26b: {  	v1 =	vmov s12;
	[sflag:s1] =	ssyncset.done $0x0  }
0x26c: {  	v1 =	vshll.u32 v1, $0x3;
	[sflag:s1] =	ssyncadd.s32 $0xFFFFE000  }
0x26d: {  	v1 =	vor.u32 v0, v1;
	_ =	swait.ge [sflag:s1], $0x2000  }
0x26e: {  	v1 =	vor.u32 $0x3, v1;
	[sflag:s1] =	ssyncset.done $0x0  }
0x26f: {  	[sflag:s1] =	ssyncadd.s32 $0xFFFFE000  }
0x270: {  	_ =	swait.ge [sflag:s1], $0x2000  }
0x271: {  	[sflag:s1] =	ssyncset.done $0x0  }
0x272: {  	[sflag:s1] =	ssyncadd.s32 $0xFFFFE000  }
0x273: {  	v2 =	vld.idx.msk [tilespmem:v1+s11+$0x0], $0xffff;
	_ =	sdelay $0x1  }
0x274: {  	v3 =	vld.idx.msk [tilespmem:v1+s13+$0x0], $0xffff;
	_ =	sdelay $0x2  }
0x275: {  	v4 =	vld.idx.msk [tilespmem:v1+s14+$0x0], $0xffff;
	v2 =	vtrunc.f32 v2  }
0x276: {  	v2 =	vcvt.f32.s32 v2  }
0x277: {  	v3 =	vtrunc.f32 v3  }
0x278: {  	v1 =	vld.idx.msk [tilespmem:v1+s15+$0x0], $0xffff;
	v3 =	vcvt.f32.s32 v3;
	v2 =	vmul.u32 $0x19, v2  }
0x279: {  	s21 =	simm.s32 $0x10  }
0x27a: {  	v5 =	vmov s21;
	v4 =	vtrunc.f32 v4;
	v2 =	vadd.s32 v3, v2  }
0x27b: {  	v4 =	vcvt.f32.s32 v4;
	v3 =	vshll.u32 v5, $0x3;
	v2 =	vmul.u32 $0x19, v2  }
0x27c: {  	v3 =	vor.u32 v0, v3  }
0x27d: {  	v1 =	vtrunc.f32 v1;
	v3 =	vor.u32 $0x3, v3;
	v2 =	vadd.s32 v4, v2  }
0x27e: {  	v1 =	vcvt.f32.s32 v1;
	v2 =	vmul.u32 $0x19, v2;
	_ =	sdelay $0x1  }
0x27f: {  	s21 =	simm.s32 $0x14800;
	v1 =	vadd.s32 v1, v2  }
0x280: {  	[tilespmem:s21+$0x0] =	vst v1  }
0x281: {  	v1 =	vld.idx.msk [tilespmem:v3+s11+$0x0], $0xffff;
	_ =	sdelay $0x1  }
0x282: {  	v2 =	vld.idx.msk [tilespmem:v3+s13+$0x0], $0xffff;
	_ =	sdelay $0x2  }
0x283: {  	v4 =	vld.idx.msk [tilespmem:v3+s14+$0x0], $0xffff;
	v1 =	vtrunc.f32 v1  }
0x284: {  	v1 =	vcvt.f32.s32 v1  }
0x285: {  	v2 =	vtrunc.f32 v2  }
0x286: {  	v5 =	vcvt.f32.s32 v2;
	v6 =	vmul.u32 $0x19, v1;
	v1 =	vld.idx.msk [tilespmem:v3+s15+$0x0], $0xffff  }
0x287: {  	s22 =	simm.s32 $0x20  }
0x288: {  	v2 =	vmov s22;
	s22 =	simm.s32 $0x30;
	v3 =	vtrunc.f32 v4;
	v4 =	vadd.s32 v5, v6  }
.LBB2_11:
0x289: {  	p3 =	sne.s32 s22, $0x1F0;
	v2 =	vshll.u32 v2, $0x3;
	v3 =	vcvt.f32.s32 v3;
	v4 =	vmul.u32 $0x19, v4  }
0x28a: {  	v2 =	vor.u32 v0, v2  }
0x28b: {  	v1 =	vtrunc.f32 v1;
	v2 =	vor.u32 $0x3, v2;
	v3 =	vadd.s32 v3, v4  }
0x28c: {  	v1 =	vcvt.f32.s32 v1;
	v3 =	vmul.u32 $0x19, v3;
	_ =	sdelay $0x1  }
0x28d: {  	s21 =	sadd.s32 $0x10, s21;
	v1 =	vadd.s32 v1, v3  }
0x28e: {  	[tilespmem:s21+$0x0] =	vst v1  }
0x28f: {  	v1 =	vld.idx.msk [tilespmem:v2+s11+$0x0], $0xffff;
	_ =	sdelay $0x1  }
0x290: {  	v3 =	vld.idx.msk [tilespmem:v2+s13+$0x0], $0xffff;
	_ =	sdelay $0x2  }
0x291: {  	v4 =	vld.idx.msk [tilespmem:v2+s14+$0x0], $0xffff  }
0x292: {  	v1 =	vtrunc.f32 v1  }
.Ltmp6:
0x293: {  	v5 =	vcvt.f32.s32 v1;
	(pc) =	sbr.rel @p3 .LBB2_11-.Ltmp6, $3  }
0x294: {  	v3 =	vtrunc.f32 v3;
	v1 =	vld.idx.msk [tilespmem:v2+s15+$0x0], $0xffff  }
0x295: {  	v6 =	vcvt.f32.s32 v3;
	v5 =	vmul.u32 $0x19, v5;
	_ =	sdelay $0x1  }
0x296: {  	v2 =	vmov s22;
	s22 =	sadd.s32 $0x10, s22;
	v3 =	vtrunc.f32 v4;
	v4 =	vadd.s32 v6, v5  }
0x297: {  	v2 =	vshll.u32 v2, $0x3;
	v3 =	vcvt.f32.s32 v3;
	v4 =	vmul.u32 $0x19, v4  }
0x298: {  	v2 =	vor.u32 v0, v2  }
0x299: {  	v1 =	vtrunc.f32 v1;
	v2 =	vor.u32 $0x3, v2;
	v3 =	vadd.s32 v3, v4  }
0x29a: {  	v1 =	vcvt.f32.s32 v1;
	v3 =	vmul.u32 $0x19, v3;
	_ =	sdelay $0x1  }
0x29b: {  	s4 =	sadd.s32 $0x10, s21;
	v1 =	vadd.s32 v1, v3  }
0x29c: {  	[tilespmem:s4+$0x0] =	vst v1  }
0x29d: {  	v1 =	vld.idx.msk [tilespmem:v2+s11+$0x0], $0xffff;
	_ =	sdelay $0x1  }
0x29e: {  	v3 =	vld.idx.msk [tilespmem:v2+s13+$0x0], $0xffff;
	_ =	sdelay $0x2  }
0x29f: {  	v4 =	vld.idx.msk [tilespmem:v2+s14+$0x0], $0xffff;
	v1 =	vtrunc.f32 v1  }
0x2a0: {  	v1 =	vcvt.f32.s32 v1  }
0x2a1: {  	v3 =	vtrunc.f32 v3  }
0x2a2: {  	v2 =	vld.idx.msk [tilespmem:v2+s15+$0x0], $0xffff;
	v3 =	vcvt.f32.s32 v3;
	v1 =	vmul.u32 $0x19, v1;
	_ =	sdelay $0x1  }
0x2a3: {  	s7 =	simm.s32 $0x200;
	v4 =	vtrunc.f32 v4;
	v1 =	vadd.s32 v3, v1  }
0x2a4: {  	v3 =	vcvt.f32.s32 v4;
	v4 =	vmov s7;
	v1 =	vmul.u32 $0x19, v1  }
0x2a5: {  	v4 =	vshll.u32 v4, $0x3  }
0x2a6: {  	v2 =	vtrunc.f32 v2;
	v1 =	vadd.s32 v3, v1;
	v3 =	vor.u32 v0, v4  }
0x2a7: {  	v2 =	vcvt.f32.s32 v2;
	v1 =	vmul.u32 $0x19, v1;
	v3 =	vor.u32 $0x3, v3;
	_ =	sdelay $0x1  }
0x2a8: {  	s4 =	sadd.s32 $0x10, s4;
	v1 =	vadd.s32 v2, v1  }
0x2a9: {  	s12 =	simm.s32 $0x14800;
	[tilespmem:s4+$0x0] =	vst v1  }
0x2aa: {  	[tilespmem:s26], [sflag:$0x6] =	stream.indirect.gather [hbm4b:s6+s7], $0x8, s12, s7, $0xb8;
	[tilespmem:$0x17000] =	vst v63  }
0x2ab: {  	v1 =	vld.idx.msk [tilespmem:v3+s11+$0x0], $0xffff;
	_ =	sdelay $0x1  }
0x2ac: {  	v2 =	vld.idx.msk [tilespmem:v3+s13+$0x0], $0xffff;
	_ =	sdelay $0x2  }
0x2ad: {  	v4 =	vld.idx.msk [tilespmem:v3+s14+$0x0], $0xffff;
	v1 =	vtrunc.f32 v1  }
0x2ae: {  	v1 =	vcvt.f32.s32 v1  }
0x2af: {  	v2 =	vtrunc.f32 v2  }
0x2b0: {  	v3 =	vld.idx.msk [tilespmem:v3+s15+$0x0], $0xffff;
	v2 =	vcvt.f32.s32 v2;
	v1 =	vmul.u32 $0x19, v1  }
0x2b1: {  	s21 =	simm.s32 $0x210  }
0x2b2: {  	v5 =	vmov s21;
	v4 =	vtrunc.f32 v4;
	v1 =	vadd.s32 v2, v1  }
0x2b3: {  	v4 =	vcvt.f32.s32 v4;
	v2 =	vshll.u32 v5, $0x3;
	v1 =	vmul.u32 $0x19, v1  }
0x2b4: {  	v2 =	vor.u32 v0, v2  }
0x2b5: {  	v3 =	vtrunc.f32 v3;
	v2 =	vor.u32 $0x3, v2;
	v1 =	vadd.s32 v4, v1  }
0x2b6: {  	v3 =	vcvt.f32.s32 v3;
	v1 =	vmul.u32 $0x19, v1;
	_ =	sdelay $0x1  }
0x2b7: {  	s21 =	simm.s32 $0x14A00;
	v1 =	vadd.s32 v3, v1  }
0x2b8: {  	[tilespmem:s21+$0x0] =	vst v1  }
0x2b9: {  	v1 =	vld.idx.msk [tilespmem:v2+s11+$0x0], $0xffff;
	_ =	sdelay $0x1  }
0x2ba: {  	v3 =	vld.idx.msk [tilespmem:v2+s13+$0x0], $0xffff;
	_ =	sdelay $0x2  }
0x2bb: {  	v4 =	vld.idx.msk [tilespmem:v2+s14+$0x0], $0xffff;
	v1 =	vtrunc.f32 v1  }
0x2bc: {  	v1 =	vcvt.f32.s32 v1  }
0x2bd: {  	v3 =	vtrunc.f32 v3  }
0x2be: {  	v5 =	vcvt.f32.s32 v3;
	v6 =	vmul.u32 $0x19, v1;
	v1 =	vld.idx.msk [tilespmem:v2+s15+$0x0], $0xffff  }
0x2bf: {  	s22 =	simm.s32 $0x220  }
0x2c0: {  	v3 =	vtrunc.f32 v4;
	v2 =	vmov s22;
	s22 =	simm.s32 $0x230;
	v4 =	vadd.s32 v5, v6  }
.LBB2_13:
0x2c1: {  	p3 =	sne.s32 s22, $0x3F0;
	v2 =	vshll.u32 v2, $0x3;
	v3 =	vcvt.f32.s32 v3;
	v4 =	vmul.u32 $0x19, v4  }
0x2c2: {  	v2 =	vor.u32 v0, v2  }
0x2c3: {  	v1 =	vtrunc.f32 v1;
	v2 =	vor.u32 $0x3, v2;
	v3 =	vadd.s32 v3, v4  }
0x2c4: {  	v1 =	vcvt.f32.s32 v1;
	v3 =	vmul.u32 $0x19, v3;
	_ =	sdelay $0x1  }
0x2c5: {  	s21 =	sadd.s32 $0x10, s21;
	v1 =	vadd.s32 v1, v3  }
0x2c6: {  	[tilespmem:s21+$0x0] =	vst v1  }
0x2c7: {  	v1 =	vld.idx.msk [tilespmem:v2+s11+$0x0], $0xffff;
	_ =	sdelay $0x1  }
0x2c8: {  	v3 =	vld.idx.msk [tilespmem:v2+s13+$0x0], $0xffff;
	_ =	sdelay $0x2  }
0x2c9: {  	v4 =	vld.idx.msk [tilespmem:v2+s14+$0x0], $0xffff  }
0x2ca: {  	v1 =	vtrunc.f32 v1  }
.Ltmp7:
0x2cb: {  	v5 =	vcvt.f32.s32 v1;
	(pc) =	sbr.rel @p3 .LBB2_13-.Ltmp7, $3  }
0x2cc: {  	v3 =	vtrunc.f32 v3;
	v1 =	vld.idx.msk [tilespmem:v2+s15+$0x0], $0xffff  }
0x2cd: {  	v6 =	vcvt.f32.s32 v3;
	v5 =	vmul.u32 $0x19, v5;
	_ =	sdelay $0x1  }
0x2ce: {  	v2 =	vmov s22;
	s22 =	sadd.s32 $0x10, s22;
	v3 =	vtrunc.f32 v4;
	v4 =	vadd.s32 v6, v5  }
0x2cf: {  	v2 =	vshll.u32 v2, $0x3;
	v3 =	vcvt.f32.s32 v3;
	v4 =	vmul.u32 $0x19, v4  }
0x2d0: {  	v2 =	vor.u32 v0, v2  }
0x2d1: {  	v1 =	vtrunc.f32 v1;
	v2 =	vor.u32 $0x3, v2;
	v3 =	vadd.s32 v3, v4  }
0x2d2: {  	v1 =	vcvt.f32.s32 v1;
	v3 =	vmul.u32 $0x19, v3;
	_ =	sdelay $0x1  }
0x2d3: {  	s4 =	sadd.s32 $0x10, s21;
	v1 =	vadd.s32 v1, v3  }
0x2d4: {  	[tilespmem:s4+$0x0] =	vst v1  }
0x2d5: {  	v1 =	vld.idx.msk [tilespmem:v2+s11+$0x0], $0xffff;
	_ =	sdelay $0x1  }
0x2d6: {  	v3 =	vld.idx.msk [tilespmem:v2+s13+$0x0], $0xffff;
	_ =	sdelay $0x2  }
0x2d7: {  	v4 =	vld.idx.msk [tilespmem:v2+s14+$0x0], $0xffff;
	v1 =	vtrunc.f32 v1  }
0x2d8: {  	v1 =	vcvt.f32.s32 v1  }
0x2d9: {  	v3 =	vtrunc.f32 v3  }
0x2da: {  	v2 =	vld.idx.msk [tilespmem:v2+s15+$0x0], $0xffff;
	v3 =	vcvt.f32.s32 v3;
	v1 =	vmul.u32 $0x19, v1;
	_ =	sdelay $0x1  }
0x2db: {  	v4 =	vtrunc.f32 v4;
	v1 =	vadd.s32 v3, v1  }
0x2dc: {  	v3 =	vcvt.f32.s32 v4;
	v1 =	vmul.u32 $0x19, v1;
	_ =	sdelay $0x1  }
0x2dd: {  	v2 =	vtrunc.f32 v2;
	v1 =	vadd.s32 v3, v1  }
0x2de: {  	v2 =	vcvt.f32.s32 v2;
	v1 =	vmul.u32 $0x19, v1;
	_ =	sdelay $0x1  }
0x2df: {  	s7 =	simm.s32 $0x200;
	s4 =	sadd.s32 $0x10, s4;
	v1 =	vadd.s32 v2, v1  }
0x2e0: {  	s12 =	simm.s32 $0x14A00;
	s22 =	simm.s32 $0x15C00;
	[tilespmem:s4+$0x0] =	vst v1;
	s4 =	simm.s32 $0x0  }
0x2e1: {  	[tilespmem:s22], [sflag:$0x6] =	stream.indirect.gather [hbm4b:s6+s7], $0x8, s12, s7, $0xb8;
	v1 =	vmov s4;
	[tilespmem:$0x17000] =	vst v63  }
0x2e2: {  	_ =	swait.ge [sflag:s9], $0x1000;
	v1 =	vshll.u32 v1, $0x3  }
0x2e3: {  	[sflag:s9] =	ssyncset.done $0x0;
	v1 =	vor.u32 v0, v1  }
0x2e4: {  	s4 =	simm.s32 @!p1 $0x8;
	[sflag:s9] =	ssyncadd.s32 $0xFFFFF000  }
0x2e5: {  	_ =	swait.ge @!p1 [sflag:s4], $0x400  }
0x2e6: {  	[sflag:s4] =	ssyncset.done @!p1 $0x0  }
0x2e7: {  	v2 =	vor.u32 $0x2, v1;
	[sflag:s4] =	ssyncadd.s32 @!p1 $0xFFFFFC00  }
0x2e8: {  	v3 =	vld.idx.msk [tilespmem:v1+s11+$0x0], $0xffff  }
0x2e9: {  	v8 =	vld.idx.msk [tilespmem:v1+s13+$0x0], $0xffff  }
0x2ea: {  	v9 =	vld.idx.msk [tilespmem:v1+s14+$0x0], $0xffff  }
0x2eb: {  	v6 =	vor.u32 $0x1, v1;
	v10 =	vld.idx.msk [tilespmem:v1+s15+$0x0], $0xffff  }
0x2ec: {  	v4 =	vld.idx.msk [tilespmem:v2+s11+$0x0], $0xffff  }
0x2ed: {  	v5 =	vld.idx.msk [tilespmem:v2+s14+$0x0], $0xffff  }
0x2ee: {  	v7 =	vld.idx.msk [tilespmem:v2+s13+$0x0], $0xffff  }
0x2ef: {  	v11 =	vld.idx.msk [tilespmem:v2+s15+$0x0], $0xffff  }
0x2f0: {  	v12 =	vld.idx.msk [tilespmem:v6+s11+$0x0], $0xffff  }
0x2f1: {  	v14 =	vld.idx.msk [tilespmem:v6+s13+$0x0], $0xffff  }
0x2f2: {  	v13 =	vld.idx.msk [tilespmem:v6+s14+$0x0], $0xffff  }
0x2f3: {  	v3 =	vsub.f32 v8, v3  }
0x2f4: {  	v15 =	vld.idx.msk [tilespmem:v6+s15+$0x0], $0xffff;
	v8 =	vsub.f32 v9, v8;
	v9 =	vsub.f32 v10, v9  }
0x2f5: {  	v4 =	vsub.f32 v7, v4;
	v7 =	vsub.f32 v5, v7  }
0x2f6: {  	v5 =	vsub.f32 v11, v5;
	v12 =	vsub.f32 v14, v12  }
0x2f7: {  	v14 =	vsub.f32 v13, v14;
	v43 =	vmul.f32 v8, v8;
	v16 =	vmul.f32 v8, v4  }
0x2f8: {  	v17 =	vmul.f32 v7, v3;
	v44 =	vmul.f32 v9, v7  }
0x2f9: {  	v13 =	vsub.f32 v15, v13;
	v45 =	vmul.f32 v5, v8;
	v3 =	vmul.f32 v14, v3  }
0x2fa: {  	v46 =	vmul.f32 v8, v12;
	v12 =	vmul.f32 v7, v12  }
0x2fb: {  	v4 =	vmul.f32 v14, v4;
	v47 =	vmul.f32 v13, v8;
	v42 =	vsub.f32 v16, v17  }
0x2fc: {  	v5 =	vmul.f32 v5, v14;
	v48 =	vmul.f32 v13, v7;
	v3 =	vsub.f32 v3, v46  }
0x2fd: {  	v9 =	vmul.f32 v9, v14;
	v4 =	vsub.f32 v12, v4;
	v18 =	vmul.f32 v42, v8  }
0x2fe: {  	v49 =	vsub.f32 v44, v45;
	v19 =	vmul.f32 v42, v7;
	v50 =	vmul.f32 v3, v14  }
0x2ff: {  	v5 =	vsub.f32 v5, v48;
	v8 =	vmul.f32 v3, v8;
	v51 =	vmul.f32 v4, v7  }
0x300: {  	v9 =	vsub.f32 v47, v9;
	v52 =	vmul.f32 v4, v14;
	v10 =	vmul.f32 v49, v42  }
0x301: {  	v4 =	vmul.f32 v5, v4;
	v16 =	vsub.f32 v19, v50;
	v8 =	vsub.f32 v8, v51  }
0x302: {  	v3 =	vmul.f32 v9, v3;
	v14 =	vmul.f32 v14, v14;
	v53 =	vsub.f32 v52, v18  }
0x303: {  	v4 =	vadd.f32 v10, v4;
	v5 =	vmul.f32 v5, v16;
	v8 =	vmul.f32 v49, v8  }
0x304: {  	v7 =	vmul.f32 v7, v7;
	v54 =	vadd.f32 v14, v43  }
0x305: {  	v3 =	vadd.f32 v4, v3;
	v4 =	vadd.f32 v8, v5;
	v5 =	vmul.f32 v9, v53  }
0x306: {  	v7 =	vadd.f32 v7, v54  }
0x307: {  	v4 =	vadd.f32 v4, v5;
	v5 =	vmul.f32 v3, v3  }
0x308: {  	v8 =	vmul.f32 $5.000000000e-01, v7  }
0x309: {  	v10 =	vshrl.u32 v7, $0x1;
	v5 =	vmul.f32 v5, v7;
	v55 =	vmul.f32 v4, v4  }
0x30a: {  	v10 =	vsub.s32 $0x5F3759DF, v10  }
0x30b: {  	v56 =	vmul.f32 v10, v8;
	v5 =	vadd.f32 v5, v55;
	_ =	sdelay $0x1  }
0x30c: {  	v9 =	vmul.f32 v10, v56;
	v57 =	vshrl.u32 v5, $0x1;
	v58 =	vmul.f32 $5.000000000e-01, v5  }
0x30d: {  	v11 =	vsub.s32 $0x5F3759DF, v57  }
0x30e: {  	v9 =	vsub.f32 $1.500000000e+00, v9;
	v59 =	vmul.f32 v11, v58;
	_ =	sdelay $0x1  }
0x30f: {  	v9 =	vmul.f32 v10, v9;
	v13 =	vmul.f32 v11, v59;
	_ =	sdelay $0x1  }
0x310: {  	v8 =	vmul.f32 v9, v8;
	v60 =	vsub.f32 $1.500000000e+00, v13;
	_ =	sdelay $0x1  }
0x311: {  	v8 =	vmul.f32 v8, v9;
	v10 =	vmul.f32 v11, v60;
	_ =	sdelay $0x1  }
0x312: {  	v8 =	vsub.f32 $1.500000000e+00, v8;
	v11 =	vmul.f32 v10, v58;
	_ =	sdelay $0x1  }
0x313: {  	v8 =	vmul.f32 v8, v9;
	v11 =	vmul.f32 v11, v10;
	_ =	sdelay $0x1  }
0x314: {  	v8 =	vmul.f32 v8, v7;
	v61 =	vsub.f32 $1.500000000e+00, v11  }
0x315: {  	v62 =	vor.u32 $0x3, v1  }
0x316: {  	v6 =	vld.idx.msk [tilespmem:v6+s26+$0x0], $0xffff;
	v3 =	vmul.f32 v8, v3;
	v9 =	vmul.f32 v61, v10  }
0x317: {  	v8 =	vld.idx.msk [tilespmem:v1+s26+$0x0], $0xffff;
	v1 =	vor.u32 $0x4, v1  }
0x318: {  	v2 =	vld.idx.msk [tilespmem:v2+s26+$0x0], $0xffff;
	v3 =	vmul.f32 v9, v3  }
0x319: {  	vm0 =	vgt.f32 v5, $0.0e+00  }
0x31a: {  	v5 =	vld.idx.msk [tilespmem:v62+s26+$0x0], $0xffff;
	v4 =	vmul.f32 v9, v4;
	v3 =	vnsel vm0, $0x3F800000, v3  }
0x31b: {  	v6 =	vmul.f32 v3, v6  }
0x31c: {  	v1 =	vld.idx.msk [tilespmem:v1+s26+$0x0], $0xffff;
	v4 =	vnsel vm0, $0x0, v4  }
0x31d: {  	v63 =	vmul.f32 v3, v3;
	v2 =	vmul.f32 v4, v2;
	v6 =	vsub.f32 v8, v6;
	_ =	sdelay $0x1  }
0x31e: {  	s22 =	simm.s32 $0x10;
	v3 =	vmul.f32 v3, v4;
	v4 =	vmul.f32 v63, v5;
	v2 =	vsub.f32 v6, v2  }
0x31f: {  	v5 =	vmov s22  }
0x320: {  	v3 =	vmul.f32 v3, v1;
	v5 =	vshll.u32 v5, $0x3;
	v4 =	vsub.f32 v2, v4  }
0x321: {  	v1 =	vor.u32 v0, v5  }
0x322: {  	v2 =	vor.u32 $0x2, v1;
	v3 =	vsub.f32 v4, v3  }
0x323: {  	vm15 =	vgt.f32 v7, $0.0e+00  }
0x324: {  	s21 =	simm.s32 $0x16C00;
	v3 =	vnsel vm15, $0x7FC00000, v3  }
0x325: {  	[tilespmem:s21+$0x0] =	vst v3  }
0x326: {  	v5 =	vld.idx.msk [tilespmem:v1+s11+$0x0], $0xffff  }
0x327: {  	v6 =	vld.idx.msk [tilespmem:v2+s11+$0x0], $0xffff  }
0x328: {  	v4 =	vld.idx.msk [tilespmem:v2+s14+$0x0], $0xffff  }
0x329: {  	s22 =	simm.s32 $0x20;
	v3 =	vor.u32 $0x1, v1;
	v7 =	vld.idx.msk [tilespmem:v2+s13+$0x0], $0xffff  }
.LBB2_15:
0x32a: {  	p1 =	sne.s32 s22, $0x1F0;
	v8 =	vld.idx.msk [tilespmem:v1+s13+$0x0], $0xffff  }
0x32b: {  	v9 =	vld.idx.msk [tilespmem:v1+s14+$0x0], $0xffff  }
0x32c: {  	v10 =	vld.idx.msk [tilespmem:v1+s15+$0x0], $0xffff  }
0x32d: {  	v11 =	vld.idx.msk [tilespmem:v2+s15+$0x0], $0xffff  }
0x32e: {  	v12 =	vld.idx.msk [tilespmem:v3+s11+$0x0], $0xffff  }
0x32f: {  	v13 =	vld.idx.msk [tilespmem:v3+s14+$0x0], $0xffff  }
0x330: {  	v6 =	vsub.f32 v7, v6;
	v7 =	vsub.f32 v4, v7;
	v14 =	vld.idx.msk [tilespmem:v3+s13+$0x0], $0xffff  }
0x331: {  	v5 =	vsub.f32 v8, v5;
	v8 =	vsub.f32 v9, v8  }
0x332: {  	v15 =	vld.idx.msk [tilespmem:v3+s15+$0x0], $0xffff  }
0x333: {  	v17 =	vmul.f32 v7, v5;
	v16 =	vmul.f32 v8, v6  }
0x334: {  	v9 =	vsub.f32 v10, v9  }
0x335: {  	v4 =	vsub.f32 v11, v4;
	v11 =	vmul.f32 v8, v8;
	v10 =	vsub.f32 v16, v17  }
0x336: {  	v16 =	vmul.f32 v9, v7;
	v12 =	vsub.f32 v14, v12;
	v14 =	vsub.f32 v13, v14  }
0x337: {  	v17 =	vmul.f32 v4, v8;
	v18 =	vmul.f32 v10, v8  }
0x338: {  	v13 =	vsub.f32 v15, v13;
	v5 =	vmul.f32 v14, v5;
	v15 =	vmul.f32 v8, v12  }
0x339: {  	v12 =	vmul.f32 v7, v12;
	v6 =	vmul.f32 v14, v6  }
0x33a: {  	v19 =	vmul.f32 v10, v7;
	v5 =	vsub.f32 v5, v15;
	v15 =	vmul.f32 v13, v8  }
0x33b: {  	v4 =	vmul.f32 v4, v14;
	v6 =	vsub.f32 v12, v6;
	v12 =	vmul.f32 v13, v7  }
0x33c: {  	v9 =	vmul.f32 v9, v14;
	v13 =	vsub.f32 v16, v17;
	v16 =	vmul.f32 v5, v14  }
0x33d: {  	v4 =	vsub.f32 v4, v12;
	v8 =	vmul.f32 v5, v8;
	v12 =	vmul.f32 v6, v7  }
0x33e: {  	v9 =	vsub.f32 v15, v9;
	v15 =	vmul.f32 v6, v14;
	v10 =	vmul.f32 v13, v10  }
0x33f: {  	v16 =	vsub.f32 v19, v16;
	v8 =	vsub.f32 v8, v12;
	v6 =	vmul.f32 v4, v6  }
0x340: {  	v14 =	vmul.f32 v14, v14;
	v12 =	vsub.f32 v15, v18;
	v5 =	vmul.f32 v9, v5  }
0x341: {  	v6 =	vadd.f32 v10, v6;
	v4 =	vmul.f32 v4, v16;
	v8 =	vmul.f32 v13, v8  }
0x342: {  	v7 =	vmul.f32 v7, v7;
	v10 =	vadd.f32 v14, v11  }
0x343: {  	v5 =	vadd.f32 v6, v5;
	v4 =	vadd.f32 v8, v4;
	v6 =	vmul.f32 v9, v12  }
0x344: {  	v7 =	vadd.f32 v7, v10  }
0x345: {  	v4 =	vadd.f32 v4, v6;
	v6 =	vmul.f32 v5, v5  }
0x346: {  	v8 =	vmul.f32 $5.000000000e-01, v7;
	vm0 =	vgt.f32 v7, $0.0e+00  }
0x347: {  	v10 =	vshrl.u32 v7, $0x1;
	v6 =	vmul.f32 v6, v7;
	v9 =	vmul.f32 v4, v4  }
0x348: {  	v10 =	vsub.s32 $0x5F3759DF, v10  }
0x349: {  	v6 =	vadd.f32 v6, v9;
	v9 =	vmul.f32 v10, v8;
	_ =	sdelay $0x1  }
0x34a: {  	v11 =	vshrl.u32 v6, $0x1;
	v12 =	vmul.f32 $5.000000000e-01, v6;
	v9 =	vmul.f32 v10, v9  }
0x34b: {  	v11 =	vsub.s32 $0x5F3759DF, v11  }
0x34c: {  	v13 =	vmul.f32 v11, v12;
	v9 =	vsub.f32 $1.500000000e+00, v9;
	_ =	sdelay $0x1  }
0x34d: {  	v13 =	vmul.f32 v11, v13;
	v9 =	vmul.f32 v10, v9;
	_ =	sdelay $0x1  }
0x34e: {  	v10 =	vsub.f32 $1.500000000e+00, v13;
	v8 =	vmul.f32 v9, v8;
	_ =	sdelay $0x1  }
0x34f: {  	v10 =	vmul.f32 v11, v10;
	v8 =	vmul.f32 v8, v9;
	_ =	sdelay $0x1  }
0x350: {  	v11 =	vmul.f32 v10, v12;
	v8 =	vsub.f32 $1.500000000e+00, v8;
	_ =	sdelay $0x1  }
0x351: {  	v11 =	vmul.f32 v11, v10;
	v8 =	vmul.f32 v8, v9;
	_ =	sdelay $0x1  }
0x352: {  	v9 =	vsub.f32 $1.500000000e+00, v11;
	v7 =	vmul.f32 v8, v7;
	v8 =	vor.u32 $0x3, v1  }
0x353: {  	v3 =	vld.idx.msk [tilespmem:v3+s26+$0x0], $0xffff  }
0x354: {  	v9 =	vmul.f32 v9, v10;
	v5 =	vmul.f32 v7, v5;
	v7 =	vld.idx.msk [tilespmem:v1+s26+$0x0], $0xffff;
	v1 =	vor.u32 $0x4, v1  }
0x355: {  	v2 =	vld.idx.msk [tilespmem:v2+s26+$0x0], $0xffff  }
0x356: {  	v5 =	vmul.f32 v9, v5;
	v4 =	vmul.f32 v9, v4  }
0x357: {  	vm1 =	vgt.f32 v6, $0.0e+00;
	v6 =	vld.idx.msk [tilespmem:v8+s26+$0x0], $0xffff  }
0x358: {  	v5 =	vnsel vm1, $0x3F800000, v5  }
0x359: {  	v8 =	vmul.f32 v5, v5;
	v3 =	vmul.f32 v5, v3;
	v1 =	vld.idx.msk [tilespmem:v1+s26+$0x0], $0xffff  }
0x35a: {  	v4 =	vnsel vm1, $0x0, v4  }
0x35b: {  	v3 =	vsub.f32 v7, v3;
	v2 =	vmul.f32 v4, v2;
	v4 =	vmul.f32 v5, v4;
	_ =	sdelay $0x1  }
0x35c: {  	v2 =	vsub.f32 v3, v2;
	v3 =	vmul.f32 v8, v6  }
0x35d: {  	v5 =	vmov s22  }
0x35e: {  	v5 =	vshll.u32 v5, $0x3;
	v3 =	vsub.f32 v2, v3;
	v4 =	vmul.f32 v4, v1  }
0x35f: {  	v1 =	vor.u32 v0, v5  }
0x360: {  	v2 =	vor.u32 $0x2, v1;
	v3 =	vsub.f32 v3, v4;
	_ =	sdelay $0x1  }
0x361: {  	s21 =	sadd.s32 $0x10, s21;
	v3 =	vnsel vm0, $0x7FC00000, v3  }
.Ltmp8:
0x362: {  	[tilespmem:s21+$0x0] =	vst v3;
	(pc) =	sbr.rel @p1 .LBB2_15-.Ltmp8, $4  }
0x363: {  	v5 =	vld.idx.msk [tilespmem:v1+s11+$0x0], $0xffff  }
0x364: {  	v6 =	vld.idx.msk [tilespmem:v2+s11+$0x0], $0xffff  }
0x365: {  	v4 =	vld.idx.msk [tilespmem:v2+s14+$0x0], $0xffff  }
0x366: {  	s22 =	sadd.s32 $0x10, s22;
	v3 =	vor.u32 $0x1, v1;
	v7 =	vld.idx.msk [tilespmem:v2+s13+$0x0], $0xffff  }
0x367: {  	_ =	sdelay $0x3  }
0x368: {  	v8 =	vld.idx.msk [tilespmem:v1+s13+$0x0], $0xffff  }
0x369: {  	v9 =	vld.idx.msk [tilespmem:v1+s14+$0x0], $0xffff  }
0x36a: {  	v10 =	vld.idx.msk [tilespmem:v1+s15+$0x0], $0xffff  }
0x36b: {  	v11 =	vld.idx.msk [tilespmem:v2+s15+$0x0], $0xffff  }
0x36c: {  	v12 =	vld.idx.msk [tilespmem:v3+s11+$0x0], $0xffff  }
0x36d: {  	v14 =	vld.idx.msk [tilespmem:v3+s13+$0x0], $0xffff  }
0x36e: {  	v13 =	vld.idx.msk [tilespmem:v3+s14+$0x0], $0xffff  }
0x36f: {  	v6 =	vsub.f32 v7, v6  }
0x370: {  	v15 =	vld.idx.msk [tilespmem:v3+s15+$0x0], $0xffff;
	v7 =	vsub.f32 v4, v7;
	v5 =	vsub.f32 v8, v5  }
0x371: {  	v8 =	vsub.f32 v9, v8;
	v9 =	vsub.f32 v10, v9  }
0x372: {  	v4 =	vsub.f32 v11, v4;
	v12 =	vsub.f32 v14, v12  }
0x373: {  	v14 =	vsub.f32 v13, v14;
	v16 =	vmul.f32 v8, v6;
	v17 =	vmul.f32 v7, v5  }
0x374: {  	v54 =	vmul.f32 v8, v8;
	v55 =	vmul.f32 v9, v7  }
0x375: {  	v13 =	vsub.f32 v15, v13;
	v56 =	vmul.f32 v4, v8;
	v5 =	vmul.f32 v14, v5  }
0x376: {  	v57 =	vmul.f32 v8, v12;
	v12 =	vmul.f32 v7, v12  }
0x377: {  	v6 =	vmul.f32 v14, v6;
	v58 =	vmul.f32 v13, v8;
	v53 =	vsub.f32 v16, v17  }
0x378: {  	v4 =	vmul.f32 v4, v14;
	v59 =	vmul.f32 v13, v7;
	v5 =	vsub.f32 v5, v57  }
0x379: {  	v9 =	vmul.f32 v9, v14;
	v6 =	vsub.f32 v12, v6;
	v18 =	vmul.f32 v53, v8  }
0x37a: {  	v60 =	vsub.f32 v55, v56;
	v19 =	vmul.f32 v53, v7;
	v61 =	vmul.f32 v5, v14  }
0x37b: {  	v4 =	vsub.f32 v4, v59;
	v8 =	vmul.f32 v5, v8;
	v62 =	vmul.f32 v6, v7  }
0x37c: {  	v9 =	vsub.f32 v58, v9;
	v63 =	vmul.f32 v6, v14;
	v10 =	vmul.f32 v60, v53  }
0x37d: {  	v6 =	vmul.f32 v4, v6;
	v16 =	vsub.f32 v19, v61;
	v8 =	vsub.f32 v8, v62  }
0x37e: {  	v5 =	vmul.f32 v9, v5;
	v14 =	vmul.f32 v14, v14;
	v20 =	vsub.f32 v63, v18  }
0x37f: {  	v6 =	vadd.f32 v10, v6;
	v4 =	vmul.f32 v4, v16;
	v8 =	vmul.f32 v60, v8  }
0x380: {  	v7 =	vmul.f32 v7, v7;
	v21 =	vadd.f32 v14, v54  }
0x381: {  	v5 =	vadd.f32 v6, v5;
	v6 =	vmul.f32 v9, v20;
	v4 =	vadd.f32 v8, v4  }
0x382: {  	v7 =	vadd.f32 v7, v21  }
0x383: {  	v4 =	vadd.f32 v4, v6;
	v6 =	vmul.f32 v5, v5  }
0x384: {  	v8 =	vmul.f32 $5.000000000e-01, v7  }
0x385: {  	v10 =	vshrl.u32 v7, $0x1;
	v6 =	vmul.f32 v6, v7;
	v22 =	vmul.f32 v4, v4  }
0x386: {  	v10 =	vsub.s32 $0x5F3759DF, v10  }
0x387: {  	v23 =	vmul.f32 v10, v8;
	v6 =	vadd.f32 v6, v22;
	_ =	sdelay $0x1  }
0x388: {  	v9 =	vmul.f32 v10, v23;
	v24 =	vshrl.u32 v6, $0x1;
	v25 =	vmul.f32 $5.000000000e-01, v6  }
0x389: {  	v11 =	vsub.s32 $0x5F3759DF, v24  }
0x38a: {  	v9 =	vsub.f32 $1.500000000e+00, v9;
	v26 =	vmul.f32 v11, v25;
	_ =	sdelay $0x1  }
0x38b: {  	v9 =	vmul.f32 v10, v9;
	v13 =	vmul.f32 v11, v26;
	_ =	sdelay $0x1  }
0x38c: {  	v8 =	vmul.f32 v9, v8;
	v27 =	vsub.f32 $1.500000000e+00, v13;
	_ =	sdelay $0x1  }
0x38d: {  	v8 =	vmul.f32 v8, v9;
	v10 =	vmul.f32 v11, v27;
	_ =	sdelay $0x1  }
0x38e: {  	v8 =	vsub.f32 $1.500000000e+00, v8;
	v11 =	vmul.f32 v10, v25;
	_ =	sdelay $0x1  }
0x38f: {  	v8 =	vmul.f32 v8, v9;
	v11 =	vmul.f32 v11, v10;
	_ =	sdelay $0x1  }
0x390: {  	v8 =	vmul.f32 v8, v7;
	v28 =	vsub.f32 $1.500000000e+00, v11  }
0x391: {  	v29 =	vor.u32 $0x3, v1  }
0x392: {  	v3 =	vld.idx.msk [tilespmem:v3+s26+$0x0], $0xffff;
	v5 =	vmul.f32 v8, v5;
	v9 =	vmul.f32 v28, v10  }
0x393: {  	v8 =	vld.idx.msk [tilespmem:v1+s26+$0x0], $0xffff;
	v1 =	vor.u32 $0x4, v1  }
0x394: {  	v2 =	vld.idx.msk [tilespmem:v2+s26+$0x0], $0xffff;
	v5 =	vmul.f32 v9, v5  }
0x395: {  	vm0 =	vgt.f32 v6, $0.0e+00  }
0x396: {  	v6 =	vld.idx.msk [tilespmem:v29+s26+$0x0], $0xffff;
	v4 =	vmul.f32 v9, v4;
	v5 =	vnsel vm0, $0x3F800000, v5  }
0x397: {  	v3 =	vmul.f32 v5, v3  }
0x398: {  	v1 =	vld.idx.msk [tilespmem:v1+s26+$0x0], $0xffff;
	v4 =	vnsel vm0, $0x0, v4  }
0x399: {  	v30 =	vmul.f32 v5, v5;
	v2 =	vmul.f32 v4, v2;
	v3 =	vsub.f32 v8, v3;
	_ =	sdelay $0x1  }
0x39a: {  	v4 =	vmul.f32 v5, v4;
	v2 =	vsub.f32 v3, v2;
	v3 =	vmul.f32 v30, v6;
	_ =	sdelay $0x1  }
0x39b: {  	v1 =	vmul.f32 v4, v1;
	v2 =	vsub.f32 v2, v3  }
0x39c: {  	s4 =	simm.s32 $0x200  }
0x39d: {  	v1 =	vsub.f32 v2, v1;
	v2 =	vmov s4  }
0x39e: {  	vm13 =	vgt.f32 v7, $0.0e+00;
	v2 =	vshll.u32 v2, $0x3  }
0x39f: {  	s21 =	sadd.s32 $0x10, s21;
	v1 =	vnsel vm13, $0x7FC00000, v1;
	v2 =	vor.u32 v0, v2  }
0x3a0: {  	[tilespmem:s21+$0x0] =	vst v1  }
0x3a1: {  	_ =	swait.ge [sflag:s9], $0x1000  }
0x3a2: {  	[sflag:s9] =	ssyncset.done $0x0  }
0x3a3: {  	v1 =	vor.u32 $0x2, v2;
	[sflag:s9] =	ssyncadd.s32 $0xFFFFF000  }
0x3a4: {  	v3 =	vld.idx.msk [tilespmem:v2+s11+$0x0], $0xffff  }
0x3a5: {  	v8 =	vld.idx.msk [tilespmem:v2+s13+$0x0], $0xffff  }
0x3a6: {  	v31 =	vld.idx.msk [tilespmem:v2+s14+$0x0], $0xffff  }
0x3a7: {  	v6 =	vor.u32 $0x1, v2;
	v32 =	vld.idx.msk [tilespmem:v2+s15+$0x0], $0xffff  }
0x3a8: {  	v4 =	vld.idx.msk [tilespmem:v1+s11+$0x0], $0xffff  }
0x3a9: {  	v5 =	vld.idx.msk [tilespmem:v1+s14+$0x0], $0xffff  }
0x3aa: {  	v7 =	vld.idx.msk [tilespmem:v1+s13+$0x0], $0xffff  }
0x3ab: {  	v33 =	vld.idx.msk [tilespmem:v1+s15+$0x0], $0xffff  }
0x3ac: {  	v35 =	vld.idx.msk [tilespmem:v6+s14+$0x0], $0xffff  }
0x3ad: {  	v36 =	vld.idx.msk [tilespmem:v6+s13+$0x0], $0xffff  }
0x3ae: {  	v34 =	vld.idx.msk [tilespmem:v6+s11+$0x0], $0xffff  }
0x3af: {  	v37 =	vld.idx.msk [tilespmem:v6+s15+$0x0], $0xffff;
	v3 =	vsub.f32 v8, v3;
	v8 =	vsub.f32 v31, v8  }
0x3b0: {  	v9 =	vsub.f32 v32, v31;
	v4 =	vsub.f32 v7, v4  }
0x3b1: {  	v7 =	vsub.f32 v5, v7;
	v5 =	vsub.f32 v33, v5  }
0x3b2: {  	v14 =	vsub.f32 v35, v36;
	v41 =	vmul.f32 v8, v8;
	v38 =	vmul.f32 v8, v4  }
0x3b3: {  	v12 =	vsub.f32 v36, v34;
	v39 =	vmul.f32 v7, v3;
	v42 =	vmul.f32 v9, v7  }
0x3b4: {  	v13 =	vsub.f32 v37, v35;
	v43 =	vmul.f32 v5, v8;
	v3 =	vmul.f32 v14, v3  }
0x3b5: {  	v45 =	vmul.f32 v8, v12;
	v12 =	vmul.f32 v7, v12  }
0x3b6: {  	v4 =	vmul.f32 v14, v4;
	v46 =	vmul.f32 v13, v8;
	v40 =	vsub.f32 v38, v39  }
0x3b7: {  	v5 =	vmul.f32 v5, v14;
	v48 =	vmul.f32 v13, v7;
	v3 =	vsub.f32 v3, v45  }
0x3b8: {  	v9 =	vmul.f32 v9, v14;
	v4 =	vsub.f32 v12, v4;
	v44 =	vmul.f32 v40, v8  }
0x3b9: {  	v49 =	vsub.f32 v42, v43;
	v47 =	vmul.f32 v40, v7;
	v50 =	vmul.f32 v3, v14  }
0x3ba: {  	v5 =	vsub.f32 v5, v48;
	v8 =	vmul.f32 v3, v8;
	v51 =	vmul.f32 v4, v7  }
0x3bb: {  	v9 =	vsub.f32 v46, v9;
	v52 =	vmul.f32 v4, v14;
	v10 =	vmul.f32 v49, v40  }
0x3bc: {  	v4 =	vmul.f32 v5, v4;
	v16 =	vsub.f32 v47, v50;
	v8 =	vsub.f32 v8, v51  }
0x3bd: {  	v3 =	vmul.f32 v9, v3;
	v14 =	vmul.f32 v14, v14;
	v53 =	vsub.f32 v52, v44  }
0x3be: {  	v4 =	vadd.f32 v10, v4;
	v5 =	vmul.f32 v5, v16;
	v8 =	vmul.f32 v49, v8  }
0x3bf: {  	v7 =	vmul.f32 v7, v7;
	v54 =	vadd.f32 v14, v41  }
0x3c0: {  	v3 =	vadd.f32 v4, v3;
	v4 =	vadd.f32 v8, v5;
	v5 =	vmul.f32 v9, v53  }
0x3c1: {  	v7 =	vadd.f32 v7, v54  }
0x3c2: {  	v4 =	vadd.f32 v4, v5;
	v5 =	vmul.f32 v3, v3  }
0x3c3: {  	v8 =	vmul.f32 $5.000000000e-01, v7  }
0x3c4: {  	v10 =	vshrl.u32 v7, $0x1;
	v5 =	vmul.f32 v5, v7;
	v55 =	vmul.f32 v4, v4  }
0x3c5: {  	v10 =	vsub.s32 $0x5F3759DF, v10  }
0x3c6: {  	v56 =	vmul.f32 v10, v8;
	v5 =	vadd.f32 v5, v55;
	_ =	sdelay $0x1  }
0x3c7: {  	v9 =	vmul.f32 v10, v56;
	v57 =	vshrl.u32 v5, $0x1;
	v58 =	vmul.f32 $5.000000000e-01, v5  }
0x3c8: {  	v11 =	vsub.s32 $0x5F3759DF, v57  }
0x3c9: {  	v9 =	vsub.f32 $1.500000000e+00, v9;
	v59 =	vmul.f32 v11, v58;
	_ =	sdelay $0x1  }
0x3ca: {  	v9 =	vmul.f32 v10, v9;
	v13 =	vmul.f32 v11, v59;
	_ =	sdelay $0x1  }
0x3cb: {  	v8 =	vmul.f32 v9, v8;
	v60 =	vsub.f32 $1.500000000e+00, v13;
	_ =	sdelay $0x1  }
0x3cc: {  	v8 =	vmul.f32 v8, v9;
	v10 =	vmul.f32 v11, v60;
	_ =	sdelay $0x1  }
0x3cd: {  	v8 =	vsub.f32 $1.500000000e+00, v8;
	v11 =	vmul.f32 v10, v58;
	_ =	sdelay $0x1  }
0x3ce: {  	v8 =	vmul.f32 v8, v9;
	v11 =	vmul.f32 v11, v10;
	_ =	sdelay $0x1  }
0x3cf: {  	v8 =	vmul.f32 v8, v7;
	v61 =	vsub.f32 $1.500000000e+00, v11  }
0x3d0: {  	v62 =	vor.u32 $0x3, v2  }
0x3d1: {  	v6 =	vld.idx.msk [tilespmem:v6+s26+$0x0], $0xffff;
	v3 =	vmul.f32 v8, v3;
	v9 =	vmul.f32 v61, v10  }
0x3d2: {  	v8 =	vld.idx.msk [tilespmem:v2+s26+$0x0], $0xffff;
	v2 =	vor.u32 $0x4, v2  }
0x3d3: {  	v1 =	vld.idx.msk [tilespmem:v1+s26+$0x0], $0xffff;
	v3 =	vmul.f32 v9, v3  }
0x3d4: {  	vm14 =	vgt.f32 v5, $0.0e+00  }
0x3d5: {  	v5 =	vld.idx.msk [tilespmem:v62+s26+$0x0], $0xffff;
	v4 =	vmul.f32 v9, v4;
	v3 =	vnsel vm14, $0x3F800000, v3  }
0x3d6: {  	v6 =	vmul.f32 v3, v6  }
0x3d7: {  	v2 =	vld.idx.msk [tilespmem:v2+s26+$0x0], $0xffff;
	v4 =	vnsel vm14, $0x0, v4  }
0x3d8: {  	v63 =	vmul.f32 v3, v3;
	v1 =	vmul.f32 v4, v1;
	v6 =	vsub.f32 v8, v6;
	_ =	sdelay $0x1  }
0x3d9: {  	s22 =	simm.s32 $0x210;
	v3 =	vmul.f32 v3, v4;
	v4 =	vmul.f32 v63, v5;
	v1 =	vsub.f32 v6, v1  }
0x3da: {  	v5 =	vmov s22  }
0x3db: {  	v3 =	vmul.f32 v3, v2;
	v5 =	vshll.u32 v5, $0x3;
	v4 =	vsub.f32 v1, v4  }
0x3dc: {  	v1 =	vor.u32 v0, v5  }
0x3dd: {  	v2 =	vor.u32 $0x2, v1;
	v3 =	vsub.f32 v4, v3  }
0x3de: {  	vm15 =	vgt.f32 v7, $0.0e+00  }
0x3df: {  	s21 =	simm.s32 $0x16E00;
	v3 =	vnsel vm15, $0x7FC00000, v3  }
0x3e0: {  	[tilespmem:s21+$0x0] =	vst v3  }
0x3e1: {  	v5 =	vld.idx.msk [tilespmem:v1+s11+$0x0], $0xffff  }
0x3e2: {  	v6 =	vld.idx.msk [tilespmem:v2+s11+$0x0], $0xffff  }
0x3e3: {  	v4 =	vld.idx.msk [tilespmem:v2+s14+$0x0], $0xffff  }
0x3e4: {  	s22 =	simm.s32 $0x220;
	v3 =	vor.u32 $0x1, v1;
	v7 =	vld.idx.msk [tilespmem:v2+s13+$0x0], $0xffff  }
.LBB2_17:
0x3e5: {  	p1 =	sne.s32 s22, $0x3F0;
	v8 =	vld.idx.msk [tilespmem:v1+s13+$0x0], $0xffff  }
0x3e6: {  	v9 =	vld.idx.msk [tilespmem:v1+s14+$0x0], $0xffff  }
0x3e7: {  	v10 =	vld.idx.msk [tilespmem:v1+s15+$0x0], $0xffff  }
0x3e8: {  	v11 =	vld.idx.msk [tilespmem:v2+s15+$0x0], $0xffff  }
0x3e9: {  	v12 =	vld.idx.msk [tilespmem:v3+s11+$0x0], $0xffff  }
0x3ea: {  	v13 =	vld.idx.msk [tilespmem:v3+s14+$0x0], $0xffff  }
0x3eb: {  	v6 =	vsub.f32 v7, v6;
	v7 =	vsub.f32 v4, v7;
	v14 =	vld.idx.msk [tilespmem:v3+s13+$0x0], $0xffff  }
0x3ec: {  	v5 =	vsub.f32 v8, v5;
	v8 =	vsub.f32 v9, v8  }
0x3ed: {  	v15 =	vld.idx.msk [tilespmem:v3+s15+$0x0], $0xffff  }
0x3ee: {  	v17 =	vmul.f32 v7, v5;
	v16 =	vmul.f32 v8, v6  }
0x3ef: {  	v9 =	vsub.f32 v10, v9  }
0x3f0: {  	v4 =	vsub.f32 v11, v4;
	v11 =	vmul.f32 v8, v8;
	v10 =	vsub.f32 v16, v17  }
0x3f1: {  	v16 =	vmul.f32 v9, v7;
	v12 =	vsub.f32 v14, v12;
	v14 =	vsub.f32 v13, v14  }
0x3f2: {  	v17 =	vmul.f32 v4, v8;
	v18 =	vmul.f32 v10, v8  }
0x3f3: {  	v13 =	vsub.f32 v15, v13;
	v5 =	vmul.f32 v14, v5;
	v15 =	vmul.f32 v8, v12  }
0x3f4: {  	v12 =	vmul.f32 v7, v12;
	v6 =	vmul.f32 v14, v6  }
0x3f5: {  	v19 =	vmul.f32 v10, v7;
	v5 =	vsub.f32 v5, v15;
	v15 =	vmul.f32 v13, v8  }
0x3f6: {  	v4 =	vmul.f32 v4, v14;
	v6 =	vsub.f32 v12, v6;
	v12 =	vmul.f32 v13, v7  }
0x3f7: {  	v9 =	vmul.f32 v9, v14;
	v13 =	vsub.f32 v16, v17;
	v16 =	vmul.f32 v5, v14  }
0x3f8: {  	v4 =	vsub.f32 v4, v12;
	v8 =	vmul.f32 v5, v8;
	v12 =	vmul.f32 v6, v7  }
0x3f9: {  	v9 =	vsub.f32 v15, v9;
	v15 =	vmul.f32 v6, v14;
	v10 =	vmul.f32 v13, v10  }
0x3fa: {  	v16 =	vsub.f32 v19, v16;
	v8 =	vsub.f32 v8, v12;
	v6 =	vmul.f32 v4, v6  }
0x3fb: {  	v14 =	vmul.f32 v14, v14;
	v12 =	vsub.f32 v15, v18;
	v5 =	vmul.f32 v9, v5  }
0x3fc: {  	v6 =	vadd.f32 v10, v6;
	v4 =	vmul.f32 v4, v16;
	v8 =	vmul.f32 v13, v8  }
0x3fd: {  	v7 =	vmul.f32 v7, v7;
	v10 =	vadd.f32 v14, v11  }
0x3fe: {  	v5 =	vadd.f32 v6, v5;
	v4 =	vadd.f32 v8, v4;
	v6 =	vmul.f32 v9, v12  }
0x3ff: {  	v7 =	vadd.f32 v7, v10  }
0x400: {  	v4 =	vadd.f32 v4, v6;
	v6 =	vmul.f32 v5, v5  }
0x401: {  	v8 =	vmul.f32 $5.000000000e-01, v7;
	vm0 =	vgt.f32 v7, $0.0e+00  }
0x402: {  	v10 =	vshrl.u32 v7, $0x1;
	v6 =	vmul.f32 v6, v7;
	v9 =	vmul.f32 v4, v4  }
0x403: {  	v10 =	vsub.s32 $0x5F3759DF, v10  }
0x404: {  	v6 =	vadd.f32 v6, v9;
	v9 =	vmul.f32 v10, v8;
	_ =	sdelay $0x1  }
0x405: {  	v11 =	vshrl.u32 v6, $0x1;
	v12 =	vmul.f32 $5.000000000e-01, v6;
	v9 =	vmul.f32 v10, v9  }
0x406: {  	v11 =	vsub.s32 $0x5F3759DF, v11  }
0x407: {  	v13 =	vmul.f32 v11, v12;
	v9 =	vsub.f32 $1.500000000e+00, v9;
	_ =	sdelay $0x1  }
0x408: {  	v13 =	vmul.f32 v11, v13;
	v9 =	vmul.f32 v10, v9;
	_ =	sdelay $0x1  }
0x409: {  	v10 =	vsub.f32 $1.500000000e+00, v13;
	v8 =	vmul.f32 v9, v8;
	_ =	sdelay $0x1  }
0x40a: {  	v10 =	vmul.f32 v11, v10;
	v8 =	vmul.f32 v8, v9;
	_ =	sdelay $0x1  }
0x40b: {  	v11 =	vmul.f32 v10, v12;
	v8 =	vsub.f32 $1.500000000e+00, v8;
	_ =	sdelay $0x1  }
0x40c: {  	v11 =	vmul.f32 v11, v10;
	v8 =	vmul.f32 v8, v9;
	_ =	sdelay $0x1  }
0x40d: {  	v9 =	vsub.f32 $1.500000000e+00, v11;
	v7 =	vmul.f32 v8, v7;
	v8 =	vor.u32 $0x3, v1  }
0x40e: {  	v3 =	vld.idx.msk [tilespmem:v3+s26+$0x0], $0xffff  }
0x40f: {  	v9 =	vmul.f32 v9, v10;
	v5 =	vmul.f32 v7, v5;
	v7 =	vld.idx.msk [tilespmem:v1+s26+$0x0], $0xffff;
	v1 =	vor.u32 $0x4, v1  }
0x410: {  	v2 =	vld.idx.msk [tilespmem:v2+s26+$0x0], $0xffff  }
0x411: {  	v5 =	vmul.f32 v9, v5;
	v4 =	vmul.f32 v9, v4  }
0x412: {  	vm1 =	vgt.f32 v6, $0.0e+00;
	v6 =	vld.idx.msk [tilespmem:v8+s26+$0x0], $0xffff  }
0x413: {  	v5 =	vnsel vm1, $0x3F800000, v5  }
0x414: {  	v8 =	vmul.f32 v5, v5;
	v3 =	vmul.f32 v5, v3;
	v1 =	vld.idx.msk [tilespmem:v1+s26+$0x0], $0xffff  }
0x415: {  	v4 =	vnsel vm1, $0x0, v4  }
0x416: {  	v3 =	vsub.f32 v7, v3;
	v2 =	vmul.f32 v4, v2;
	v4 =	vmul.f32 v5, v4;
	_ =	sdelay $0x1  }
0x417: {  	v2 =	vsub.f32 v3, v2;
	v3 =	vmul.f32 v8, v6  }
0x418: {  	v5 =	vmov s22  }
0x419: {  	v5 =	vshll.u32 v5, $0x3;
	v3 =	vsub.f32 v2, v3;
	v4 =	vmul.f32 v4, v1  }
0x41a: {  	v1 =	vor.u32 v0, v5  }
0x41b: {  	v2 =	vor.u32 $0x2, v1;
	v3 =	vsub.f32 v3, v4;
	_ =	sdelay $0x1  }
0x41c: {  	s21 =	sadd.s32 $0x10, s21;
	v3 =	vnsel vm0, $0x7FC00000, v3  }
.Ltmp9:
0x41d: {  	[tilespmem:s21+$0x0] =	vst v3;
	(pc) =	sbr.rel @p1 .LBB2_17-.Ltmp9, $4  }
0x41e: {  	v5 =	vld.idx.msk [tilespmem:v1+s11+$0x0], $0xffff  }
0x41f: {  	v6 =	vld.idx.msk [tilespmem:v2+s11+$0x0], $0xffff  }
0x420: {  	v4 =	vld.idx.msk [tilespmem:v2+s14+$0x0], $0xffff  }
0x421: {  	s22 =	sadd.s32 $0x10, s22;
	v3 =	vor.u32 $0x1, v1;
	v7 =	vld.idx.msk [tilespmem:v2+s13+$0x0], $0xffff  }
0x422: {  	_ =	sdelay $0x3  }
0x423: {  	v8 =	vld.idx.msk [tilespmem:v1+s13+$0x0], $0xffff  }
0x424: {  	v9 =	vld.idx.msk [tilespmem:v1+s14+$0x0], $0xffff  }
0x425: {  	v10 =	vld.idx.msk [tilespmem:v1+s15+$0x0], $0xffff  }
0x426: {  	v11 =	vld.idx.msk [tilespmem:v2+s15+$0x0], $0xffff  }
0x427: {  	v12 =	vld.idx.msk [tilespmem:v3+s11+$0x0], $0xffff  }
0x428: {  	v14 =	vld.idx.msk [tilespmem:v3+s13+$0x0], $0xffff  }
0x429: {  	v13 =	vld.idx.msk [tilespmem:v3+s14+$0x0], $0xffff  }
0x42a: {  	v6 =	vsub.f32 v7, v6  }
0x42b: {  	v15 =	vld.idx.msk [tilespmem:v3+s15+$0x0], $0xffff;
	v35 =	vsub.f32 v4, v7;
	v5 =	vsub.f32 v8, v5  }
0x42c: {  	v8 =	vsub.f32 v9, v8;
	v9 =	vsub.f32 v10, v9  }
0x42d: {  	v36 =	vsub.f32 v11, v4;
	v12 =	vsub.f32 v14, v12  }
0x42e: {  	v14 =	vsub.f32 v13, v14;
	v16 =	vmul.f32 v8, v6;
	v17 =	vmul.f32 v35, v5  }
0x42f: {  	v38 =	vmul.f32 v8, v8;
	v39 =	vmul.f32 v9, v35  }
0x430: {  	v13 =	vsub.f32 v15, v13;
	v40 =	vmul.f32 v36, v8;
	v5 =	vmul.f32 v14, v5  }
0x431: {  	v41 =	vmul.f32 v8, v12;
	v12 =	vmul.f32 v35, v12  }
0x432: {  	v6 =	vmul.f32 v14, v6;
	v42 =	vmul.f32 v13, v8;
	v37 =	vsub.f32 v16, v17  }
0x433: {  	v4 =	vmul.f32 v36, v14;
	v43 =	vmul.f32 v13, v35;
	v5 =	vsub.f32 v5, v41  }
0x434: {  	v9 =	vmul.f32 v9, v14;
	v6 =	vsub.f32 v12, v6;
	v18 =	vmul.f32 v37, v8  }
0x435: {  	v44 =	vsub.f32 v39, v40;
	v19 =	vmul.f32 v37, v35;
	v45 =	vmul.f32 v5, v14  }
0x436: {  	v4 =	vsub.f32 v4, v43;
	v8 =	vmul.f32 v5, v8;
	v46 =	vmul.f32 v6, v35  }
0x437: {  	v9 =	vsub.f32 v42, v9;
	v47 =	vmul.f32 v6, v14;
	v10 =	vmul.f32 v44, v37  }
0x438: {  	v6 =	vmul.f32 v4, v6;
	v16 =	vsub.f32 v19, v45;
	v8 =	vsub.f32 v8, v46  }
0x439: {  	v5 =	vmul.f32 v9, v5;
	v14 =	vmul.f32 v14, v14;
	v48 =	vsub.f32 v47, v18  }
0x43a: {  	v6 =	vadd.f32 v10, v6;
	v4 =	vmul.f32 v4, v16;
	v8 =	vmul.f32 v44, v8  }
0x43b: {  	v7 =	vmul.f32 v35, v35;
	v49 =	vadd.f32 v14, v38  }
0x43c: {  	v5 =	vadd.f32 v6, v5;
	v50 =	vmul.f32 v9, v48;
	v4 =	vadd.f32 v8, v4  }
0x43d: {  	v7 =	vadd.f32 v7, v49  }
0x43e: {  	v51 =	vmul.f32 v5, v5;
	v4 =	vadd.f32 v4, v50  }
0x43f: {  	v52 =	vmul.f32 $5.000000000e-01, v7  }
0x440: {  	v10 =	vshrl.u32 v7, $0x1;
	v6 =	vmul.f32 v51, v7;
	v53 =	vmul.f32 v4, v4  }
0x441: {  	v10 =	vsub.s32 $0x5F3759DF, v10  }
0x442: {  	v54 =	vmul.f32 v10, v52;
	v6 =	vadd.f32 v6, v53;
	_ =	sdelay $0x1  }
0x443: {  	v9 =	vmul.f32 v10, v54;
	v55 =	vshrl.u32 v6, $0x1;
	v56 =	vmul.f32 $5.000000000e-01, v6  }
0x444: {  	v11 =	vsub.s32 $0x5F3759DF, v55  }
0x445: {  	v9 =	vsub.f32 $1.500000000e+00, v9;
	v57 =	vmul.f32 v11, v56;
	_ =	sdelay $0x1  }
0x446: {  	v9 =	vmul.f32 v10, v9;
	v13 =	vmul.f32 v11, v57;
	_ =	sdelay $0x1  }
0x447: {  	v8 =	vmul.f32 v9, v52;
	v58 =	vsub.f32 $1.500000000e+00, v13;
	_ =	sdelay $0x1  }
0x448: {  	v8 =	vmul.f32 v8, v9;
	v10 =	vmul.f32 v11, v58;
	_ =	sdelay $0x1  }
0x449: {  	v8 =	vsub.f32 $1.500000000e+00, v8;
	v11 =	vmul.f32 v10, v56;
	_ =	sdelay $0x1  }
0x44a: {  	v8 =	vmul.f32 v8, v9;
	v11 =	vmul.f32 v11, v10;
	_ =	sdelay $0x1  }
0x44b: {  	v8 =	vmul.f32 v8, v7;
	v59 =	vsub.f32 $1.500000000e+00, v11  }
0x44c: {  	v60 =	vor.u32 $0x3, v1  }
0x44d: {  	v3 =	vld.idx.msk [tilespmem:v3+s26+$0x0], $0xffff;
	v5 =	vmul.f32 v8, v5;
	v9 =	vmul.f32 v59, v10  }
0x44e: {  	v61 =	vld.idx.msk [tilespmem:v1+s26+$0x0], $0xffff;
	v1 =	vor.u32 $0x4, v1  }
0x44f: {  	v2 =	vld.idx.msk [tilespmem:v2+s26+$0x0], $0xffff;
	v5 =	vmul.f32 v9, v5  }
0x450: {  	vm0 =	vgt.f32 v6, $0.0e+00  }
0x451: {  	v62 =	vld.idx.msk [tilespmem:v60+s26+$0x0], $0xffff;
	v4 =	vmul.f32 v9, v4;
	v5 =	vnsel vm0, $0x3F800000, v5  }
0x452: {  	v3 =	vmul.f32 v5, v3  }
0x453: {  	v1 =	vld.idx.msk [tilespmem:v1+s26+$0x0], $0xffff;
	v4 =	vnsel vm0, $0x0, v4  }
0x454: {  	v63 =	vmul.f32 v5, v5;
	v2 =	vmul.f32 v4, v2;
	v3 =	vsub.f32 v61, v3;
	_ =	sdelay $0x1  }
0x455: {  	v4 =	vmul.f32 v5, v4;
	v2 =	vsub.f32 v3, v2;
	v3 =	vmul.f32 v63, v62;
	_ =	sdelay $0x1  }
0x456: {  	v1 =	vmul.f32 v4, v1;
	v2 =	vsub.f32 v2, v3;
	_ =	sdelay $0x1  }
0x457: {  	v1 =	vsub.f32 v2, v1  }
0x458: {  	vm15 =	vgt.f32 v7, $0.0e+00  }
0x459: {  	s4 =	sadd.s32 $0x10, s21;
	s22 =	rddreg [dreg:$0xc];
	v1 =	vnsel vm15, $0x7FC00000, v1  }
0x45a: {  	s7 =	simm.s32 $0x16C00;
	[tilespmem:s4+$0x0] =	vst v1;
	s4 =	sadd.s32 s19, s22  }
0x45b: {  	[hbm4b:s4+s2] =	stream.linear.scatter [tilespmem:s7], [sflag:$0x8], $0x400, $0x38;
	[tilespmem:$0x17000] =	vst v63  }
0x45c: {  	s12 =	simm.s32 @!p2 $0xB800;
	s4 =	sadd.s32 @!p2 s20, s24;
	s7 =	simm.s32 @!p2 $0x0  }
0x45d: {  	[tilespmem:s12], [sflag:$0x2] =	stream.linear.gather @!p2 [hbm4b:s4+s7], $0x400, $0x38;
	[tilespmem:$0x17000] =	vst v63  }
0x45e: {  	p1 =	sne.s32 s16, s8;
	s4 =	sadd.s32 @!p2 $0x61B00, s29;
	s12 =	simm.s32 @!p2 $0xBC00  }
0x45f: {  	[tilespmem:s12], [sflag:$0x2] =	stream.linear.gather @!p2 [hbm4b:s4+s7], $0x400, $0x38;
	[tilespmem:$0x17000] =	vst v63  }
.Ltmp10:
0x460: {  	_ = 	snop;
	(pc) =	sbr.rel @p1 .LBB2_2-.Ltmp10, $4  }
0x461: {  	s4 =	sadd.s32 @!p2 $0xC3580, s29;
	s12 =	simm.s32 @!p2 $0xC000  }
0x462: {  	[tilespmem:s12], [sflag:$0x2] =	stream.linear.gather @!p2 [hbm4b:s4+s7], $0x400, $0x38;
	[tilespmem:$0x17000] =	vst v63  }
0x463: {  	s4 =	sadd.s32 @!p2 $0x125000, s29;
	s12 =	simm.s32 @!p2 $0xC400  }
0x464: {  	[tilespmem:s12], [sflag:$0x2] =	stream.linear.gather @!p2 [hbm4b:s4+s7], $0x400, $0x38;
	[tilespmem:$0x17000] =	vst v63  }
0x465: {  	s4 =	simm.s32 $0x7  }
0x466: {  	_ =	swait.ge [sflag:s4], $0x400  }
.Ltmp11:
0x467: {  	[sflag:s4] =	ssyncset.done $0x0;
	(pc) =	sbr.rel @p0 .LBB2_25-.Ltmp11, $4  }
0x468: {  	s29 =	simm.s32 $0x8;
	[sflag:s4] =	ssyncadd.s32 $0xFFFFFC00  }
0x469: {  	_ =	swait.ge [sflag:s29], $0x400  }
0x46a: {  	[sflag:s29] =	ssyncset.done $0x0  }
0x46b: {  	s7 =	rddreg [dreg:$0x13];
	[sflag:s29] =	ssyncadd.s32 $0xFFFFFC00  }
0x46c: {  	s4 =	simm.s32 $0x0;
	s7 =	rddreg [dreg:$0xd]  }
0x46d: {  	[tilespmem:s4], [sflag:$0x1] =	stream.linear.gather [hbm4b:s7+s4], $0x400, $0x38;
	[tilespmem:$0x17000] =	vst v63  }
0x46e: {  	s16 =	rddreg [dreg:$0xe]  }
0x46f: {  	[tilespmem:s25], [sflag:$0x1] =	stream.linear.gather [hbm4b:s16+s4], $0x400, $0x38;
	[tilespmem:$0x17000] =	vst v63  }
0x470: {  	s19 =	rddreg [dreg:$0xf];
	s12 =	simm.s32 $0x800  }
0x471: {  	[tilespmem:s12], [sflag:$0x1] =	stream.linear.gather [hbm4b:s19+s4], $0x400, $0x38;
	[tilespmem:$0x17000] =	vst v63  }
0x472: {  	s20 =	rddreg [dreg:$0x10];
	s21 =	simm.s32 $0x1;
	s16 =	simm.s32 $0xC00  }
0x473: {  	[tilespmem:s16], [sflag:$0x1] =	stream.linear.gather [hbm4b:s20+s4], $0x400, $0x38;
	[tilespmem:$0x17000] =	vst v63  }
0x474: {  	_ =	swait.ge [sflag:s21], $0x400  }
0x475: {  	[sflag:s21] =	ssyncset.done $0x0  }
0x476: {  	[sflag:s21] =	ssyncadd.s32 $0xFFFFFC00  }
0x477: {  	_ =	swait.ge [sflag:s21], $0x400  }
0x478: {  	[sflag:s21] =	ssyncset.done $0x0  }
0x479: {  	[sflag:s21] =	ssyncadd.s32 $0xFFFFFC00  }
0x47a: {  	_ =	swait.ge [sflag:s21], $0x400  }
0x47b: {  	[sflag:s21] =	ssyncset.done $0x0  }
0x47c: {  	[sflag:s21] =	ssyncadd.s32 $0xFFFFFC00  }
0x47d: {  	_ =	swait.ge [sflag:s21], $0x400  }
0x47e: {  	[sflag:s21] =	ssyncset.done $0x0  }
0x47f: {  	[sflag:s21] =	ssyncadd.s32 $0xFFFFFC00  }
0x480: {  	[tilespmem:s30], [sflag:$0x3] =	stream.indirect.gather [hbm4b:s5+s25], $0x8, s4, s25, $0xb8;
	[tilespmem:$0x17000] =	vst v63  }
0x481: {  	_ = 	snop  }
0x482: {  	[tilespmem:s31], [sflag:$0x3] =	stream.indirect.gather [hbm4b:s5+s25], $0x8, s25, s25, $0xb8;
	[tilespmem:$0x17000] =	vst v63  }
0x483: {  	_ = 	snop  }
0x484: {  	[tilespmem:s0], [sflag:$0x3] =	stream.indirect.gather [hbm4b:s5+s25], $0x8, s12, s25, $0xb8;
	[tilespmem:$0x17000] =	vst v63  }
0x485: {  	_ = 	snop  }
0x486: {  	[tilespmem:s3], [sflag:$0x3] =	stream.indirect.gather [hbm4b:s5+s25], $0x8, s16, s25, $0xb8;
	[tilespmem:$0x17000] =	vst v63  }
0x487: {  	_ =	swait.ge [sflag:s23], $0x2000  }
0x488: {  	[sflag:s23] =	ssyncset.done $0x0  }
0x489: {  	[sflag:s23] =	ssyncadd.s32 $0xFFFFE000  }
0x48a: {  	_ =	swait.ge [sflag:s23], $0x2000  }
0x48b: {  	v1 =	vmov s4;
	[sflag:s23] =	ssyncset.done $0x0  }
0x48c: {  	v1 =	vshll.u32 v1, $0x3;
	[sflag:s23] =	ssyncadd.s32 $0xFFFFE000  }
0x48d: {  	v1 =	vor.u32 v0, v1;
	_ =	swait.ge [sflag:s23], $0x2000  }
0x48e: {  	v1 =	vor.u32 $0x3, v1;
	[sflag:s23] =	ssyncset.done $0x0  }
0x48f: {  	[sflag:s23] =	ssyncadd.s32 $0xFFFFE000  }
0x490: {  	_ =	swait.ge [sflag:s23], $0x2000  }
0x491: {  	[sflag:s23] =	ssyncset.done $0x0  }
0x492: {  	[sflag:s23] =	ssyncadd.s32 $0xFFFFE000  }
0x493: {  	v2 =	vld.idx.msk [tilespmem:v1+s30+$0x0], $0xffff;
	_ =	sdelay $0x1  }
0x494: {  	v3 =	vld.idx.msk [tilespmem:v1+s31+$0x0], $0xffff;
	_ =	sdelay $0x2  }
0x495: {  	v4 =	vld.idx.msk [tilespmem:v1+s0+$0x0], $0xffff;
	v2 =	vtrunc.f32 v2  }
0x496: {  	v2 =	vcvt.f32.s32 v2  }
0x497: {  	v3 =	vtrunc.f32 v3  }
0x498: {  	v1 =	vld.idx.msk [tilespmem:v1+s3+$0x0], $0xffff;
	v3 =	vcvt.f32.s32 v3;
	v2 =	vmul.u32 $0x19, v2  }
0x499: {  	s22 =	simm.s32 $0x10  }
0x49a: {  	v5 =	vmov s22;
	v4 =	vtrunc.f32 v4;
	v2 =	vadd.s32 v3, v2  }
0x49b: {  	v4 =	vcvt.f32.s32 v4;
	v3 =	vshll.u32 v5, $0x3;
	v2 =	vmul.u32 $0x19, v2  }
0x49c: {  	v3 =	vor.u32 v0, v3  }
0x49d: {  	v1 =	vtrunc.f32 v1;
	v3 =	vor.u32 $0x3, v3;
	v2 =	vadd.s32 v4, v2  }
0x49e: {  	v1 =	vcvt.f32.s32 v1;
	v2 =	vmul.u32 $0x19, v2;
	_ =	sdelay $0x1  }
0x49f: {  	s16 =	simm.s32 $0x9000;
	v1 =	vadd.s32 v1, v2  }
0x4a0: {  	[tilespmem:s16+$0x0] =	vst v1  }
0x4a1: {  	v1 =	vld.idx.msk [tilespmem:v3+s30+$0x0], $0xffff;
	_ =	sdelay $0x1  }
0x4a2: {  	v2 =	vld.idx.msk [tilespmem:v3+s31+$0x0], $0xffff;
	_ =	sdelay $0x2  }
0x4a3: {  	v4 =	vld.idx.msk [tilespmem:v3+s0+$0x0], $0xffff;
	v1 =	vtrunc.f32 v1  }
0x4a4: {  	v1 =	vcvt.f32.s32 v1  }
0x4a5: {  	v2 =	vtrunc.f32 v2  }
0x4a6: {  	v5 =	vcvt.f32.s32 v2;
	v6 =	vmul.u32 $0x19, v1;
	v1 =	vld.idx.msk [tilespmem:v3+s3+$0x0], $0xffff  }
0x4a7: {  	s29 =	simm.s32 $0x20  }
0x4a8: {  	s19 =	simm.s32 $0x30;
	v2 =	vmov s29;
	v3 =	vtrunc.f32 v4;
	v4 =	vadd.s32 v5, v6  }
.LBB2_21:
0x4a9: {  	p1 =	sne.s32 s19, $0x3F0;
	v2 =	vshll.u32 v2, $0x3;
	v3 =	vcvt.f32.s32 v3;
	v4 =	vmul.u32 $0x19, v4  }
0x4aa: {  	v2 =	vor.u32 v0, v2  }
0x4ab: {  	v1 =	vtrunc.f32 v1;
	v2 =	vor.u32 $0x3, v2;
	v3 =	vadd.s32 v3, v4  }
0x4ac: {  	v1 =	vcvt.f32.s32 v1;
	v3 =	vmul.u32 $0x19, v3;
	_ =	sdelay $0x1  }
0x4ad: {  	s16 =	sadd.s32 $0x10, s16;
	v1 =	vadd.s32 v1, v3  }
0x4ae: {  	[tilespmem:s16+$0x0] =	vst v1  }
0x4af: {  	v1 =	vld.idx.msk [tilespmem:v2+s30+$0x0], $0xffff;
	_ =	sdelay $0x1  }
0x4b0: {  	v3 =	vld.idx.msk [tilespmem:v2+s31+$0x0], $0xffff;
	_ =	sdelay $0x2  }
0x4b1: {  	v4 =	vld.idx.msk [tilespmem:v2+s0+$0x0], $0xffff  }
0x4b2: {  	v1 =	vtrunc.f32 v1  }
.Ltmp12:
0x4b3: {  	v5 =	vcvt.f32.s32 v1;
	(pc) =	sbr.rel @p1 .LBB2_21-.Ltmp12, $3  }
0x4b4: {  	v3 =	vtrunc.f32 v3;
	v1 =	vld.idx.msk [tilespmem:v2+s3+$0x0], $0xffff  }
0x4b5: {  	v6 =	vcvt.f32.s32 v3;
	v5 =	vmul.u32 $0x19, v5;
	_ =	sdelay $0x1  }
0x4b6: {  	v2 =	vmov s19;
	s19 =	sadd.s32 $0x10, s19;
	v3 =	vtrunc.f32 v4;
	v4 =	vadd.s32 v6, v5  }
0x4b7: {  	v2 =	vshll.u32 v2, $0x3;
	v3 =	vcvt.f32.s32 v3;
	v4 =	vmul.u32 $0x19, v4  }
0x4b8: {  	v2 =	vor.u32 v0, v2  }
0x4b9: {  	v1 =	vtrunc.f32 v1;
	v2 =	vor.u32 $0x3, v2;
	v3 =	vadd.s32 v3, v4  }
0x4ba: {  	v1 =	vcvt.f32.s32 v1;
	v3 =	vmul.u32 $0x19, v3;
	_ =	sdelay $0x1  }
0x4bb: {  	s4 =	sadd.s32 $0x10, s16;
	v1 =	vadd.s32 v1, v3  }
0x4bc: {  	[tilespmem:s4+$0x0] =	vst v1  }
0x4bd: {  	v1 =	vld.idx.msk [tilespmem:v2+s30+$0x0], $0xffff;
	_ =	sdelay $0x1  }
0x4be: {  	v3 =	vld.idx.msk [tilespmem:v2+s31+$0x0], $0xffff;
	_ =	sdelay $0x2  }
0x4bf: {  	v4 =	vld.idx.msk [tilespmem:v2+s0+$0x0], $0xffff;
	v1 =	vtrunc.f32 v1  }
0x4c0: {  	v1 =	vcvt.f32.s32 v1  }
0x4c1: {  	v3 =	vtrunc.f32 v3  }
0x4c2: {  	v2 =	vld.idx.msk [tilespmem:v2+s3+$0x0], $0xffff;
	v3 =	vcvt.f32.s32 v3;
	v1 =	vmul.u32 $0x19, v1;
	_ =	sdelay $0x1  }
0x4c3: {  	v4 =	vtrunc.f32 v4;
	v1 =	vadd.s32 v3, v1  }
0x4c4: {  	v3 =	vcvt.f32.s32 v4;
	v1 =	vmul.u32 $0x19, v1;
	_ =	sdelay $0x1  }
0x4c5: {  	v2 =	vtrunc.f32 v2;
	v1 =	vadd.s32 v3, v1  }
0x4c6: {  	s7 =	simm.s32 $0x0;
	v2 =	vcvt.f32.s32 v2;
	v1 =	vmul.u32 $0x19, v1  }
0x4c7: {  	v3 =	vmov s7  }
0x4c8: {  	s4 =	sadd.s32 $0x10, s4;
	v1 =	vadd.s32 v2, v1;
	v2 =	vshll.u32 v3, $0x3  }
0x4c9: {  	s22 =	simm.s32 $0x9000;
	[tilespmem:s4+$0x0] =	vst v1;
	v1 =	vor.u32 v0, v2  }
0x4ca: {  	[tilespmem:s17], [sflag:$0x5] =	stream.indirect.gather [hbm4b:s6+s25], $0x8, s22, s25, $0xb8;
	[tilespmem:$0x17000] =	vst v63  }
0x4cb: {  	_ =	swait.ge [sflag:s28], $0x2000  }
0x4cc: {  	[sflag:s28] =	ssyncset.done $0x0  }
0x4cd: {  	v2 =	vor.u32 $0x2, v1;
	[sflag:s28] =	ssyncadd.s32 $0xFFFFE000  }
0x4ce: {  	v3 =	vld.idx.msk [tilespmem:v1+s30+$0x0], $0xffff  }
0x4cf: {  	v8 =	vld.idx.msk [tilespmem:v1+s31+$0x0], $0xffff  }
0x4d0: {  	v9 =	vld.idx.msk [tilespmem:v1+s0+$0x0], $0xffff  }
0x4d1: {  	v6 =	vor.u32 $0x1, v1;
	v10 =	vld.idx.msk [tilespmem:v1+s3+$0x0], $0xffff  }
0x4d2: {  	v4 =	vld.idx.msk [tilespmem:v2+s30+$0x0], $0xffff  }
0x4d3: {  	v5 =	vld.idx.msk [tilespmem:v2+s0+$0x0], $0xffff  }
0x4d4: {  	v7 =	vld.idx.msk [tilespmem:v2+s31+$0x0], $0xffff  }
0x4d5: {  	v11 =	vld.idx.msk [tilespmem:v2+s3+$0x0], $0xffff  }
0x4d6: {  	v12 =	vld.idx.msk [tilespmem:v6+s30+$0x0], $0xffff  }
0x4d7: {  	v14 =	vld.idx.msk [tilespmem:v6+s31+$0x0], $0xffff  }
0x4d8: {  	v13 =	vld.idx.msk [tilespmem:v6+s0+$0x0], $0xffff  }
0x4d9: {  	v3 =	vsub.f32 v8, v3  }
0x4da: {  	v15 =	vld.idx.msk [tilespmem:v6+s3+$0x0], $0xffff;
	v8 =	vsub.f32 v9, v8;
	v9 =	vsub.f32 v10, v9  }
0x4db: {  	v4 =	vsub.f32 v7, v4;
	v7 =	vsub.f32 v5, v7  }
0x4dc: {  	v5 =	vsub.f32 v11, v5;
	v12 =	vsub.f32 v14, v12  }
0x4dd: {  	v14 =	vsub.f32 v13, v14;
	v43 =	vmul.f32 v8, v8;
	v16 =	vmul.f32 v8, v4  }
0x4de: {  	v17 =	vmul.f32 v7, v3;
	v44 =	vmul.f32 v9, v7  }
0x4df: {  	v13 =	vsub.f32 v15, v13;
	v45 =	vmul.f32 v5, v8;
	v3 =	vmul.f32 v14, v3  }
0x4e0: {  	v46 =	vmul.f32 v8, v12;
	v12 =	vmul.f32 v7, v12  }
0x4e1: {  	v4 =	vmul.f32 v14, v4;
	v47 =	vmul.f32 v13, v8;
	v42 =	vsub.f32 v16, v17  }
0x4e2: {  	v5 =	vmul.f32 v5, v14;
	v48 =	vmul.f32 v13, v7;
	v3 =	vsub.f32 v3, v46  }
0x4e3: {  	v9 =	vmul.f32 v9, v14;
	v4 =	vsub.f32 v12, v4;
	v18 =	vmul.f32 v42, v8  }
0x4e4: {  	v49 =	vsub.f32 v44, v45;
	v19 =	vmul.f32 v42, v7;
	v50 =	vmul.f32 v3, v14  }
0x4e5: {  	v5 =	vsub.f32 v5, v48;
	v8 =	vmul.f32 v3, v8;
	v51 =	vmul.f32 v4, v7  }
0x4e6: {  	v9 =	vsub.f32 v47, v9;
	v52 =	vmul.f32 v4, v14;
	v10 =	vmul.f32 v49, v42  }
0x4e7: {  	v4 =	vmul.f32 v5, v4;
	v16 =	vsub.f32 v19, v50;
	v8 =	vsub.f32 v8, v51  }
0x4e8: {  	v3 =	vmul.f32 v9, v3;
	v14 =	vmul.f32 v14, v14;
	v53 =	vsub.f32 v52, v18  }
0x4e9: {  	v4 =	vadd.f32 v10, v4;
	v5 =	vmul.f32 v5, v16;
	v8 =	vmul.f32 v49, v8  }
0x4ea: {  	v7 =	vmul.f32 v7, v7;
	v54 =	vadd.f32 v14, v43  }
0x4eb: {  	v3 =	vadd.f32 v4, v3;
	v4 =	vadd.f32 v8, v5;
	v5 =	vmul.f32 v9, v53  }
0x4ec: {  	v7 =	vadd.f32 v7, v54  }
0x4ed: {  	v4 =	vadd.f32 v4, v5;
	v5 =	vmul.f32 v3, v3  }
0x4ee: {  	v8 =	vmul.f32 $5.000000000e-01, v7  }
0x4ef: {  	v10 =	vshrl.u32 v7, $0x1;
	v5 =	vmul.f32 v5, v7;
	v55 =	vmul.f32 v4, v4  }
0x4f0: {  	v10 =	vsub.s32 $0x5F3759DF, v10  }
0x4f1: {  	v56 =	vmul.f32 v10, v8;
	v5 =	vadd.f32 v5, v55;
	_ =	sdelay $0x1  }
0x4f2: {  	v9 =	vmul.f32 v10, v56;
	v57 =	vshrl.u32 v5, $0x1;
	v58 =	vmul.f32 $5.000000000e-01, v5  }
0x4f3: {  	v11 =	vsub.s32 $0x5F3759DF, v57  }
0x4f4: {  	v9 =	vsub.f32 $1.500000000e+00, v9;
	v59 =	vmul.f32 v11, v58;
	_ =	sdelay $0x1  }
0x4f5: {  	v9 =	vmul.f32 v10, v9;
	v13 =	vmul.f32 v11, v59;
	_ =	sdelay $0x1  }
0x4f6: {  	v8 =	vmul.f32 v9, v8;
	v60 =	vsub.f32 $1.500000000e+00, v13;
	_ =	sdelay $0x1  }
0x4f7: {  	v8 =	vmul.f32 v8, v9;
	v10 =	vmul.f32 v11, v60;
	_ =	sdelay $0x1  }
0x4f8: {  	v8 =	vsub.f32 $1.500000000e+00, v8;
	v11 =	vmul.f32 v10, v58;
	_ =	sdelay $0x1  }
0x4f9: {  	v8 =	vmul.f32 v8, v9;
	v11 =	vmul.f32 v11, v10;
	_ =	sdelay $0x1  }
0x4fa: {  	v8 =	vmul.f32 v8, v7;
	v61 =	vsub.f32 $1.500000000e+00, v11  }
0x4fb: {  	v62 =	vor.u32 $0x3, v1  }
0x4fc: {  	v6 =	vld.idx.msk [tilespmem:v6+s17+$0x0], $0xffff;
	v3 =	vmul.f32 v8, v3;
	v9 =	vmul.f32 v61, v10  }
0x4fd: {  	v8 =	vld.idx.msk [tilespmem:v1+s17+$0x0], $0xffff;
	v1 =	vor.u32 $0x4, v1  }
0x4fe: {  	v2 =	vld.idx.msk [tilespmem:v2+s17+$0x0], $0xffff;
	v3 =	vmul.f32 v9, v3  }
0x4ff: {  	vm0 =	vgt.f32 v5, $0.0e+00  }
0x500: {  	v5 =	vld.idx.msk [tilespmem:v62+s17+$0x0], $0xffff;
	v4 =	vmul.f32 v9, v4;
	v3 =	vnsel vm0, $0x3F800000, v3  }
0x501: {  	v6 =	vmul.f32 v3, v6  }
0x502: {  	v1 =	vld.idx.msk [tilespmem:v1+s17+$0x0], $0xffff;
	v4 =	vnsel vm0, $0x0, v4  }
0x503: {  	v63 =	vmul.f32 v3, v3;
	v2 =	vmul.f32 v4, v2;
	v6 =	vsub.f32 v8, v6;
	_ =	sdelay $0x1  }
0x504: {  	s29 =	simm.s32 $0x10;
	v3 =	vmul.f32 v3, v4;
	v4 =	vmul.f32 v63, v5;
	v2 =	vsub.f32 v6, v2  }
0x505: {  	v5 =	vmov s29  }
0x506: {  	v3 =	vmul.f32 v3, v1;
	v5 =	vshll.u32 v5, $0x3;
	v4 =	vsub.f32 v2, v4  }
0x507: {  	v1 =	vor.u32 v0, v5  }
0x508: {  	v2 =	vor.u32 $0x2, v1;
	v3 =	vsub.f32 v4, v3  }
0x509: {  	vm15 =	vgt.f32 v7, $0.0e+00  }
0x50a: {  	s16 =	simm.s32 $0xB400;
	v3 =	vnsel vm15, $0x7FC00000, v3  }
0x50b: {  	[tilespmem:s16+$0x0] =	vst v3  }
0x50c: {  	v5 =	vld.idx.msk [tilespmem:v1+s30+$0x0], $0xffff  }
0x50d: {  	v6 =	vld.idx.msk [tilespmem:v2+s30+$0x0], $0xffff  }
0x50e: {  	v4 =	vld.idx.msk [tilespmem:v2+s0+$0x0], $0xffff  }
0x50f: {  	s19 =	simm.s32 $0x20;
	v3 =	vor.u32 $0x1, v1;
	v7 =	vld.idx.msk [tilespmem:v2+s31+$0x0], $0xffff  }
.LBB2_23:
0x510: {  	p1 =	sne.s32 s19, $0x3F0;
	v8 =	vld.idx.msk [tilespmem:v1+s31+$0x0], $0xffff  }
0x511: {  	v9 =	vld.idx.msk [tilespmem:v1+s0+$0x0], $0xffff  }
0x512: {  	v10 =	vld.idx.msk [tilespmem:v1+s3+$0x0], $0xffff  }
0x513: {  	v11 =	vld.idx.msk [tilespmem:v2+s3+$0x0], $0xffff  }
0x514: {  	v12 =	vld.idx.msk [tilespmem:v3+s30+$0x0], $0xffff  }
0x515: {  	v13 =	vld.idx.msk [tilespmem:v3+s0+$0x0], $0xffff  }
0x516: {  	v6 =	vsub.f32 v7, v6;
	v7 =	vsub.f32 v4, v7;
	v14 =	vld.idx.msk [tilespmem:v3+s31+$0x0], $0xffff  }
0x517: {  	v5 =	vsub.f32 v8, v5;
	v8 =	vsub.f32 v9, v8  }
0x518: {  	v15 =	vld.idx.msk [tilespmem:v3+s3+$0x0], $0xffff  }
0x519: {  	v17 =	vmul.f32 v7, v5;
	v16 =	vmul.f32 v8, v6  }
0x51a: {  	v9 =	vsub.f32 v10, v9  }
0x51b: {  	v4 =	vsub.f32 v11, v4;
	v11 =	vmul.f32 v8, v8;
	v10 =	vsub.f32 v16, v17  }
0x51c: {  	v16 =	vmul.f32 v9, v7;
	v12 =	vsub.f32 v14, v12;
	v14 =	vsub.f32 v13, v14  }
0x51d: {  	v17 =	vmul.f32 v4, v8;
	v18 =	vmul.f32 v10, v8  }
0x51e: {  	v13 =	vsub.f32 v15, v13;
	v5 =	vmul.f32 v14, v5;
	v15 =	vmul.f32 v8, v12  }
0x51f: {  	v12 =	vmul.f32 v7, v12;
	v6 =	vmul.f32 v14, v6  }
0x520: {  	v19 =	vmul.f32 v10, v7;
	v5 =	vsub.f32 v5, v15;
	v15 =	vmul.f32 v13, v8  }
0x521: {  	v4 =	vmul.f32 v4, v14;
	v6 =	vsub.f32 v12, v6;
	v12 =	vmul.f32 v13, v7  }
0x522: {  	v9 =	vmul.f32 v9, v14;
	v13 =	vsub.f32 v16, v17;
	v16 =	vmul.f32 v5, v14  }
0x523: {  	v4 =	vsub.f32 v4, v12;
	v8 =	vmul.f32 v5, v8;
	v12 =	vmul.f32 v6, v7  }
0x524: {  	v9 =	vsub.f32 v15, v9;
	v15 =	vmul.f32 v6, v14;
	v10 =	vmul.f32 v13, v10  }
0x525: {  	v16 =	vsub.f32 v19, v16;
	v8 =	vsub.f32 v8, v12;
	v6 =	vmul.f32 v4, v6  }
0x526: {  	v14 =	vmul.f32 v14, v14;
	v12 =	vsub.f32 v15, v18;
	v5 =	vmul.f32 v9, v5  }
0x527: {  	v6 =	vadd.f32 v10, v6;
	v4 =	vmul.f32 v4, v16;
	v8 =	vmul.f32 v13, v8  }
0x528: {  	v7 =	vmul.f32 v7, v7;
	v10 =	vadd.f32 v14, v11  }
0x529: {  	v5 =	vadd.f32 v6, v5;
	v4 =	vadd.f32 v8, v4;
	v6 =	vmul.f32 v9, v12  }
0x52a: {  	v7 =	vadd.f32 v7, v10  }
0x52b: {  	v4 =	vadd.f32 v4, v6;
	v6 =	vmul.f32 v5, v5  }
0x52c: {  	v8 =	vmul.f32 $5.000000000e-01, v7;
	vm0 =	vgt.f32 v7, $0.0e+00  }
0x52d: {  	v10 =	vshrl.u32 v7, $0x1;
	v6 =	vmul.f32 v6, v7;
	v9 =	vmul.f32 v4, v4  }
0x52e: {  	v10 =	vsub.s32 $0x5F3759DF, v10  }
0x52f: {  	v6 =	vadd.f32 v6, v9;
	v9 =	vmul.f32 v10, v8;
	_ =	sdelay $0x1  }
0x530: {  	v11 =	vshrl.u32 v6, $0x1;
	v12 =	vmul.f32 $5.000000000e-01, v6;
	v9 =	vmul.f32 v10, v9  }
0x531: {  	v11 =	vsub.s32 $0x5F3759DF, v11  }
0x532: {  	v13 =	vmul.f32 v11, v12;
	v9 =	vsub.f32 $1.500000000e+00, v9;
	_ =	sdelay $0x1  }
0x533: {  	v13 =	vmul.f32 v11, v13;
	v9 =	vmul.f32 v10, v9;
	_ =	sdelay $0x1  }
0x534: {  	v10 =	vsub.f32 $1.500000000e+00, v13;
	v8 =	vmul.f32 v9, v8;
	_ =	sdelay $0x1  }
0x535: {  	v10 =	vmul.f32 v11, v10;
	v8 =	vmul.f32 v8, v9;
	_ =	sdelay $0x1  }
0x536: {  	v11 =	vmul.f32 v10, v12;
	v8 =	vsub.f32 $1.500000000e+00, v8;
	_ =	sdelay $0x1  }
0x537: {  	v11 =	vmul.f32 v11, v10;
	v8 =	vmul.f32 v8, v9;
	_ =	sdelay $0x1  }
0x538: {  	v9 =	vsub.f32 $1.500000000e+00, v11;
	v7 =	vmul.f32 v8, v7;
	v8 =	vor.u32 $0x3, v1  }
0x539: {  	v3 =	vld.idx.msk [tilespmem:v3+s17+$0x0], $0xffff  }
0x53a: {  	v9 =	vmul.f32 v9, v10;
	v5 =	vmul.f32 v7, v5;
	v7 =	vld.idx.msk [tilespmem:v1+s17+$0x0], $0xffff;
	v1 =	vor.u32 $0x4, v1  }
0x53b: {  	v2 =	vld.idx.msk [tilespmem:v2+s17+$0x0], $0xffff  }
0x53c: {  	v5 =	vmul.f32 v9, v5;
	v4 =	vmul.f32 v9, v4  }
0x53d: {  	vm1 =	vgt.f32 v6, $0.0e+00;
	v6 =	vld.idx.msk [tilespmem:v8+s17+$0x0], $0xffff  }
0x53e: {  	v5 =	vnsel vm1, $0x3F800000, v5  }
0x53f: {  	v8 =	vmul.f32 v5, v5;
	v3 =	vmul.f32 v5, v3;
	v1 =	vld.idx.msk [tilespmem:v1+s17+$0x0], $0xffff  }
0x540: {  	v4 =	vnsel vm1, $0x0, v4  }
0x541: {  	v3 =	vsub.f32 v7, v3;
	v2 =	vmul.f32 v4, v2;
	v4 =	vmul.f32 v5, v4;
	_ =	sdelay $0x1  }
0x542: {  	v2 =	vsub.f32 v3, v2;
	v3 =	vmul.f32 v8, v6  }
0x543: {  	v5 =	vmov s19  }
0x544: {  	v5 =	vshll.u32 v5, $0x3;
	v3 =	vsub.f32 v2, v3;
	v4 =	vmul.f32 v4, v1  }
0x545: {  	v1 =	vor.u32 v0, v5  }
0x546: {  	v2 =	vor.u32 $0x2, v1;
	v3 =	vsub.f32 v3, v4;
	_ =	sdelay $0x1  }
0x547: {  	s16 =	sadd.s32 $0x10, s16;
	v3 =	vnsel vm0, $0x7FC00000, v3  }
.Ltmp13:
0x548: {  	[tilespmem:s16+$0x0] =	vst v3;
	(pc) =	sbr.rel @p1 .LBB2_23-.Ltmp13, $4  }
0x549: {  	v5 =	vld.idx.msk [tilespmem:v1+s30+$0x0], $0xffff  }
0x54a: {  	v6 =	vld.idx.msk [tilespmem:v2+s30+$0x0], $0xffff  }
0x54b: {  	v4 =	vld.idx.msk [tilespmem:v2+s0+$0x0], $0xffff  }
0x54c: {  	s19 =	sadd.s32 $0x10, s19;
	v3 =	vor.u32 $0x1, v1;
	v7 =	vld.idx.msk [tilespmem:v2+s31+$0x0], $0xffff  }
0x54d: {  	_ =	sdelay $0x3  }
0x54e: {  	v8 =	vld.idx.msk [tilespmem:v1+s31+$0x0], $0xffff  }
0x54f: {  	v9 =	vld.idx.msk [tilespmem:v1+s0+$0x0], $0xffff  }
0x550: {  	v10 =	vld.idx.msk [tilespmem:v1+s3+$0x0], $0xffff  }
0x551: {  	v11 =	vld.idx.msk [tilespmem:v2+s3+$0x0], $0xffff  }
0x552: {  	v12 =	vld.idx.msk [tilespmem:v3+s30+$0x0], $0xffff  }
0x553: {  	v14 =	vld.idx.msk [tilespmem:v3+s31+$0x0], $0xffff  }
0x554: {  	v13 =	vld.idx.msk [tilespmem:v3+s0+$0x0], $0xffff  }
0x555: {  	v6 =	vsub.f32 v7, v6  }
0x556: {  	v15 =	vld.idx.msk [tilespmem:v3+s3+$0x0], $0xffff;
	v35 =	vsub.f32 v4, v7;
	v5 =	vsub.f32 v8, v5  }
0x557: {  	v8 =	vsub.f32 v9, v8;
	v9 =	vsub.f32 v10, v9  }
0x558: {  	v36 =	vsub.f32 v11, v4;
	v12 =	vsub.f32 v14, v12  }
0x559: {  	v14 =	vsub.f32 v13, v14;
	v16 =	vmul.f32 v8, v6;
	v17 =	vmul.f32 v35, v5  }
0x55a: {  	v38 =	vmul.f32 v8, v8;
	v39 =	vmul.f32 v9, v35  }
0x55b: {  	v13 =	vsub.f32 v15, v13;
	v40 =	vmul.f32 v36, v8;
	v5 =	vmul.f32 v14, v5  }
0x55c: {  	v41 =	vmul.f32 v8, v12;
	v12 =	vmul.f32 v35, v12  }
0x55d: {  	v6 =	vmul.f32 v14, v6;
	v42 =	vmul.f32 v13, v8;
	v37 =	vsub.f32 v16, v17  }
0x55e: {  	v4 =	vmul.f32 v36, v14;
	v43 =	vmul.f32 v13, v35;
	v5 =	vsub.f32 v5, v41  }
0x55f: {  	v9 =	vmul.f32 v9, v14;
	v6 =	vsub.f32 v12, v6;
	v18 =	vmul.f32 v37, v8  }
0x560: {  	v44 =	vsub.f32 v39, v40;
	v19 =	vmul.f32 v37, v35;
	v45 =	vmul.f32 v5, v14  }
0x561: {  	v4 =	vsub.f32 v4, v43;
	v8 =	vmul.f32 v5, v8;
	v46 =	vmul.f32 v6, v35  }
0x562: {  	v9 =	vsub.f32 v42, v9;
	v47 =	vmul.f32 v6, v14;
	v10 =	vmul.f32 v44, v37  }
0x563: {  	v6 =	vmul.f32 v4, v6;
	v16 =	vsub.f32 v19, v45;
	v8 =	vsub.f32 v8, v46  }
0x564: {  	v5 =	vmul.f32 v9, v5;
	v14 =	vmul.f32 v14, v14;
	v48 =	vsub.f32 v47, v18  }
0x565: {  	v6 =	vadd.f32 v10, v6;
	v4 =	vmul.f32 v4, v16;
	v8 =	vmul.f32 v44, v8  }
0x566: {  	v7 =	vmul.f32 v35, v35;
	v49 =	vadd.f32 v14, v38  }
0x567: {  	v5 =	vadd.f32 v6, v5;
	v50 =	vmul.f32 v9, v48;
	v4 =	vadd.f32 v8, v4  }
0x568: {  	v7 =	vadd.f32 v7, v49  }
0x569: {  	v51 =	vmul.f32 v5, v5;
	v4 =	vadd.f32 v4, v50  }
0x56a: {  	v52 =	vmul.f32 $5.000000000e-01, v7  }
0x56b: {  	v10 =	vshrl.u32 v7, $0x1;
	v6 =	vmul.f32 v51, v7;
	v53 =	vmul.f32 v4, v4  }
0x56c: {  	v10 =	vsub.s32 $0x5F3759DF, v10  }
0x56d: {  	v54 =	vmul.f32 v10, v52;
	v6 =	vadd.f32 v6, v53;
	_ =	sdelay $0x1  }
0x56e: {  	v9 =	vmul.f32 v10, v54;
	v55 =	vshrl.u32 v6, $0x1;
	v56 =	vmul.f32 $5.000000000e-01, v6  }
0x56f: {  	v11 =	vsub.s32 $0x5F3759DF, v55  }
0x570: {  	v9 =	vsub.f32 $1.500000000e+00, v9;
	v57 =	vmul.f32 v11, v56;
	_ =	sdelay $0x1  }
0x571: {  	v9 =	vmul.f32 v10, v9;
	v13 =	vmul.f32 v11, v57;
	_ =	sdelay $0x1  }
0x572: {  	v8 =	vmul.f32 v9, v52;
	v58 =	vsub.f32 $1.500000000e+00, v13;
	_ =	sdelay $0x1  }
0x573: {  	v8 =	vmul.f32 v8, v9;
	v10 =	vmul.f32 v11, v58;
	_ =	sdelay $0x1  }
0x574: {  	v8 =	vsub.f32 $1.500000000e+00, v8;
	v11 =	vmul.f32 v10, v56;
	_ =	sdelay $0x1  }
0x575: {  	v8 =	vmul.f32 v8, v9;
	v11 =	vmul.f32 v11, v10;
	_ =	sdelay $0x1  }
0x576: {  	v8 =	vmul.f32 v8, v7;
	v59 =	vsub.f32 $1.500000000e+00, v11  }
0x577: {  	v60 =	vor.u32 $0x3, v1  }
0x578: {  	v3 =	vld.idx.msk [tilespmem:v3+s17+$0x0], $0xffff;
	v5 =	vmul.f32 v8, v5;
	v9 =	vmul.f32 v59, v10  }
0x579: {  	v61 =	vld.idx.msk [tilespmem:v1+s17+$0x0], $0xffff;
	v1 =	vor.u32 $0x4, v1  }
0x57a: {  	v2 =	vld.idx.msk [tilespmem:v2+s17+$0x0], $0xffff;
	v5 =	vmul.f32 v9, v5  }
0x57b: {  	vm0 =	vgt.f32 v6, $0.0e+00  }
0x57c: {  	v62 =	vld.idx.msk [tilespmem:v60+s17+$0x0], $0xffff;
	v4 =	vmul.f32 v9, v4;
	v5 =	vnsel vm0, $0x3F800000, v5  }
0x57d: {  	v3 =	vmul.f32 v5, v3  }
0x57e: {  	v1 =	vld.idx.msk [tilespmem:v1+s17+$0x0], $0xffff;
	v4 =	vnsel vm0, $0x0, v4  }
0x57f: {  	v63 =	vmul.f32 v5, v5;
	v2 =	vmul.f32 v4, v2;
	v3 =	vsub.f32 v61, v3;
	_ =	sdelay $0x1  }
0x580: {  	v4 =	vmul.f32 v5, v4;
	v2 =	vsub.f32 v3, v2;
	v3 =	vmul.f32 v63, v62;
	_ =	sdelay $0x1  }
0x581: {  	v1 =	vmul.f32 v4, v1;
	v2 =	vsub.f32 v2, v3;
	_ =	sdelay $0x1  }
0x582: {  	v1 =	vsub.f32 v2, v1  }
0x583: {  	vm15 =	vgt.f32 v7, $0.0e+00  }
0x584: {  	s4 =	sadd.s32 $0x10, s16;
	s22 =	rddreg [dreg:$0x11];
	v1 =	vnsel vm15, $0x7FC00000, v1  }
.Ltmp14:
0x585: {  	s7 =	simm.s32 $0xB400;
	s29 =	simm.s32 $0x7;
	[tilespmem:s4+$0x0] =	vst v1;
	(pc) =	sbr.rel .LBB2_25-.Ltmp14, $4  }
0x586: {  	[hbm4b:s22+s2] =	stream.linear.scatter [tilespmem:s7], [sflag:$0x7], $0x400, $0x38;
	[tilespmem:$0x17000] =	vst v63  }
0x587: {  	_ =	swait.ge [sflag:s29], $0x400  }
0x588: {  	[sflag:s29] =	ssyncset.done $0x0  }
0x589: {  	s7 =	rddreg [dreg:$0x13];
	[sflag:s29] =	ssyncadd.s32 $0xFFFFFC00  }
.LBB2_26:
0x58a: {  	_ =	sfence.sel $0x180000  }
0x58b: {  	[bflag:$0x0] =	sbarrier.arrive $0xFFFF  }
0x58c: {  	_ =	strace $0x9000004A  }
0x58d: {  	s0 =	stileid.u32;
	[bflag:$0x2] =	sbarrier.arrive $0xFFFF  }
0x58e: {  	p0 =	sne.s32 s0, $0x0;
	s0 =	rddreg [dreg:$0x2]  }
0x58f: {  	s0 =	sadd.s32 @!p0 $0x100000, s0  }
0x590: {  	[sflag:s0] =	ssyncadd.tile.s32 @!p0 $0x1;
	_ =	shalt  }
.Lfunc_end2:
_tile_overlayer_lowered:
.L_overlay_start_2:
0x591: {  	(tag) =	ssettag $0x2  }
0x592: {  	s0 =	rddreg [dreg:$0x0];
	s2 =	stileid.u32  }
0x593: {  	s1 =	rddreg [dreg:$0x1];
	p0 =	sne.s32 s2, $0x0  }
0x594: {  	s3 =	rddreg [dreg:$0x2];
	[bflag:$0x3] =	sbarrier.arrive $0xFFFF;
	s2 =	simm.s32 @!p0 $0x1C09  }
0x595: {  	[timem:s3], [sflag:s2] =	dma.local @!p0 [hbm:s0], s1  }
0x596: {  	s0 =	simm.s32 @!p0 $0x9  }
0x597: {  	_ =	swait.ge @!p0 [sflag:s0], s1  }
0x598: {  	s1 =	ssub.s32 @!p0 $0x0, s1;
	[sflag:s0] =	ssyncset.done @!p0 $0x0  }
0x599: {  	[sflag:s0] =	ssyncadd.s32 @!p0 s1  }
0x59a: {  	[bflag:$0x3] =	sbarrier.arrive $0xFFFF  }
0x59b: {  	_ =	shalt  }

// kernel: sparse-core-data-format-call.cloned.1.call-start
scs
called_computation_lowered:
.L_overlay_start_0:
0x0: {  	s2 =	sld [smem:$0x3FD9]  }
0x1: {  	s3 =	sld [smem:$0x3FFE];
	_ =	sdelay $0x1  }
0x2: {  	s1 =	srdreg.scid  }
0x3: {  	s0 =	sand.u32 $0x1, s1  }
0x4: {  	s18 =	sshll.u32 s0, $0xA;
	s2 =	sadd.s32 s3, s2  }
0x5: {  	s2 =	sadd.s32 s2, s18  }
0x6: {  	[smem:$0x3FC1] =	sst s2  }
0x7: {  	_ = 	snop  }
0x8: {  	s2 =	sld [smem:$0x3FC8];
	(tm) =	ssettm $0x1  }
0x9: {  	s19 =	sld [smem:$0x3FFB];
	_ =	sdelay $0x3  }
0xa: {  	_ =	strace s19  }
0xb: {  	s3 =	sld [smem:$0x3FFC];
	_ =	sdelay $0x3  }
0xc: {  	_ =	strace s3  }
0xd: {  	s3 =	sld [smem:$0x3FFD];
	_ =	sdelay $0x3  }
0xe: {  	_ =	strace s3  }
0xf: {  	_ =	strace $0x8FFFFFFF  }
0x10: {  	s20 =	sld [smem:$0x3FDB];
	_ =	sdelay $0x1  }
0x11: {  	s4 =	simm.s32 $_scs_section_size  }
0x12: {  	s5 =	simm.s32 $_size__tile_overlayer_lowered;
	s6 =	simm.s32 $_tile_overlayer_lowered  }
0x13: {  	s23 =	simm.s32 $0x1BFF;
	s22 =	sshll.u32 s6, $0x1;
	s3 =	sadd.s32 s4, s20  }
0x14: {  	s7 =	simm.s32 $0x0;
	s21 =	sshll.u32 s5, $0x1;
	s5 =	sadd.s32 s22, s3  }
0x15: {  	[timem:s7], [sflag:s23] =	dma.local [hbm:s5], s21  }
0x16: {  	_ =	swait.ge [sflag:s23], s21  }
0x17: {  	s4 =	ssub.s32 $0x0, s21;
	[sflag:s23] =	ssyncset.done $0x0  }
0x18: {  	[sflag:s23] =	ssyncadd.s32 s4;
	_ =	sdelay $0x1  }
0x19: {  	s24 =	simm.s32 $0x1B8B  }
0x1a: {  	_ =	swait.ge [sflag:s24], $0x1  }
0x1b: {  	[sflag:s24] =	ssyncset.done $0x0  }
0x1c: {  	s26 =	simm.s32 $0x1B8E;
	s25 =	sld [smem:$0x3FFE];
	[sflag:s24] =	ssyncadd.s32 $0xFFFFFFFF  }
0x1d: {  	s27 =	simm.s32 $execute0_lowered;
	[smem:$0x3FD2] =	sst s26  }
0x1e: {  	s5 =	sshll.u32 s27, $0x1;
	_ =	strace $0x80000046;
	[dreg:$0x1] =	wrdreg $0xFFFFFFFF  }
0x1f: {  	s28 =	simm.s32 $_size_execute0_lowered;
	s3 =	sadd.s32 s3, s5;
	[dreg:$0x0] =	wrdreg $0x0  }
0x20: {  	s5 =	sshll.u32 s28, $0x1;
	[dreg:$0x2] =	wrdreg s3  }
0x21: {  	[dreg:$0x3] =	wrdreg s5  }
0x22: {  	[dreg:$0x4] =	wrdreg $0xC0  }
0x23: {  	_ =	task [dreg:s7], $0x5FFFF  }
0x24: {  	[dreg:$0x1] =	wrdreg $0xFFFFFFFF  }
0x25: {  	[dreg:$0x0] =	wrdreg $0x60  }
0x26: {  	[dreg:$0x2] =	wrdreg s2  }
0x27: {  	[dreg:$0x3] =	wrdreg s25  }
0x28: {  	[dreg:$0x4] =	wrdreg $0x9  }
0x29: {  	_ =	task.clear_ibuf [dreg:s7], $0x5FFFF;
	_ =	strace $0x90000046  }
0x2a: {  	s29 =	simm.s32 $0x9;
	_ =	strace $0x80000048  }
0x2b: {  	_ =	swait.ge [sflag:s29], $0x1  }
0x2c: {  	[sflag:s29] =	ssyncadd.s32 $0xFFFFFFFF  }
0x2d: {  	_ =	strace $0x90000048  }
0x2e: {  	_ =	sfence  }
0x2f: {  	s30 =	sld [smem:$0x0];
	_ =	sdelay $0x2  }
0x30: {  	s31 =	sshll.u32 s1, $0xD;
	s1 =	sshrl.u32 s1, $0x2  }
0x31: {  	s3 =	sand.u32 $0x4000, s31;
	s1 =	sadd.s32 s1, s30  }
0x32: {  	s0 =	sor.u32 s3, s0;
	s1 =	sshll.u32 s1, $0x11  }
0x33: {  	s0 =	sor.u32 s1, s0  }
0x34: {  	s0 =	sadd.s32 $0x8F2B, s0  }
0x35: {  	[sflag:s0] =	ssyncadd.remote.s32 $0x1  }
0x36: {  	_ =	sfence.sel $0xFFFF  }
0x37: {  	[dreg:$0x0] =	wrdreg $0xFFFFFFFF;
	(pc) =	sbr.abs _section_cstart, $3  }
0x38: {  	[dreg:$0x1] =	wrdreg $0xFFFFFFFF  }
0x39: {  	_ =	task.clear_ibuf [dreg:s7], $0x2FFFF;
	_ =	strace $0x9FFFFFFF  }
0x3a: {  	(tm) =	ssettm $0x7FFFFFFF  }
0x3b: {  	_ =	shalt  }
tec
execute0_lowered:
.L_overlay_start_1:
0x0: {  	(tag) =	ssettag $0x1  }
0x1: {  	s7 =	rddreg [dreg:$0x0]  }
0x2: {  	s2 =	rddreg [dreg:$0x1]  }
0x3: {  	s0 =	rddreg [dreg:$0x2]  }
0x4: {  	s3 =	srdreg.scid;
	_ =	strace $0x80000047;
	s1 =	stileid.u32  }
0x5: {  	s8 =	simm.s32 $0x2;
	s10 =	simm.s32 $0x0;
	s14 =	simm.s32 $0x0  }
0x6: {  	s15 =	simm.s32 $0x0;
	s11 =	simm.s32 $0x0;
	s3 =	sshll.u32 s3, $0x4  }
0x7: {  	s13 =	simm.s32 $0x0;
	s2 =	sadd.s32 $0x1C00, s2;
	s3 =	sand.u32 $0x10, s3  }
.Ltmp0:
0x8: {  	s4 =	sshll.u32 s1, $0x7;
	s5 =	sor.u32 s1, s3;
	(pc) =	sbr.rel .LBB1_1-.Ltmp0, $4  }
0x9: {  	s3 =	sand.u32 $0x380, s4;
	s4 =	simm.s32 $0x1;
	s5 =	sshrl.u32 s5, $0x3  }
0xa: {  	[sflag:s4] =	ssyncpa.u1 $0x0;
	s6 =	ssub.s32 $0x6180, s3;
	s12 =	smov.u32 s3  }
0xb: {  	s6 =	sshrl.u32 s6, $0xA;
	s9 =	sshll.u32 s5, $0x4;
	[sflag:s8] =	ssyncpa.u1 $0x0  }
0xc: {  	s7 =	sadd.s32 s7, s9;
	s8 =	sadd.s32 $0x2, s6;
	s9 =	simm.s32 $0x0  }
.LBB1_4:
0xd: {  	s21 =	simm.s32 $0x0  }
.LBB1_8:
0xe: {  	_ =	sdelay $0x3  }
0xf: {  	v6 =	vld [tilespmem:s18+$0xFFFFFFC0];
	[tilespmem:v0+s20+$0x30 ss:$0x1] =	vst.idx.msk @p0 $0xffff, v2  }
0x10: {  	v58 =	vld [tilespmem:s18+$0xFFFFFFD0];
	[tilespmem:v0+s20+$0x40 ss:$0x1] =	vst.idx.msk @p0 $0xffff, v3;
	s21 =	sadd.s32 @p0 $0x80, s21  }
0x11: {  	v59 =	vld [tilespmem:s18+$0xFFFFFFE0];
	[tilespmem:v0+s20+$0x50 ss:$0x1] =	vst.idx.msk @p0 $0xffff, v5;
	s19 =	smov.u32 @p0 s21  }
0x12: {  	v60 =	vld [tilespmem:s18+$0xFFFFFFF0];
	[tilespmem:v0+s20+$0x60 ss:$0x1] =	vst.idx.msk @p0 $0xffff, v4;
	s19 =	sand.u32 $0x3F80, s19  }
0x13: {  	v61 =	vld [tilespmem:s18+$0x0];
	[tilespmem:v0+s19+$0x70 ss:$0x1] =	vst.idx.msk $0xffff, v1  }
0x14: {  	v62 =	vld [tilespmem:s18+$0x10];
	[tilespmem:v0+s19+$0x0 ss:$0x1] =	vst.idx.msk $0xffff, v6  }
0x15: {  	v63 =	vld [tilespmem:s18+$0x20];
	[tilespmem:v0+s19+$0x10 ss:$0x1] =	vst.idx.msk $0xffff, v58  }
0x16: {  	[tilespmem:v0+s19+$0x20 ss:$0x1] =	vst.idx.msk $0xffff, v59  }
0x17: {  	[tilespmem:v0+s19+$0x30 ss:$0x1] =	vst.idx.msk $0xffff, v60  }
0x18: {  	[tilespmem:v0+s19+$0x40 ss:$0x1] =	vst.idx.msk $0xffff, v61  }
0x19: {  	[tilespmem:v0+s19+$0x50 ss:$0x1] =	vst.idx.msk $0xffff, v62  }
0x1a: {  	[tilespmem:v0+s19+$0x60 ss:$0x1] =	vst.idx.msk $0xffff, v63  }
.LBB1_9:
0x1b: {  	s18 =	sand.u32 $0x1FFFFFF, s11  }
0x1c: {  	s19 =	smulhi.u32 $0x14F8B59, s18;
	_ =	sdelay $0x1  }
0x1d: {  	s19 =	sshrl.u32 s19, $0x7  }
0x1e: {  	s19 =	smul.u32 $0x61A8, s19  }
0x1f: {  	s15 =	smul.u32 $0x61A80, s15  }
0x20: {  	s18 =	ssub.s32 s18, s19  }
0x21: {  	s15 =	sadd.s32 s2, s15;
	s18 =	sshll.u32 s18, $0x4  }
0x22: {  	s15 =	sadd.s32 s18, s15  }
0x23: {  	[hbm4b:s15+s9] =	stream.linear.scatter [tilespmem:s17], [sflag:$0x2], s16, $0x38;
	[tilespmem:$0x10000] =	vst v63  }
.LBB1_10:
0x24: {  	p0 =	slt.u32 s13, $0x2  }
0x25: {  	p1 =	sgt.s32 @!p0 s14, $0x6128  }
0x26: {  	s15 =	smov.u32 s14;
	s16 =	sshra.s32 @!p0 s14, $0x1F;
	p1 =	por !p1, p0  }
0x27: {  	s14 =	sand.u32 @!p0 s16, s14;
	s15 =	simm.s32 @p1 $0x6128  }
0x28: {  	s14 =	ssub.s32 @!p0 s15, s14  }
0x29: {  	s14 =	sadd.s32 @!p0 $0xFFFF9ED8, s14  }
0x2a: {  	s15 =	sshll.u32 @!p0 s14, $0x7  }
0x2b: {  	p1 =	sgt.s32 @!p0 s14, $0x7F;
	s14 =	ssub.s32 @!p0 $0x4000, s15  }
0x2c: {  	s16 =	sadd.s32 $0x400, s12;
	p1 =	por !p1, p0;
	s14 =	sand.u32 @!p0 $0x3FFFFF80, s14  }
0x2d: {  	s14 =	simm.s32 @!p1 $0x0;
	p1 =	sgt.s32 s16, $0x61A7  }
0x2e: {  	s16 =	smov.u32 @p1 s3;
	p1 =	sne.s32 s13, s8  }
.Ltmp1:
0x2f: {  	_ = 	snop;
	(pc) =	sbr.rel @!p1 .LBB1_11-.Ltmp1, $4  }
0x30: {  	s10 =	sadd.s32 $0x4000, s10;
	s15 =	simm.s32 @!p0 $0x2  }
0x31: {  	_ =	swait.ge @!p0 [sflag:s15], s14;
	s17 =	ssub.s32 @!p0 $0x0, s14;
	s14 =	smov.u32 s11  }
0x32: {  	s13 =	sadd.s32 $0x1, s13;
	s11 =	smov.u32 s12;
	[sflag:s15] =	ssyncset.done @!p0 $0x0  }
0x33: {  	s12 =	smov.u32 s16;
	[sflag:s15] =	ssyncadd.s32 @!p0 s17;
	s15 =	smov.u32 s5  }
.LBB1_1:
0x34: {  	p0 =	sgt.u32 s13, s6  }
0x35: {  	p1 =	sgt.s32 @!p0 s12, $0x6128  }
0x36: {  	s16 =	smov.u32 s12;
	s17 =	sshra.s32 @!p0 s12, $0x1F;
	p1 =	por !p1, p0  }
0x37: {  	s17 =	sand.u32 @!p0 s17, s12;
	s16 =	simm.s32 @p1 $0x6128  }
0x38: {  	s16 =	ssub.s32 @!p0 s16, s17  }
0x39: {  	s18 =	sxor.u32 @!p0 $0xFFFFFFFF, s13;
	s16 =	sadd.s32 @!p0 $0xFFFF9ED8, s16  }
0x3a: {  	s19 =	simm.s32 @!p0 $0x80;
	s20 =	simm.s32 @!p0 $0x200;
	s17 =	sshll.u32 @!p0 s16, $0x7  }
0x3b: {  	p1 =	sgt.s32 @!p0 s16, $0x7F;
	s16 =	ssub.s32 @!p0 $0x4000, s17;
	s17 =	sshll.u32 @!p0 s18, $0xE  }
0x3c: {  	p1 =	por !p1, p0;
	s18 =	sshll.u32 @!p0 s12, $0x6;
	s16 =	sand.u32 @!p0 $0x3FFFFF80, s16  }
0x3d: {  	s17 =	sand.u32 @!p0 $0x4000, s17;
	s18 =	sadd.s32 @!p0 s18, s7;
	s16 =	simm.s32 @!p1 $0x0  }
0x3e: {  	[tilespmem:s17], [sflag:$0x1] =	stream.strided.gather @!p0 [hbm4b:s18+s19], s16, s20, s19, $0x38;
	[tilespmem:$0x10000] =	vst v63  }
0x3f: {  	p0 =	seq.s32 s13, $0x0  }
0x40: {  	p1 =	sge.u32 @!p0 s13, s8  }
0x41: {  	p0 =	por p0, p1  }
.Ltmp2:
0x42: {  	_ = 	snop;
	(pc) =	sbr.rel @p0 .LBB1_10-.Ltmp2, $1  }
0x43: {  	_ =	sdelay $0x3  }
0x44: {  	p0 =	sgt.s32 s11, $0x6128;
	s16 =	smov.u32 s11;
	s17 =	sshra.s32 s11, $0x1F  }
0x45: {  	s16 =	simm.s32 @!p0 $0x6128;
	s17 =	sand.u32 s17, s11  }
0x46: {  	s16 =	ssub.s32 s16, s17  }
0x47: {  	s16 =	sadd.s32 $0xFFFF9ED8, s16  }
0x48: {  	s30 =	sshll.u32 s16, $0x7  }
0x49: {  	s17 =	ssub.s32 $0x4000, s30  }
0x4a: {  	p0 =	sgt.s32 s16, $0x7F;
	s16 =	sand.u32 $0x3FFFFF80, s17;
	s17 =	sadd.s32 $0x80, s11  }
0x4b: {  	s16 =	simm.s32 @p0 $0x0;
	p0 =	slt.s32 s17, $0x61A8  }
0x4c: {  	s17 =	simm.s32 @!p0 $0x61A8  }
0x4d: {  	s20 =	ssub.s32 s17, s11  }
0x4e: {  	p0 =	slt.s32 s20, $0x1  }
.Ltmp3:
0x4f: {  	_ = 	snop;
	(pc) =	sbr.rel @p0 .LBB1_9-.Ltmp3, $4  }
0x50: {  	_ = 	snop  }
0x51: {  	s19 =	sshll.u32 s13, $0xE;
	_ =	swait.ge [sflag:s4], s16  }
0x52: {  	s31 =	sand.u32 $0x4000, s19;
	s18 =	ssub.s32 $0x0, s16;
	[sflag:s4] =	ssyncset.done $0x0  }
0x53: {  	s17 =	sor.u32 $0x8000, s31;
	[sflag:s4] =	ssyncadd.s32 s18  }
0x54: {  	p1 =	sne.s32 s20, $0x1  }
.Ltmp4:
0x55: {  	v0 =	vmov s17;
	(pc) =	sbr.rel @!p1 .LBB1_4-.Ltmp4, $4  }
0x56: {  	_ = 	snop  }
0x57: {  	s18 =	sand.u32 $0x4000, s10  }
0x58: {  	s18 =	sor.u32 $0x40, s18  }
0x59: {  	s19 =	simm.s32 $0x0;
	s21 =	sadd.s32 $0xFFFFFFFF, s20;
	p0 =	por $0x0, $0x0;
	v1 =	vld [tilespmem:s18+$0x30]  }
0x5a: {  	v4 =	vld [tilespmem:s18+$0xFFFFFFC0]  }
0x5b: {  	v6 =	vld [tilespmem:s18+$0xFFFFFFD0]  }
0x5c: {  	v7 =	vld [tilespmem:s18+$0xFFFFFFE0];
	p1 =	sne.s32 s21, $0x1  }
.Ltmp5:
0x5d: {  	v2 =	vld [tilespmem:s18+$0xFFFFFFF0];
	s20 =	sand.u32 $0x3F80, s19;
	(pc) =	sbr.rel @!p1 .LBB1_6-.Ltmp5, $4  }
0x5e: {  	v3 =	vld [tilespmem:s18+$0x0];
	[tilespmem:v0+s20+$0x70 ss:$0x1] =	vst.idx.msk $0xffff, v1  }
0x5f: {  	v5 =	vld [tilespmem:s18+$0x10];
	[tilespmem:v0+s20+$0x0 ss:$0x1] =	vst.idx.msk $0xffff, v4  }
0x60: {  	v4 =	vld [tilespmem:s18+$0x20];
	[tilespmem:v0+s20+$0x10 ss:$0x1] =	vst.idx.msk $0xffff, v6;
	s18 =	sadd.s32 $0x80, s18  }
0x61: {  	s22 =	sadd.s32 $0xFFFFFFFF, s21;
	p0 =	por $0x1, $0x1;
	s21 =	simm.s32 $0x0;
	[tilespmem:v0+s20+$0x20 ss:$0x1] =	vst.idx.msk $0xffff, v7;
	v1 =	vld [tilespmem:s18+$0x30]  }
.LBB1_7:
0x62: {  	p1 =	sne.s32 s22, $0x1;
	v6 =	vld [tilespmem:s18+$0xFFFFFFC0];
	[tilespmem:v0+s20+$0x30 ss:$0x1] =	vst.idx.msk $0xffff, v2  }
0x63: {  	v7 =	vld [tilespmem:s18+$0xFFFFFFD0];
	[tilespmem:v0+s20+$0x40 ss:$0x1] =	vst.idx.msk $0xffff, v3  }
0x64: {  	s21 =	sadd.s32 $0x80, s21;
	v8 =	vld [tilespmem:s18+$0xFFFFFFE0];
	[tilespmem:v0+s20+$0x50 ss:$0x1] =	vst.idx.msk $0xffff, v5  }
.Ltmp6:
0x65: {  	v2 =	vld [tilespmem:s18+$0xFFFFFFF0];
	[tilespmem:v0+s20+$0x60 ss:$0x1] =	vst.idx.msk $0xffff, v4;
	s20 =	sand.u32 $0x3F80, s21;
	(pc) =	sbr.rel @p1 .LBB1_7-.Ltmp6, $4  }
0x66: {  	v3 =	vld [tilespmem:s18+$0x0];
	[tilespmem:v0+s20+$0x70 ss:$0x1] =	vst.idx.msk $0xffff, v1  }
0x67: {  	[tilespmem:v0+s20+$0x0 ss:$0x1] =	vst.idx.msk $0xffff, v6;
	v5 =	vld [tilespmem:s18+$0x10]  }
0x68: {  	[tilespmem:v0+s20+$0x10 ss:$0x1] =	vst.idx.msk $0xffff, v7;
	v4 =	vld [tilespmem:s18+$0x20];
	s18 =	sadd.s32 $0x80, s18  }
0x69: {  	s22 =	sadd.s32 $0xFFFFFFFF, s22;
	v1 =	vld [tilespmem:s18+$0x30];
	[tilespmem:v0+s20+$0x20 ss:$0x1] =	vst.idx.msk $0xffff, v8  }
.Ltmp7:
0x6a: {  	_ = 	snop;
	(pc) =	sbr.rel .LBB1_8-.Ltmp7, $1  }
0x6b: {  	_ =	sdelay $0x3  }
.LBB1_6:
.Ltmp8:
0x6c: {  	(pc) =	sbr.rel .LBB1_8-.Ltmp8, $2  }
0x6d: {  	_ =	sdelay $0x2  }
0x6e: {  	s21 =	simm.s32 $0x0  }
.LBB1_11:
0x6f: {  	_ =	sfence.sel $0x180000  }
0x70: {  	s2 =	simm.s32 $0x1;
	[bflag:$0x0] =	sbarrier.arrive $0xFFFF  }
0x71: {  	s31 =	simm.s32 $0x2;
	[sflag:s2] =	ssyncpa.u1 $0x1  }
0x72: {  	[sflag:s31] =	ssyncpa.u1 $0x1  }
0x73: {  	p0 =	sne.s32 s1, $0x0;
	_ =	strace $0x90000047  }
0x74: {  	s0 =	sadd.s32 @!p0 $0x100000, s0;
	[bflag:$0x2] =	sbarrier.arrive $0xFFFF  }
0x75: {  	[sflag:s0] =	ssyncadd.tile.s32 @!p0 $0x1;
	_ =	shalt  }
.Lfunc_end1:
_tile_overlayer_lowered:
.L_overlay_start_2:
0x76: {  	(tag) =	ssettag $0x2  }
0x77: {  	s0 =	rddreg [dreg:$0x0];
	s2 =	stileid.u32  }
0x78: {  	s1 =	rddreg [dreg:$0x1];
	p0 =	sne.s32 s2, $0x0  }
0x79: {  	s3 =	rddreg [dreg:$0x2];
	[bflag:$0x3] =	sbarrier.arrive $0xFFFF;
	s2 =	simm.s32 @!p0 $0x1C01  }
0x7a: {  	[timem:s3], [sflag:s2] =	dma.local @!p0 [hbm:s0], s1  }
0x7b: {  	s0 =	simm.s32 @!p0 $0x1  }
0x7c: {  	_ =	swait.ge @!p0 [sflag:s0], s1  }
0x7d: {  	s1 =	ssub.s32 @!p0 $0x0, s1;
	[sflag:s0] =	ssyncset.done @!p0 $0x0  }
0x7e: {  	[sflag:s0] =	ssyncadd.s32 @!p0 s1  }
0x7f: {  	[bflag:$0x3] =	sbarrier.arrive $0xFFFF  }
0x80: {  	_ =	shalt  }

</sc_bundles>
